<compile_context>
chip_gen: v7x
topology: tpu7x:2x2x1
jax: 0.10.2.dev20260603
libtpu: 0.0.44.dev20260713+nightly
codegen_flags: <defaults>
</compile_context>

<pallas_src>
import jax
import jax.numpy as jnp
from jax import lax
from jax.experimental import pallas as pl
from jax.experimental.pallas import tpu as pltpu
from jax.experimental.pallas import tpu_sc as plsc

NUM_FIELDS = 26
FIELD_SIZE = 100000
BATCH = 16384
NUM_CORES = 2
NUM_SUBCORES = 16
NUM_WORKERS = NUM_CORES * NUM_SUBCORES
ROWS_PER_WORKER = BATCH // NUM_WORKERS
LANES = 16
CHUNKS = ROWS_PER_WORKER // LANES
TOTAL = NUM_FIELDS * FIELD_SIZE


def _sc_body(xr_hbm, table_hbm, bias_hbm, out_hbm,
             xv, gv, accv, biasv, sems, stage_sems):
    wid = lax.axis_index("s") * NUM_CORES + lax.axis_index("c")
    base = wid * ROWS_PER_WORKER

    half = (NUM_FIELDS // 2) * ROWS_PER_WORKER
    stage = [
        pltpu.async_copy(xr_hbm.at[wid, pl.ds(0, half)],
                         xv.at[pl.ds(0, half)], stage_sems.at[0]),
        pltpu.async_copy(xr_hbm.at[wid, pl.ds(half, half)],
                         xv.at[pl.ds(half, half)], stage_sems.at[1]),
    ]
    pltpu.sync_copy(bias_hbm, biasv.at[pl.ds(0, 1)])

    table_1d = table_hbm.at[0]
    gather = []
    for f in range(NUM_FIELDS):
        if f in (0, NUM_FIELDS // 2):
            stage[0 if f == 0 else 1].wait()
        fsl = pl.ds(f * ROWS_PER_WORKER, ROWS_PER_WORKER)
        window = table_1d.at[pl.ds(f * FIELD_SIZE, FIELD_SIZE)]
        gather.append(pltpu.async_copy(
            window.at[xv.at[fsl]], gv.at[fsl], sems.at[f]))

    bias_s = biasv[...][0]

    for f in range(NUM_FIELDS - 1):
        gather[f].wait()
        off = f * ROWS_PER_WORKER

        if f == 0:
            def col(c, carry):
                for u in range(2):
                    sl = pl.ds((2 * c + u) * LANES, LANES)
                    accv[sl] = gv[pl.ds(off + (2 * c + u) * LANES, LANES)]
                return carry
        else:
            def col(c, carry, off=off):
                for u in range(2):
                    sl = pl.ds((2 * c + u) * LANES, LANES)
                    accv[sl] = accv[sl] + gv[pl.ds(off + (2 * c + u) * LANES,
                                                   LANES)]
                return carry

        lax.fori_loop(0, CHUNKS // 2, col, 0)

    gather[NUM_FIELDS - 1].wait()
    off = (NUM_FIELDS - 1) * ROWS_PER_WORKER
    for c in range(CHUNKS):
        sl = pl.ds(c * LANES, LANES)
        t = accv[sl] + gv[pl.ds(off + c * LANES, LANES)] + bias_s
        accv[sl] = 1.0 / (1.0 + jnp.exp(-t))

    pltpu.sync_copy(accv, out_hbm.at[pl.ds(base, ROWS_PER_WORKER)])


def kernel(x, table, bias):
    x = x.astype(jnp.int32)
    xr = (x.reshape(NUM_WORKERS, ROWS_PER_WORKER, NUM_FIELDS)
           .transpose(0, 2, 1)
           .reshape(NUM_WORKERS, NUM_FIELDS * ROWS_PER_WORKER))
    table_row = table.reshape(1, TOTAL)

    run = pl.kernel(
        _sc_body,
        out_type=jax.ShapeDtypeStruct((BATCH,), jnp.float32),
        mesh=plsc.VectorSubcoreMesh(core_axis_name="c", subcore_axis_name="s"),
        scratch_types=[
            pltpu.VMEM((NUM_FIELDS * ROWS_PER_WORKER,), jnp.int32),
            pltpu.VMEM((NUM_FIELDS * ROWS_PER_WORKER,), jnp.float32),
            pltpu.VMEM((ROWS_PER_WORKER,), jnp.float32),
            pltpu.VMEM((LANES,), jnp.float32),
            pltpu.SemaphoreType.DMA((NUM_FIELDS,)),
            pltpu.SemaphoreType.DMA((2,)),
        ],
    )
    return run(xr, table_row, bias.astype(jnp.float32))

# --- scband reference (transcript-rebuilt; emitter-appended) ---
"""Pipeline reference for scband-logistic-regression-model-33904471835613 (READ-ONLY COPY).

The authoritative reference and input builder live on the scoring server;
editing this copy changes nothing except your own understanding.
"""

import jax, jax.numpy as jnp
import numpy as np

FIELD_DIMS = [100000] * 26
OFFSETS = np.array((0, *np.cumsum(FIELD_DIMS)[:-1]), dtype=np.int32)
TOTAL_ROWS = int(sum(FIELD_DIMS))


def setup_inputs(seed: int = 0) -> dict:
    key = jax.random.key(seed)
    k1, k2 = jax.random.split(key)
    x = jax.random.randint(k1, (16384, 26), 0, 100000)
    table = jax.random.normal(k2, (TOTAL_ROWS, 1), dtype=jnp.float32) * 0.01
    bias = jnp.zeros((1,), dtype=jnp.float32)
    return {"x": x, "table": table, "bias": bias}


def reference(x, table, bias):
    # FeaturesLinear: offset each field's index into the shared table
    idx = x + jnp.asarray(OFFSETS)[None, :]
    gathered = jnp.take(table, idx, axis=0)          # [B, F, 1]
    lin = jnp.sum(gathered, axis=1) + bias            # [B, 1]
    return jax.nn.sigmoid(lin).squeeze(1)             # [B]

if __name__ == "__main__":
    import jax
    _d = setup_inputs()
    print(jax.jit(kernel)(*tuple(_d.values())))

</pallas_src>

<mosaic_0001>
#map = affine_map<(d0, d1) -> (0, 0)>
#map1 = affine_map<(d0, d1) -> (0)>
module attributes {stable_mosaic.version = 14 : i64} {
  func.func @_sc_body(%arg0: i32, %arg1: i32, %arg2: memref<32x13312xi32, #tpu.memory_space<hbm>>, %arg3: memref<1x2600000xf32, #tpu.memory_space<hbm>>, %arg4: memref<1xf32, #tpu.memory_space<hbm>>, %arg5: memref<16384xf32, #tpu.memory_space<hbm>>, %arg6: memref<13312xi32, #tpu.memory_space<vmem>>, %arg7: memref<13312xf32, #tpu.memory_space<vmem>>, %arg8: memref<512xf32, #tpu.memory_space<vmem>>, %arg9: memref<16xf32, #tpu.memory_space<vmem>>, %arg10: memref<26x!tpu.dma_semaphore, #tpu.memory_space<semaphore_mem>>, %arg11: memref<2x!tpu.dma_semaphore, #tpu.memory_space<semaphore_mem>>) attributes {dimension_semantics = [#tpu.dimension_semantics<core_parallel>, #tpu.dimension_semantics<subcore_parallel>], iteration_bounds = array<i64: 2, 16>, scalar_prefetch = 0 : i64, scratch_operands = 6 : i64, tpu.core_type = #tpu.core_type<sc_vector_subcore>, window_params = [{transform_indices = #map}, {transform_indices = #map}, {transform_indices = #map1}, {transform_indices = #map1}]} {
    %mul3A = arith.constant 2 : i32
    %mul3A_0 = arith.muli %arg1, %mul3A : i32
    %add3A = arith.addi %mul3A_0, %arg0 : i32
    %mul3A_1 = arith.constant 512 : i32
    %mul3A_2 = arith.muli %add3A, %mul3A_1 : i32
    %dma_start3A = arith.constant 0 : i32
    %dma_start3A_3 = arith.constant 0 : i32
    %dma_start3A_4 = tpu.memref_slice %arg6[%dma_start3A_3] : memref<13312xi32, #tpu.memory_space<vmem>> -> memref<6656xi32, #tpu.memory_space<vmem>>
    %dma_start3A_5 = arith.constant 0 : i32
    %dma_start3A_6 = tpu.memref_slice %arg2[%add3A, %dma_start3A_5] : memref<32x13312xi32, #tpu.memory_space<hbm>> -> memref<1x6656xi32, #tpu.memory_space<hbm>>
    %dma_start3A_7 = tpu.memref_squeeze %dma_start3A_6 : memref<1x6656xi32, #tpu.memory_space<hbm>> -> memref<6656xi32, #tpu.memory_space<hbm>>
    %dma_start3A_8 = tpu.memref_slice %arg11[%dma_start3A] : memref<2x!tpu.dma_semaphore, #tpu.memory_space<semaphore_mem>> -> memref<1x!tpu.dma_semaphore, #tpu.memory_space<semaphore_mem>>
    %dma_start3A_9 = tpu.memref_squeeze %dma_start3A_8 : memref<1x!tpu.dma_semaphore, #tpu.memory_space<semaphore_mem>> -> memref<!tpu.dma_semaphore, #tpu.memory_space<semaphore_mem>>
    %dma_start3A_10 = arith.constant 0 : i32
    %dma_start3A_11 = tpu.memref_slice %arg6[%dma_start3A_10] : memref<13312xi32, #tpu.memory_space<vmem>> -> memref<6656xi32, #tpu.memory_space<vmem>>
    %dma_start3A_12 = arith.constant 0 : i32
    %dma_start3A_13 = tpu.memref_slice %arg2[%add3A, %dma_start3A_12] : memref<32x13312xi32, #tpu.memory_space<hbm>> -> memref<1x6656xi32, #tpu.memory_space<hbm>>
    %dma_start3A_14 = tpu.memref_squeeze %dma_start3A_13 : memref<1x6656xi32, #tpu.memory_space<hbm>> -> memref<6656xi32, #tpu.memory_space<hbm>>
    tpu.enqueue_dma source(%dma_start3A_14 : memref<6656xi32, #tpu.memory_space<hbm>>) target(%dma_start3A_11 : memref<6656xi32, #tpu.memory_space<vmem>>) target_semaphore(%dma_start3A_9 : memref<!tpu.dma_semaphore, #tpu.memory_space<semaphore_mem>>)
    %dma_start3A_15 = arith.constant 1 : i32
    %dma_start3A_16 = arith.constant 6656 : i32
    %dma_start3A_17 = tpu.memref_slice %arg6[%dma_start3A_16] : memref<13312xi32, #tpu.memory_space<vmem>> -> memref<6656xi32, #tpu.memory_space<vmem>>
    %dma_start3A_18 = arith.constant 6656 : i32
    %dma_start3A_19 = tpu.memref_slice %arg2[%add3A, %dma_start3A_18] : memref<32x13312xi32, #tpu.memory_space<hbm>> -> memref<1x6656xi32, #tpu.memory_space<hbm>>
    %dma_start3A_20 = tpu.memref_squeeze %dma_start3A_19 : memref<1x6656xi32, #tpu.memory_space<hbm>> -> memref<6656xi32, #tpu.memory_space<hbm>>
    %dma_start3A_21 = tpu.memref_slice %arg11[%dma_start3A_15] : memref<2x!tpu.dma_semaphore, #tpu.memory_space<semaphore_mem>> -> memref<1x!tpu.dma_semaphore, #tpu.memory_space<semaphore_mem>>
    %dma_start3A_22 = tpu.memref_squeeze %dma_start3A_21 : memref<1x!tpu.dma_semaphore, #tpu.memory_space<semaphore_mem>> -> memref<!tpu.dma_semaphore, #tpu.memory_space<semaphore_mem>>
    %dma_start3A_23 = arith.constant 6656 : i32
    %dma_start3A_24 = tpu.memref_slice %arg6[%dma_start3A_23] : memref<13312xi32, #tpu.memory_space<vmem>> -> memref<6656xi32, #tpu.memory_space<vmem>>
    %dma_start3A_25 = arith.constant 6656 : i32
    %dma_start3A_26 = tpu.memref_slice %arg2[%add3A, %dma_start3A_25] : memref<32x13312xi32, #tpu.memory_space<hbm>> -> memref<1x6656xi32, #tpu.memory_space<hbm>>
    %dma_start3A_27 = tpu.memref_squeeze %dma_start3A_26 : memref<1x6656xi32, #tpu.memory_space<hbm>> -> memref<6656xi32, #tpu.memory_space<hbm>>
    tpu.enqueue_dma source(%dma_start3A_27 : memref<6656xi32, #tpu.memory_space<hbm>>) target(%dma_start3A_24 : memref<6656xi32, #tpu.memory_space<vmem>>) target_semaphore(%dma_start3A_22 : memref<!tpu.dma_semaphore, #tpu.memory_space<semaphore_mem>>)
    "tpu.region"() ({
      %run_scoped3A = tpu.sem_alloc : memref<!tpu.dma_semaphore, #tpu.memory_space<semaphore_mem>>
      %dma_start3A_1716 = arith.constant 0 : i32
      %dma_start3A_1717 = tpu.memref_slice %arg9[%dma_start3A_1716] : memref<16xf32, #tpu.memory_space<vmem>> -> memref<1xf32, #tpu.memory_space<vmem>>
      %dma_start3A_1718 = arith.constant 0 : i32
      %dma_start3A_1719 = tpu.memref_slice %arg9[%dma_start3A_1718] : memref<16xf32, #tpu.memory_space<vmem>> -> memref<1xf32, #tpu.memory_space<vmem>>
      tpu.enqueue_dma source(%arg4 : memref<1xf32, #tpu.memory_space<hbm>>) target(%dma_start3A_1719 : memref<1xf32, #tpu.memory_space<vmem>>) target_semaphore(%run_scoped3A : memref<!tpu.dma_semaphore, #tpu.memory_space<semaphore_mem>>)
      %dma_wait3A_1720 = arith.constant 0 : i32
      %dma_wait3A_1721 = tpu.memref_slice %arg9[%dma_wait3A_1720] : memref<16xf32, #tpu.memory_space<vmem>> -> memref<1xf32, #tpu.memory_space<vmem>>
      %dma_wait3A_1722 = arith.constant 0 : i32
      %dma_wait3A_1723 = tpu.memref_slice %arg9[%dma_wait3A_1722] : memref<16xf32, #tpu.memory_space<vmem>> -> memref<1xf32, #tpu.memory_space<vmem>>
      tpu.wait_dma2 semaphore(%run_scoped3A : memref<!tpu.dma_semaphore, #tpu.memory_space<semaphore_mem>>) src(%arg4 : memref<1xf32, #tpu.memory_space<hbm>>) dst(%dma_wait3A_1723 : memref<1xf32, #tpu.memory_space<vmem>>)
      tpu.yield
    }) : () -> ()
    %dma_wait3A = arith.constant 0 : i32
    %dma_wait3A_28 = arith.constant 0 : i32
    %dma_wait3A_29 = tpu.memref_slice %arg6[%dma_wait3A_28] : memref<13312xi32, #tpu.memory_space<vmem>> -> memref<6656xi32, #tpu.memory_space<vmem>>
    %dma_wait3A_30 = arith.constant 0 : i32
    %dma_wait3A_31 = tpu.memref_slice %arg2[%add3A, %dma_wait3A_30] : memref<32x13312xi32, #tpu.memory_space<hbm>> -> memref<1x6656xi32, #tpu.memory_space<hbm>>
    %dma_wait3A_32 = tpu.memref_squeeze %dma_wait3A_31 : memref<1x6656xi32, #tpu.memory_space<hbm>> -> memref<6656xi32, #tpu.memory_space<hbm>>
    %dma_wait3A_33 = tpu.memref_slice %arg11[%dma_wait3A] : memref<2x!tpu.dma_semaphore, #tpu.memory_space<semaphore_mem>> -> memref<1x!tpu.dma_semaphore, #tpu.memory_space<semaphore_mem>>
    %dma_wait3A_34 = tpu.memref_squeeze %dma_wait3A_33 : memref<1x!tpu.dma_semaphore, #tpu.memory_space<semaphore_mem>> -> memref<!tpu.dma_semaphore, #tpu.memory_space<semaphore_mem>>
    %dma_wait3A_35 = arith.constant 0 : i32
    %dma_wait3A_36 = tpu.memref_slice %arg6[%dma_wait3A_35] : memref<13312xi32, #tpu.memory_space<vmem>> -> memref<6656xi32, #tpu.memory_space<vmem>>
    %dma_wait3A_37 = arith.constant 0 : i32
    %dma_wait3A_38 = tpu.memref_slice %arg2[%add3A, %dma_wait3A_37] : memref<32x13312xi32, #tpu.memory_space<hbm>> -> memref<1x6656xi32, #tpu.memory_space<hbm>>
    %dma_wait3A_39 = tpu.memref_squeeze %dma_wait3A_38 : memref<1x6656xi32, #tpu.memory_space<hbm>> -> memref<6656xi32, #tpu.memory_space<hbm>>
    tpu.wait_dma2 semaphore(%dma_wait3A_34 : memref<!tpu.dma_semaphore, #tpu.memory_space<semaphore_mem>>) src(%dma_wait3A_39 : memref<6656xi32, #tpu.memory_space<hbm>>) dst(%dma_wait3A_36 : memref<6656xi32, #tpu.memory_space<vmem>>)
    %dma_start3A_40 = arith.constant 0 : i32
    %dma_start3A_41 = arith.constant 0 : i32
    %dma_start3A_42 = arith.constant 0 : i32
    %dma_start3A_43 = tpu.memref_slice %arg7[%dma_start3A_42] : memref<13312xf32, #tpu.memory_space<vmem>> -> memref<512xf32, #tpu.memory_space<vmem>>
    %dma_start3A_44 = arith.constant 0 : i32
    %dma_start3A_45 = tpu.memref_slice %arg6[%dma_start3A_44] : memref<13312xi32, #tpu.memory_space<vmem>> -> memref<512xi32, #tpu.memory_space<vmem>>
    %dma_start3A_46 = arith.constant 0 : i32
    %dma_start3A_47 = tpu.memref_slice %arg3[%dma_start3A_40, %dma_start3A_46] : memref<1x2600000xf32, #tpu.memory_space<hbm>> -> memref<1x2600000xf32, #tpu.memory_space<hbm>>
    %dma_start3A_48 = tpu.memref_squeeze %dma_start3A_47 : memref<1x2600000xf32, #tpu.memory_space<hbm>> -> memref<2600000xf32, #tpu.memory_space<hbm>>
    %dma_start3A_49 = arith.constant 0 : i32
    %dma_start3A_50 = tpu.memref_slice %dma_start3A_48[%dma_start3A_49] : memref<2600000xf32, #tpu.memory_space<hbm>> -> memref<100000xf32, #tpu.memory_space<hbm>>
    %dma_start3A_51 = arith.constant 0 : i32
    %dma_start3A_52 = tpu.memref_slice %dma_start3A_50[%dma_start3A_51] : memref<100000xf32, #tpu.memory_space<hbm>> -> memref<100000xf32, #tpu.memory_space<hbm>>
    %dma_start3A_53 = tpu.memref_slice %arg10[%dma_start3A_41] : memref<26x!tpu.dma_semaphore, #tpu.memory_space<semaphore_mem>> -> memref<1x!tpu.dma_semaphore, #tpu.memory_space<semaphore_mem>>
    %dma_start3A_54 = tpu.memref_squeeze %dma_start3A_53 : memref<1x!tpu.dma_semaphore, #tpu.memory_space<semaphore_mem>> -> memref<!tpu.dma_semaphore, #tpu.memory_space<semaphore_mem>>
    tpu.enqueue_indirect_dma source(%dma_start3A_52 : memref<100000xf32, #tpu.memory_space<hbm>>) target(%dma_start3A_43 : memref<512xf32, #tpu.memory_space<vmem>>) offsets(%dma_start3A_45 : memref<512xi32, #tpu.memory_space<vmem>>) semaphore(%dma_start3A_54 : memref<!tpu.dma_semaphore, #tpu.memory_space<semaphore_mem>>)
    %dma_start3A_55 = arith.constant 0 : i32
    %dma_start3A_56 = arith.constant 1 : i32
    %dma_start3A_57 = arith.constant 512 : i32
    %dma_start3A_58 = tpu.memref_slice %arg7[%dma_start3A_57] : memref<13312xf32, #tpu.memory_space<vmem>> -> memref<512xf32, #tpu.memory_space<vmem>>
    %dma_start3A_59 = arith.constant 512 : i32
    %dma_start3A_60 = tpu.memref_slice %arg6[%dma_start3A_59] : memref<13312xi32, #tpu.memory_space<vmem>> -> memref<512xi32, #tpu.memory_space<vmem>>
    %dma_start3A_61 = arith.constant 0 : i32
    %dma_start3A_62 = tpu.memref_slice %arg3[%dma_start3A_55, %dma_start3A_61] : memref<1x2600000xf32, #tpu.memory_space<hbm>> -> memref<1x2600000xf32, #tpu.memory_space<hbm>>
    %dma_start3A_63 = tpu.memref_squeeze %dma_start3A_62 : memref<1x2600000xf32, #tpu.memory_space<hbm>> -> memref<2600000xf32, #tpu.memory_space<hbm>>
    %dma_start3A_64 = arith.constant 100000 : i32
    %dma_start3A_65 = tpu.memref_slice %dma_start3A_63[%dma_start3A_64] : memref<2600000xf32, #tpu.memory_space<hbm>> -> memref<100000xf32, #tpu.memory_space<hbm>>
    %dma_start3A_66 = arith.constant 0 : i32
    %dma_start3A_67 = tpu.memref_slice %dma_start3A_65[%dma_start3A_66] : memref<100000xf32, #tpu.memory_space<hbm>> -> memref<100000xf32, #tpu.memory_space<hbm>>
    %dma_start3A_68 = tpu.memref_slice %arg10[%dma_start3A_56] : memref<26x!tpu.dma_semaphore, #tpu.memory_space<semaphore_mem>> -> memref<1x!tpu.dma_semaphore, #tpu.memory_space<semaphore_mem>>
    %dma_start3A_69 = tpu.memref_squeeze %dma_start3A_68 : memref<1x!tpu.dma_semaphore, #tpu.memory_space<semaphore_mem>> -> memref<!tpu.dma_semaphore, #tpu.memory_space<semaphore_mem>>
    tpu.enqueue_indirect_dma source(%dma_start3A_67 : memref<100000xf32, #tpu.memory_space<hbm>>) target(%dma_start3A_58 : memref<512xf32, #tpu.memory_space<vmem>>) offsets(%dma_start3A_60 : memref<512xi32, #tpu.memory_space<vmem>>) semaphore(%dma_start3A_69 : memref<!tpu.dma_semaphore, #tpu.memory_space<semaphore_mem>>)
    %dma_start3A_70 = arith.constant 0 : i32
    %dma_start3A_71 = arith.constant 2 : i32
    %dma_start3A_72 = arith.constant 1024 : i32
    %dma_start3A_73 = tpu.memref_slice %arg7[%dma_start3A_72] : memref<13312xf32, #tpu.memory_space<vmem>> -> memref<512xf32, #tpu.memory_space<vmem>>
    %dma_start3A_74 = arith.constant 1024 : i32
    %dma_start3A_75 = tpu.memref_slice %arg6[%dma_start3A_74] : memref<13312xi32, #tpu.memory_space<vmem>> -> memref<512xi32, #tpu.memory_space<vmem>>
    %dma_start3A_76 = arith.constant 0 : i32
    %dma_start3A_77 = tpu.memref_slice %arg3[%dma_start3A_70, %dma_start3A_76] : memref<1x2600000xf32, #tpu.memory_space<hbm>> -> memref<1x2600000xf32, #tpu.memory_space<hbm>>
    %dma_start3A_78 = tpu.memref_squeeze %dma_start3A_77 : memref<1x2600000xf32, #tpu.memory_space<hbm>> -> memref<2600000xf32, #tpu.memory_space<hbm>>
    %dma_start3A_79 = arith.constant 200000 : i32
    %dma_start3A_80 = tpu.memref_slice %dma_start3A_78[%dma_start3A_79] : memref<2600000xf32, #tpu.memory_space<hbm>> -> memref<100000xf32, #tpu.memory_space<hbm>>
    %dma_start3A_81 = arith.constant 0 : i32
    %dma_start3A_82 = tpu.memref_slice %dma_start3A_80[%dma_start3A_81] : memref<100000xf32, #tpu.memory_space<hbm>> -> memref<100000xf32, #tpu.memory_space<hbm>>
    %dma_start3A_83 = tpu.memref_slice %arg10[%dma_start3A_71] : memref<26x!tpu.dma_semaphore, #tpu.memory_space<semaphore_mem>> -> memref<1x!tpu.dma_semaphore, #tpu.memory_space<semaphore_mem>>
    %dma_start3A_84 = tpu.memref_squeeze %dma_start3A_83 : memref<1x!tpu.dma_semaphore, #tpu.memory_space<semaphore_mem>> -> memref<!tpu.dma_semaphore, #tpu.memory_space<semaphore_mem>>
    tpu.enqueue_indirect_dma source(%dma_start3A_82 : memref<100000xf32, #tpu.memory_space<hbm>>) target(%dma_start3A_73 : memref<512xf32, #tpu.memory_space<vmem>>) offsets(%dma_start3A_75 : memref<512xi32, #tpu.memory_space<vmem>>) semaphore(%dma_start3A_84 : memref<!tpu.dma_semaphore, #tpu.memory_space<semaphore_mem>>)
    %dma_start3A_85 = arith.constant 0 : i32
    %dma_start3A_86 = arith.constant 3 : i32
    %dma_start3A_87 = arith.constant 1536 : i32
    %dma_start3A_88 = tpu.memref_slice %arg7[%dma_start3A_87] : memref<13312xf32, #tpu.memory_space<vmem>> -> memref<512xf32, #tpu.memory_space<vmem>>
    %dma_start3A_89 = arith.constant 1536 : i32
    %dma_start3A_90 = tpu.memref_slice %arg6[%dma_start3A_89] : memref<13312xi32, #tpu.memory_space<vmem>> -> memref<512xi32, #tpu.memory_space<vmem>>
    %dma_start3A_91 = arith.constant 0 : i32
    %dma_start3A_92 = tpu.memref_slice %arg3[%dma_start3A_85, %dma_start3A_91] : memref<1x2600000xf32, #tpu.memory_space<hbm>> -> memref<1x2600000xf32, #tpu.memory_space<hbm>>
    %dma_start3A_93 = tpu.memref_squeeze %dma_start3A_92 : memref<1x2600000xf32, #tpu.memory_space<hbm>> -> memref<2600000xf32, #tpu.memory_space<hbm>>
    %dma_start3A_94 = arith.constant 300000 : i32
    %dma_start3A_95 = tpu.memref_slice %dma_start3A_93[%dma_start3A_94] : memref<2600000xf32, #tpu.memory_space<hbm>> -> memref<100000xf32, #tpu.memory_space<hbm>>
    %dma_start3A_96 = arith.constant 0 : i32
    %dma_start3A_97 = tpu.memref_slice %dma_start3A_95[%dma_start3A_96] : memref<100000xf32, #tpu.memory_space<hbm>> -> memref<100000xf32, #tpu.memory_space<hbm>>
    %dma_start3A_98 = tpu.memref_slice %arg10[%dma_start3A_86] : memref<26x!tpu.dma_semaphore, #tpu.memory_space<semaphore_mem>> -> memref<1x!tpu.dma_semaphore, #tpu.memory_space<semaphore_mem>>
    %dma_start3A_99 = tpu.memref_squeeze %dma_start3A_98 : memref<1x!tpu.dma_semaphore, #tpu.memory_space<semaphore_mem>> -> memref<!tpu.dma_semaphore, #tpu.memory_space<semaphore_mem>>
    tpu.enqueue_indirect_dma source(%dma_start3A_97 : memref<100000xf32, #tpu.memory_space<hbm>>) target(%dma_start3A_88 : memref<512xf32, #tpu.memory_space<vmem>>) offsets(%dma_start3A_90 : memref<512xi32, #tpu.memory_space<vmem>>) semaphore(%dma_start3A_99 : memref<!tpu.dma_semaphore, #tpu.memory_space<semaphore_mem>>)
    %dma_start3A_100 = arith.constant 0 : i32
    %dma_start3A_101 = arith.constant 4 : i32
    %dma_start3A_102 = arith.constant 2048 : i32
    %dma_start3A_103 = tpu.memref_slice %arg7[%dma_start3A_102] : memref<13312xf32, #tpu.memory_space<vmem>> -> memref<512xf32, #tpu.memory_space<vmem>>
    %dma_start3A_104 = arith.constant 2048 : i32
    %dma_start3A_105 = tpu.memref_slice %arg6[%dma_start3A_104] : memref<13312xi32, #tpu.memory_space<vmem>> -> memref<512xi32, #tpu.memory_space<vmem>>
    %dma_start3A_106 = arith.constant 0 : i32
    %dma_start3A_107 = tpu.memref_slice %arg3[%dma_start3A_100, %dma_start3A_106] : memref<1x2600000xf32, #tpu.memory_space<hbm>> -> memref<1x2600000xf32, #tpu.memory_space<hbm>>
    %dma_start3A_108 = tpu.memref_squeeze %dma_start3A_107 : memref<1x2600000xf32, #tpu.memory_space<hbm>> -> memref<2600000xf32, #tpu.memory_space<hbm>>
    %dma_start3A_109 = arith.constant 400000 : i32
    %dma_start3A_110 = tpu.memref_slice %dma_start3A_108[%dma_start3A_109] : memref<2600000xf32, #tpu.memory_space<hbm>> -> memref<100000xf32, #tpu.memory_space<hbm>>
    %dma_start3A_111 = arith.constant 0 : i32
    %dma_start3A_112 = tpu.memref_slice %dma_start3A_110[%dma_start3A_111] : memref<100000xf32, #tpu.memory_space<hbm>> -> memref<100000xf32, #tpu.memory_space<hbm>>
    %dma_start3A_113 = tpu.memref_slice %arg10[%dma_start3A_101] : memref<26x!tpu.dma_semaphore, #tpu.memory_space<semaphore_mem>> -> memref<1x!tpu.dma_semaphore, #tpu.memory_space<semaphore_mem>>
    %dma_start3A_114 = tpu.memref_squeeze %dma_start3A_113 : memref<1x!tpu.dma_semaphore, #tpu.memory_space<semaphore_mem>> -> memref<!tpu.dma_semaphore, #tpu.memory_space<semaphore_mem>>
    tpu.enqueue_indirect_dma source(%dma_start3A_112 : memref<100000xf32, #tpu.memory_space<hbm>>) target(%dma_start3A_103 : memref<512xf32, #tpu.memory_space<vmem>>) offsets(%dma_start3A_105 : memref<512xi32, #tpu.memory_space<vmem>>) semaphore(%dma_start3A_114 : memref<!tpu.dma_semaphore, #tpu.memory_space<semaphore_mem>>)
    %dma_start3A_115 = arith.constant 0 : i32
    %dma_start3A_116 = arith.constant 5 : i32
    %dma_start3A_117 = arith.constant 2560 : i32
    %dma_start3A_118 = tpu.memref_slice %arg7[%dma_start3A_117] : memref<13312xf32, #tpu.memory_space<vmem>> -> memref<512xf32, #tpu.memory_space<vmem>>
    %dma_start3A_119 = arith.constant 2560 : i32
    %dma_start3A_120 = tpu.memref_slice %arg6[%dma_start3A_119] : memref<13312xi32, #tpu.memory_space<vmem>> -> memref<512xi32, #tpu.memory_space<vmem>>
    %dma_start3A_121 = arith.constant 0 : i32
    %dma_start3A_122 = tpu.memref_slice %arg3[%dma_start3A_115, %dma_start3A_121] : memref<1x2600000xf32, #tpu.memory_space<hbm>> -> memref<1x2600000xf32, #tpu.memory_space<hbm>>
    %dma_start3A_123 = tpu.memref_squeeze %dma_start3A_122 : memref<1x2600000xf32, #tpu.memory_space<hbm>> -> memref<2600000xf32, #tpu.memory_space<hbm>>
    %dma_start3A_124 = arith.constant 500000 : i32
    %dma_start3A_125 = tpu.memref_slice %dma_start3A_123[%dma_start3A_124] : memref<2600000xf32, #tpu.memory_space<hbm>> -> memref<100000xf32, #tpu.memory_space<hbm>>
    %dma_start3A_126 = arith.constant 0 : i32
    %dma_start3A_127 = tpu.memref_slice %dma_start3A_125[%dma_start3A_126] : memref<100000xf32, #tpu.memory_space<hbm>> -> memref<100000xf32, #tpu.memory_space<hbm>>
    %dma_start3A_128 = tpu.memref_slice %arg10[%dma_start3A_116] : memref<26x!tpu.dma_semaphore, #tpu.memory_space<semaphore_mem>> -> memref<1x!tpu.dma_semaphore, #tpu.memory_space<semaphore_mem>>
    %dma_start3A_129 = tpu.memref_squeeze %dma_start3A_128 : memref<1x!tpu.dma_semaphore, #tpu.memory_space<semaphore_mem>> -> memref<!tpu.dma_semaphore, #tpu.memory_space<semaphore_mem>>
    tpu.enqueue_indirect_dma source(%dma_start3A_127 : memref<100000xf32, #tpu.memory_space<hbm>>) target(%dma_start3A_118 : memref<512xf32, #tpu.memory_space<vmem>>) offsets(%dma_start3A_120 : memref<512xi32, #tpu.memory_space<vmem>>) semaphore(%dma_start3A_129 : memref<!tpu.dma_semaphore, #tpu.memory_space<semaphore_mem>>)
    %dma_start3A_130 = arith.constant 0 : i32
    %dma_start3A_131 = arith.constant 6 : i32
    %dma_start3A_132 = arith.constant 3072 : i32
    %dma_start3A_133 = tpu.memref_slice %arg7[%dma_start3A_132] : memref<13312xf32, #tpu.memory_space<vmem>> -> memref<512xf32, #tpu.memory_space<vmem>>
    %dma_start3A_134 = arith.constant 3072 : i32
    %dma_start3A_135 = tpu.memref_slice %arg6[%dma_start3A_134] : memref<13312xi32, #tpu.memory_space<vmem>> -> memref<512xi32, #tpu.memory_space<vmem>>
    %dma_start3A_136 = arith.constant 0 : i32
    %dma_start3A_137 = tpu.memref_slice %arg3[%dma_start3A_130, %dma_start3A_136] : memref<1x2600000xf32, #tpu.memory_space<hbm>> -> memref<1x2600000xf32, #tpu.memory_space<hbm>>
    %dma_start3A_138 = tpu.memref_squeeze %dma_start3A_137 : memref<1x2600000xf32, #tpu.memory_space<hbm>> -> memref<2600000xf32, #tpu.memory_space<hbm>>
    %dma_start3A_139 = arith.constant 600000 : i32
    %dma_start3A_140 = tpu.memref_slice %dma_start3A_138[%dma_start3A_139] : memref<2600000xf32, #tpu.memory_space<hbm>> -> memref<100000xf32, #tpu.memory_space<hbm>>
    %dma_start3A_141 = arith.constant 0 : i32
    %dma_start3A_142 = tpu.memref_slice %dma_start3A_140[%dma_start3A_141] : memref<100000xf32, #tpu.memory_space<hbm>> -> memref<100000xf32, #tpu.memory_space<hbm>>
    %dma_start3A_143 = tpu.memref_slice %arg10[%dma_start3A_131] : memref<26x!tpu.dma_semaphore, #tpu.memory_space<semaphore_mem>> -> memref<1x!tpu.dma_semaphore, #tpu.memory_space<semaphore_mem>>
    %dma_start3A_144 = tpu.memref_squeeze %dma_start3A_143 : memref<1x!tpu.dma_semaphore, #tpu.memory_space<semaphore_mem>> -> memref<!tpu.dma_semaphore, #tpu.memory_space<semaphore_mem>>
    tpu.enqueue_indirect_dma source(%dma_start3A_142 : memref<100000xf32, #tpu.memory_space<hbm>>) target(%dma_start3A_133 : memref<512xf32, #tpu.memory_space<vmem>>) offsets(%dma_start3A_135 : memref<512xi32, #tpu.memory_space<vmem>>) semaphore(%dma_start3A_144 : memref<!tpu.dma_semaphore, #tpu.memory_space<semaphore_mem>>)
    %dma_start3A_145 = arith.constant 0 : i32
    %dma_start3A_146 = arith.constant 7 : i32
    %dma_start3A_147 = arith.constant 3584 : i32
    %dma_start3A_148 = tpu.memref_slice %arg7[%dma_start3A_147] : memref<13312xf32, #tpu.memory_space<vmem>> -> memref<512xf32, #tpu.memory_space<vmem>>
    %dma_start3A_149 = arith.constant 3584 : i32
    %dma_start3A_150 = tpu.memref_slice %arg6[%dma_start3A_149] : memref<13312xi32, #tpu.memory_space<vmem>> -> memref<512xi32, #tpu.memory_space<vmem>>
    %dma_start3A_151 = arith.constant 0 : i32
    %dma_start3A_152 = tpu.memref_slice %arg3[%dma_start3A_145, %dma_start3A_151] : memref<1x2600000xf32, #tpu.memory_space<hbm>> -> memref<1x2600000xf32, #tpu.memory_space<hbm>>
    %dma_start3A_153 = tpu.memref_squeeze %dma_start3A_152 : memref<1x2600000xf32, #tpu.memory_space<hbm>> -> memref<2600000xf32, #tpu.memory_space<hbm>>
    %dma_start3A_154 = arith.constant 700000 : i32
    %dma_start3A_155 = tpu.memref_slice %dma_start3A_153[%dma_start3A_154] : memref<2600000xf32, #tpu.memory_space<hbm>> -> memref<100000xf32, #tpu.memory_space<hbm>>
    %dma_start3A_156 = arith.constant 0 : i32
    %dma_start3A_157 = tpu.memref_slice %dma_start3A_155[%dma_start3A_156] : memref<100000xf32, #tpu.memory_space<hbm>> -> memref<100000xf32, #tpu.memory_space<hbm>>
    %dma_start3A_158 = tpu.memref_slice %arg10[%dma_start3A_146] : memref<26x!tpu.dma_semaphore, #tpu.memory_space<semaphore_mem>> -> memref<1x!tpu.dma_semaphore, #tpu.memory_space<semaphore_mem>>
    %dma_start3A_159 = tpu.memref_squeeze %dma_start3A_158 : memref<1x!tpu.dma_semaphore, #tpu.memory_space<semaphore_mem>> -> memref<!tpu.dma_semaphore, #tpu.memory_space<semaphore_mem>>
    tpu.enqueue_indirect_dma source(%dma_start3A_157 : memref<100000xf32, #tpu.memory_space<hbm>>) target(%dma_start3A_148 : memref<512xf32, #tpu.memory_space<vmem>>) offsets(%dma_start3A_150 : memref<512xi32, #tpu.memory_space<vmem>>) semaphore(%dma_start3A_159 : memref<!tpu.dma_semaphore, #tpu.memory_space<semaphore_mem>>)
    %dma_start3A_160 = arith.constant 0 : i32
    %dma_start3A_161 = arith.constant 8 : i32
    %dma_start3A_162 = arith.constant 4096 : i32
    %dma_start3A_163 = tpu.memref_slice %arg7[%dma_start3A_162] : memref<13312xf32, #tpu.memory_space<vmem>> -> memref<512xf32, #tpu.memory_space<vmem>>
    %dma_start3A_164 = arith.constant 4096 : i32
    %dma_start3A_165 = tpu.memref_slice %arg6[%dma_start3A_164] : memref<13312xi32, #tpu.memory_space<vmem>> -> memref<512xi32, #tpu.memory_space<vmem>>
    %dma_start3A_166 = arith.constant 0 : i32
    %dma_start3A_167 = tpu.memref_slice %arg3[%dma_start3A_160, %dma_start3A_166] : memref<1x2600000xf32, #tpu.memory_space<hbm>> -> memref<1x2600000xf32, #tpu.memory_space<hbm>>
    %dma_start3A_168 = tpu.memref_squeeze %dma_start3A_167 : memref<1x2600000xf32, #tpu.memory_space<hbm>> -> memref<2600000xf32, #tpu.memory_space<hbm>>
    %dma_start3A_169 = arith.constant 800000 : i32
    %dma_start3A_170 = tpu.memref_slice %dma_start3A_168[%dma_start3A_169] : memref<2600000xf32, #tpu.memory_space<hbm>> -> memref<100000xf32, #tpu.memory_space<hbm>>
    %dma_start3A_171 = arith.constant 0 : i32
    %dma_start3A_172 = tpu.memref_slice %dma_start3A_170[%dma_start3A_171] : memref<100000xf32, #tpu.memory_space<hbm>> -> memref<100000xf32, #tpu.memory_space<hbm>>
    %dma_start3A_173 = tpu.memref_slice %arg10[%dma_start3A_161] : memref<26x!tpu.dma_semaphore, #tpu.memory_space<semaphore_mem>> -> memref<1x!tpu.dma_semaphore, #tpu.memory_space<semaphore_mem>>
    %dma_start3A_174 = tpu.memref_squeeze %dma_start3A_173 : memref<1x!tpu.dma_semaphore, #tpu.memory_space<semaphore_mem>> -> memref<!tpu.dma_semaphore, #tpu.memory_space<semaphore_mem>>
    tpu.enqueue_indirect_dma source(%dma_start3A_172 : memref<100000xf32, #tpu.memory_space<hbm>>) target(%dma_start3A_163 : memref<512xf32, #tpu.memory_space<vmem>>) offsets(%dma_start3A_165 : memref<512xi32, #tpu.memory_space<vmem>>) semaphore(%dma_start3A_174 : memref<!tpu.dma_semaphore, #tpu.memory_space<semaphore_mem>>)
    %dma_start3A_175 = arith.constant 0 : i32
    %dma_start3A_176 = arith.constant 9 : i32
    %dma_start3A_177 = arith.constant 4608 : i32
    %dma_start3A_178 = tpu.memref_slice %arg7[%dma_start3A_177] : memref<13312xf32, #tpu.memory_space<vmem>> -> memref<512xf32, #tpu.memory_space<vmem>>
    %dma_start3A_179 = arith.constant 4608 : i32
    %dma_start3A_180 = tpu.memref_slice %arg6[%dma_start3A_179] : memref<13312xi32, #tpu.memory_space<vmem>> -> memref<512xi32, #tpu.memory_space<vmem>>
    %dma_start3A_181 = arith.constant 0 : i32
    %dma_start3A_182 = tpu.memref_slice %arg3[%dma_start3A_175, %dma_start3A_181] : memref<1x2600000xf32, #tpu.memory_space<hbm>> -> memref<1x2600000xf32, #tpu.memory_space<hbm>>
    %dma_start3A_183 = tpu.memref_squeeze %dma_start3A_182 : memref<1x2600000xf32, #tpu.memory_space<hbm>> -> memref<2600000xf32, #tpu.memory_space<hbm>>
    %dma_start3A_184 = arith.constant 900000 : i32
    %dma_start3A_185 = tpu.memref_slice %dma_start3A_183[%dma_start3A_184] : memref<2600000xf32, #tpu.memory_space<hbm>> -> memref<100000xf32, #tpu.memory_space<hbm>>
    %dma_start3A_186 = arith.constant 0 : i32
    %dma_start3A_187 = tpu.memref_slice %dma_start3A_185[%dma_start3A_186] : memref<100000xf32, #tpu.memory_space<hbm>> -> memref<100000xf32, #tpu.memory_space<hbm>>
    %dma_start3A_188 = tpu.memref_slice %arg10[%dma_start3A_176] : memref<26x!tpu.dma_semaphore, #tpu.memory_space<semaphore_mem>> -> memref<1x!tpu.dma_semaphore, #tpu.memory_space<semaphore_mem>>
    %dma_start3A_189 = tpu.memref_squeeze %dma_start3A_188 : memref<1x!tpu.dma_semaphore, #tpu.memory_space<semaphore_mem>> -> memref<!tpu.dma_semaphore, #tpu.memory_space<semaphore_mem>>
    tpu.enqueue_indirect_dma source(%dma_start3A_187 : memref<100000xf32, #tpu.memory_space<hbm>>) target(%dma_start3A_178 : memref<512xf32, #tpu.memory_space<vmem>>) offsets(%dma_start3A_180 : memref<512xi32, #tpu.memory_space<vmem>>) semaphore(%dma_start3A_189 : memref<!tpu.dma_semaphore, #tpu.memory_space<semaphore_mem>>)
    %dma_start3A_190 = arith.constant 0 : i32
    %dma_start3A_191 = arith.constant 10 : i32
    %dma_start3A_192 = arith.constant 5120 : i32
    %dma_start3A_193 = tpu.memref_slice %arg7[%dma_start3A_192] : memref<13312xf32, #tpu.memory_space<vmem>> -> memref<512xf32, #tpu.memory_space<vmem>>
    %dma_start3A_194 = arith.constant 5120 : i32
    %dma_start3A_195 = tpu.memref_slice %arg6[%dma_start3A_194] : memref<13312xi32, #tpu.memory_space<vmem>> -> memref<512xi32, #tpu.memory_space<vmem>>
    %dma_start3A_196 = arith.constant 0 : i32
    %dma_start3A_197 = tpu.memref_slice %arg3[%dma_start3A_190, %dma_start3A_196] : memref<1x2600000xf32, #tpu.memory_space<hbm>> -> memref<1x2600000xf32, #tpu.memory_space<hbm>>
    %dma_start3A_198 = tpu.memref_squeeze %dma_start3A_197 : memref<1x2600000xf32, #tpu.memory_space<hbm>> -> memref<2600000xf32, #tpu.memory_space<hbm>>
    %dma_start3A_199 = arith.constant 1000000 : i32
    %dma_start3A_200 = tpu.memref_slice %dma_start3A_198[%dma_start3A_199] : memref<2600000xf32, #tpu.memory_space<hbm>> -> memref<100000xf32, #tpu.memory_space<hbm>>
    %dma_start3A_201 = arith.constant 0 : i32
    %dma_start3A_202 = tpu.memref_slice %dma_start3A_200[%dma_start3A_201] : memref<100000xf32, #tpu.memory_space<hbm>> -> memref<100000xf32, #tpu.memory_space<hbm>>
    %dma_start3A_203 = tpu.memref_slice %arg10[%dma_start3A_191] : memref<26x!tpu.dma_semaphore, #tpu.memory_space<semaphore_mem>> -> memref<1x!tpu.dma_semaphore, #tpu.memory_space<semaphore_mem>>
    %dma_start3A_204 = tpu.memref_squeeze %dma_start3A_203 : memref<1x!tpu.dma_semaphore, #tpu.memory_space<semaphore_mem>> -> memref<!tpu.dma_semaphore, #tpu.memory_space<semaphore_mem>>
    tpu.enqueue_indirect_dma source(%dma_start3A_202 : memref<100000xf32, #tpu.memory_space<hbm>>) target(%dma_start3A_193 : memref<512xf32, #tpu.memory_space<vmem>>) offsets(%dma_start3A_195 : memref<512xi32, #tpu.memory_space<vmem>>) semaphore(%dma_start3A_204 : memref<!tpu.dma_semaphore, #tpu.memory_space<semaphore_mem>>)
    %dma_start3A_205 = arith.constant 0 : i32
    %dma_start3A_206 = arith.constant 11 : i32
    %dma_start3A_207 = arith.constant 5632 : i32
    %dma_start3A_208 = tpu.memref_slice %arg7[%dma_start3A_207] : memref<13312xf32, #tpu.memory_space<vmem>> -> memref<512xf32, #tpu.memory_space<vmem>>
    %dma_start3A_209 = arith.constant 5632 : i32
    %dma_start3A_210 = tpu.memref_slice %arg6[%dma_start3A_209] : memref<13312xi32, #tpu.memory_space<vmem>> -> memref<512xi32, #tpu.memory_space<vmem>>
    %dma_start3A_211 = arith.constant 0 : i32
    %dma_start3A_212 = tpu.memref_slice %arg3[%dma_start3A_205, %dma_start3A_211] : memref<1x2600000xf32, #tpu.memory_space<hbm>> -> memref<1x2600000xf32, #tpu.memory_space<hbm>>
    %dma_start3A_213 = tpu.memref_squeeze %dma_start3A_212 : memref<1x2600000xf32, #tpu.memory_space<hbm>> -> memref<2600000xf32, #tpu.memory_space<hbm>>
    %dma_start3A_214 = arith.constant 1100000 : i32
    %dma_start3A_215 = tpu.memref_slice %dma_start3A_213[%dma_start3A_214] : memref<2600000xf32, #tpu.memory_space<hbm>> -> memref<100000xf32, #tpu.memory_space<hbm>>
    %dma_start3A_216 = arith.constant 0 : i32
    %dma_start3A_217 = tpu.memref_slice %dma_start3A_215[%dma_start3A_216] : memref<100000xf32, #tpu.memory_space<hbm>> -> memref<100000xf32, #tpu.memory_space<hbm>>
    %dma_start3A_218 = tpu.memref_slice %arg10[%dma_start3A_206] : memref<26x!tpu.dma_semaphore, #tpu.memory_space<semaphore_mem>> -> memref<1x!tpu.dma_semaphore, #tpu.memory_space<semaphore_mem>>
    %dma_start3A_219 = tpu.memref_squeeze %dma_start3A_218 : memref<1x!tpu.dma_semaphore, #tpu.memory_space<semaphore_mem>> -> memref<!tpu.dma_semaphore, #tpu.memory_space<semaphore_mem>>
    tpu.enqueue_indirect_dma source(%dma_start3A_217 : memref<100000xf32, #tpu.memory_space<hbm>>) target(%dma_start3A_208 : memref<512xf32, #tpu.memory_space<vmem>>) offsets(%dma_start3A_210 : memref<512xi32, #tpu.memory_space<vmem>>) semaphore(%dma_start3A_219 : memref<!tpu.dma_semaphore, #tpu.memory_space<semaphore_mem>>)
    %dma_start3A_220 = arith.constant 0 : i32
    %dma_start3A_221 = arith.constant 12 : i32
    %dma_start3A_222 = arith.constant 6144 : i32
    %dma_start3A_223 = tpu.memref_slice %arg7[%dma_start3A_222] : memref<13312xf32, #tpu.memory_space<vmem>> -> memref<512xf32, #tpu.memory_space<vmem>>
    %dma_start3A_224 = arith.constant 6144 : i32
    %dma_start3A_225 = tpu.memref_slice %arg6[%dma_start3A_224] : memref<13312xi32, #tpu.memory_space<vmem>> -> memref<512xi32, #tpu.memory_space<vmem>>
    %dma_start3A_226 = arith.constant 0 : i32
    %dma_start3A_227 = tpu.memref_slice %arg3[%dma_start3A_220, %dma_start3A_226] : memref<1x2600000xf32, #tpu.memory_space<hbm>> -> memref<1x2600000xf32, #tpu.memory_space<hbm>>
    %dma_start3A_228 = tpu.memref_squeeze %dma_start3A_227 : memref<1x2600000xf32, #tpu.memory_space<hbm>> -> memref<2600000xf32, #tpu.memory_space<hbm>>
    %dma_start3A_229 = arith.constant 1200000 : i32
    %dma_start3A_230 = tpu.memref_slice %dma_start3A_228[%dma_start3A_229] : memref<2600000xf32, #tpu.memory_space<hbm>> -> memref<100000xf32, #tpu.memory_space<hbm>>
    %dma_start3A_231 = arith.constant 0 : i32
    %dma_start3A_232 = tpu.memref_slice %dma_start3A_230[%dma_start3A_231] : memref<100000xf32, #tpu.memory_space<hbm>> -> memref<100000xf32, #tpu.memory_space<hbm>>
    %dma_start3A_233 = tpu.memref_slice %arg10[%dma_start3A_221] : memref<26x!tpu.dma_semaphore, #tpu.memory_space<semaphore_mem>> -> memref<1x!tpu.dma_semaphore, #tpu.memory_space<semaphore_mem>>
    %dma_start3A_234 = tpu.memref_squeeze %dma_start3A_233 : memref<1x!tpu.dma_semaphore, #tpu.memory_space<semaphore_mem>> -> memref<!tpu.dma_semaphore, #tpu.memory_space<semaphore_mem>>
    tpu.enqueue_indirect_dma source(%dma_start3A_232 : memref<100000xf32, #tpu.memory_space<hbm>>) target(%dma_start3A_223 : memref<512xf32, #tpu.memory_space<vmem>>) offsets(%dma_start3A_225 : memref<512xi32, #tpu.memory_space<vmem>>) semaphore(%dma_start3A_234 : memref<!tpu.dma_semaphore, #tpu.memory_space<semaphore_mem>>)
    %dma_wait3A_235 = arith.constant 1 : i32
    %dma_wait3A_236 = arith.constant 6656 : i32
    %dma_wait3A_237 = tpu.memref_slice %arg6[%dma_wait3A_236] : memref<13312xi32, #tpu.memory_space<vmem>> -> memref<6656xi32, #tpu.memory_space<vmem>>
    %dma_wait3A_238 = arith.constant 6656 : i32
    %dma_wait3A_239 = tpu.memref_slice %arg2[%add3A, %dma_wait3A_238] : memref<32x13312xi32, #tpu.memory_space<hbm>> -> memref<1x6656xi32, #tpu.memory_space<hbm>>
    %dma_wait3A_240 = tpu.memref_squeeze %dma_wait3A_239 : memref<1x6656xi32, #tpu.memory_space<hbm>> -> memref<6656xi32, #tpu.memory_space<hbm>>
    %dma_wait3A_241 = tpu.memref_slice %arg11[%dma_wait3A_235] : memref<2x!tpu.dma_semaphore, #tpu.memory_space<semaphore_mem>> -> memref<1x!tpu.dma_semaphore, #tpu.memory_space<semaphore_mem>>
    %dma_wait3A_242 = tpu.memref_squeeze %dma_wait3A_241 : memref<1x!tpu.dma_semaphore, #tpu.memory_space<semaphore_mem>> -> memref<!tpu.dma_semaphore, #tpu.memory_space<semaphore_mem>>
    %dma_wait3A_243 = arith.constant 6656 : i32
    %dma_wait3A_244 = tpu.memref_slice %arg6[%dma_wait3A_243] : memref<13312xi32, #tpu.memory_space<vmem>> -> memref<6656xi32, #tpu.memory_space<vmem>>
    %dma_wait3A_245 = arith.constant 6656 : i32
    %dma_wait3A_246 = tpu.memref_slice %arg2[%add3A, %dma_wait3A_245] : memref<32x13312xi32, #tpu.memory_space<hbm>> -> memref<1x6656xi32, #tpu.memory_space<hbm>>
    %dma_wait3A_247 = tpu.memref_squeeze %dma_wait3A_246 : memref<1x6656xi32, #tpu.memory_space<hbm>> -> memref<6656xi32, #tpu.memory_space<hbm>>
    tpu.wait_dma2 semaphore(%dma_wait3A_242 : memref<!tpu.dma_semaphore, #tpu.memory_space<semaphore_mem>>) src(%dma_wait3A_247 : memref<6656xi32, #tpu.memory_space<hbm>>) dst(%dma_wait3A_244 : memref<6656xi32, #tpu.memory_space<vmem>>)
    %dma_start3A_248 = arith.constant 0 : i32
    %dma_start3A_249 = arith.constant 13 : i32
    %dma_start3A_250 = arith.constant 6656 : i32
    %dma_start3A_251 = tpu.memref_slice %arg7[%dma_start3A_250] : memref<13312xf32, #tpu.memory_space<vmem>> -> memref<512xf32, #tpu.memory_space<vmem>>
    %dma_start3A_252 = arith.constant 6656 : i32
    %dma_start3A_253 = tpu.memref_slice %arg6[%dma_start3A_252] : memref<13312xi32, #tpu.memory_space<vmem>> -> memref<512xi32, #tpu.memory_space<vmem>>
    %dma_start3A_254 = arith.constant 0 : i32
    %dma_start3A_255 = tpu.memref_slice %arg3[%dma_start3A_248, %dma_start3A_254] : memref<1x2600000xf32, #tpu.memory_space<hbm>> -> memref<1x2600000xf32, #tpu.memory_space<hbm>>
    %dma_start3A_256 = tpu.memref_squeeze %dma_start3A_255 : memref<1x2600000xf32, #tpu.memory_space<hbm>> -> memref<2600000xf32, #tpu.memory_space<hbm>>
    %dma_start3A_257 = arith.constant 1300000 : i32
    %dma_start3A_258 = tpu.memref_slice %dma_start3A_256[%dma_start3A_257] : memref<2600000xf32, #tpu.memory_space<hbm>> -> memref<100000xf32, #tpu.memory_space<hbm>>
    %dma_start3A_259 = arith.constant 0 : i32
    %dma_start3A_260 = tpu.memref_slice %dma_start3A_258[%dma_start3A_259] : memref<100000xf32, #tpu.memory_space<hbm>> -> memref<100000xf32, #tpu.memory_space<hbm>>
    %dma_start3A_261 = tpu.memref_slice %arg10[%dma_start3A_249] : memref<26x!tpu.dma_semaphore, #tpu.memory_space<semaphore_mem>> -> memref<1x!tpu.dma_semaphore, #tpu.memory_space<semaphore_mem>>
    %dma_start3A_262 = tpu.memref_squeeze %dma_start3A_261 : memref<1x!tpu.dma_semaphore, #tpu.memory_space<semaphore_mem>> -> memref<!tpu.dma_semaphore, #tpu.memory_space<semaphore_mem>>
    tpu.enqueue_indirect_dma source(%dma_start3A_260 : memref<100000xf32, #tpu.memory_space<hbm>>) target(%dma_start3A_251 : memref<512xf32, #tpu.memory_space<vmem>>) offsets(%dma_start3A_253 : memref<512xi32, #tpu.memory_space<vmem>>) semaphore(%dma_start3A_262 : memref<!tpu.dma_semaphore, #tpu.memory_space<semaphore_mem>>)
    %dma_start3A_263 = arith.constant 0 : i32
    %dma_start3A_264 = arith.constant 14 : i32
    %dma_start3A_265 = arith.constant 7168 : i32
    %dma_start3A_266 = tpu.memref_slice %arg7[%dma_start3A_265] : memref<13312xf32, #tpu.memory_space<vmem>> -> memref<512xf32, #tpu.memory_space<vmem>>
    %dma_start3A_267 = arith.constant 7168 : i32
    %dma_start3A_268 = tpu.memref_slice %arg6[%dma_start3A_267] : memref<13312xi32, #tpu.memory_space<vmem>> -> memref<512xi32, #tpu.memory_space<vmem>>
    %dma_start3A_269 = arith.constant 0 : i32
    %dma_start3A_270 = tpu.memref_slice %arg3[%dma_start3A_263, %dma_start3A_269] : memref<1x2600000xf32, #tpu.memory_space<hbm>> -> memref<1x2600000xf32, #tpu.memory_space<hbm>>
    %dma_start3A_271 = tpu.memref_squeeze %dma_start3A_270 : memref<1x2600000xf32, #tpu.memory_space<hbm>> -> memref<2600000xf32, #tpu.memory_space<hbm>>
    %dma_start3A_272 = arith.constant 1400000 : i32
    %dma_start3A_273 = tpu.memref_slice %dma_start3A_271[%dma_start3A_272] : memref<2600000xf32, #tpu.memory_space<hbm>> -> memref<100000xf32, #tpu.memory_space<hbm>>
    %dma_start3A_274 = arith.constant 0 : i32
    %dma_start3A_275 = tpu.memref_slice %dma_start3A_273[%dma_start3A_274] : memref<100000xf32, #tpu.memory_space<hbm>> -> memref<100000xf32, #tpu.memory_space<hbm>>
    %dma_start3A_276 = tpu.memref_slice %arg10[%dma_start3A_264] : memref<26x!tpu.dma_semaphore, #tpu.memory_space<semaphore_mem>> -> memref<1x!tpu.dma_semaphore, #tpu.memory_space<semaphore_mem>>
    %dma_start3A_277 = tpu.memref_squeeze %dma_start3A_276 : memref<1x!tpu.dma_semaphore, #tpu.memory_space<semaphore_mem>> -> memref<!tpu.dma_semaphore, #tpu.memory_space<semaphore_mem>>
    tpu.enqueue_indirect_dma source(%dma_start3A_275 : memref<100000xf32, #tpu.memory_space<hbm>>) target(%dma_start3A_266 : memref<512xf32, #tpu.memory_space<vmem>>) offsets(%dma_start3A_268 : memref<512xi32, #tpu.memory_space<vmem>>) semaphore(%dma_start3A_277 : memref<!tpu.dma_semaphore, #tpu.memory_space<semaphore_mem>>)
    %dma_start3A_278 = arith.constant 0 : i32
    %dma_start3A_279 = arith.constant 15 : i32
    %dma_start3A_280 = arith.constant 7680 : i32
    %dma_start3A_281 = tpu.memref_slice %arg7[%dma_start3A_280] : memref<13312xf32, #tpu.memory_space<vmem>> -> memref<512xf32, #tpu.memory_space<vmem>>
    %dma_start3A_282 = arith.constant 7680 : i32
    %dma_start3A_283 = tpu.memref_slice %arg6[%dma_start3A_282] : memref<13312xi32, #tpu.memory_space<vmem>> -> memref<512xi32, #tpu.memory_space<vmem>>
    %dma_start3A_284 = arith.constant 0 : i32
    %dma_start3A_285 = tpu.memref_slice %arg3[%dma_start3A_278, %dma_start3A_284] : memref<1x2600000xf32, #tpu.memory_space<hbm>> -> memref<1x2600000xf32, #tpu.memory_space<hbm>>
    %dma_start3A_286 = tpu.memref_squeeze %dma_start3A_285 : memref<1x2600000xf32, #tpu.memory_space<hbm>> -> memref<2600000xf32, #tpu.memory_space<hbm>>
    %dma_start3A_287 = arith.constant 1500000 : i32
    %dma_start3A_288 = tpu.memref_slice %dma_start3A_286[%dma_start3A_287] : memref<2600000xf32, #tpu.memory_space<hbm>> -> memref<100000xf32, #tpu.memory_space<hbm>>
    %dma_start3A_289 = arith.constant 0 : i32
    %dma_start3A_290 = tpu.memref_slice %dma_start3A_288[%dma_start3A_289] : memref<100000xf32, #tpu.memory_space<hbm>> -> memref<100000xf32, #tpu.memory_space<hbm>>
    %dma_start3A_291 = tpu.memref_slice %arg10[%dma_start3A_279] : memref<26x!tpu.dma_semaphore, #tpu.memory_space<semaphore_mem>> -> memref<1x!tpu.dma_semaphore, #tpu.memory_space<semaphore_mem>>
    %dma_start3A_292 = tpu.memref_squeeze %dma_start3A_291 : memref<1x!tpu.dma_semaphore, #tpu.memory_space<semaphore_mem>> -> memref<!tpu.dma_semaphore, #tpu.memory_space<semaphore_mem>>
    tpu.enqueue_indirect_dma source(%dma_start3A_290 : memref<100000xf32, #tpu.memory_space<hbm>>) target(%dma_start3A_281 : memref<512xf32, #tpu.memory_space<vmem>>) offsets(%dma_start3A_283 : memref<512xi32, #tpu.memory_space<vmem>>) semaphore(%dma_start3A_292 : memref<!tpu.dma_semaphore, #tpu.memory_space<semaphore_mem>>)
    %dma_start3A_293 = arith.constant 0 : i32
    %dma_start3A_294 = arith.constant 16 : i32
    %dma_start3A_295 = arith.constant 8192 : i32
    %dma_start3A_296 = tpu.memref_slice %arg7[%dma_start3A_295] : memref<13312xf32, #tpu.memory_space<vmem>> -> memref<512xf32, #tpu.memory_space<vmem>>
    %dma_start3A_297 = arith.constant 8192 : i32
    %dma_start3A_298 = tpu.memref_slice %arg6[%dma_start3A_297] : memref<13312xi32, #tpu.memory_space<vmem>> -> memref<512xi32, #tpu.memory_space<vmem>>
    %dma_start3A_299 = arith.constant 0 : i32
    %dma_start3A_300 = tpu.memref_slice %arg3[%dma_start3A_293, %dma_start3A_299] : memref<1x2600000xf32, #tpu.memory_space<hbm>> -> memref<1x2600000xf32, #tpu.memory_space<hbm>>
    %dma_start3A_301 = tpu.memref_squeeze %dma_start3A_300 : memref<1x2600000xf32, #tpu.memory_space<hbm>> -> memref<2600000xf32, #tpu.memory_space<hbm>>
    %dma_start3A_302 = arith.constant 1600000 : i32
    %dma_start3A_303 = tpu.memref_slice %dma_start3A_301[%dma_start3A_302] : memref<2600000xf32, #tpu.memory_space<hbm>> -> memref<100000xf32, #tpu.memory_space<hbm>>
    %dma_start3A_304 = arith.constant 0 : i32
    %dma_start3A_305 = tpu.memref_slice %dma_start3A_303[%dma_start3A_304] : memref<100000xf32, #tpu.memory_space<hbm>> -> memref<100000xf32, #tpu.memory_space<hbm>>
    %dma_start3A_306 = tpu.memref_slice %arg10[%dma_start3A_294] : memref<26x!tpu.dma_semaphore, #tpu.memory_space<semaphore_mem>> -> memref<1x!tpu.dma_semaphore, #tpu.memory_space<semaphore_mem>>
    %dma_start3A_307 = tpu.memref_squeeze %dma_start3A_306 : memref<1x!tpu.dma_semaphore, #tpu.memory_space<semaphore_mem>> -> memref<!tpu.dma_semaphore, #tpu.memory_space<semaphore_mem>>
    tpu.enqueue_indirect_dma source(%dma_start3A_305 : memref<100000xf32, #tpu.memory_space<hbm>>) target(%dma_start3A_296 : memref<512xf32, #tpu.memory_space<vmem>>) offsets(%dma_start3A_298 : memref<512xi32, #tpu.memory_space<vmem>>) semaphore(%dma_start3A_307 : memref<!tpu.dma_semaphore, #tpu.memory_space<semaphore_mem>>)
    %dma_start3A_308 = arith.constant 0 : i32
    %dma_start3A_309 = arith.constant 17 : i32
    %dma_start3A_310 = arith.constant 8704 : i32
    %dma_start3A_311 = tpu.memref_slice %arg7[%dma_start3A_310] : memref<13312xf32, #tpu.memory_space<vmem>> -> memref<512xf32, #tpu.memory_space<vmem>>
    %dma_start3A_312 = arith.constant 8704 : i32
    %dma_start3A_313 = tpu.memref_slice %arg6[%dma_start3A_312] : memref<13312xi32, #tpu.memory_space<vmem>> -> memref<512xi32, #tpu.memory_space<vmem>>
    %dma_start3A_314 = arith.constant 0 : i32
    %dma_start3A_315 = tpu.memref_slice %arg3[%dma_start3A_308, %dma_start3A_314] : memref<1x2600000xf32, #tpu.memory_space<hbm>> -> memref<1x2600000xf32, #tpu.memory_space<hbm>>
    %dma_start3A_316 = tpu.memref_squeeze %dma_start3A_315 : memref<1x2600000xf32, #tpu.memory_space<hbm>> -> memref<2600000xf32, #tpu.memory_space<hbm>>
    %dma_start3A_317 = arith.constant 1700000 : i32
    %dma_start3A_318 = tpu.memref_slice %dma_start3A_316[%dma_start3A_317] : memref<2600000xf32, #tpu.memory_space<hbm>> -> memref<100000xf32, #tpu.memory_space<hbm>>
    %dma_start3A_319 = arith.constant 0 : i32
    %dma_start3A_320 = tpu.memref_slice %dma_start3A_318[%dma_start3A_319] : memref<100000xf32, #tpu.memory_space<hbm>> -> memref<100000xf32, #tpu.memory_space<hbm>>
    %dma_start3A_321 = tpu.memref_slice %arg10[%dma_start3A_309] : memref<26x!tpu.dma_semaphore, #tpu.memory_space<semaphore_mem>> -> memref<1x!tpu.dma_semaphore, #tpu.memory_space<semaphore_mem>>
    %dma_start3A_322 = tpu.memref_squeeze %dma_start3A_321 : memref<1x!tpu.dma_semaphore, #tpu.memory_space<semaphore_mem>> -> memref<!tpu.dma_semaphore, #tpu.memory_space<semaphore_mem>>
    tpu.enqueue_indirect_dma source(%dma_start3A_320 : memref<100000xf32, #tpu.memory_space<hbm>>) target(%dma_start3A_311 : memref<512xf32, #tpu.memory_space<vmem>>) offsets(%dma_start3A_313 : memref<512xi32, #tpu.memory_space<vmem>>) semaphore(%dma_start3A_322 : memref<!tpu.dma_semaphore, #tpu.memory_space<semaphore_mem>>)
    %dma_start3A_323 = arith.constant 0 : i32
    %dma_start3A_324 = arith.constant 18 : i32
    %dma_start3A_325 = arith.constant 9216 : i32
    %dma_start3A_326 = tpu.memref_slice %arg7[%dma_start3A_325] : memref<13312xf32, #tpu.memory_space<vmem>> -> memref<512xf32, #tpu.memory_space<vmem>>
    %dma_start3A_327 = arith.constant 9216 : i32
    %dma_start3A_328 = tpu.memref_slice %arg6[%dma_start3A_327] : memref<13312xi32, #tpu.memory_space<vmem>> -> memref<512xi32, #tpu.memory_space<vmem>>
    %dma_start3A_329 = arith.constant 0 : i32
    %dma_start3A_330 = tpu.memref_slice %arg3[%dma_start3A_323, %dma_start3A_329] : memref<1x2600000xf32, #tpu.memory_space<hbm>> -> memref<1x2600000xf32, #tpu.memory_space<hbm>>
    %dma_start3A_331 = tpu.memref_squeeze %dma_start3A_330 : memref<1x2600000xf32, #tpu.memory_space<hbm>> -> memref<2600000xf32, #tpu.memory_space<hbm>>
    %dma_start3A_332 = arith.constant 1800000 : i32
    %dma_start3A_333 = tpu.memref_slice %dma_start3A_331[%dma_start3A_332] : memref<2600000xf32, #tpu.memory_space<hbm>> -> memref<100000xf32, #tpu.memory_space<hbm>>
    %dma_start3A_334 = arith.constant 0 : i32
    %dma_start3A_335 = tpu.memref_slice %dma_start3A_333[%dma_start3A_334] : memref<100000xf32, #tpu.memory_space<hbm>> -> memref<100000xf32, #tpu.memory_space<hbm>>
    %dma_start3A_336 = tpu.memref_slice %arg10[%dma_start3A_324] : memref<26x!tpu.dma_semaphore, #tpu.memory_space<semaphore_mem>> -> memref<1x!tpu.dma_semaphore, #tpu.memory_space<semaphore_mem>>
    %dma_start3A_337 = tpu.memref_squeeze %dma_start3A_336 : memref<1x!tpu.dma_semaphore, #tpu.memory_space<semaphore_mem>> -> memref<!tpu.dma_semaphore, #tpu.memory_space<semaphore_mem>>
    tpu.enqueue_indirect_dma source(%dma_start3A_335 : memref<100000xf32, #tpu.memory_space<hbm>>) target(%dma_start3A_326 : memref<512xf32, #tpu.memory_space<vmem>>) offsets(%dma_start3A_328 : memref<512xi32, #tpu.memory_space<vmem>>) semaphore(%dma_start3A_337 : memref<!tpu.dma_semaphore, #tpu.memory_space<semaphore_mem>>)
    %dma_start3A_338 = arith.constant 0 : i32
    %dma_start3A_339 = arith.constant 19 : i32
    %dma_start3A_340 = arith.constant 9728 : i32
    %dma_start3A_341 = tpu.memref_slice %arg7[%dma_start3A_340] : memref<13312xf32, #tpu.memory_space<vmem>> -> memref<512xf32, #tpu.memory_space<vmem>>
    %dma_start3A_342 = arith.constant 9728 : i32
    %dma_start3A_343 = tpu.memref_slice %arg6[%dma_start3A_342] : memref<13312xi32, #tpu.memory_space<vmem>> -> memref<512xi32, #tpu.memory_space<vmem>>
    %dma_start3A_344 = arith.constant 0 : i32
    %dma_start3A_345 = tpu.memref_slice %arg3[%dma_start3A_338, %dma_start3A_344] : memref<1x2600000xf32, #tpu.memory_space<hbm>> -> memref<1x2600000xf32, #tpu.memory_space<hbm>>
    %dma_start3A_346 = tpu.memref_squeeze %dma_start3A_345 : memref<1x2600000xf32, #tpu.memory_space<hbm>> -> memref<2600000xf32, #tpu.memory_space<hbm>>
    %dma_start3A_347 = arith.constant 1900000 : i32
    %dma_start3A_348 = tpu.memref_slice %dma_start3A_346[%dma_start3A_347] : memref<2600000xf32, #tpu.memory_space<hbm>> -> memref<100000xf32, #tpu.memory_space<hbm>>
    %dma_start3A_349 = arith.constant 0 : i32
    %dma_start3A_350 = tpu.memref_slice %dma_start3A_348[%dma_start3A_349] : memref<100000xf32, #tpu.memory_space<hbm>> -> memref<100000xf32, #tpu.memory_space<hbm>>
    %dma_start3A_351 = tpu.memref_slice %arg10[%dma_start3A_339] : memref<26x!tpu.dma_semaphore, #tpu.memory_space<semaphore_mem>> -> memref<1x!tpu.dma_semaphore, #tpu.memory_space<semaphore_mem>>
    %dma_start3A_352 = tpu.memref_squeeze %dma_start3A_351 : memref<1x!tpu.dma_semaphore, #tpu.memory_space<semaphore_mem>> -> memref<!tpu.dma_semaphore, #tpu.memory_space<semaphore_mem>>
    tpu.enqueue_indirect_dma source(%dma_start3A_350 : memref<100000xf32, #tpu.memory_space<hbm>>) target(%dma_start3A_341 : memref<512xf32, #tpu.memory_space<vmem>>) offsets(%dma_start3A_343 : memref<512xi32, #tpu.memory_space<vmem>>) semaphore(%dma_start3A_352 : memref<!tpu.dma_semaphore, #tpu.memory_space<semaphore_mem>>)
    %dma_start3A_353 = arith.constant 0 : i32
    %dma_start3A_354 = arith.constant 20 : i32
    %dma_start3A_355 = arith.constant 10240 : i32
    %dma_start3A_356 = tpu.memref_slice %arg7[%dma_start3A_355] : memref<13312xf32, #tpu.memory_space<vmem>> -> memref<512xf32, #tpu.memory_space<vmem>>
    %dma_start3A_357 = arith.constant 10240 : i32
    %dma_start3A_358 = tpu.memref_slice %arg6[%dma_start3A_357] : memref<13312xi32, #tpu.memory_space<vmem>> -> memref<512xi32, #tpu.memory_space<vmem>>
    %dma_start3A_359 = arith.constant 0 : i32
    %dma_start3A_360 = tpu.memref_slice %arg3[%dma_start3A_353, %dma_start3A_359] : memref<1x2600000xf32, #tpu.memory_space<hbm>> -> memref<1x2600000xf32, #tpu.memory_space<hbm>>
    %dma_start3A_361 = tpu.memref_squeeze %dma_start3A_360 : memref<1x2600000xf32, #tpu.memory_space<hbm>> -> memref<2600000xf32, #tpu.memory_space<hbm>>
    %dma_start3A_362 = arith.constant 2000000 : i32
    %dma_start3A_363 = tpu.memref_slice %dma_start3A_361[%dma_start3A_362] : memref<2600000xf32, #tpu.memory_space<hbm>> -> memref<100000xf32, #tpu.memory_space<hbm>>
    %dma_start3A_364 = arith.constant 0 : i32
    %dma_start3A_365 = tpu.memref_slice %dma_start3A_363[%dma_start3A_364] : memref<100000xf32, #tpu.memory_space<hbm>> -> memref<100000xf32, #tpu.memory_space<hbm>>
    %dma_start3A_366 = tpu.memref_slice %arg10[%dma_start3A_354] : memref<26x!tpu.dma_semaphore, #tpu.memory_space<semaphore_mem>> -> memref<1x!tpu.dma_semaphore, #tpu.memory_space<semaphore_mem>>
    %dma_start3A_367 = tpu.memref_squeeze %dma_start3A_366 : memref<1x!tpu.dma_semaphore, #tpu.memory_space<semaphore_mem>> -> memref<!tpu.dma_semaphore, #tpu.memory_space<semaphore_mem>>
    tpu.enqueue_indirect_dma source(%dma_start3A_365 : memref<100000xf32, #tpu.memory_space<hbm>>) target(%dma_start3A_356 : memref<512xf32, #tpu.memory_space<vmem>>) offsets(%dma_start3A_358 : memref<512xi32, #tpu.memory_space<vmem>>) semaphore(%dma_start3A_367 : memref<!tpu.dma_semaphore, #tpu.memory_space<semaphore_mem>>)
    %dma_start3A_368 = arith.constant 0 : i32
    %dma_start3A_369 = arith.constant 21 : i32
    %dma_start3A_370 = arith.constant 10752 : i32
    %dma_start3A_371 = tpu.memref_slice %arg7[%dma_start3A_370] : memref<13312xf32, #tpu.memory_space<vmem>> -> memref<512xf32, #tpu.memory_space<vmem>>
    %dma_start3A_372 = arith.constant 10752 : i32
    %dma_start3A_373 = tpu.memref_slice %arg6[%dma_start3A_372] : memref<13312xi32, #tpu.memory_space<vmem>> -> memref<512xi32, #tpu.memory_space<vmem>>
    %dma_start3A_374 = arith.constant 0 : i32
    %dma_start3A_375 = tpu.memref_slice %arg3[%dma_start3A_368, %dma_start3A_374] : memref<1x2600000xf32, #tpu.memory_space<hbm>> -> memref<1x2600000xf32, #tpu.memory_space<hbm>>
    %dma_start3A_376 = tpu.memref_squeeze %dma_start3A_375 : memref<1x2600000xf32, #tpu.memory_space<hbm>> -> memref<2600000xf32, #tpu.memory_space<hbm>>
    %dma_start3A_377 = arith.constant 2100000 : i32
    %dma_start3A_378 = tpu.memref_slice %dma_start3A_376[%dma_start3A_377] : memref<2600000xf32, #tpu.memory_space<hbm>> -> memref<100000xf32, #tpu.memory_space<hbm>>
    %dma_start3A_379 = arith.constant 0 : i32
    %dma_start3A_380 = tpu.memref_slice %dma_start3A_378[%dma_start3A_379] : memref<100000xf32, #tpu.memory_space<hbm>> -> memref<100000xf32, #tpu.memory_space<hbm>>
    %dma_start3A_381 = tpu.memref_slice %arg10[%dma_start3A_369] : memref<26x!tpu.dma_semaphore, #tpu.memory_space<semaphore_mem>> -> memref<1x!tpu.dma_semaphore, #tpu.memory_space<semaphore_mem>>
    %dma_start3A_382 = tpu.memref_squeeze %dma_start3A_381 : memref<1x!tpu.dma_semaphore, #tpu.memory_space<semaphore_mem>> -> memref<!tpu.dma_semaphore, #tpu.memory_space<semaphore_mem>>
    tpu.enqueue_indirect_dma source(%dma_start3A_380 : memref<100000xf32, #tpu.memory_space<hbm>>) target(%dma_start3A_371 : memref<512xf32, #tpu.memory_space<vmem>>) offsets(%dma_start3A_373 : memref<512xi32, #tpu.memory_space<vmem>>) semaphore(%dma_start3A_382 : memref<!tpu.dma_semaphore, #tpu.memory_space<semaphore_mem>>)
    %dma_start3A_383 = arith.constant 0 : i32
    %dma_start3A_384 = arith.constant 22 : i32
    %dma_start3A_385 = arith.constant 11264 : i32
    %dma_start3A_386 = tpu.memref_slice %arg7[%dma_start3A_385] : memref<13312xf32, #tpu.memory_space<vmem>> -> memref<512xf32, #tpu.memory_space<vmem>>
    %dma_start3A_387 = arith.constant 11264 : i32
    %dma_start3A_388 = tpu.memref_slice %arg6[%dma_start3A_387] : memref<13312xi32, #tpu.memory_space<vmem>> -> memref<512xi32, #tpu.memory_space<vmem>>
    %dma_start3A_389 = arith.constant 0 : i32
    %dma_start3A_390 = tpu.memref_slice %arg3[%dma_start3A_383, %dma_start3A_389] : memref<1x2600000xf32, #tpu.memory_space<hbm>> -> memref<1x2600000xf32, #tpu.memory_space<hbm>>
    %dma_start3A_391 = tpu.memref_squeeze %dma_start3A_390 : memref<1x2600000xf32, #tpu.memory_space<hbm>> -> memref<2600000xf32, #tpu.memory_space<hbm>>
    %dma_start3A_392 = arith.constant 2200000 : i32
    %dma_start3A_393 = tpu.memref_slice %dma_start3A_391[%dma_start3A_392] : memref<2600000xf32, #tpu.memory_space<hbm>> -> memref<100000xf32, #tpu.memory_space<hbm>>
    %dma_start3A_394 = arith.constant 0 : i32
    %dma_start3A_395 = tpu.memref_slice %dma_start3A_393[%dma_start3A_394] : memref<100000xf32, #tpu.memory_space<hbm>> -> memref<100000xf32, #tpu.memory_space<hbm>>
    %dma_start3A_396 = tpu.memref_slice %arg10[%dma_start3A_384] : memref<26x!tpu.dma_semaphore, #tpu.memory_space<semaphore_mem>> -> memref<1x!tpu.dma_semaphore, #tpu.memory_space<semaphore_mem>>
    %dma_start3A_397 = tpu.memref_squeeze %dma_start3A_396 : memref<1x!tpu.dma_semaphore, #tpu.memory_space<semaphore_mem>> -> memref<!tpu.dma_semaphore, #tpu.memory_space<semaphore_mem>>
    tpu.enqueue_indirect_dma source(%dma_start3A_395 : memref<100000xf32, #tpu.memory_space<hbm>>) target(%dma_start3A_386 : memref<512xf32, #tpu.memory_space<vmem>>) offsets(%dma_start3A_388 : memref<512xi32, #tpu.memory_space<vmem>>) semaphore(%dma_start3A_397 : memref<!tpu.dma_semaphore, #tpu.memory_space<semaphore_mem>>)
    %dma_start3A_398 = arith.constant 0 : i32
    %dma_start3A_399 = arith.constant 23 : i32
    %dma_start3A_400 = arith.constant 11776 : i32
    %dma_start3A_401 = tpu.memref_slice %arg7[%dma_start3A_400] : memref<13312xf32, #tpu.memory_space<vmem>> -> memref<512xf32, #tpu.memory_space<vmem>>
    %dma_start3A_402 = arith.constant 11776 : i32
    %dma_start3A_403 = tpu.memref_slice %arg6[%dma_start3A_402] : memref<13312xi32, #tpu.memory_space<vmem>> -> memref<512xi32, #tpu.memory_space<vmem>>
    %dma_start3A_404 = arith.constant 0 : i32
    %dma_start3A_405 = tpu.memref_slice %arg3[%dma_start3A_398, %dma_start3A_404] : memref<1x2600000xf32, #tpu.memory_space<hbm>> -> memref<1x2600000xf32, #tpu.memory_space<hbm>>
    %dma_start3A_406 = tpu.memref_squeeze %dma_start3A_405 : memref<1x2600000xf32, #tpu.memory_space<hbm>> -> memref<2600000xf32, #tpu.memory_space<hbm>>
    %dma_start3A_407 = arith.constant 2300000 : i32
    %dma_start3A_408 = tpu.memref_slice %dma_start3A_406[%dma_start3A_407] : memref<2600000xf32, #tpu.memory_space<hbm>> -> memref<100000xf32, #tpu.memory_space<hbm>>
    %dma_start3A_409 = arith.constant 0 : i32
    %dma_start3A_410 = tpu.memref_slice %dma_start3A_408[%dma_start3A_409] : memref<100000xf32, #tpu.memory_space<hbm>> -> memref<100000xf32, #tpu.memory_space<hbm>>
    %dma_start3A_411 = tpu.memref_slice %arg10[%dma_start3A_399] : memref<26x!tpu.dma_semaphore, #tpu.memory_space<semaphore_mem>> -> memref<1x!tpu.dma_semaphore, #tpu.memory_space<semaphore_mem>>
    %dma_start3A_412 = tpu.memref_squeeze %dma_start3A_411 : memref<1x!tpu.dma_semaphore, #tpu.memory_space<semaphore_mem>> -> memref<!tpu.dma_semaphore, #tpu.memory_space<semaphore_mem>>
    tpu.enqueue_indirect_dma source(%dma_start3A_410 : memref<100000xf32, #tpu.memory_space<hbm>>) target(%dma_start3A_401 : memref<512xf32, #tpu.memory_space<vmem>>) offsets(%dma_start3A_403 : memref<512xi32, #tpu.memory_space<vmem>>) semaphore(%dma_start3A_412 : memref<!tpu.dma_semaphore, #tpu.memory_space<semaphore_mem>>)
    %dma_start3A_413 = arith.constant 0 : i32
    %dma_start3A_414 = arith.constant 24 : i32
    %dma_start3A_415 = arith.constant 12288 : i32
    %dma_start3A_416 = tpu.memref_slice %arg7[%dma_start3A_415] : memref<13312xf32, #tpu.memory_space<vmem>> -> memref<512xf32, #tpu.memory_space<vmem>>
    %dma_start3A_417 = arith.constant 12288 : i32
    %dma_start3A_418 = tpu.memref_slice %arg6[%dma_start3A_417] : memref<13312xi32, #tpu.memory_space<vmem>> -> memref<512xi32, #tpu.memory_space<vmem>>
    %dma_start3A_419 = arith.constant 0 : i32
    %dma_start3A_420 = tpu.memref_slice %arg3[%dma_start3A_413, %dma_start3A_419] : memref<1x2600000xf32, #tpu.memory_space<hbm>> -> memref<1x2600000xf32, #tpu.memory_space<hbm>>
    %dma_start3A_421 = tpu.memref_squeeze %dma_start3A_420 : memref<1x2600000xf32, #tpu.memory_space<hbm>> -> memref<2600000xf32, #tpu.memory_space<hbm>>
    %dma_start3A_422 = arith.constant 2400000 : i32
    %dma_start3A_423 = tpu.memref_slice %dma_start3A_421[%dma_start3A_422] : memref<2600000xf32, #tpu.memory_space<hbm>> -> memref<100000xf32, #tpu.memory_space<hbm>>
    %dma_start3A_424 = arith.constant 0 : i32
    %dma_start3A_425 = tpu.memref_slice %dma_start3A_423[%dma_start3A_424] : memref<100000xf32, #tpu.memory_space<hbm>> -> memref<100000xf32, #tpu.memory_space<hbm>>
    %dma_start3A_426 = tpu.memref_slice %arg10[%dma_start3A_414] : memref<26x!tpu.dma_semaphore, #tpu.memory_space<semaphore_mem>> -> memref<1x!tpu.dma_semaphore, #tpu.memory_space<semaphore_mem>>
    %dma_start3A_427 = tpu.memref_squeeze %dma_start3A_426 : memref<1x!tpu.dma_semaphore, #tpu.memory_space<semaphore_mem>> -> memref<!tpu.dma_semaphore, #tpu.memory_space<semaphore_mem>>
    tpu.enqueue_indirect_dma source(%dma_start3A_425 : memref<100000xf32, #tpu.memory_space<hbm>>) target(%dma_start3A_416 : memref<512xf32, #tpu.memory_space<vmem>>) offsets(%dma_start3A_418 : memref<512xi32, #tpu.memory_space<vmem>>) semaphore(%dma_start3A_427 : memref<!tpu.dma_semaphore, #tpu.memory_space<semaphore_mem>>)
    %dma_start3A_428 = arith.constant 0 : i32
    %dma_start3A_429 = arith.constant 25 : i32
    %dma_start3A_430 = arith.constant 12800 : i32
    %dma_start3A_431 = tpu.memref_slice %arg7[%dma_start3A_430] : memref<13312xf32, #tpu.memory_space<vmem>> -> memref<512xf32, #tpu.memory_space<vmem>>
    %dma_start3A_432 = arith.constant 12800 : i32
    %dma_start3A_433 = tpu.memref_slice %arg6[%dma_start3A_432] : memref<13312xi32, #tpu.memory_space<vmem>> -> memref<512xi32, #tpu.memory_space<vmem>>
    %dma_start3A_434 = arith.constant 0 : i32
    %dma_start3A_435 = tpu.memref_slice %arg3[%dma_start3A_428, %dma_start3A_434] : memref<1x2600000xf32, #tpu.memory_space<hbm>> -> memref<1x2600000xf32, #tpu.memory_space<hbm>>
    %dma_start3A_436 = tpu.memref_squeeze %dma_start3A_435 : memref<1x2600000xf32, #tpu.memory_space<hbm>> -> memref<2600000xf32, #tpu.memory_space<hbm>>
    %dma_start3A_437 = arith.constant 2500000 : i32
    %dma_start3A_438 = tpu.memref_slice %dma_start3A_436[%dma_start3A_437] : memref<2600000xf32, #tpu.memory_space<hbm>> -> memref<100000xf32, #tpu.memory_space<hbm>>
    %dma_start3A_439 = arith.constant 0 : i32
    %dma_start3A_440 = tpu.memref_slice %dma_start3A_438[%dma_start3A_439] : memref<100000xf32, #tpu.memory_space<hbm>> -> memref<100000xf32, #tpu.memory_space<hbm>>
    %dma_start3A_441 = tpu.memref_slice %arg10[%dma_start3A_429] : memref<26x!tpu.dma_semaphore, #tpu.memory_space<semaphore_mem>> -> memref<1x!tpu.dma_semaphore, #tpu.memory_space<semaphore_mem>>
    %dma_start3A_442 = tpu.memref_squeeze %dma_start3A_441 : memref<1x!tpu.dma_semaphore, #tpu.memory_space<semaphore_mem>> -> memref<!tpu.dma_semaphore, #tpu.memory_space<semaphore_mem>>
    tpu.enqueue_indirect_dma source(%dma_start3A_440 : memref<100000xf32, #tpu.memory_space<hbm>>) target(%dma_start3A_431 : memref<512xf32, #tpu.memory_space<vmem>>) offsets(%dma_start3A_433 : memref<512xi32, #tpu.memory_space<vmem>>) semaphore(%dma_start3A_442 : memref<!tpu.dma_semaphore, #tpu.memory_space<semaphore_mem>>)
    %get3A = arith.constant 0 : index
    %get3A_443 = tpu.vector_load %arg9[%get3A] {strides = array<i32>} : memref<16xf32, #tpu.memory_space<vmem>>, vector<16xf32>,
    %get3A_444 = vector.shape_cast %get3A_443 : vector<16xf32> to vector<16xf32>
    %slice3A = vector.extract_strided_slice %get3A_444 {offsets = [0], sizes = [1], strides = [1]} : vector<16xf32> to vector<1xf32>
    %squeeze3A = vector.extract %slice3A[0] : f32 from vector<1xf32>
    %dma_wait3A_445 = arith.constant 0 : i32
    %dma_wait3A_446 = arith.constant 0 : i32
    %dma_wait3A_447 = arith.constant 0 : i32
    %dma_wait3A_448 = tpu.memref_slice %arg7[%dma_wait3A_447] : memref<13312xf32, #tpu.memory_space<vmem>> -> memref<512xf32, #tpu.memory_space<vmem>>
    %dma_wait3A_449 = arith.constant 0 : i32
    %dma_wait3A_450 = tpu.memref_slice %arg6[%dma_wait3A_449] : memref<13312xi32, #tpu.memory_space<vmem>> -> memref<512xi32, #tpu.memory_space<vmem>>
    %dma_wait3A_451 = arith.constant 0 : i32
    %dma_wait3A_452 = tpu.memref_slice %arg3[%dma_wait3A_445, %dma_wait3A_451] : memref<1x2600000xf32, #tpu.memory_space<hbm>> -> memref<1x2600000xf32, #tpu.memory_space<hbm>>
    %dma_wait3A_453 = tpu.memref_squeeze %dma_wait3A_452 : memref<1x2600000xf32, #tpu.memory_space<hbm>> -> memref<2600000xf32, #tpu.memory_space<hbm>>
    %dma_wait3A_454 = arith.constant 0 : i32
    %dma_wait3A_455 = tpu.memref_slice %dma_wait3A_453[%dma_wait3A_454] : memref<2600000xf32, #tpu.memory_space<hbm>> -> memref<100000xf32, #tpu.memory_space<hbm>>
    %dma_wait3A_456 = arith.constant 0 : i32
    %dma_wait3A_457 = tpu.memref_slice %dma_wait3A_455[%dma_wait3A_456] : memref<100000xf32, #tpu.memory_space<hbm>> -> memref<100000xf32, #tpu.memory_space<hbm>>
    %dma_wait3A_458 = tpu.memref_slice %arg10[%dma_wait3A_446] : memref<26x!tpu.dma_semaphore, #tpu.memory_space<semaphore_mem>> -> memref<1x!tpu.dma_semaphore, #tpu.memory_space<semaphore_mem>>
    %dma_wait3A_459 = tpu.memref_squeeze %dma_wait3A_458 : memref<1x!tpu.dma_semaphore, #tpu.memory_space<semaphore_mem>> -> memref<!tpu.dma_semaphore, #tpu.memory_space<semaphore_mem>>
    tpu.wait_indirect_dma semaphore(%dma_wait3A_459 : memref<!tpu.dma_semaphore, #tpu.memory_space<semaphore_mem>>) src(%dma_wait3A_457 : memref<100000xf32, #tpu.memory_space<hbm>>) dst(%dma_wait3A_448 : memref<512xf32, #tpu.memory_space<vmem>>)
    %scan3A = arith.constant 0 : i32
    %scan3A_460 = arith.constant 0 : i32
    %scan3A_461 = arith.constant 16 : i32
    %scan3A_462 = arith.addi %scan3A_460, %scan3A_461 : i32
    %scan3A_463 = arith.constant 1 : i32
    scf.for %scan3A_1716 = %scan3A_460 to %scan3A_462 step %scan3A_463  : i32 {
      %mul3A_1717 = arith.constant 2 : i32
      %mul3A_1718 = arith.muli %mul3A_1717, %scan3A_1716 : i32
      %add3A_1719 = arith.constant 0 : i32
      %add3A_1720 = arith.addi %mul3A_1718, %add3A_1719 : i32
      %mul3A_1721 = arith.constant 16 : i32
      %mul3A_1722 = arith.muli %add3A_1720, %mul3A_1721 : i32
      %mul3A_1723 = arith.constant 2 : i32
      %mul3A_1724 = arith.muli %mul3A_1723, %scan3A_1716 : i32
      %add3A_1725 = arith.constant 0 : i32
      %add3A_1726 = arith.addi %mul3A_1724, %add3A_1725 : i32
      %mul3A_1727 = arith.constant 16 : i32
      %mul3A_1728 = arith.muli %add3A_1726, %mul3A_1727 : i32
      %add3A_1729 = arith.constant 0 : i32
      %add3A_1730 = arith.addi %add3A_1729, %mul3A_1728 : i32
      %get3A_1731 = arith.index_cast %add3A_1730 : i32 to index
      %get3A_1732 = tpu.vector_load %arg7[%get3A_1731] {strides = array<i32>} : memref<13312xf32, #tpu.memory_space<vmem>>, vector<16xf32>,
      %get3A_1733 = vector.shape_cast %get3A_1732 : vector<16xf32> to vector<16xf32>
      %swap3A_1734 = arith.index_cast %mul3A_1722 : i32 to index
      %swap3A_1735 = tpu.vector_load %arg8[%swap3A_1734] {strides = array<i32>} : memref<512xf32, #tpu.memory_space<vmem>>, vector<16xf32>,
      %swap3A_1736 = vector.shape_cast %swap3A_1735 : vector<16xf32> to vector<16xf32>
      %swap3A_1737 = vector.shape_cast %get3A_1733 : vector<16xf32> to vector<16xf32>
      tpu.vector_store %arg8[%swap3A_1734], %swap3A_1737 {strides = array<i32>} : memref<512xf32, #tpu.memory_space<vmem>>, vector<16xf32>,
      %mul3A_1738 = arith.constant 2 : i32
      %mul3A_1739 = arith.muli %mul3A_1738, %scan3A_1716 : i32
      %add3A_1740 = arith.constant 1 : i32
      %add3A_1741 = arith.addi %mul3A_1739, %add3A_1740 : i32
      %mul3A_1742 = arith.constant 16 : i32
      %mul3A_1743 = arith.muli %add3A_1741, %mul3A_1742 : i32
      %mul3A_1744 = arith.constant 2 : i32
      %mul3A_1745 = arith.muli %mul3A_1744, %scan3A_1716 : i32
      %add3A_1746 = arith.constant 1 : i32
      %add3A_1747 = arith.addi %mul3A_1745, %add3A_1746 : i32
      %mul3A_1748 = arith.constant 16 : i32
      %mul3A_1749 = arith.muli %add3A_1747, %mul3A_1748 : i32
      %add3A_1750 = arith.constant 0 : i32
      %add3A_1751 = arith.addi %add3A_1750, %mul3A_1749 : i32
      %get3A_1752 = arith.index_cast %add3A_1751 : i32 to index
      %get3A_1753 = tpu.vector_load %arg7[%get3A_1752] {strides = array<i32>} : memref<13312xf32, #tpu.memory_space<vmem>>, vector<16xf32>,
      %get3A_1754 = vector.shape_cast %get3A_1753 : vector<16xf32> to vector<16xf32>
      %swap3A_1755 = arith.index_cast %mul3A_1743 : i32 to index
      %swap3A_1756 = tpu.vector_load %arg8[%swap3A_1755] {strides = array<i32>} : memref<512xf32, #tpu.memory_space<vmem>>, vector<16xf32>,
      %swap3A_1757 = vector.shape_cast %swap3A_1756 : vector<16xf32> to vector<16xf32>
      %swap3A_1758 = vector.shape_cast %get3A_1754 : vector<16xf32> to vector<16xf32>
      tpu.vector_store %arg8[%swap3A_1755], %swap3A_1758 {strides = array<i32>} : memref<512xf32, #tpu.memory_space<vmem>>, vector<16xf32>,
    }
    %scan3A_464 = arith.constant 16 : i32
    %dma_wait3A_465 = arith.constant 0 : i32
    %dma_wait3A_466 = arith.constant 1 : i32
    %dma_wait3A_467 = arith.constant 512 : i32
    %dma_wait3A_468 = tpu.memref_slice %arg7[%dma_wait3A_467] : memref<13312xf32, #tpu.memory_space<vmem>> -> memref<512xf32, #tpu.memory_space<vmem>>
    %dma_wait3A_469 = arith.constant 512 : i32
    %dma_wait3A_470 = tpu.memref_slice %arg6[%dma_wait3A_469] : memref<13312xi32, #tpu.memory_space<vmem>> -> memref<512xi32, #tpu.memory_space<vmem>>
    %dma_wait3A_471 = arith.constant 0 : i32
    %dma_wait3A_472 = tpu.memref_slice %arg3[%dma_wait3A_465, %dma_wait3A_471] : memref<1x2600000xf32, #tpu.memory_space<hbm>> -> memref<1x2600000xf32, #tpu.memory_space<hbm>>
    %dma_wait3A_473 = tpu.memref_squeeze %dma_wait3A_472 : memref<1x2600000xf32, #tpu.memory_space<hbm>> -> memref<2600000xf32, #tpu.memory_space<hbm>>
    %dma_wait3A_474 = arith.constant 100000 : i32
    %dma_wait3A_475 = tpu.memref_slice %dma_wait3A_473[%dma_wait3A_474] : memref<2600000xf32, #tpu.memory_space<hbm>> -> memref<100000xf32, #tpu.memory_space<hbm>>
    %dma_wait3A_476 = arith.constant 0 : i32
    %dma_wait3A_477 = tpu.memref_slice %dma_wait3A_475[%dma_wait3A_476] : memref<100000xf32, #tpu.memory_space<hbm>> -> memref<100000xf32, #tpu.memory_space<hbm>>
    %dma_wait3A_478 = tpu.memref_slice %arg10[%dma_wait3A_466] : memref<26x!tpu.dma_semaphore, #tpu.memory_space<semaphore_mem>> -> memref<1x!tpu.dma_semaphore, #tpu.memory_space<semaphore_mem>>
    %dma_wait3A_479 = tpu.memref_squeeze %dma_wait3A_478 : memref<1x!tpu.dma_semaphore, #tpu.memory_space<semaphore_mem>> -> memref<!tpu.dma_semaphore, #tpu.memory_space<semaphore_mem>>
    tpu.wait_indirect_dma semaphore(%dma_wait3A_479 : memref<!tpu.dma_semaphore, #tpu.memory_space<semaphore_mem>>) src(%dma_wait3A_477 : memref<100000xf32, #tpu.memory_space<hbm>>) dst(%dma_wait3A_468 : memref<512xf32, #tpu.memory_space<vmem>>)
    %scan3A_480 = arith.constant 0 : i32
    %scan3A_481 = arith.constant 0 : i32
    %scan3A_482 = arith.constant 16 : i32
    %scan3A_483 = arith.addi %scan3A_481, %scan3A_482 : i32
    %scan3A_484 = arith.constant 1 : i32
    scf.for %scan3A_1716 = %scan3A_481 to %scan3A_483 step %scan3A_484  : i32 {
      %mul3A_1717 = arith.constant 2 : i32
      %mul3A_1718 = arith.muli %mul3A_1717, %scan3A_1716 : i32
      %add3A_1719 = arith.constant 0 : i32
      %add3A_1720 = arith.addi %mul3A_1718, %add3A_1719 : i32
      %mul3A_1721 = arith.constant 16 : i32
      %mul3A_1722 = arith.muli %add3A_1720, %mul3A_1721 : i32
      %get3A_1723 = arith.index_cast %mul3A_1722 : i32 to index
      %get3A_1724 = tpu.vector_load %arg8[%get3A_1723] {strides = array<i32>} : memref<512xf32, #tpu.memory_space<vmem>>, vector<16xf32>,
      %get3A_1725 = vector.shape_cast %get3A_1724 : vector<16xf32> to vector<16xf32>
      %mul3A_1726 = arith.constant 2 : i32
      %mul3A_1727 = arith.muli %mul3A_1726, %scan3A_1716 : i32
      %add3A_1728 = arith.constant 0 : i32
      %add3A_1729 = arith.addi %mul3A_1727, %add3A_1728 : i32
      %mul3A_1730 = arith.constant 16 : i32
      %mul3A_1731 = arith.muli %add3A_1729, %mul3A_1730 : i32
      %add3A_1732 = arith.constant 512 : i32
      %add3A_1733 = arith.addi %add3A_1732, %mul3A_1731 : i32
      %get3A_1734 = arith.index_cast %add3A_1733 : i32 to index
      %get3A_1735 = tpu.vector_load %arg7[%get3A_1734] {strides = array<i32>} : memref<13312xf32, #tpu.memory_space<vmem>>, vector<16xf32>,
      %get3A_1736 = vector.shape_cast %get3A_1735 : vector<16xf32> to vector<16xf32>
      %add3A_1737 = arith.addf %get3A_1725, %get3A_1736 : vector<16xf32>
      %swap3A_1738 = arith.index_cast %mul3A_1722 : i32 to index
      %swap3A_1739 = tpu.vector_load %arg8[%swap3A_1738] {strides = array<i32>} : memref<512xf32, #tpu.memory_space<vmem>>, vector<16xf32>,
      %swap3A_1740 = vector.shape_cast %swap3A_1739 : vector<16xf32> to vector<16xf32>
      %swap3A_1741 = vector.shape_cast %add3A_1737 : vector<16xf32> to vector<16xf32>
      tpu.vector_store %arg8[%swap3A_1738], %swap3A_1741 {strides = array<i32>} : memref<512xf32, #tpu.memory_space<vmem>>, vector<16xf32>,
      %mul3A_1742 = arith.constant 2 : i32
      %mul3A_1743 = arith.muli %mul3A_1742, %scan3A_1716 : i32
      %add3A_1744 = arith.constant 1 : i32
      %add3A_1745 = arith.addi %mul3A_1743, %add3A_1744 : i32
      %mul3A_1746 = arith.constant 16 : i32
      %mul3A_1747 = arith.muli %add3A_1745, %mul3A_1746 : i32
      %get3A_1748 = arith.index_cast %mul3A_1747 : i32 to index
      %get3A_1749 = tpu.vector_load %arg8[%get3A_1748] {strides = array<i32>} : memref<512xf32, #tpu.memory_space<vmem>>, vector<16xf32>,
      %get3A_1750 = vector.shape_cast %get3A_1749 : vector<16xf32> to vector<16xf32>
      %mul3A_1751 = arith.constant 2 : i32
      %mul3A_1752 = arith.muli %mul3A_1751, %scan3A_1716 : i32
      %add3A_1753 = arith.constant 1 : i32
      %add3A_1754 = arith.addi %mul3A_1752, %add3A_1753 : i32
      %mul3A_1755 = arith.constant 16 : i32
      %mul3A_1756 = arith.muli %add3A_1754, %mul3A_1755 : i32
      %add3A_1757 = arith.constant 512 : i32
      %add3A_1758 = arith.addi %add3A_1757, %mul3A_1756 : i32
      %get3A_1759 = arith.index_cast %add3A_1758 : i32 to index
      %get3A_1760 = tpu.vector_load %arg7[%get3A_1759] {strides = array<i32>} : memref<13312xf32, #tpu.memory_space<vmem>>, vector<16xf32>,
      %get3A_1761 = vector.shape_cast %get3A_1760 : vector<16xf32> to vector<16xf32>
      %add3A_1762 = arith.addf %get3A_1750, %get3A_1761 : vector<16xf32>
      %swap3A_1763 = arith.index_cast %mul3A_1747 : i32 to index
      %swap3A_1764 = tpu.vector_load %arg8[%swap3A_1763] {strides = array<i32>} : memref<512xf32, #tpu.memory_space<vmem>>, vector<16xf32>,
      %swap3A_1765 = vector.shape_cast %swap3A_1764 : vector<16xf32> to vector<16xf32>
      %swap3A_1766 = vector.shape_cast %add3A_1762 : vector<16xf32> to vector<16xf32>
      tpu.vector_store %arg8[%swap3A_1763], %swap3A_1766 {strides = array<i32>} : memref<512xf32, #tpu.memory_space<vmem>>, vector<16xf32>,
    }
    %scan3A_485 = arith.constant 16 : i32
    %dma_wait3A_486 = arith.constant 0 : i32
    %dma_wait3A_487 = arith.constant 2 : i32
    %dma_wait3A_488 = arith.constant 1024 : i32
    %dma_wait3A_489 = tpu.memref_slice %arg7[%dma_wait3A_488] : memref<13312xf32, #tpu.memory_space<vmem>> -> memref<512xf32, #tpu.memory_space<vmem>>
    %dma_wait3A_490 = arith.constant 1024 : i32
    %dma_wait3A_491 = tpu.memref_slice %arg6[%dma_wait3A_490] : memref<13312xi32, #tpu.memory_space<vmem>> -> memref<512xi32, #tpu.memory_space<vmem>>
    %dma_wait3A_492 = arith.constant 0 : i32
    %dma_wait3A_493 = tpu.memref_slice %arg3[%dma_wait3A_486, %dma_wait3A_492] : memref<1x2600000xf32, #tpu.memory_space<hbm>> -> memref<1x2600000xf32, #tpu.memory_space<hbm>>
    %dma_wait3A_494 = tpu.memref_squeeze %dma_wait3A_493 : memref<1x2600000xf32, #tpu.memory_space<hbm>> -> memref<2600000xf32, #tpu.memory_space<hbm>>
    %dma_wait3A_495 = arith.constant 200000 : i32
    %dma_wait3A_496 = tpu.memref_slice %dma_wait3A_494[%dma_wait3A_495] : memref<2600000xf32, #tpu.memory_space<hbm>> -> memref<100000xf32, #tpu.memory_space<hbm>>
    %dma_wait3A_497 = arith.constant 0 : i32
    %dma_wait3A_498 = tpu.memref_slice %dma_wait3A_496[%dma_wait3A_497] : memref<100000xf32, #tpu.memory_space<hbm>> -> memref<100000xf32, #tpu.memory_space<hbm>>
    %dma_wait3A_499 = tpu.memref_slice %arg10[%dma_wait3A_487] : memref<26x!tpu.dma_semaphore, #tpu.memory_space<semaphore_mem>> -> memref<1x!tpu.dma_semaphore, #tpu.memory_space<semaphore_mem>>
    %dma_wait3A_500 = tpu.memref_squeeze %dma_wait3A_499 : memref<1x!tpu.dma_semaphore, #tpu.memory_space<semaphore_mem>> -> memref<!tpu.dma_semaphore, #tpu.memory_space<semaphore_mem>>
    tpu.wait_indirect_dma semaphore(%dma_wait3A_500 : memref<!tpu.dma_semaphore, #tpu.memory_space<semaphore_mem>>) src(%dma_wait3A_498 : memref<100000xf32, #tpu.memory_space<hbm>>) dst(%dma_wait3A_489 : memref<512xf32, #tpu.memory_space<vmem>>)
    %scan3A_501 = arith.constant 0 : i32
    %scan3A_502 = arith.constant 0 : i32
    %scan3A_503 = arith.constant 16 : i32
    %scan3A_504 = arith.addi %scan3A_502, %scan3A_503 : i32
    %scan3A_505 = arith.constant 1 : i32
    scf.for %scan3A_1716 = %scan3A_502 to %scan3A_504 step %scan3A_505  : i32 {
      %mul3A_1717 = arith.constant 2 : i32
      %mul3A_1718 = arith.muli %mul3A_1717, %scan3A_1716 : i32
      %add3A_1719 = arith.constant 0 : i32
      %add3A_1720 = arith.addi %mul3A_1718, %add3A_1719 : i32
      %mul3A_1721 = arith.constant 16 : i32
      %mul3A_1722 = arith.muli %add3A_1720, %mul3A_1721 : i32
      %get3A_1723 = arith.index_cast %mul3A_1722 : i32 to index
      %get3A_1724 = tpu.vector_load %arg8[%get3A_1723] {strides = array<i32>} : memref<512xf32, #tpu.memory_space<vmem>>, vector<16xf32>,
      %get3A_1725 = vector.shape_cast %get3A_1724 : vector<16xf32> to vector<16xf32>
      %mul3A_1726 = arith.constant 2 : i32
      %mul3A_1727 = arith.muli %mul3A_1726, %scan3A_1716 : i32
      %add3A_1728 = arith.constant 0 : i32
      %add3A_1729 = arith.addi %mul3A_1727, %add3A_1728 : i32
      %mul3A_1730 = arith.constant 16 : i32
      %mul3A_1731 = arith.muli %add3A_1729, %mul3A_1730 : i32
      %add3A_1732 = arith.constant 1024 : i32
      %add3A_1733 = arith.addi %add3A_1732, %mul3A_1731 : i32
      %get3A_1734 = arith.index_cast %add3A_1733 : i32 to index
      %get3A_1735 = tpu.vector_load %arg7[%get3A_1734] {strides = array<i32>} : memref<13312xf32, #tpu.memory_space<vmem>>, vector<16xf32>,
      %get3A_1736 = vector.shape_cast %get3A_1735 : vector<16xf32> to vector<16xf32>
      %add3A_1737 = arith.addf %get3A_1725, %get3A_1736 : vector<16xf32>
      %swap3A_1738 = arith.index_cast %mul3A_1722 : i32 to index
      %swap3A_1739 = tpu.vector_load %arg8[%swap3A_1738] {strides = array<i32>} : memref<512xf32, #tpu.memory_space<vmem>>, vector<16xf32>,
      %swap3A_1740 = vector.shape_cast %swap3A_1739 : vector<16xf32> to vector<16xf32>
      %swap3A_1741 = vector.shape_cast %add3A_1737 : vector<16xf32> to vector<16xf32>
      tpu.vector_store %arg8[%swap3A_1738], %swap3A_1741 {strides = array<i32>} : memref<512xf32, #tpu.memory_space<vmem>>, vector<16xf32>,
      %mul3A_1742 = arith.constant 2 : i32
      %mul3A_1743 = arith.muli %mul3A_1742, %scan3A_1716 : i32
      %add3A_1744 = arith.constant 1 : i32
      %add3A_1745 = arith.addi %mul3A_1743, %add3A_1744 : i32
      %mul3A_1746 = arith.constant 16 : i32
      %mul3A_1747 = arith.muli %add3A_1745, %mul3A_1746 : i32
      %get3A_1748 = arith.index_cast %mul3A_1747 : i32 to index
      %get3A_1749 = tpu.vector_load %arg8[%get3A_1748] {strides = array<i32>} : memref<512xf32, #tpu.memory_space<vmem>>, vector<16xf32>,
      %get3A_1750 = vector.shape_cast %get3A_1749 : vector<16xf32> to vector<16xf32>
      %mul3A_1751 = arith.constant 2 : i32
      %mul3A_1752 = arith.muli %mul3A_1751, %scan3A_1716 : i32
      %add3A_1753 = arith.constant 1 : i32
      %add3A_1754 = arith.addi %mul3A_1752, %add3A_1753 : i32
      %mul3A_1755 = arith.constant 16 : i32
      %mul3A_1756 = arith.muli %add3A_1754, %mul3A_1755 : i32
      %add3A_1757 = arith.constant 1024 : i32
      %add3A_1758 = arith.addi %add3A_1757, %mul3A_1756 : i32
      %get3A_1759 = arith.index_cast %add3A_1758 : i32 to index
      %get3A_1760 = tpu.vector_load %arg7[%get3A_1759] {strides = array<i32>} : memref<13312xf32, #tpu.memory_space<vmem>>, vector<16xf32>,
      %get3A_1761 = vector.shape_cast %get3A_1760 : vector<16xf32> to vector<16xf32>
      %add3A_1762 = arith.addf %get3A_1750, %get3A_1761 : vector<16xf32>
      %swap3A_1763 = arith.index_cast %mul3A_1747 : i32 to index
      %swap3A_1764 = tpu.vector_load %arg8[%swap3A_1763] {strides = array<i32>} : memref<512xf32, #tpu.memory_space<vmem>>, vector<16xf32>,
      %swap3A_1765 = vector.shape_cast %swap3A_1764 : vector<16xf32> to vector<16xf32>
      %swap3A_1766 = vector.shape_cast %add3A_1762 : vector<16xf32> to vector<16xf32>
      tpu.vector_store %arg8[%swap3A_1763], %swap3A_1766 {strides = array<i32>} : memref<512xf32, #tpu.memory_space<vmem>>, vector<16xf32>,
    }
    %scan3A_506 = arith.constant 16 : i32
    %dma_wait3A_507 = arith.constant 0 : i32
    %dma_wait3A_508 = arith.constant 3 : i32
    %dma_wait3A_509 = arith.constant 1536 : i32
    %dma_wait3A_510 = tpu.memref_slice %arg7[%dma_wait3A_509] : memref<13312xf32, #tpu.memory_space<vmem>> -> memref<512xf32, #tpu.memory_space<vmem>>
    %dma_wait3A_511 = arith.constant 1536 : i32
    %dma_wait3A_512 = tpu.memref_slice %arg6[%dma_wait3A_511] : memref<13312xi32, #tpu.memory_space<vmem>> -> memref<512xi32, #tpu.memory_space<vmem>>
    %dma_wait3A_513 = arith.constant 0 : i32
    %dma_wait3A_514 = tpu.memref_slice %arg3[%dma_wait3A_507, %dma_wait3A_513] : memref<1x2600000xf32, #tpu.memory_space<hbm>> -> memref<1x2600000xf32, #tpu.memory_space<hbm>>
    %dma_wait3A_515 = tpu.memref_squeeze %dma_wait3A_514 : memref<1x2600000xf32, #tpu.memory_space<hbm>> -> memref<2600000xf32, #tpu.memory_space<hbm>>
    %dma_wait3A_516 = arith.constant 300000 : i32
    %dma_wait3A_517 = tpu.memref_slice %dma_wait3A_515[%dma_wait3A_516] : memref<2600000xf32, #tpu.memory_space<hbm>> -> memref<100000xf32, #tpu.memory_space<hbm>>
    %dma_wait3A_518 = arith.constant 0 : i32
    %dma_wait3A_519 = tpu.memref_slice %dma_wait3A_517[%dma_wait3A_518] : memref<100000xf32, #tpu.memory_space<hbm>> -> memref<100000xf32, #tpu.memory_space<hbm>>
    %dma_wait3A_520 = tpu.memref_slice %arg10[%dma_wait3A_508] : memref<26x!tpu.dma_semaphore, #tpu.memory_space<semaphore_mem>> -> memref<1x!tpu.dma_semaphore, #tpu.memory_space<semaphore_mem>>
    %dma_wait3A_521 = tpu.memref_squeeze %dma_wait3A_520 : memref<1x!tpu.dma_semaphore, #tpu.memory_space<semaphore_mem>> -> memref<!tpu.dma_semaphore, #tpu.memory_space<semaphore_mem>>
    tpu.wait_indirect_dma semaphore(%dma_wait3A_521 : memref<!tpu.dma_semaphore, #tpu.memory_space<semaphore_mem>>) src(%dma_wait3A_519 : memref<100000xf32, #tpu.memory_space<hbm>>) dst(%dma_wait3A_510 : memref<512xf32, #tpu.memory_space<vmem>>)
    %scan3A_522 = arith.constant 0 : i32
    %scan3A_523 = arith.constant 0 : i32
    %scan3A_524 = arith.constant 16 : i32
    %scan3A_525 = arith.addi %scan3A_523, %scan3A_524 : i32
    %scan3A_526 = arith.constant 1 : i32
    scf.for %scan3A_1716 = %scan3A_523 to %scan3A_525 step %scan3A_526  : i32 {
      %mul3A_1717 = arith.constant 2 : i32
      %mul3A_1718 = arith.muli %mul3A_1717, %scan3A_1716 : i32
      %add3A_1719 = arith.constant 0 : i32
      %add3A_1720 = arith.addi %mul3A_1718, %add3A_1719 : i32
      %mul3A_1721 = arith.constant 16 : i32
      %mul3A_1722 = arith.muli %add3A_1720, %mul3A_1721 : i32
      %get3A_1723 = arith.index_cast %mul3A_1722 : i32 to index
      %get3A_1724 = tpu.vector_load %arg8[%get3A_1723] {strides = array<i32>} : memref<512xf32, #tpu.memory_space<vmem>>, vector<16xf32>,
      %get3A_1725 = vector.shape_cast %get3A_1724 : vector<16xf32> to vector<16xf32>
      %mul3A_1726 = arith.constant 2 : i32
      %mul3A_1727 = arith.muli %mul3A_1726, %scan3A_1716 : i32
      %add3A_1728 = arith.constant 0 : i32
      %add3A_1729 = arith.addi %mul3A_1727, %add3A_1728 : i32
      %mul3A_1730 = arith.constant 16 : i32
      %mul3A_1731 = arith.muli %add3A_1729, %mul3A_1730 : i32
      %add3A_1732 = arith.constant 1536 : i32
      %add3A_1733 = arith.addi %add3A_1732, %mul3A_1731 : i32
      %get3A_1734 = arith.index_cast %add3A_1733 : i32 to index
      %get3A_1735 = tpu.vector_load %arg7[%get3A_1734] {strides = array<i32>} : memref<13312xf32, #tpu.memory_space<vmem>>, vector<16xf32>,
      %get3A_1736 = vector.shape_cast %get3A_1735 : vector<16xf32> to vector<16xf32>
      %add3A_1737 = arith.addf %get3A_1725, %get3A_1736 : vector<16xf32>
      %swap3A_1738 = arith.index_cast %mul3A_1722 : i32 to index
      %swap3A_1739 = tpu.vector_load %arg8[%swap3A_1738] {strides = array<i32>} : memref<512xf32, #tpu.memory_space<vmem>>, vector<16xf32>,
      %swap3A_1740 = vector.shape_cast %swap3A_1739 : vector<16xf32> to vector<16xf32>
      %swap3A_1741 = vector.shape_cast %add3A_1737 : vector<16xf32> to vector<16xf32>
      tpu.vector_store %arg8[%swap3A_1738], %swap3A_1741 {strides = array<i32>} : memref<512xf32, #tpu.memory_space<vmem>>, vector<16xf32>,
      %mul3A_1742 = arith.constant 2 : i32
      %mul3A_1743 = arith.muli %mul3A_1742, %scan3A_1716 : i32
      %add3A_1744 = arith.constant 1 : i32
      %add3A_1745 = arith.addi %mul3A_1743, %add3A_1744 : i32
      %mul3A_1746 = arith.constant 16 : i32
      %mul3A_1747 = arith.muli %add3A_1745, %mul3A_1746 : i32
      %get3A_1748 = arith.index_cast %mul3A_1747 : i32 to index
      %get3A_1749 = tpu.vector_load %arg8[%get3A_1748] {strides = array<i32>} : memref<512xf32, #tpu.memory_space<vmem>>, vector<16xf32>,
      %get3A_1750 = vector.shape_cast %get3A_1749 : vector<16xf32> to vector<16xf32>
      %mul3A_1751 = arith.constant 2 : i32
      %mul3A_1752 = arith.muli %mul3A_1751, %scan3A_1716 : i32
      %add3A_1753 = arith.constant 1 : i32
      %add3A_1754 = arith.addi %mul3A_1752, %add3A_1753 : i32
      %mul3A_1755 = arith.constant 16 : i32
      %mul3A_1756 = arith.muli %add3A_1754, %mul3A_1755 : i32
      %add3A_1757 = arith.constant 1536 : i32
      %add3A_1758 = arith.addi %add3A_1757, %mul3A_1756 : i32
      %get3A_1759 = arith.index_cast %add3A_1758 : i32 to index
      %get3A_1760 = tpu.vector_load %arg7[%get3A_1759] {strides = array<i32>} : memref<13312xf32, #tpu.memory_space<vmem>>, vector<16xf32>,
      %get3A_1761 = vector.shape_cast %get3A_1760 : vector<16xf32> to vector<16xf32>
      %add3A_1762 = arith.addf %get3A_1750, %get3A_1761 : vector<16xf32>
      %swap3A_1763 = arith.index_cast %mul3A_1747 : i32 to index
      %swap3A_1764 = tpu.vector_load %arg8[%swap3A_1763] {strides = array<i32>} : memref<512xf32, #tpu.memory_space<vmem>>, vector<16xf32>,
      %swap3A_1765 = vector.shape_cast %swap3A_1764 : vector<16xf32> to vector<16xf32>
      %swap3A_1766 = vector.shape_cast %add3A_1762 : vector<16xf32> to vector<16xf32>
      tpu.vector_store %arg8[%swap3A_1763], %swap3A_1766 {strides = array<i32>} : memref<512xf32, #tpu.memory_space<vmem>>, vector<16xf32>,
    }
    %scan3A_527 = arith.constant 16 : i32
    %dma_wait3A_528 = arith.constant 0 : i32
    %dma_wait3A_529 = arith.constant 4 : i32
    %dma_wait3A_530 = arith.constant 2048 : i32
    %dma_wait3A_531 = tpu.memref_slice %arg7[%dma_wait3A_530] : memref<13312xf32, #tpu.memory_space<vmem>> -> memref<512xf32, #tpu.memory_space<vmem>>
    %dma_wait3A_532 = arith.constant 2048 : i32
    %dma_wait3A_533 = tpu.memref_slice %arg6[%dma_wait3A_532] : memref<13312xi32, #tpu.memory_space<vmem>> -> memref<512xi32, #tpu.memory_space<vmem>>
    %dma_wait3A_534 = arith.constant 0 : i32
    %dma_wait3A_535 = tpu.memref_slice %arg3[%dma_wait3A_528, %dma_wait3A_534] : memref<1x2600000xf32, #tpu.memory_space<hbm>> -> memref<1x2600000xf32, #tpu.memory_space<hbm>>
    %dma_wait3A_536 = tpu.memref_squeeze %dma_wait3A_535 : memref<1x2600000xf32, #tpu.memory_space<hbm>> -> memref<2600000xf32, #tpu.memory_space<hbm>>
    %dma_wait3A_537 = arith.constant 400000 : i32
    %dma_wait3A_538 = tpu.memref_slice %dma_wait3A_536[%dma_wait3A_537] : memref<2600000xf32, #tpu.memory_space<hbm>> -> memref<100000xf32, #tpu.memory_space<hbm>>
    %dma_wait3A_539 = arith.constant 0 : i32
    %dma_wait3A_540 = tpu.memref_slice %dma_wait3A_538[%dma_wait3A_539] : memref<100000xf32, #tpu.memory_space<hbm>> -> memref<100000xf32, #tpu.memory_space<hbm>>
    %dma_wait3A_541 = tpu.memref_slice %arg10[%dma_wait3A_529] : memref<26x!tpu.dma_semaphore, #tpu.memory_space<semaphore_mem>> -> memref<1x!tpu.dma_semaphore, #tpu.memory_space<semaphore_mem>>
    %dma_wait3A_542 = tpu.memref_squeeze %dma_wait3A_541 : memref<1x!tpu.dma_semaphore, #tpu.memory_space<semaphore_mem>> -> memref<!tpu.dma_semaphore, #tpu.memory_space<semaphore_mem>>
    tpu.wait_indirect_dma semaphore(%dma_wait3A_542 : memref<!tpu.dma_semaphore, #tpu.memory_space<semaphore_mem>>) src(%dma_wait3A_540 : memref<100000xf32, #tpu.memory_space<hbm>>) dst(%dma_wait3A_531 : memref<512xf32, #tpu.memory_space<vmem>>)
    %scan3A_543 = arith.constant 0 : i32
    %scan3A_544 = arith.constant 0 : i32
    %scan3A_545 = arith.constant 16 : i32
    %scan3A_546 = arith.addi %scan3A_544, %scan3A_545 : i32
    %scan3A_547 = arith.constant 1 : i32
    scf.for %scan3A_1716 = %scan3A_544 to %scan3A_546 step %scan3A_547  : i32 {
      %mul3A_1717 = arith.constant 2 : i32
      %mul3A_1718 = arith.muli %mul3A_1717, %scan3A_1716 : i32
      %add3A_1719 = arith.constant 0 : i32
      %add3A_1720 = arith.addi %mul3A_1718, %add3A_1719 : i32
      %mul3A_1721 = arith.constant 16 : i32
      %mul3A_1722 = arith.muli %add3A_1720, %mul3A_1721 : i32
      %get3A_1723 = arith.index_cast %mul3A_1722 : i32 to index
      %get3A_1724 = tpu.vector_load %arg8[%get3A_1723] {strides = array<i32>} : memref<512xf32, #tpu.memory_space<vmem>>, vector<16xf32>,
      %get3A_1725 = vector.shape_cast %get3A_1724 : vector<16xf32> to vector<16xf32>
      %mul3A_1726 = arith.constant 2 : i32
      %mul3A_1727 = arith.muli %mul3A_1726, %scan3A_1716 : i32
      %add3A_1728 = arith.constant 0 : i32
      %add3A_1729 = arith.addi %mul3A_1727, %add3A_1728 : i32
      %mul3A_1730 = arith.constant 16 : i32
      %mul3A_1731 = arith.muli %add3A_1729, %mul3A_1730 : i32
      %add3A_1732 = arith.constant 2048 : i32
      %add3A_1733 = arith.addi %add3A_1732, %mul3A_1731 : i32
      %get3A_1734 = arith.index_cast %add3A_1733 : i32 to index
      %get3A_1735 = tpu.vector_load %arg7[%get3A_1734] {strides = array<i32>} : memref<13312xf32, #tpu.memory_space<vmem>>, vector<16xf32>,
      %get3A_1736 = vector.shape_cast %get3A_1735 : vector<16xf32> to vector<16xf32>
      %add3A_1737 = arith.addf %get3A_1725, %get3A_1736 : vector<16xf32>
      %swap3A_1738 = arith.index_cast %mul3A_1722 : i32 to index
      %swap3A_1739 = tpu.vector_load %arg8[%swap3A_1738] {strides = array<i32>} : memref<512xf32, #tpu.memory_space<vmem>>, vector<16xf32>,
      %swap3A_1740 = vector.shape_cast %swap3A_1739 : vector<16xf32> to vector<16xf32>
      %swap3A_1741 = vector.shape_cast %add3A_1737 : vector<16xf32> to vector<16xf32>
      tpu.vector_store %arg8[%swap3A_1738], %swap3A_1741 {strides = array<i32>} : memref<512xf32, #tpu.memory_space<vmem>>, vector<16xf32>,
      %mul3A_1742 = arith.constant 2 : i32
      %mul3A_1743 = arith.muli %mul3A_1742, %scan3A_1716 : i32
      %add3A_1744 = arith.constant 1 : i32
      %add3A_1745 = arith.addi %mul3A_1743, %add3A_1744 : i32
      %mul3A_1746 = arith.constant 16 : i32
      %mul3A_1747 = arith.muli %add3A_1745, %mul3A_1746 : i32
      %get3A_1748 = arith.index_cast %mul3A_1747 : i32 to index
      %get3A_1749 = tpu.vector_load %arg8[%get3A_1748] {strides = array<i32>} : memref<512xf32, #tpu.memory_space<vmem>>, vector<16xf32>,
      %get3A_1750 = vector.shape_cast %get3A_1749 : vector<16xf32> to vector<16xf32>
      %mul3A_1751 = arith.constant 2 : i32
      %mul3A_1752 = arith.muli %mul3A_1751, %scan3A_1716 : i32
      %add3A_1753 = arith.constant 1 : i32
      %add3A_1754 = arith.addi %mul3A_1752, %add3A_1753 : i32
      %mul3A_1755 = arith.constant 16 : i32
      %mul3A_1756 = arith.muli %add3A_1754, %mul3A_1755 : i32
      %add3A_1757 = arith.constant 2048 : i32
      %add3A_1758 = arith.addi %add3A_1757, %mul3A_1756 : i32
      %get3A_1759 = arith.index_cast %add3A_1758 : i32 to index
      %get3A_1760 = tpu.vector_load %arg7[%get3A_1759] {strides = array<i32>} : memref<13312xf32, #tpu.memory_space<vmem>>, vector<16xf32>,
      %get3A_1761 = vector.shape_cast %get3A_1760 : vector<16xf32> to vector<16xf32>
      %add3A_1762 = arith.addf %get3A_1750, %get3A_1761 : vector<16xf32>
      %swap3A_1763 = arith.index_cast %mul3A_1747 : i32 to index
      %swap3A_1764 = tpu.vector_load %arg8[%swap3A_1763] {strides = array<i32>} : memref<512xf32, #tpu.memory_space<vmem>>, vector<16xf32>,
      %swap3A_1765 = vector.shape_cast %swap3A_1764 : vector<16xf32> to vector<16xf32>
      %swap3A_1766 = vector.shape_cast %add3A_1762 : vector<16xf32> to vector<16xf32>
      tpu.vector_store %arg8[%swap3A_1763], %swap3A_1766 {strides = array<i32>} : memref<512xf32, #tpu.memory_space<vmem>>, vector<16xf32>,
    }
    %scan3A_548 = arith.constant 16 : i32
    %dma_wait3A_549 = arith.constant 0 : i32
    %dma_wait3A_550 = arith.constant 5 : i32
    %dma_wait3A_551 = arith.constant 2560 : i32
    %dma_wait3A_552 = tpu.memref_slice %arg7[%dma_wait3A_551] : memref<13312xf32, #tpu.memory_space<vmem>> -> memref<512xf32, #tpu.memory_space<vmem>>
    %dma_wait3A_553 = arith.constant 2560 : i32
    %dma_wait3A_554 = tpu.memref_slice %arg6[%dma_wait3A_553] : memref<13312xi32, #tpu.memory_space<vmem>> -> memref<512xi32, #tpu.memory_space<vmem>>
    %dma_wait3A_555 = arith.constant 0 : i32
    %dma_wait3A_556 = tpu.memref_slice %arg3[%dma_wait3A_549, %dma_wait3A_555] : memref<1x2600000xf32, #tpu.memory_space<hbm>> -> memref<1x2600000xf32, #tpu.memory_space<hbm>>
    %dma_wait3A_557 = tpu.memref_squeeze %dma_wait3A_556 : memref<1x2600000xf32, #tpu.memory_space<hbm>> -> memref<2600000xf32, #tpu.memory_space<hbm>>
    %dma_wait3A_558 = arith.constant 500000 : i32
    %dma_wait3A_559 = tpu.memref_slice %dma_wait3A_557[%dma_wait3A_558] : memref<2600000xf32, #tpu.memory_space<hbm>> -> memref<100000xf32, #tpu.memory_space<hbm>>
    %dma_wait3A_560 = arith.constant 0 : i32
    %dma_wait3A_561 = tpu.memref_slice %dma_wait3A_559[%dma_wait3A_560] : memref<100000xf32, #tpu.memory_space<hbm>> -> memref<100000xf32, #tpu.memory_space<hbm>>
    %dma_wait3A_562 = tpu.memref_slice %arg10[%dma_wait3A_550] : memref<26x!tpu.dma_semaphore, #tpu.memory_space<semaphore_mem>> -> memref<1x!tpu.dma_semaphore, #tpu.memory_space<semaphore_mem>>
    %dma_wait3A_563 = tpu.memref_squeeze %dma_wait3A_562 : memref<1x!tpu.dma_semaphore, #tpu.memory_space<semaphore_mem>> -> memref<!tpu.dma_semaphore, #tpu.memory_space<semaphore_mem>>
    tpu.wait_indirect_dma semaphore(%dma_wait3A_563 : memref<!tpu.dma_semaphore, #tpu.memory_space<semaphore_mem>>) src(%dma_wait3A_561 : memref<100000xf32, #tpu.memory_space<hbm>>) dst(%dma_wait3A_552 : memref<512xf32, #tpu.memory_space<vmem>>)
    %scan3A_564 = arith.constant 0 : i32
    %scan3A_565 = arith.constant 0 : i32
    %scan3A_566 = arith.constant 16 : i32
    %scan3A_567 = arith.addi %scan3A_565, %scan3A_566 : i32
    %scan3A_568 = arith.constant 1 : i32
    scf.for %scan3A_1716 = %scan3A_565 to %scan3A_567 step %scan3A_568  : i32 {
      %mul3A_1717 = arith.constant 2 : i32
      %mul3A_1718 = arith.muli %mul3A_1717, %scan3A_1716 : i32
      %add3A_1719 = arith.constant 0 : i32
      %add3A_1720 = arith.addi %mul3A_1718, %add3A_1719 : i32
      %mul3A_1721 = arith.constant 16 : i32
      %mul3A_1722 = arith.muli %add3A_1720, %mul3A_1721 : i32
      %get3A_1723 = arith.index_cast %mul3A_1722 : i32 to index
      %get3A_1724 = tpu.vector_load %arg8[%get3A_1723] {strides = array<i32>} : memref<512xf32, #tpu.memory_space<vmem>>, vector<16xf32>,
      %get3A_1725 = vector.shape_cast %get3A_1724 : vector<16xf32> to vector<16xf32>
      %mul3A_1726 = arith.constant 2 : i32
      %mul3A_1727 = arith.muli %mul3A_1726, %scan3A_1716 : i32
      %add3A_1728 = arith.constant 0 : i32
      %add3A_1729 = arith.addi %mul3A_1727, %add3A_1728 : i32
      %mul3A_1730 = arith.constant 16 : i32
      %mul3A_1731 = arith.muli %add3A_1729, %mul3A_1730 : i32
      %add3A_1732 = arith.constant 2560 : i32
      %add3A_1733 = arith.addi %add3A_1732, %mul3A_1731 : i32
      %get3A_1734 = arith.index_cast %add3A_1733 : i32 to index
      %get3A_1735 = tpu.vector_load %arg7[%get3A_1734] {strides = array<i32>} : memref<13312xf32, #tpu.memory_space<vmem>>, vector<16xf32>,
      %get3A_1736 = vector.shape_cast %get3A_1735 : vector<16xf32> to vector<16xf32>
      %add3A_1737 = arith.addf %get3A_1725, %get3A_1736 : vector<16xf32>
      %swap3A_1738 = arith.index_cast %mul3A_1722 : i32 to index
      %swap3A_1739 = tpu.vector_load %arg8[%swap3A_1738] {strides = array<i32>} : memref<512xf32, #tpu.memory_space<vmem>>, vector<16xf32>,
      %swap3A_1740 = vector.shape_cast %swap3A_1739 : vector<16xf32> to vector<16xf32>
      %swap3A_1741 = vector.shape_cast %add3A_1737 : vector<16xf32> to vector<16xf32>
      tpu.vector_store %arg8[%swap3A_1738], %swap3A_1741 {strides = array<i32>} : memref<512xf32, #tpu.memory_space<vmem>>, vector<16xf32>,
      %mul3A_1742 = arith.constant 2 : i32
      %mul3A_1743 = arith.muli %mul3A_1742, %scan3A_1716 : i32
      %add3A_1744 = arith.constant 1 : i32
      %add3A_1745 = arith.addi %mul3A_1743, %add3A_1744 : i32
      %mul3A_1746 = arith.constant 16 : i32
      %mul3A_1747 = arith.muli %add3A_1745, %mul3A_1746 : i32
      %get3A_1748 = arith.index_cast %mul3A_1747 : i32 to index
      %get3A_1749 = tpu.vector_load %arg8[%get3A_1748] {strides = array<i32>} : memref<512xf32, #tpu.memory_space<vmem>>, vector<16xf32>,
      %get3A_1750 = vector.shape_cast %get3A_1749 : vector<16xf32> to vector<16xf32>
      %mul3A_1751 = arith.constant 2 : i32
      %mul3A_1752 = arith.muli %mul3A_1751, %scan3A_1716 : i32
      %add3A_1753 = arith.constant 1 : i32
      %add3A_1754 = arith.addi %mul3A_1752, %add3A_1753 : i32
      %mul3A_1755 = arith.constant 16 : i32
      %mul3A_1756 = arith.muli %add3A_1754, %mul3A_1755 : i32
      %add3A_1757 = arith.constant 2560 : i32
      %add3A_1758 = arith.addi %add3A_1757, %mul3A_1756 : i32
      %get3A_1759 = arith.index_cast %add3A_1758 : i32 to index
      %get3A_1760 = tpu.vector_load %arg7[%get3A_1759] {strides = array<i32>} : memref<13312xf32, #tpu.memory_space<vmem>>, vector<16xf32>,
      %get3A_1761 = vector.shape_cast %get3A_1760 : vector<16xf32> to vector<16xf32>
      %add3A_1762 = arith.addf %get3A_1750, %get3A_1761 : vector<16xf32>
      %swap3A_1763 = arith.index_cast %mul3A_1747 : i32 to index
      %swap3A_1764 = tpu.vector_load %arg8[%swap3A_1763] {strides = array<i32>} : memref<512xf32, #tpu.memory_space<vmem>>, vector<16xf32>,
      %swap3A_1765 = vector.shape_cast %swap3A_1764 : vector<16xf32> to vector<16xf32>
      %swap3A_1766 = vector.shape_cast %add3A_1762 : vector<16xf32> to vector<16xf32>
      tpu.vector_store %arg8[%swap3A_1763], %swap3A_1766 {strides = array<i32>} : memref<512xf32, #tpu.memory_space<vmem>>, vector<16xf32>,
    }
    %scan3A_569 = arith.constant 16 : i32
    %dma_wait3A_570 = arith.constant 0 : i32
    %dma_wait3A_571 = arith.constant 6 : i32
    %dma_wait3A_572 = arith.constant 3072 : i32
    %dma_wait3A_573 = tpu.memref_slice %arg7[%dma_wait3A_572] : memref<13312xf32, #tpu.memory_space<vmem>> -> memref<512xf32, #tpu.memory_space<vmem>>
    %dma_wait3A_574 = arith.constant 3072 : i32
    %dma_wait3A_575 = tpu.memref_slice %arg6[%dma_wait3A_574] : memref<13312xi32, #tpu.memory_space<vmem>> -> memref<512xi32, #tpu.memory_space<vmem>>
    %dma_wait3A_576 = arith.constant 0 : i32
    %dma_wait3A_577 = tpu.memref_slice %arg3[%dma_wait3A_570, %dma_wait3A_576] : memref<1x2600000xf32, #tpu.memory_space<hbm>> -> memref<1x2600000xf32, #tpu.memory_space<hbm>>
    %dma_wait3A_578 = tpu.memref_squeeze %dma_wait3A_577 : memref<1x2600000xf32, #tpu.memory_space<hbm>> -> memref<2600000xf32, #tpu.memory_space<hbm>>
    %dma_wait3A_579 = arith.constant 600000 : i32
    %dma_wait3A_580 = tpu.memref_slice %dma_wait3A_578[%dma_wait3A_579] : memref<2600000xf32, #tpu.memory_space<hbm>> -> memref<100000xf32, #tpu.memory_space<hbm>>
    %dma_wait3A_581 = arith.constant 0 : i32
    %dma_wait3A_582 = tpu.memref_slice %dma_wait3A_580[%dma_wait3A_581] : memref<100000xf32, #tpu.memory_space<hbm>> -> memref<100000xf32, #tpu.memory_space<hbm>>
    %dma_wait3A_583 = tpu.memref_slice %arg10[%dma_wait3A_571] : memref<26x!tpu.dma_semaphore, #tpu.memory_space<semaphore_mem>> -> memref<1x!tpu.dma_semaphore, #tpu.memory_space<semaphore_mem>>
    %dma_wait3A_584 = tpu.memref_squeeze %dma_wait3A_583 : memref<1x!tpu.dma_semaphore, #tpu.memory_space<semaphore_mem>> -> memref<!tpu.dma_semaphore, #tpu.memory_space<semaphore_mem>>
    tpu.wait_indirect_dma semaphore(%dma_wait3A_584 : memref<!tpu.dma_semaphore, #tpu.memory_space<semaphore_mem>>) src(%dma_wait3A_582 : memref<100000xf32, #tpu.memory_space<hbm>>) dst(%dma_wait3A_573 : memref<512xf32, #tpu.memory_space<vmem>>)
    %scan3A_585 = arith.constant 0 : i32
    %scan3A_586 = arith.constant 0 : i32
    %scan3A_587 = arith.constant 16 : i32
    %scan3A_588 = arith.addi %scan3A_586, %scan3A_587 : i32
    %scan3A_589 = arith.constant 1 : i32
    scf.for %scan3A_1716 = %scan3A_586 to %scan3A_588 step %scan3A_589  : i32 {
      %mul3A_1717 = arith.constant 2 : i32
      %mul3A_1718 = arith.muli %mul3A_1717, %scan3A_1716 : i32
      %add3A_1719 = arith.constant 0 : i32
      %add3A_1720 = arith.addi %mul3A_1718, %add3A_1719 : i32
      %mul3A_1721 = arith.constant 16 : i32
      %mul3A_1722 = arith.muli %add3A_1720, %mul3A_1721 : i32
      %get3A_1723 = arith.index_cast %mul3A_1722 : i32 to index
      %get3A_1724 = tpu.vector_load %arg8[%get3A_1723] {strides = array<i32>} : memref<512xf32, #tpu.memory_space<vmem>>, vector<16xf32>,
      %get3A_1725 = vector.shape_cast %get3A_1724 : vector<16xf32> to vector<16xf32>
      %mul3A_1726 = arith.constant 2 : i32
      %mul3A_1727 = arith.muli %mul3A_1726, %scan3A_1716 : i32
      %add3A_1728 = arith.constant 0 : i32
      %add3A_1729 = arith.addi %mul3A_1727, %add3A_1728 : i32
      %mul3A_1730 = arith.constant 16 : i32
      %mul3A_1731 = arith.muli %add3A_1729, %mul3A_1730 : i32
      %add3A_1732 = arith.constant 3072 : i32
      %add3A_1733 = arith.addi %add3A_1732, %mul3A_1731 : i32
      %get3A_1734 = arith.index_cast %add3A_1733 : i32 to index
      %get3A_1735 = tpu.vector_load %arg7[%get3A_1734] {strides = array<i32>} : memref<13312xf32, #tpu.memory_space<vmem>>, vector<16xf32>,
      %get3A_1736 = vector.shape_cast %get3A_1735 : vector<16xf32> to vector<16xf32>
      %add3A_1737 = arith.addf %get3A_1725, %get3A_1736 : vector<16xf32>
      %swap3A_1738 = arith.index_cast %mul3A_1722 : i32 to index
      %swap3A_1739 = tpu.vector_load %arg8[%swap3A_1738] {strides = array<i32>} : memref<512xf32, #tpu.memory_space<vmem>>, vector<16xf32>,
      %swap3A_1740 = vector.shape_cast %swap3A_1739 : vector<16xf32> to vector<16xf32>
      %swap3A_1741 = vector.shape_cast %add3A_1737 : vector<16xf32> to vector<16xf32>
      tpu.vector_store %arg8[%swap3A_1738], %swap3A_1741 {strides = array<i32>} : memref<512xf32, #tpu.memory_space<vmem>>, vector<16xf32>,
      %mul3A_1742 = arith.constant 2 : i32
      %mul3A_1743 = arith.muli %mul3A_1742, %scan3A_1716 : i32
      %add3A_1744 = arith.constant 1 : i32
      %add3A_1745 = arith.addi %mul3A_1743, %add3A_1744 : i32
      %mul3A_1746 = arith.constant 16 : i32
      %mul3A_1747 = arith.muli %add3A_1745, %mul3A_1746 : i32
      %get3A_1748 = arith.index_cast %mul3A_1747 : i32 to index
      %get3A_1749 = tpu.vector_load %arg8[%get3A_1748] {strides = array<i32>} : memref<512xf32, #tpu.memory_space<vmem>>, vector<16xf32>,
      %get3A_1750 = vector.shape_cast %get3A_1749 : vector<16xf32> to vector<16xf32>
      %mul3A_1751 = arith.constant 2 : i32
      %mul3A_1752 = arith.muli %mul3A_1751, %scan3A_1716 : i32
      %add3A_1753 = arith.constant 1 : i32
      %add3A_1754 = arith.addi %mul3A_1752, %add3A_1753 : i32
      %mul3A_1755 = arith.constant 16 : i32
      %mul3A_1756 = arith.muli %add3A_1754, %mul3A_1755 : i32
      %add3A_1757 = arith.constant 3072 : i32
      %add3A_1758 = arith.addi %add3A_1757, %mul3A_1756 : i32
      %get3A_1759 = arith.index_cast %add3A_1758 : i32 to index
      %get3A_1760 = tpu.vector_load %arg7[%get3A_1759] {strides = array<i32>} : memref<13312xf32, #tpu.memory_space<vmem>>, vector<16xf32>,
      %get3A_1761 = vector.shape_cast %get3A_1760 : vector<16xf32> to vector<16xf32>
      %add3A_1762 = arith.addf %get3A_1750, %get3A_1761 : vector<16xf32>
      %swap3A_1763 = arith.index_cast %mul3A_1747 : i32 to index
      %swap3A_1764 = tpu.vector_load %arg8[%swap3A_1763] {strides = array<i32>} : memref<512xf32, #tpu.memory_space<vmem>>, vector<16xf32>,
      %swap3A_1765 = vector.shape_cast %swap3A_1764 : vector<16xf32> to vector<16xf32>
      %swap3A_1766 = vector.shape_cast %add3A_1762 : vector<16xf32> to vector<16xf32>
      tpu.vector_store %arg8[%swap3A_1763], %swap3A_1766 {strides = array<i32>} : memref<512xf32, #tpu.memory_space<vmem>>, vector<16xf32>,
    }
    %scan3A_590 = arith.constant 16 : i32
    %dma_wait3A_591 = arith.constant 0 : i32
    %dma_wait3A_592 = arith.constant 7 : i32
    %dma_wait3A_593 = arith.constant 3584 : i32
    %dma_wait3A_594 = tpu.memref_slice %arg7[%dma_wait3A_593] : memref<13312xf32, #tpu.memory_space<vmem>> -> memref<512xf32, #tpu.memory_space<vmem>>
    %dma_wait3A_595 = arith.constant 3584 : i32
    %dma_wait3A_596 = tpu.memref_slice %arg6[%dma_wait3A_595] : memref<13312xi32, #tpu.memory_space<vmem>> -> memref<512xi32, #tpu.memory_space<vmem>>
    %dma_wait3A_597 = arith.constant 0 : i32
    %dma_wait3A_598 = tpu.memref_slice %arg3[%dma_wait3A_591, %dma_wait3A_597] : memref<1x2600000xf32, #tpu.memory_space<hbm>> -> memref<1x2600000xf32, #tpu.memory_space<hbm>>
    %dma_wait3A_599 = tpu.memref_squeeze %dma_wait3A_598 : memref<1x2600000xf32, #tpu.memory_space<hbm>> -> memref<2600000xf32, #tpu.memory_space<hbm>>
    %dma_wait3A_600 = arith.constant 700000 : i32
    %dma_wait3A_601 = tpu.memref_slice %dma_wait3A_599[%dma_wait3A_600] : memref<2600000xf32, #tpu.memory_space<hbm>> -> memref<100000xf32, #tpu.memory_space<hbm>>
    %dma_wait3A_602 = arith.constant 0 : i32
    %dma_wait3A_603 = tpu.memref_slice %dma_wait3A_601[%dma_wait3A_602] : memref<100000xf32, #tpu.memory_space<hbm>> -> memref<100000xf32, #tpu.memory_space<hbm>>
    %dma_wait3A_604 = tpu.memref_slice %arg10[%dma_wait3A_592] : memref<26x!tpu.dma_semaphore, #tpu.memory_space<semaphore_mem>> -> memref<1x!tpu.dma_semaphore, #tpu.memory_space<semaphore_mem>>
    %dma_wait3A_605 = tpu.memref_squeeze %dma_wait3A_604 : memref<1x!tpu.dma_semaphore, #tpu.memory_space<semaphore_mem>> -> memref<!tpu.dma_semaphore, #tpu.memory_space<semaphore_mem>>
    tpu.wait_indirect_dma semaphore(%dma_wait3A_605 : memref<!tpu.dma_semaphore, #tpu.memory_space<semaphore_mem>>) src(%dma_wait3A_603 : memref<100000xf32, #tpu.memory_space<hbm>>) dst(%dma_wait3A_594 : memref<512xf32, #tpu.memory_space<vmem>>)
    %scan3A_606 = arith.constant 0 : i32
    %scan3A_607 = arith.constant 0 : i32
    %scan3A_608 = arith.constant 16 : i32
    %scan3A_609 = arith.addi %scan3A_607, %scan3A_608 : i32
    %scan3A_610 = arith.constant 1 : i32
    scf.for %scan3A_1716 = %scan3A_607 to %scan3A_609 step %scan3A_610  : i32 {
      %mul3A_1717 = arith.constant 2 : i32
      %mul3A_1718 = arith.muli %mul3A_1717, %scan3A_1716 : i32
      %add3A_1719 = arith.constant 0 : i32
      %add3A_1720 = arith.addi %mul3A_1718, %add3A_1719 : i32
      %mul3A_1721 = arith.constant 16 : i32
      %mul3A_1722 = arith.muli %add3A_1720, %mul3A_1721 : i32
      %get3A_1723 = arith.index_cast %mul3A_1722 : i32 to index
      %get3A_1724 = tpu.vector_load %arg8[%get3A_1723] {strides = array<i32>} : memref<512xf32, #tpu.memory_space<vmem>>, vector<16xf32>,
      %get3A_1725 = vector.shape_cast %get3A_1724 : vector<16xf32> to vector<16xf32>
      %mul3A_1726 = arith.constant 2 : i32
      %mul3A_1727 = arith.muli %mul3A_1726, %scan3A_1716 : i32
      %add3A_1728 = arith.constant 0 : i32
      %add3A_1729 = arith.addi %mul3A_1727, %add3A_1728 : i32
      %mul3A_1730 = arith.constant 16 : i32
      %mul3A_1731 = arith.muli %add3A_1729, %mul3A_1730 : i32
      %add3A_1732 = arith.constant 3584 : i32
      %add3A_1733 = arith.addi %add3A_1732, %mul3A_1731 : i32
      %get3A_1734 = arith.index_cast %add3A_1733 : i32 to index
      %get3A_1735 = tpu.vector_load %arg7[%get3A_1734] {strides = array<i32>} : memref<13312xf32, #tpu.memory_space<vmem>>, vector<16xf32>,
      %get3A_1736 = vector.shape_cast %get3A_1735 : vector<16xf32> to vector<16xf32>
      %add3A_1737 = arith.addf %get3A_1725, %get3A_1736 : vector<16xf32>
      %swap3A_1738 = arith.index_cast %mul3A_1722 : i32 to index
      %swap3A_1739 = tpu.vector_load %arg8[%swap3A_1738] {strides = array<i32>} : memref<512xf32, #tpu.memory_space<vmem>>, vector<16xf32>,
      %swap3A_1740 = vector.shape_cast %swap3A_1739 : vector<16xf32> to vector<16xf32>
      %swap3A_1741 = vector.shape_cast %add3A_1737 : vector<16xf32> to vector<16xf32>
      tpu.vector_store %arg8[%swap3A_1738], %swap3A_1741 {strides = array<i32>} : memref<512xf32, #tpu.memory_space<vmem>>, vector<16xf32>,
      %mul3A_1742 = arith.constant 2 : i32
      %mul3A_1743 = arith.muli %mul3A_1742, %scan3A_1716 : i32
      %add3A_1744 = arith.constant 1 : i32
      %add3A_1745 = arith.addi %mul3A_1743, %add3A_1744 : i32
      %mul3A_1746 = arith.constant 16 : i32
      %mul3A_1747 = arith.muli %add3A_1745, %mul3A_1746 : i32
      %get3A_1748 = arith.index_cast %mul3A_1747 : i32 to index
      %get3A_1749 = tpu.vector_load %arg8[%get3A_1748] {strides = array<i32>} : memref<512xf32, #tpu.memory_space<vmem>>, vector<16xf32>,
      %get3A_1750 = vector.shape_cast %get3A_1749 : vector<16xf32> to vector<16xf32>
      %mul3A_1751 = arith.constant 2 : i32
      %mul3A_1752 = arith.muli %mul3A_1751, %scan3A_1716 : i32
      %add3A_1753 = arith.constant 1 : i32
      %add3A_1754 = arith.addi %mul3A_1752, %add3A_1753 : i32
      %mul3A_1755 = arith.constant 16 : i32
      %mul3A_1756 = arith.muli %add3A_1754, %mul3A_1755 : i32
      %add3A_1757 = arith.constant 3584 : i32
      %add3A_1758 = arith.addi %add3A_1757, %mul3A_1756 : i32
      %get3A_1759 = arith.index_cast %add3A_1758 : i32 to index
      %get3A_1760 = tpu.vector_load %arg7[%get3A_1759] {strides = array<i32>} : memref<13312xf32, #tpu.memory_space<vmem>>, vector<16xf32>,
      %get3A_1761 = vector.shape_cast %get3A_1760 : vector<16xf32> to vector<16xf32>
      %add3A_1762 = arith.addf %get3A_1750, %get3A_1761 : vector<16xf32>
      %swap3A_1763 = arith.index_cast %mul3A_1747 : i32 to index
      %swap3A_1764 = tpu.vector_load %arg8[%swap3A_1763] {strides = array<i32>} : memref<512xf32, #tpu.memory_space<vmem>>, vector<16xf32>,
      %swap3A_1765 = vector.shape_cast %swap3A_1764 : vector<16xf32> to vector<16xf32>
      %swap3A_1766 = vector.shape_cast %add3A_1762 : vector<16xf32> to vector<16xf32>
      tpu.vector_store %arg8[%swap3A_1763], %swap3A_1766 {strides = array<i32>} : memref<512xf32, #tpu.memory_space<vmem>>, vector<16xf32>,
    }
    %scan3A_611 = arith.constant 16 : i32
    %dma_wait3A_612 = arith.constant 0 : i32
    %dma_wait3A_613 = arith.constant 8 : i32
    %dma_wait3A_614 = arith.constant 4096 : i32
    %dma_wait3A_615 = tpu.memref_slice %arg7[%dma_wait3A_614] : memref<13312xf32, #tpu.memory_space<vmem>> -> memref<512xf32, #tpu.memory_space<vmem>>
    %dma_wait3A_616 = arith.constant 4096 : i32
    %dma_wait3A_617 = tpu.memref_slice %arg6[%dma_wait3A_616] : memref<13312xi32, #tpu.memory_space<vmem>> -> memref<512xi32, #tpu.memory_space<vmem>>
    %dma_wait3A_618 = arith.constant 0 : i32
    %dma_wait3A_619 = tpu.memref_slice %arg3[%dma_wait3A_612, %dma_wait3A_618] : memref<1x2600000xf32, #tpu.memory_space<hbm>> -> memref<1x2600000xf32, #tpu.memory_space<hbm>>
    %dma_wait3A_620 = tpu.memref_squeeze %dma_wait3A_619 : memref<1x2600000xf32, #tpu.memory_space<hbm>> -> memref<2600000xf32, #tpu.memory_space<hbm>>
    %dma_wait3A_621 = arith.constant 800000 : i32
    %dma_wait3A_622 = tpu.memref_slice %dma_wait3A_620[%dma_wait3A_621] : memref<2600000xf32, #tpu.memory_space<hbm>> -> memref<100000xf32, #tpu.memory_space<hbm>>
    %dma_wait3A_623 = arith.constant 0 : i32
    %dma_wait3A_624 = tpu.memref_slice %dma_wait3A_622[%dma_wait3A_623] : memref<100000xf32, #tpu.memory_space<hbm>> -> memref<100000xf32, #tpu.memory_space<hbm>>
    %dma_wait3A_625 = tpu.memref_slice %arg10[%dma_wait3A_613] : memref<26x!tpu.dma_semaphore, #tpu.memory_space<semaphore_mem>> -> memref<1x!tpu.dma_semaphore, #tpu.memory_space<semaphore_mem>>
    %dma_wait3A_626 = tpu.memref_squeeze %dma_wait3A_625 : memref<1x!tpu.dma_semaphore, #tpu.memory_space<semaphore_mem>> -> memref<!tpu.dma_semaphore, #tpu.memory_space<semaphore_mem>>
    tpu.wait_indirect_dma semaphore(%dma_wait3A_626 : memref<!tpu.dma_semaphore, #tpu.memory_space<semaphore_mem>>) src(%dma_wait3A_624 : memref<100000xf32, #tpu.memory_space<hbm>>) dst(%dma_wait3A_615 : memref<512xf32, #tpu.memory_space<vmem>>)
    %scan3A_627 = arith.constant 0 : i32
    %scan3A_628 = arith.constant 0 : i32
    %scan3A_629 = arith.constant 16 : i32
    %scan3A_630 = arith.addi %scan3A_628, %scan3A_629 : i32
    %scan3A_631 = arith.constant 1 : i32
    scf.for %scan3A_1716 = %scan3A_628 to %scan3A_630 step %scan3A_631  : i32 {
      %mul3A_1717 = arith.constant 2 : i32
      %mul3A_1718 = arith.muli %mul3A_1717, %scan3A_1716 : i32
      %add3A_1719 = arith.constant 0 : i32
      %add3A_1720 = arith.addi %mul3A_1718, %add3A_1719 : i32
      %mul3A_1721 = arith.constant 16 : i32
      %mul3A_1722 = arith.muli %add3A_1720, %mul3A_1721 : i32
      %get3A_1723 = arith.index_cast %mul3A_1722 : i32 to index
      %get3A_1724 = tpu.vector_load %arg8[%get3A_1723] {strides = array<i32>} : memref<512xf32, #tpu.memory_space<vmem>>, vector<16xf32>,
      %get3A_1725 = vector.shape_cast %get3A_1724 : vector<16xf32> to vector<16xf32>
      %mul3A_1726 = arith.constant 2 : i32
      %mul3A_1727 = arith.muli %mul3A_1726, %scan3A_1716 : i32
      %add3A_1728 = arith.constant 0 : i32
      %add3A_1729 = arith.addi %mul3A_1727, %add3A_1728 : i32
      %mul3A_1730 = arith.constant 16 : i32
      %mul3A_1731 = arith.muli %add3A_1729, %mul3A_1730 : i32
      %add3A_1732 = arith.constant 4096 : i32
      %add3A_1733 = arith.addi %add3A_1732, %mul3A_1731 : i32
      %get3A_1734 = arith.index_cast %add3A_1733 : i32 to index
      %get3A_1735 = tpu.vector_load %arg7[%get3A_1734] {strides = array<i32>} : memref<13312xf32, #tpu.memory_space<vmem>>, vector<16xf32>,
      %get3A_1736 = vector.shape_cast %get3A_1735 : vector<16xf32> to vector<16xf32>
      %add3A_1737 = arith.addf %get3A_1725, %get3A_1736 : vector<16xf32>
      %swap3A_1738 = arith.index_cast %mul3A_1722 : i32 to index
      %swap3A_1739 = tpu.vector_load %arg8[%swap3A_1738] {strides = array<i32>} : memref<512xf32, #tpu.memory_space<vmem>>, vector<16xf32>,
      %swap3A_1740 = vector.shape_cast %swap3A_1739 : vector<16xf32> to vector<16xf32>
      %swap3A_1741 = vector.shape_cast %add3A_1737 : vector<16xf32> to vector<16xf32>
      tpu.vector_store %arg8[%swap3A_1738], %swap3A_1741 {strides = array<i32>} : memref<512xf32, #tpu.memory_space<vmem>>, vector<16xf32>,
      %mul3A_1742 = arith.constant 2 : i32
      %mul3A_1743 = arith.muli %mul3A_1742, %scan3A_1716 : i32
      %add3A_1744 = arith.constant 1 : i32
      %add3A_1745 = arith.addi %mul3A_1743, %add3A_1744 : i32
      %mul3A_1746 = arith.constant 16 : i32
      %mul3A_1747 = arith.muli %add3A_1745, %mul3A_1746 : i32
      %get3A_1748 = arith.index_cast %mul3A_1747 : i32 to index
      %get3A_1749 = tpu.vector_load %arg8[%get3A_1748] {strides = array<i32>} : memref<512xf32, #tpu.memory_space<vmem>>, vector<16xf32>,
      %get3A_1750 = vector.shape_cast %get3A_1749 : vector<16xf32> to vector<16xf32>
      %mul3A_1751 = arith.constant 2 : i32
      %mul3A_1752 = arith.muli %mul3A_1751, %scan3A_1716 : i32
      %add3A_1753 = arith.constant 1 : i32
      %add3A_1754 = arith.addi %mul3A_1752, %add3A_1753 : i32
      %mul3A_1755 = arith.constant 16 : i32
      %mul3A_1756 = arith.muli %add3A_1754, %mul3A_1755 : i32
      %add3A_1757 = arith.constant 4096 : i32
      %add3A_1758 = arith.addi %add3A_1757, %mul3A_1756 : i32
      %get3A_1759 = arith.index_cast %add3A_1758 : i32 to index
      %get3A_1760 = tpu.vector_load %arg7[%get3A_1759] {strides = array<i32>} : memref<13312xf32, #tpu.memory_space<vmem>>, vector<16xf32>,
      %get3A_1761 = vector.shape_cast %get3A_1760 : vector<16xf32> to vector<16xf32>
      %add3A_1762 = arith.addf %get3A_1750, %get3A_1761 : vector<16xf32>
      %swap3A_1763 = arith.index_cast %mul3A_1747 : i32 to index
      %swap3A_1764 = tpu.vector_load %arg8[%swap3A_1763] {strides = array<i32>} : memref<512xf32, #tpu.memory_space<vmem>>, vector<16xf32>,
      %swap3A_1765 = vector.shape_cast %swap3A_1764 : vector<16xf32> to vector<16xf32>
      %swap3A_1766 = vector.shape_cast %add3A_1762 : vector<16xf32> to vector<16xf32>
      tpu.vector_store %arg8[%swap3A_1763], %swap3A_1766 {strides = array<i32>} : memref<512xf32, #tpu.memory_space<vmem>>, vector<16xf32>,
    }
    %scan3A_632 = arith.constant 16 : i32
    %dma_wait3A_633 = arith.constant 0 : i32
    %dma_wait3A_634 = arith.constant 9 : i32
    %dma_wait3A_635 = arith.constant 4608 : i32
    %dma_wait3A_636 = tpu.memref_slice %arg7[%dma_wait3A_635] : memref<13312xf32, #tpu.memory_space<vmem>> -> memref<512xf32, #tpu.memory_space<vmem>>
    %dma_wait3A_637 = arith.constant 4608 : i32
    %dma_wait3A_638 = tpu.memref_slice %arg6[%dma_wait3A_637] : memref<13312xi32, #tpu.memory_space<vmem>> -> memref<512xi32, #tpu.memory_space<vmem>>
    %dma_wait3A_639 = arith.constant 0 : i32
    %dma_wait3A_640 = tpu.memref_slice %arg3[%dma_wait3A_633, %dma_wait3A_639] : memref<1x2600000xf32, #tpu.memory_space<hbm>> -> memref<1x2600000xf32, #tpu.memory_space<hbm>>
    %dma_wait3A_641 = tpu.memref_squeeze %dma_wait3A_640 : memref<1x2600000xf32, #tpu.memory_space<hbm>> -> memref<2600000xf32, #tpu.memory_space<hbm>>
    %dma_wait3A_642 = arith.constant 900000 : i32
    %dma_wait3A_643 = tpu.memref_slice %dma_wait3A_641[%dma_wait3A_642] : memref<2600000xf32, #tpu.memory_space<hbm>> -> memref<100000xf32, #tpu.memory_space<hbm>>
    %dma_wait3A_644 = arith.constant 0 : i32
    %dma_wait3A_645 = tpu.memref_slice %dma_wait3A_643[%dma_wait3A_644] : memref<100000xf32, #tpu.memory_space<hbm>> -> memref<100000xf32, #tpu.memory_space<hbm>>
    %dma_wait3A_646 = tpu.memref_slice %arg10[%dma_wait3A_634] : memref<26x!tpu.dma_semaphore, #tpu.memory_space<semaphore_mem>> -> memref<1x!tpu.dma_semaphore, #tpu.memory_space<semaphore_mem>>
    %dma_wait3A_647 = tpu.memref_squeeze %dma_wait3A_646 : memref<1x!tpu.dma_semaphore, #tpu.memory_space<semaphore_mem>> -> memref<!tpu.dma_semaphore, #tpu.memory_space<semaphore_mem>>
    tpu.wait_indirect_dma semaphore(%dma_wait3A_647 : memref<!tpu.dma_semaphore, #tpu.memory_space<semaphore_mem>>) src(%dma_wait3A_645 : memref<100000xf32, #tpu.memory_space<hbm>>) dst(%dma_wait3A_636 : memref<512xf32, #tpu.memory_space<vmem>>)
    %scan3A_648 = arith.constant 0 : i32
    %scan3A_649 = arith.constant 0 : i32
    %scan3A_650 = arith.constant 16 : i32
    %scan3A_651 = arith.addi %scan3A_649, %scan3A_650 : i32
    %scan3A_652 = arith.constant 1 : i32
    scf.for %scan3A_1716 = %scan3A_649 to %scan3A_651 step %scan3A_652  : i32 {
      %mul3A_1717 = arith.constant 2 : i32
      %mul3A_1718 = arith.muli %mul3A_1717, %scan3A_1716 : i32
      %add3A_1719 = arith.constant 0 : i32
      %add3A_1720 = arith.addi %mul3A_1718, %add3A_1719 : i32
      %mul3A_1721 = arith.constant 16 : i32
      %mul3A_1722 = arith.muli %add3A_1720, %mul3A_1721 : i32
      %get3A_1723 = arith.index_cast %mul3A_1722 : i32 to index
      %get3A_1724 = tpu.vector_load %arg8[%get3A_1723] {strides = array<i32>} : memref<512xf32, #tpu.memory_space<vmem>>, vector<16xf32>,
      %get3A_1725 = vector.shape_cast %get3A_1724 : vector<16xf32> to vector<16xf32>
      %mul3A_1726 = arith.constant 2 : i32
      %mul3A_1727 = arith.muli %mul3A_1726, %scan3A_1716 : i32
      %add3A_1728 = arith.constant 0 : i32
      %add3A_1729 = arith.addi %mul3A_1727, %add3A_1728 : i32
      %mul3A_1730 = arith.constant 16 : i32
      %mul3A_1731 = arith.muli %add3A_1729, %mul3A_1730 : i32
      %add3A_1732 = arith.constant 4608 : i32
      %add3A_1733 = arith.addi %add3A_1732, %mul3A_1731 : i32
      %get3A_1734 = arith.index_cast %add3A_1733 : i32 to index
      %get3A_1735 = tpu.vector_load %arg7[%get3A_1734] {strides = array<i32>} : memref<13312xf32, #tpu.memory_space<vmem>>, vector<16xf32>,
      %get3A_1736 = vector.shape_cast %get3A_1735 : vector<16xf32> to vector<16xf32>
      %add3A_1737 = arith.addf %get3A_1725, %get3A_1736 : vector<16xf32>
      %swap3A_1738 = arith.index_cast %mul3A_1722 : i32 to index
      %swap3A_1739 = tpu.vector_load %arg8[%swap3A_1738] {strides = array<i32>} : memref<512xf32, #tpu.memory_space<vmem>>, vector<16xf32>,
      %swap3A_1740 = vector.shape_cast %swap3A_1739 : vector<16xf32> to vector<16xf32>
      %swap3A_1741 = vector.shape_cast %add3A_1737 : vector<16xf32> to vector<16xf32>
      tpu.vector_store %arg8[%swap3A_1738], %swap3A_1741 {strides = array<i32>} : memref<512xf32, #tpu.memory_space<vmem>>, vector<16xf32>,
      %mul3A_1742 = arith.constant 2 : i32
      %mul3A_1743 = arith.muli %mul3A_1742, %scan3A_1716 : i32
      %add3A_1744 = arith.constant 1 : i32
      %add3A_1745 = arith.addi %mul3A_1743, %add3A_1744 : i32
      %mul3A_1746 = arith.constant 16 : i32
      %mul3A_1747 = arith.muli %add3A_1745, %mul3A_1746 : i32
      %get3A_1748 = arith.index_cast %mul3A_1747 : i32 to index
      %get3A_1749 = tpu.vector_load %arg8[%get3A_1748] {strides = array<i32>} : memref<512xf32, #tpu.memory_space<vmem>>, vector<16xf32>,
      %get3A_1750 = vector.shape_cast %get3A_1749 : vector<16xf32> to vector<16xf32>
      %mul3A_1751 = arith.constant 2 : i32
      %mul3A_1752 = arith.muli %mul3A_1751, %scan3A_1716 : i32
      %add3A_1753 = arith.constant 1 : i32
      %add3A_1754 = arith.addi %mul3A_1752, %add3A_1753 : i32
      %mul3A_1755 = arith.constant 16 : i32
      %mul3A_1756 = arith.muli %add3A_1754, %mul3A_1755 : i32
      %add3A_1757 = arith.constant 4608 : i32
      %add3A_1758 = arith.addi %add3A_1757, %mul3A_1756 : i32
      %get3A_1759 = arith.index_cast %add3A_1758 : i32 to index
      %get3A_1760 = tpu.vector_load %arg7[%get3A_1759] {strides = array<i32>} : memref<13312xf32, #tpu.memory_space<vmem>>, vector<16xf32>,
      %get3A_1761 = vector.shape_cast %get3A_1760 : vector<16xf32> to vector<16xf32>
      %add3A_1762 = arith.addf %get3A_1750, %get3A_1761 : vector<16xf32>
      %swap3A_1763 = arith.index_cast %mul3A_1747 : i32 to index
      %swap3A_1764 = tpu.vector_load %arg8[%swap3A_1763] {strides = array<i32>} : memref<512xf32, #tpu.memory_space<vmem>>, vector<16xf32>,
      %swap3A_1765 = vector.shape_cast %swap3A_1764 : vector<16xf32> to vector<16xf32>
      %swap3A_1766 = vector.shape_cast %add3A_1762 : vector<16xf32> to vector<16xf32>
      tpu.vector_store %arg8[%swap3A_1763], %swap3A_1766 {strides = array<i32>} : memref<512xf32, #tpu.memory_space<vmem>>, vector<16xf32>,
    }
    %scan3A_653 = arith.constant 16 : i32
    %dma_wait3A_654 = arith.constant 0 : i32
    %dma_wait3A_655 = arith.constant 10 : i32
    %dma_wait3A_656 = arith.constant 5120 : i32
    %dma_wait3A_657 = tpu.memref_slice %arg7[%dma_wait3A_656] : memref<13312xf32, #tpu.memory_space<vmem>> -> memref<512xf32, #tpu.memory_space<vmem>>
    %dma_wait3A_658 = arith.constant 5120 : i32
    %dma_wait3A_659 = tpu.memref_slice %arg6[%dma_wait3A_658] : memref<13312xi32, #tpu.memory_space<vmem>> -> memref<512xi32, #tpu.memory_space<vmem>>
    %dma_wait3A_660 = arith.constant 0 : i32
    %dma_wait3A_661 = tpu.memref_slice %arg3[%dma_wait3A_654, %dma_wait3A_660] : memref<1x2600000xf32, #tpu.memory_space<hbm>> -> memref<1x2600000xf32, #tpu.memory_space<hbm>>
    %dma_wait3A_662 = tpu.memref_squeeze %dma_wait3A_661 : memref<1x2600000xf32, #tpu.memory_space<hbm>> -> memref<2600000xf32, #tpu.memory_space<hbm>>
    %dma_wait3A_663 = arith.constant 1000000 : i32
    %dma_wait3A_664 = tpu.memref_slice %dma_wait3A_662[%dma_wait3A_663] : memref<2600000xf32, #tpu.memory_space<hbm>> -> memref<100000xf32, #tpu.memory_space<hbm>>
    %dma_wait3A_665 = arith.constant 0 : i32
    %dma_wait3A_666 = tpu.memref_slice %dma_wait3A_664[%dma_wait3A_665] : memref<100000xf32, #tpu.memory_space<hbm>> -> memref<100000xf32, #tpu.memory_space<hbm>>
    %dma_wait3A_667 = tpu.memref_slice %arg10[%dma_wait3A_655] : memref<26x!tpu.dma_semaphore, #tpu.memory_space<semaphore_mem>> -> memref<1x!tpu.dma_semaphore, #tpu.memory_space<semaphore_mem>>
    %dma_wait3A_668 = tpu.memref_squeeze %dma_wait3A_667 : memref<1x!tpu.dma_semaphore, #tpu.memory_space<semaphore_mem>> -> memref<!tpu.dma_semaphore, #tpu.memory_space<semaphore_mem>>
    tpu.wait_indirect_dma semaphore(%dma_wait3A_668 : memref<!tpu.dma_semaphore, #tpu.memory_space<semaphore_mem>>) src(%dma_wait3A_666 : memref<100000xf32, #tpu.memory_space<hbm>>) dst(%dma_wait3A_657 : memref<512xf32, #tpu.memory_space<vmem>>)
    %scan3A_669 = arith.constant 0 : i32
    %scan3A_670 = arith.constant 0 : i32
    %scan3A_671 = arith.constant 16 : i32
    %scan3A_672 = arith.addi %scan3A_670, %scan3A_671 : i32
    %scan3A_673 = arith.constant 1 : i32
    scf.for %scan3A_1716 = %scan3A_670 to %scan3A_672 step %scan3A_673  : i32 {
      %mul3A_1717 = arith.constant 2 : i32
      %mul3A_1718 = arith.muli %mul3A_1717, %scan3A_1716 : i32
      %add3A_1719 = arith.constant 0 : i32
      %add3A_1720 = arith.addi %mul3A_1718, %add3A_1719 : i32
      %mul3A_1721 = arith.constant 16 : i32
      %mul3A_1722 = arith.muli %add3A_1720, %mul3A_1721 : i32
      %get3A_1723 = arith.index_cast %mul3A_1722 : i32 to index
      %get3A_1724 = tpu.vector_load %arg8[%get3A_1723] {strides = array<i32>} : memref<512xf32, #tpu.memory_space<vmem>>, vector<16xf32>,
      %get3A_1725 = vector.shape_cast %get3A_1724 : vector<16xf32> to vector<16xf32>
      %mul3A_1726 = arith.constant 2 : i32
      %mul3A_1727 = arith.muli %mul3A_1726, %scan3A_1716 : i32
      %add3A_1728 = arith.constant 0 : i32
      %add3A_1729 = arith.addi %mul3A_1727, %add3A_1728 : i32
      %mul3A_1730 = arith.constant 16 : i32
      %mul3A_1731 = arith.muli %add3A_1729, %mul3A_1730 : i32
      %add3A_1732 = arith.constant 5120 : i32
      %add3A_1733 = arith.addi %add3A_1732, %mul3A_1731 : i32
      %get3A_1734 = arith.index_cast %add3A_1733 : i32 to index
      %get3A_1735 = tpu.vector_load %arg7[%get3A_1734] {strides = array<i32>} : memref<13312xf32, #tpu.memory_space<vmem>>, vector<16xf32>,
      %get3A_1736 = vector.shape_cast %get3A_1735 : vector<16xf32> to vector<16xf32>
      %add3A_1737 = arith.addf %get3A_1725, %get3A_1736 : vector<16xf32>
      %swap3A_1738 = arith.index_cast %mul3A_1722 : i32 to index
      %swap3A_1739 = tpu.vector_load %arg8[%swap3A_1738] {strides = array<i32>} : memref<512xf32, #tpu.memory_space<vmem>>, vector<16xf32>,
      %swap3A_1740 = vector.shape_cast %swap3A_1739 : vector<16xf32> to vector<16xf32>
      %swap3A_1741 = vector.shape_cast %add3A_1737 : vector<16xf32> to vector<16xf32>
      tpu.vector_store %arg8[%swap3A_1738], %swap3A_1741 {strides = array<i32>} : memref<512xf32, #tpu.memory_space<vmem>>, vector<16xf32>,
      %mul3A_1742 = arith.constant 2 : i32
      %mul3A_1743 = arith.muli %mul3A_1742, %scan3A_1716 : i32
      %add3A_1744 = arith.constant 1 : i32
      %add3A_1745 = arith.addi %mul3A_1743, %add3A_1744 : i32
      %mul3A_1746 = arith.constant 16 : i32
      %mul3A_1747 = arith.muli %add3A_1745, %mul3A_1746 : i32
      %get3A_1748 = arith.index_cast %mul3A_1747 : i32 to index
      %get3A_1749 = tpu.vector_load %arg8[%get3A_1748] {strides = array<i32>} : memref<512xf32, #tpu.memory_space<vmem>>, vector<16xf32>,
      %get3A_1750 = vector.shape_cast %get3A_1749 : vector<16xf32> to vector<16xf32>
      %mul3A_1751 = arith.constant 2 : i32
      %mul3A_1752 = arith.muli %mul3A_1751, %scan3A_1716 : i32
      %add3A_1753 = arith.constant 1 : i32
      %add3A_1754 = arith.addi %mul3A_1752, %add3A_1753 : i32
      %mul3A_1755 = arith.constant 16 : i32
      %mul3A_1756 = arith.muli %add3A_1754, %mul3A_1755 : i32
      %add3A_1757 = arith.constant 5120 : i32
      %add3A_1758 = arith.addi %add3A_1757, %mul3A_1756 : i32
      %get3A_1759 = arith.index_cast %add3A_1758 : i32 to index
      %get3A_1760 = tpu.vector_load %arg7[%get3A_1759] {strides = array<i32>} : memref<13312xf32, #tpu.memory_space<vmem>>, vector<16xf32>,
      %get3A_1761 = vector.shape_cast %get3A_1760 : vector<16xf32> to vector<16xf32>
      %add3A_1762 = arith.addf %get3A_1750, %get3A_1761 : vector<16xf32>
      %swap3A_1763 = arith.index_cast %mul3A_1747 : i32 to index
      %swap3A_1764 = tpu.vector_load %arg8[%swap3A_1763] {strides = array<i32>} : memref<512xf32, #tpu.memory_space<vmem>>, vector<16xf32>,
      %swap3A_1765 = vector.shape_cast %swap3A_1764 : vector<16xf32> to vector<16xf32>
      %swap3A_1766 = vector.shape_cast %add3A_1762 : vector<16xf32> to vector<16xf32>
      tpu.vector_store %arg8[%swap3A_1763], %swap3A_1766 {strides = array<i32>} : memref<512xf32, #tpu.memory_space<vmem>>, vector<16xf32>,
    }
    %scan3A_674 = arith.constant 16 : i32
    %dma_wait3A_675 = arith.constant 0 : i32
    %dma_wait3A_676 = arith.constant 11 : i32
    %dma_wait3A_677 = arith.constant 5632 : i32
    %dma_wait3A_678 = tpu.memref_slice %arg7[%dma_wait3A_677] : memref<13312xf32, #tpu.memory_space<vmem>> -> memref<512xf32, #tpu.memory_space<vmem>>
    %dma_wait3A_679 = arith.constant 5632 : i32
    %dma_wait3A_680 = tpu.memref_slice %arg6[%dma_wait3A_679] : memref<13312xi32, #tpu.memory_space<vmem>> -> memref<512xi32, #tpu.memory_space<vmem>>
    %dma_wait3A_681 = arith.constant 0 : i32
    %dma_wait3A_682 = tpu.memref_slice %arg3[%dma_wait3A_675, %dma_wait3A_681] : memref<1x2600000xf32, #tpu.memory_space<hbm>> -> memref<1x2600000xf32, #tpu.memory_space<hbm>>
    %dma_wait3A_683 = tpu.memref_squeeze %dma_wait3A_682 : memref<1x2600000xf32, #tpu.memory_space<hbm>> -> memref<2600000xf32, #tpu.memory_space<hbm>>
    %dma_wait3A_684 = arith.constant 1100000 : i32
    %dma_wait3A_685 = tpu.memref_slice %dma_wait3A_683[%dma_wait3A_684] : memref<2600000xf32, #tpu.memory_space<hbm>> -> memref<100000xf32, #tpu.memory_space<hbm>>
    %dma_wait3A_686 = arith.constant 0 : i32
    %dma_wait3A_687 = tpu.memref_slice %dma_wait3A_685[%dma_wait3A_686] : memref<100000xf32, #tpu.memory_space<hbm>> -> memref<100000xf32, #tpu.memory_space<hbm>>
    %dma_wait3A_688 = tpu.memref_slice %arg10[%dma_wait3A_676] : memref<26x!tpu.dma_semaphore, #tpu.memory_space<semaphore_mem>> -> memref<1x!tpu.dma_semaphore, #tpu.memory_space<semaphore_mem>>
    %dma_wait3A_689 = tpu.memref_squeeze %dma_wait3A_688 : memref<1x!tpu.dma_semaphore, #tpu.memory_space<semaphore_mem>> -> memref<!tpu.dma_semaphore, #tpu.memory_space<semaphore_mem>>
    tpu.wait_indirect_dma semaphore(%dma_wait3A_689 : memref<!tpu.dma_semaphore, #tpu.memory_space<semaphore_mem>>) src(%dma_wait3A_687 : memref<100000xf32, #tpu.memory_space<hbm>>) dst(%dma_wait3A_678 : memref<512xf32, #tpu.memory_space<vmem>>)
    %scan3A_690 = arith.constant 0 : i32
    %scan3A_691 = arith.constant 0 : i32
    %scan3A_692 = arith.constant 16 : i32
    %scan3A_693 = arith.addi %scan3A_691, %scan3A_692 : i32
    %scan3A_694 = arith.constant 1 : i32
    scf.for %scan3A_1716 = %scan3A_691 to %scan3A_693 step %scan3A_694  : i32 {
      %mul3A_1717 = arith.constant 2 : i32
      %mul3A_1718 = arith.muli %mul3A_1717, %scan3A_1716 : i32
      %add3A_1719 = arith.constant 0 : i32
      %add3A_1720 = arith.addi %mul3A_1718, %add3A_1719 : i32
      %mul3A_1721 = arith.constant 16 : i32
      %mul3A_1722 = arith.muli %add3A_1720, %mul3A_1721 : i32
      %get3A_1723 = arith.index_cast %mul3A_1722 : i32 to index
      %get3A_1724 = tpu.vector_load %arg8[%get3A_1723] {strides = array<i32>} : memref<512xf32, #tpu.memory_space<vmem>>, vector<16xf32>,
      %get3A_1725 = vector.shape_cast %get3A_1724 : vector<16xf32> to vector<16xf32>
      %mul3A_1726 = arith.constant 2 : i32
      %mul3A_1727 = arith.muli %mul3A_1726, %scan3A_1716 : i32
      %add3A_1728 = arith.constant 0 : i32
      %add3A_1729 = arith.addi %mul3A_1727, %add3A_1728 : i32
      %mul3A_1730 = arith.constant 16 : i32
      %mul3A_1731 = arith.muli %add3A_1729, %mul3A_1730 : i32
      %add3A_1732 = arith.constant 5632 : i32
      %add3A_1733 = arith.addi %add3A_1732, %mul3A_1731 : i32
      %get3A_1734 = arith.index_cast %add3A_1733 : i32 to index
      %get3A_1735 = tpu.vector_load %arg7[%get3A_1734] {strides = array<i32>} : memref<13312xf32, #tpu.memory_space<vmem>>, vector<16xf32>,
      %get3A_1736 = vector.shape_cast %get3A_1735 : vector<16xf32> to vector<16xf32>
      %add3A_1737 = arith.addf %get3A_1725, %get3A_1736 : vector<16xf32>
      %swap3A_1738 = arith.index_cast %mul3A_1722 : i32 to index
      %swap3A_1739 = tpu.vector_load %arg8[%swap3A_1738] {strides = array<i32>} : memref<512xf32, #tpu.memory_space<vmem>>, vector<16xf32>,
      %swap3A_1740 = vector.shape_cast %swap3A_1739 : vector<16xf32> to vector<16xf32>
      %swap3A_1741 = vector.shape_cast %add3A_1737 : vector<16xf32> to vector<16xf32>
      tpu.vector_store %arg8[%swap3A_1738], %swap3A_1741 {strides = array<i32>} : memref<512xf32, #tpu.memory_space<vmem>>, vector<16xf32>,
      %mul3A_1742 = arith.constant 2 : i32
      %mul3A_1743 = arith.muli %mul3A_1742, %scan3A_1716 : i32
      %add3A_1744 = arith.constant 1 : i32
      %add3A_1745 = arith.addi %mul3A_1743, %add3A_1744 : i32
      %mul3A_1746 = arith.constant 16 : i32
      %mul3A_1747 = arith.muli %add3A_1745, %mul3A_1746 : i32
      %get3A_1748 = arith.index_cast %mul3A_1747 : i32 to index
      %get3A_1749 = tpu.vector_load %arg8[%get3A_1748] {strides = array<i32>} : memref<512xf32, #tpu.memory_space<vmem>>, vector<16xf32>,
      %get3A_1750 = vector.shape_cast %get3A_1749 : vector<16xf32> to vector<16xf32>
      %mul3A_1751 = arith.constant 2 : i32
      %mul3A_1752 = arith.muli %mul3A_1751, %scan3A_1716 : i32
      %add3A_1753 = arith.constant 1 : i32
      %add3A_1754 = arith.addi %mul3A_1752, %add3A_1753 : i32
      %mul3A_1755 = arith.constant 16 : i32
      %mul3A_1756 = arith.muli %add3A_1754, %mul3A_1755 : i32
      %add3A_1757 = arith.constant 5632 : i32
      %add3A_1758 = arith.addi %add3A_1757, %mul3A_1756 : i32
      %get3A_1759 = arith.index_cast %add3A_1758 : i32 to index
      %get3A_1760 = tpu.vector_load %arg7[%get3A_1759] {strides = array<i32>} : memref<13312xf32, #tpu.memory_space<vmem>>, vector<16xf32>,
      %get3A_1761 = vector.shape_cast %get3A_1760 : vector<16xf32> to vector<16xf32>
      %add3A_1762 = arith.addf %get3A_1750, %get3A_1761 : vector<16xf32>
      %swap3A_1763 = arith.index_cast %mul3A_1747 : i32 to index
      %swap3A_1764 = tpu.vector_load %arg8[%swap3A_1763] {strides = array<i32>} : memref<512xf32, #tpu.memory_space<vmem>>, vector<16xf32>,
      %swap3A_1765 = vector.shape_cast %swap3A_1764 : vector<16xf32> to vector<16xf32>
      %swap3A_1766 = vector.shape_cast %add3A_1762 : vector<16xf32> to vector<16xf32>
      tpu.vector_store %arg8[%swap3A_1763], %swap3A_1766 {strides = array<i32>} : memref<512xf32, #tpu.memory_space<vmem>>, vector<16xf32>,
    }
    %scan3A_695 = arith.constant 16 : i32
    %dma_wait3A_696 = arith.constant 0 : i32
    %dma_wait3A_697 = arith.constant 12 : i32
    %dma_wait3A_698 = arith.constant 6144 : i32
    %dma_wait3A_699 = tpu.memref_slice %arg7[%dma_wait3A_698] : memref<13312xf32, #tpu.memory_space<vmem>> -> memref<512xf32, #tpu.memory_space<vmem>>
    %dma_wait3A_700 = arith.constant 6144 : i32
    %dma_wait3A_701 = tpu.memref_slice %arg6[%dma_wait3A_700] : memref<13312xi32, #tpu.memory_space<vmem>> -> memref<512xi32, #tpu.memory_space<vmem>>
    %dma_wait3A_702 = arith.constant 0 : i32
    %dma_wait3A_703 = tpu.memref_slice %arg3[%dma_wait3A_696, %dma_wait3A_702] : memref<1x2600000xf32, #tpu.memory_space<hbm>> -> memref<1x2600000xf32, #tpu.memory_space<hbm>>
    %dma_wait3A_704 = tpu.memref_squeeze %dma_wait3A_703 : memref<1x2600000xf32, #tpu.memory_space<hbm>> -> memref<2600000xf32, #tpu.memory_space<hbm>>
    %dma_wait3A_705 = arith.constant 1200000 : i32
    %dma_wait3A_706 = tpu.memref_slice %dma_wait3A_704[%dma_wait3A_705] : memref<2600000xf32, #tpu.memory_space<hbm>> -> memref<100000xf32, #tpu.memory_space<hbm>>
    %dma_wait3A_707 = arith.constant 0 : i32
    %dma_wait3A_708 = tpu.memref_slice %dma_wait3A_706[%dma_wait3A_707] : memref<100000xf32, #tpu.memory_space<hbm>> -> memref<100000xf32, #tpu.memory_space<hbm>>
    %dma_wait3A_709 = tpu.memref_slice %arg10[%dma_wait3A_697] : memref<26x!tpu.dma_semaphore, #tpu.memory_space<semaphore_mem>> -> memref<1x!tpu.dma_semaphore, #tpu.memory_space<semaphore_mem>>
    %dma_wait3A_710 = tpu.memref_squeeze %dma_wait3A_709 : memref<1x!tpu.dma_semaphore, #tpu.memory_space<semaphore_mem>> -> memref<!tpu.dma_semaphore, #tpu.memory_space<semaphore_mem>>
    tpu.wait_indirect_dma semaphore(%dma_wait3A_710 : memref<!tpu.dma_semaphore, #tpu.memory_space<semaphore_mem>>) src(%dma_wait3A_708 : memref<100000xf32, #tpu.memory_space<hbm>>) dst(%dma_wait3A_699 : memref<512xf32, #tpu.memory_space<vmem>>)
    %scan3A_711 = arith.constant 0 : i32
    %scan3A_712 = arith.constant 0 : i32
    %scan3A_713 = arith.constant 16 : i32
    %scan3A_714 = arith.addi %scan3A_712, %scan3A_713 : i32
    %scan3A_715 = arith.constant 1 : i32
    scf.for %scan3A_1716 = %scan3A_712 to %scan3A_714 step %scan3A_715  : i32 {
      %mul3A_1717 = arith.constant 2 : i32
      %mul3A_1718 = arith.muli %mul3A_1717, %scan3A_1716 : i32
      %add3A_1719 = arith.constant 0 : i32
      %add3A_1720 = arith.addi %mul3A_1718, %add3A_1719 : i32
      %mul3A_1721 = arith.constant 16 : i32
      %mul3A_1722 = arith.muli %add3A_1720, %mul3A_1721 : i32
      %get3A_1723 = arith.index_cast %mul3A_1722 : i32 to index
      %get3A_1724 = tpu.vector_load %arg8[%get3A_1723] {strides = array<i32>} : memref<512xf32, #tpu.memory_space<vmem>>, vector<16xf32>,
      %get3A_1725 = vector.shape_cast %get3A_1724 : vector<16xf32> to vector<16xf32>
      %mul3A_1726 = arith.constant 2 : i32
      %mul3A_1727 = arith.muli %mul3A_1726, %scan3A_1716 : i32
      %add3A_1728 = arith.constant 0 : i32
      %add3A_1729 = arith.addi %mul3A_1727, %add3A_1728 : i32
      %mul3A_1730 = arith.constant 16 : i32
      %mul3A_1731 = arith.muli %add3A_1729, %mul3A_1730 : i32
      %add3A_1732 = arith.constant 6144 : i32
      %add3A_1733 = arith.addi %add3A_1732, %mul3A_1731 : i32
      %get3A_1734 = arith.index_cast %add3A_1733 : i32 to index
      %get3A_1735 = tpu.vector_load %arg7[%get3A_1734] {strides = array<i32>} : memref<13312xf32, #tpu.memory_space<vmem>>, vector<16xf32>,
      %get3A_1736 = vector.shape_cast %get3A_1735 : vector<16xf32> to vector<16xf32>
      %add3A_1737 = arith.addf %get3A_1725, %get3A_1736 : vector<16xf32>
      %swap3A_1738 = arith.index_cast %mul3A_1722 : i32 to index
      %swap3A_1739 = tpu.vector_load %arg8[%swap3A_1738] {strides = array<i32>} : memref<512xf32, #tpu.memory_space<vmem>>, vector<16xf32>,
      %swap3A_1740 = vector.shape_cast %swap3A_1739 : vector<16xf32> to vector<16xf32>
      %swap3A_1741 = vector.shape_cast %add3A_1737 : vector<16xf32> to vector<16xf32>
      tpu.vector_store %arg8[%swap3A_1738], %swap3A_1741 {strides = array<i32>} : memref<512xf32, #tpu.memory_space<vmem>>, vector<16xf32>,
      %mul3A_1742 = arith.constant 2 : i32
      %mul3A_1743 = arith.muli %mul3A_1742, %scan3A_1716 : i32
      %add3A_1744 = arith.constant 1 : i32
      %add3A_1745 = arith.addi %mul3A_1743, %add3A_1744 : i32
      %mul3A_1746 = arith.constant 16 : i32
      %mul3A_1747 = arith.muli %add3A_1745, %mul3A_1746 : i32
      %get3A_1748 = arith.index_cast %mul3A_1747 : i32 to index
      %get3A_1749 = tpu.vector_load %arg8[%get3A_1748] {strides = array<i32>} : memref<512xf32, #tpu.memory_space<vmem>>, vector<16xf32>,
      %get3A_1750 = vector.shape_cast %get3A_1749 : vector<16xf32> to vector<16xf32>
      %mul3A_1751 = arith.constant 2 : i32
      %mul3A_1752 = arith.muli %mul3A_1751, %scan3A_1716 : i32
      %add3A_1753 = arith.constant 1 : i32
      %add3A_1754 = arith.addi %mul3A_1752, %add3A_1753 : i32
      %mul3A_1755 = arith.constant 16 : i32
      %mul3A_1756 = arith.muli %add3A_1754, %mul3A_1755 : i32
      %add3A_1757 = arith.constant 6144 : i32
      %add3A_1758 = arith.addi %add3A_1757, %mul3A_1756 : i32
      %get3A_1759 = arith.index_cast %add3A_1758 : i32 to index
      %get3A_1760 = tpu.vector_load %arg7[%get3A_1759] {strides = array<i32>} : memref<13312xf32, #tpu.memory_space<vmem>>, vector<16xf32>,
      %get3A_1761 = vector.shape_cast %get3A_1760 : vector<16xf32> to vector<16xf32>
      %add3A_1762 = arith.addf %get3A_1750, %get3A_1761 : vector<16xf32>
      %swap3A_1763 = arith.index_cast %mul3A_1747 : i32 to index
      %swap3A_1764 = tpu.vector_load %arg8[%swap3A_1763] {strides = array<i32>} : memref<512xf32, #tpu.memory_space<vmem>>, vector<16xf32>,
      %swap3A_1765 = vector.shape_cast %swap3A_1764 : vector<16xf32> to vector<16xf32>
      %swap3A_1766 = vector.shape_cast %add3A_1762 : vector<16xf32> to vector<16xf32>
      tpu.vector_store %arg8[%swap3A_1763], %swap3A_1766 {strides = array<i32>} : memref<512xf32, #tpu.memory_space<vmem>>, vector<16xf32>,
    }
    %scan3A_716 = arith.constant 16 : i32
    %dma_wait3A_717 = arith.constant 0 : i32
    %dma_wait3A_718 = arith.constant 13 : i32
    %dma_wait3A_719 = arith.constant 6656 : i32
    %dma_wait3A_720 = tpu.memref_slice %arg7[%dma_wait3A_719] : memref<13312xf32, #tpu.memory_space<vmem>> -> memref<512xf32, #tpu.memory_space<vmem>>
    %dma_wait3A_721 = arith.constant 6656 : i32
    %dma_wait3A_722 = tpu.memref_slice %arg6[%dma_wait3A_721] : memref<13312xi32, #tpu.memory_space<vmem>> -> memref<512xi32, #tpu.memory_space<vmem>>
    %dma_wait3A_723 = arith.constant 0 : i32
    %dma_wait3A_724 = tpu.memref_slice %arg3[%dma_wait3A_717, %dma_wait3A_723] : memref<1x2600000xf32, #tpu.memory_space<hbm>> -> memref<1x2600000xf32, #tpu.memory_space<hbm>>
    %dma_wait3A_725 = tpu.memref_squeeze %dma_wait3A_724 : memref<1x2600000xf32, #tpu.memory_space<hbm>> -> memref<2600000xf32, #tpu.memory_space<hbm>>
    %dma_wait3A_726 = arith.constant 1300000 : i32
    %dma_wait3A_727 = tpu.memref_slice %dma_wait3A_725[%dma_wait3A_726] : memref<2600000xf32, #tpu.memory_space<hbm>> -> memref<100000xf32, #tpu.memory_space<hbm>>
    %dma_wait3A_728 = arith.constant 0 : i32
    %dma_wait3A_729 = tpu.memref_slice %dma_wait3A_727[%dma_wait3A_728] : memref<100000xf32, #tpu.memory_space<hbm>> -> memref<100000xf32, #tpu.memory_space<hbm>>
    %dma_wait3A_730 = tpu.memref_slice %arg10[%dma_wait3A_718] : memref<26x!tpu.dma_semaphore, #tpu.memory_space<semaphore_mem>> -> memref<1x!tpu.dma_semaphore, #tpu.memory_space<semaphore_mem>>
    %dma_wait3A_731 = tpu.memref_squeeze %dma_wait3A_730 : memref<1x!tpu.dma_semaphore, #tpu.memory_space<semaphore_mem>> -> memref<!tpu.dma_semaphore, #tpu.memory_space<semaphore_mem>>
    tpu.wait_indirect_dma semaphore(%dma_wait3A_731 : memref<!tpu.dma_semaphore, #tpu.memory_space<semaphore_mem>>) src(%dma_wait3A_729 : memref<100000xf32, #tpu.memory_space<hbm>>) dst(%dma_wait3A_720 : memref<512xf32, #tpu.memory_space<vmem>>)
    %scan3A_732 = arith.constant 0 : i32
    %scan3A_733 = arith.constant 0 : i32
    %scan3A_734 = arith.constant 16 : i32
    %scan3A_735 = arith.addi %scan3A_733, %scan3A_734 : i32
    %scan3A_736 = arith.constant 1 : i32
    scf.for %scan3A_1716 = %scan3A_733 to %scan3A_735 step %scan3A_736  : i32 {
      %mul3A_1717 = arith.constant 2 : i32
      %mul3A_1718 = arith.muli %mul3A_1717, %scan3A_1716 : i32
      %add3A_1719 = arith.constant 0 : i32
      %add3A_1720 = arith.addi %mul3A_1718, %add3A_1719 : i32
      %mul3A_1721 = arith.constant 16 : i32
      %mul3A_1722 = arith.muli %add3A_1720, %mul3A_1721 : i32
      %get3A_1723 = arith.index_cast %mul3A_1722 : i32 to index
      %get3A_1724 = tpu.vector_load %arg8[%get3A_1723] {strides = array<i32>} : memref<512xf32, #tpu.memory_space<vmem>>, vector<16xf32>,
      %get3A_1725 = vector.shape_cast %get3A_1724 : vector<16xf32> to vector<16xf32>
      %mul3A_1726 = arith.constant 2 : i32
      %mul3A_1727 = arith.muli %mul3A_1726, %scan3A_1716 : i32
      %add3A_1728 = arith.constant 0 : i32
      %add3A_1729 = arith.addi %mul3A_1727, %add3A_1728 : i32
      %mul3A_1730 = arith.constant 16 : i32
      %mul3A_1731 = arith.muli %add3A_1729, %mul3A_1730 : i32
      %add3A_1732 = arith.constant 6656 : i32
      %add3A_1733 = arith.addi %add3A_1732, %mul3A_1731 : i32
      %get3A_1734 = arith.index_cast %add3A_1733 : i32 to index
      %get3A_1735 = tpu.vector_load %arg7[%get3A_1734] {strides = array<i32>} : memref<13312xf32, #tpu.memory_space<vmem>>, vector<16xf32>,
      %get3A_1736 = vector.shape_cast %get3A_1735 : vector<16xf32> to vector<16xf32>
      %add3A_1737 = arith.addf %get3A_1725, %get3A_1736 : vector<16xf32>
      %swap3A_1738 = arith.index_cast %mul3A_1722 : i32 to index
      %swap3A_1739 = tpu.vector_load %arg8[%swap3A_1738] {strides = array<i32>} : memref<512xf32, #tpu.memory_space<vmem>>, vector<16xf32>,
      %swap3A_1740 = vector.shape_cast %swap3A_1739 : vector<16xf32> to vector<16xf32>
      %swap3A_1741 = vector.shape_cast %add3A_1737 : vector<16xf32> to vector<16xf32>
      tpu.vector_store %arg8[%swap3A_1738], %swap3A_1741 {strides = array<i32>} : memref<512xf32, #tpu.memory_space<vmem>>, vector<16xf32>,
      %mul3A_1742 = arith.constant 2 : i32
      %mul3A_1743 = arith.muli %mul3A_1742, %scan3A_1716 : i32
      %add3A_1744 = arith.constant 1 : i32
      %add3A_1745 = arith.addi %mul3A_1743, %add3A_1744 : i32
      %mul3A_1746 = arith.constant 16 : i32
      %mul3A_1747 = arith.muli %add3A_1745, %mul3A_1746 : i32
      %get3A_1748 = arith.index_cast %mul3A_1747 : i32 to index
      %get3A_1749 = tpu.vector_load %arg8[%get3A_1748] {strides = array<i32>} : memref<512xf32, #tpu.memory_space<vmem>>, vector<16xf32>,
      %get3A_1750 = vector.shape_cast %get3A_1749 : vector<16xf32> to vector<16xf32>
      %mul3A_1751 = arith.constant 2 : i32
      %mul3A_1752 = arith.muli %mul3A_1751, %scan3A_1716 : i32
      %add3A_1753 = arith.constant 1 : i32
      %add3A_1754 = arith.addi %mul3A_1752, %add3A_1753 : i32
      %mul3A_1755 = arith.constant 16 : i32
      %mul3A_1756 = arith.muli %add3A_1754, %mul3A_1755 : i32
      %add3A_1757 = arith.constant 6656 : i32
      %add3A_1758 = arith.addi %add3A_1757, %mul3A_1756 : i32
      %get3A_1759 = arith.index_cast %add3A_1758 : i32 to index
      %get3A_1760 = tpu.vector_load %arg7[%get3A_1759] {strides = array<i32>} : memref<13312xf32, #tpu.memory_space<vmem>>, vector<16xf32>,
      %get3A_1761 = vector.shape_cast %get3A_1760 : vector<16xf32> to vector<16xf32>
      %add3A_1762 = arith.addf %get3A_1750, %get3A_1761 : vector<16xf32>
      %swap3A_1763 = arith.index_cast %mul3A_1747 : i32 to index
      %swap3A_1764 = tpu.vector_load %arg8[%swap3A_1763] {strides = array<i32>} : memref<512xf32, #tpu.memory_space<vmem>>, vector<16xf32>,
      %swap3A_1765 = vector.shape_cast %swap3A_1764 : vector<16xf32> to vector<16xf32>
      %swap3A_1766 = vector.shape_cast %add3A_1762 : vector<16xf32> to vector<16xf32>
      tpu.vector_store %arg8[%swap3A_1763], %swap3A_1766 {strides = array<i32>} : memref<512xf32, #tpu.memory_space<vmem>>, vector<16xf32>,
    }
    %scan3A_737 = arith.constant 16 : i32
    %dma_wait3A_738 = arith.constant 0 : i32
    %dma_wait3A_739 = arith.constant 14 : i32
    %dma_wait3A_740 = arith.constant 7168 : i32
    %dma_wait3A_741 = tpu.memref_slice %arg7[%dma_wait3A_740] : memref<13312xf32, #tpu.memory_space<vmem>> -> memref<512xf32, #tpu.memory_space<vmem>>
    %dma_wait3A_742 = arith.constant 7168 : i32
    %dma_wait3A_743 = tpu.memref_slice %arg6[%dma_wait3A_742] : memref<13312xi32, #tpu.memory_space<vmem>> -> memref<512xi32, #tpu.memory_space<vmem>>
    %dma_wait3A_744 = arith.constant 0 : i32
    %dma_wait3A_745 = tpu.memref_slice %arg3[%dma_wait3A_738, %dma_wait3A_744] : memref<1x2600000xf32, #tpu.memory_space<hbm>> -> memref<1x2600000xf32, #tpu.memory_space<hbm>>
    %dma_wait3A_746 = tpu.memref_squeeze %dma_wait3A_745 : memref<1x2600000xf32, #tpu.memory_space<hbm>> -> memref<2600000xf32, #tpu.memory_space<hbm>>
    %dma_wait3A_747 = arith.constant 1400000 : i32
    %dma_wait3A_748 = tpu.memref_slice %dma_wait3A_746[%dma_wait3A_747] : memref<2600000xf32, #tpu.memory_space<hbm>> -> memref<100000xf32, #tpu.memory_space<hbm>>
    %dma_wait3A_749 = arith.constant 0 : i32
    %dma_wait3A_750 = tpu.memref_slice %dma_wait3A_748[%dma_wait3A_749] : memref<100000xf32, #tpu.memory_space<hbm>> -> memref<100000xf32, #tpu.memory_space<hbm>>
    %dma_wait3A_751 = tpu.memref_slice %arg10[%dma_wait3A_739] : memref<26x!tpu.dma_semaphore, #tpu.memory_space<semaphore_mem>> -> memref<1x!tpu.dma_semaphore, #tpu.memory_space<semaphore_mem>>
    %dma_wait3A_752 = tpu.memref_squeeze %dma_wait3A_751 : memref<1x!tpu.dma_semaphore, #tpu.memory_space<semaphore_mem>> -> memref<!tpu.dma_semaphore, #tpu.memory_space<semaphore_mem>>
    tpu.wait_indirect_dma semaphore(%dma_wait3A_752 : memref<!tpu.dma_semaphore, #tpu.memory_space<semaphore_mem>>) src(%dma_wait3A_750 : memref<100000xf32, #tpu.memory_space<hbm>>) dst(%dma_wait3A_741 : memref<512xf32, #tpu.memory_space<vmem>>)
    %scan3A_753 = arith.constant 0 : i32
    %scan3A_754 = arith.constant 0 : i32
    %scan3A_755 = arith.constant 16 : i32
    %scan3A_756 = arith.addi %scan3A_754, %scan3A_755 : i32
    %scan3A_757 = arith.constant 1 : i32
    scf.for %scan3A_1716 = %scan3A_754 to %scan3A_756 step %scan3A_757  : i32 {
      %mul3A_1717 = arith.constant 2 : i32
      %mul3A_1718 = arith.muli %mul3A_1717, %scan3A_1716 : i32
      %add3A_1719 = arith.constant 0 : i32
      %add3A_1720 = arith.addi %mul3A_1718, %add3A_1719 : i32
      %mul3A_1721 = arith.constant 16 : i32
      %mul3A_1722 = arith.muli %add3A_1720, %mul3A_1721 : i32
      %get3A_1723 = arith.index_cast %mul3A_1722 : i32 to index
      %get3A_1724 = tpu.vector_load %arg8[%get3A_1723] {strides = array<i32>} : memref<512xf32, #tpu.memory_space<vmem>>, vector<16xf32>,
      %get3A_1725 = vector.shape_cast %get3A_1724 : vector<16xf32> to vector<16xf32>
      %mul3A_1726 = arith.constant 2 : i32
      %mul3A_1727 = arith.muli %mul3A_1726, %scan3A_1716 : i32
      %add3A_1728 = arith.constant 0 : i32
      %add3A_1729 = arith.addi %mul3A_1727, %add3A_1728 : i32
      %mul3A_1730 = arith.constant 16 : i32
      %mul3A_1731 = arith.muli %add3A_1729, %mul3A_1730 : i32
      %add3A_1732 = arith.constant 7168 : i32
      %add3A_1733 = arith.addi %add3A_1732, %mul3A_1731 : i32
      %get3A_1734 = arith.index_cast %add3A_1733 : i32 to index
      %get3A_1735 = tpu.vector_load %arg7[%get3A_1734] {strides = array<i32>} : memref<13312xf32, #tpu.memory_space<vmem>>, vector<16xf32>,
      %get3A_1736 = vector.shape_cast %get3A_1735 : vector<16xf32> to vector<16xf32>
      %add3A_1737 = arith.addf %get3A_1725, %get3A_1736 : vector<16xf32>
      %swap3A_1738 = arith.index_cast %mul3A_1722 : i32 to index
      %swap3A_1739 = tpu.vector_load %arg8[%swap3A_1738] {strides = array<i32>} : memref<512xf32, #tpu.memory_space<vmem>>, vector<16xf32>,
      %swap3A_1740 = vector.shape_cast %swap3A_1739 : vector<16xf32> to vector<16xf32>
      %swap3A_1741 = vector.shape_cast %add3A_1737 : vector<16xf32> to vector<16xf32>
      tpu.vector_store %arg8[%swap3A_1738], %swap3A_1741 {strides = array<i32>} : memref<512xf32, #tpu.memory_space<vmem>>, vector<16xf32>,
      %mul3A_1742 = arith.constant 2 : i32
      %mul3A_1743 = arith.muli %mul3A_1742, %scan3A_1716 : i32
      %add3A_1744 = arith.constant 1 : i32
      %add3A_1745 = arith.addi %mul3A_1743, %add3A_1744 : i32
      %mul3A_1746 = arith.constant 16 : i32
      %mul3A_1747 = arith.muli %add3A_1745, %mul3A_1746 : i32
      %get3A_1748 = arith.index_cast %mul3A_1747 : i32 to index
      %get3A_1749 = tpu.vector_load %arg8[%get3A_1748] {strides = array<i32>} : memref<512xf32, #tpu.memory_space<vmem>>, vector<16xf32>,
      %get3A_1750 = vector.shape_cast %get3A_1749 : vector<16xf32> to vector<16xf32>
      %mul3A_1751 = arith.constant 2 : i32
      %mul3A_1752 = arith.muli %mul3A_1751, %scan3A_1716 : i32
      %add3A_1753 = arith.constant 1 : i32
      %add3A_1754 = arith.addi %mul3A_1752, %add3A_1753 : i32
      %mul3A_1755 = arith.constant 16 : i32
      %mul3A_1756 = arith.muli %add3A_1754, %mul3A_1755 : i32
      %add3A_1757 = arith.constant 7168 : i32
      %add3A_1758 = arith.addi %add3A_1757, %mul3A_1756 : i32
      %get3A_1759 = arith.index_cast %add3A_1758 : i32 to index
      %get3A_1760 = tpu.vector_load %arg7[%get3A_1759] {strides = array<i32>} : memref<13312xf32, #tpu.memory_space<vmem>>, vector<16xf32>,
      %get3A_1761 = vector.shape_cast %get3A_1760 : vector<16xf32> to vector<16xf32>
      %add3A_1762 = arith.addf %get3A_1750, %get3A_1761 : vector<16xf32>
      %swap3A_1763 = arith.index_cast %mul3A_1747 : i32 to index
      %swap3A_1764 = tpu.vector_load %arg8[%swap3A_1763] {strides = array<i32>} : memref<512xf32, #tpu.memory_space<vmem>>, vector<16xf32>,
      %swap3A_1765 = vector.shape_cast %swap3A_1764 : vector<16xf32> to vector<16xf32>
      %swap3A_1766 = vector.shape_cast %add3A_1762 : vector<16xf32> to vector<16xf32>
      tpu.vector_store %arg8[%swap3A_1763], %swap3A_1766 {strides = array<i32>} : memref<512xf32, #tpu.memory_space<vmem>>, vector<16xf32>,
    }
    %scan3A_758 = arith.constant 16 : i32
    %dma_wait3A_759 = arith.constant 0 : i32
    %dma_wait3A_760 = arith.constant 15 : i32
    %dma_wait3A_761 = arith.constant 7680 : i32
    %dma_wait3A_762 = tpu.memref_slice %arg7[%dma_wait3A_761] : memref<13312xf32, #tpu.memory_space<vmem>> -> memref<512xf32, #tpu.memory_space<vmem>>
    %dma_wait3A_763 = arith.constant 7680 : i32
    %dma_wait3A_764 = tpu.memref_slice %arg6[%dma_wait3A_763] : memref<13312xi32, #tpu.memory_space<vmem>> -> memref<512xi32, #tpu.memory_space<vmem>>
    %dma_wait3A_765 = arith.constant 0 : i32
    %dma_wait3A_766 = tpu.memref_slice %arg3[%dma_wait3A_759, %dma_wait3A_765] : memref<1x2600000xf32, #tpu.memory_space<hbm>> -> memref<1x2600000xf32, #tpu.memory_space<hbm>>
    %dma_wait3A_767 = tpu.memref_squeeze %dma_wait3A_766 : memref<1x2600000xf32, #tpu.memory_space<hbm>> -> memref<2600000xf32, #tpu.memory_space<hbm>>
    %dma_wait3A_768 = arith.constant 1500000 : i32
    %dma_wait3A_769 = tpu.memref_slice %dma_wait3A_767[%dma_wait3A_768] : memref<2600000xf32, #tpu.memory_space<hbm>> -> memref<100000xf32, #tpu.memory_space<hbm>>
    %dma_wait3A_770 = arith.constant 0 : i32
    %dma_wait3A_771 = tpu.memref_slice %dma_wait3A_769[%dma_wait3A_770] : memref<100000xf32, #tpu.memory_space<hbm>> -> memref<100000xf32, #tpu.memory_space<hbm>>
    %dma_wait3A_772 = tpu.memref_slice %arg10[%dma_wait3A_760] : memref<26x!tpu.dma_semaphore, #tpu.memory_space<semaphore_mem>> -> memref<1x!tpu.dma_semaphore, #tpu.memory_space<semaphore_mem>>
    %dma_wait3A_773 = tpu.memref_squeeze %dma_wait3A_772 : memref<1x!tpu.dma_semaphore, #tpu.memory_space<semaphore_mem>> -> memref<!tpu.dma_semaphore, #tpu.memory_space<semaphore_mem>>
    tpu.wait_indirect_dma semaphore(%dma_wait3A_773 : memref<!tpu.dma_semaphore, #tpu.memory_space<semaphore_mem>>) src(%dma_wait3A_771 : memref<100000xf32, #tpu.memory_space<hbm>>) dst(%dma_wait3A_762 : memref<512xf32, #tpu.memory_space<vmem>>)
    %scan3A_774 = arith.constant 0 : i32
    %scan3A_775 = arith.constant 0 : i32
    %scan3A_776 = arith.constant 16 : i32
    %scan3A_777 = arith.addi %scan3A_775, %scan3A_776 : i32
    %scan3A_778 = arith.constant 1 : i32
    scf.for %scan3A_1716 = %scan3A_775 to %scan3A_777 step %scan3A_778  : i32 {
      %mul3A_1717 = arith.constant 2 : i32
      %mul3A_1718 = arith.muli %mul3A_1717, %scan3A_1716 : i32
      %add3A_1719 = arith.constant 0 : i32
      %add3A_1720 = arith.addi %mul3A_1718, %add3A_1719 : i32
      %mul3A_1721 = arith.constant 16 : i32
      %mul3A_1722 = arith.muli %add3A_1720, %mul3A_1721 : i32
      %get3A_1723 = arith.index_cast %mul3A_1722 : i32 to index
      %get3A_1724 = tpu.vector_load %arg8[%get3A_1723] {strides = array<i32>} : memref<512xf32, #tpu.memory_space<vmem>>, vector<16xf32>,
      %get3A_1725 = vector.shape_cast %get3A_1724 : vector<16xf32> to vector<16xf32>
      %mul3A_1726 = arith.constant 2 : i32
      %mul3A_1727 = arith.muli %mul3A_1726, %scan3A_1716 : i32
      %add3A_1728 = arith.constant 0 : i32
      %add3A_1729 = arith.addi %mul3A_1727, %add3A_1728 : i32
      %mul3A_1730 = arith.constant 16 : i32
      %mul3A_1731 = arith.muli %add3A_1729, %mul3A_1730 : i32
      %add3A_1732 = arith.constant 7680 : i32
      %add3A_1733 = arith.addi %add3A_1732, %mul3A_1731 : i32
      %get3A_1734 = arith.index_cast %add3A_1733 : i32 to index
      %get3A_1735 = tpu.vector_load %arg7[%get3A_1734] {strides = array<i32>} : memref<13312xf32, #tpu.memory_space<vmem>>, vector<16xf32>,
      %get3A_1736 = vector.shape_cast %get3A_1735 : vector<16xf32> to vector<16xf32>
      %add3A_1737 = arith.addf %get3A_1725, %get3A_1736 : vector<16xf32>
      %swap3A_1738 = arith.index_cast %mul3A_1722 : i32 to index
      %swap3A_1739 = tpu.vector_load %arg8[%swap3A_1738] {strides = array<i32>} : memref<512xf32, #tpu.memory_space<vmem>>, vector<16xf32>,
      %swap3A_1740 = vector.shape_cast %swap3A_1739 : vector<16xf32> to vector<16xf32>
      %swap3A_1741 = vector.shape_cast %add3A_1737 : vector<16xf32> to vector<16xf32>
      tpu.vector_store %arg8[%swap3A_1738], %swap3A_1741 {strides = array<i32>} : memref<512xf32, #tpu.memory_space<vmem>>, vector<16xf32>,
      %mul3A_1742 = arith.constant 2 : i32
      %mul3A_1743 = arith.muli %mul3A_1742, %scan3A_1716 : i32
      %add3A_1744 = arith.constant 1 : i32
      %add3A_1745 = arith.addi %mul3A_1743, %add3A_1744 : i32
      %mul3A_1746 = arith.constant 16 : i32
      %mul3A_1747 = arith.muli %add3A_1745, %mul3A_1746 : i32
      %get3A_1748 = arith.index_cast %mul3A_1747 : i32 to index
      %get3A_1749 = tpu.vector_load %arg8[%get3A_1748] {strides = array<i32>} : memref<512xf32, #tpu.memory_space<vmem>>, vector<16xf32>,
      %get3A_1750 = vector.shape_cast %get3A_1749 : vector<16xf32> to vector<16xf32>
      %mul3A_1751 = arith.constant 2 : i32
      %mul3A_1752 = arith.muli %mul3A_1751, %scan3A_1716 : i32
      %add3A_1753 = arith.constant 1 : i32
      %add3A_1754 = arith.addi %mul3A_1752, %add3A_1753 : i32
      %mul3A_1755 = arith.constant 16 : i32
      %mul3A_1756 = arith.muli %add3A_1754, %mul3A_1755 : i32
      %add3A_1757 = arith.constant 7680 : i32
      %add3A_1758 = arith.addi %add3A_1757, %mul3A_1756 : i32
      %get3A_1759 = arith.index_cast %add3A_1758 : i32 to index
      %get3A_1760 = tpu.vector_load %arg7[%get3A_1759] {strides = array<i32>} : memref<13312xf32, #tpu.memory_space<vmem>>, vector<16xf32>,
      %get3A_1761 = vector.shape_cast %get3A_1760 : vector<16xf32> to vector<16xf32>
      %add3A_1762 = arith.addf %get3A_1750, %get3A_1761 : vector<16xf32>
      %swap3A_1763 = arith.index_cast %mul3A_1747 : i32 to index
      %swap3A_1764 = tpu.vector_load %arg8[%swap3A_1763] {strides = array<i32>} : memref<512xf32, #tpu.memory_space<vmem>>, vector<16xf32>,
      %swap3A_1765 = vector.shape_cast %swap3A_1764 : vector<16xf32> to vector<16xf32>
      %swap3A_1766 = vector.shape_cast %add3A_1762 : vector<16xf32> to vector<16xf32>
      tpu.vector_store %arg8[%swap3A_1763], %swap3A_1766 {strides = array<i32>} : memref<512xf32, #tpu.memory_space<vmem>>, vector<16xf32>,
    }
    %scan3A_779 = arith.constant 16 : i32
    %dma_wait3A_780 = arith.constant 0 : i32
    %dma_wait3A_781 = arith.constant 16 : i32
    %dma_wait3A_782 = arith.constant 8192 : i32
    %dma_wait3A_783 = tpu.memref_slice %arg7[%dma_wait3A_782] : memref<13312xf32, #tpu.memory_space<vmem>> -> memref<512xf32, #tpu.memory_space<vmem>>
    %dma_wait3A_784 = arith.constant 8192 : i32
    %dma_wait3A_785 = tpu.memref_slice %arg6[%dma_wait3A_784] : memref<13312xi32, #tpu.memory_space<vmem>> -> memref<512xi32, #tpu.memory_space<vmem>>
    %dma_wait3A_786 = arith.constant 0 : i32
    %dma_wait3A_787 = tpu.memref_slice %arg3[%dma_wait3A_780, %dma_wait3A_786] : memref<1x2600000xf32, #tpu.memory_space<hbm>> -> memref<1x2600000xf32, #tpu.memory_space<hbm>>
    %dma_wait3A_788 = tpu.memref_squeeze %dma_wait3A_787 : memref<1x2600000xf32, #tpu.memory_space<hbm>> -> memref<2600000xf32, #tpu.memory_space<hbm>>
    %dma_wait3A_789 = arith.constant 1600000 : i32
    %dma_wait3A_790 = tpu.memref_slice %dma_wait3A_788[%dma_wait3A_789] : memref<2600000xf32, #tpu.memory_space<hbm>> -> memref<100000xf32, #tpu.memory_space<hbm>>
    %dma_wait3A_791 = arith.constant 0 : i32
    %dma_wait3A_792 = tpu.memref_slice %dma_wait3A_790[%dma_wait3A_791] : memref<100000xf32, #tpu.memory_space<hbm>> -> memref<100000xf32, #tpu.memory_space<hbm>>
    %dma_wait3A_793 = tpu.memref_slice %arg10[%dma_wait3A_781] : memref<26x!tpu.dma_semaphore, #tpu.memory_space<semaphore_mem>> -> memref<1x!tpu.dma_semaphore, #tpu.memory_space<semaphore_mem>>
    %dma_wait3A_794 = tpu.memref_squeeze %dma_wait3A_793 : memref<1x!tpu.dma_semaphore, #tpu.memory_space<semaphore_mem>> -> memref<!tpu.dma_semaphore, #tpu.memory_space<semaphore_mem>>
    tpu.wait_indirect_dma semaphore(%dma_wait3A_794 : memref<!tpu.dma_semaphore, #tpu.memory_space<semaphore_mem>>) src(%dma_wait3A_792 : memref<100000xf32, #tpu.memory_space<hbm>>) dst(%dma_wait3A_783 : memref<512xf32, #tpu.memory_space<vmem>>)
    %scan3A_795 = arith.constant 0 : i32
    %scan3A_796 = arith.constant 0 : i32
    %scan3A_797 = arith.constant 16 : i32
    %scan3A_798 = arith.addi %scan3A_796, %scan3A_797 : i32
    %scan3A_799 = arith.constant 1 : i32
    scf.for %scan3A_1716 = %scan3A_796 to %scan3A_798 step %scan3A_799  : i32 {
      %mul3A_1717 = arith.constant 2 : i32
      %mul3A_1718 = arith.muli %mul3A_1717, %scan3A_1716 : i32
      %add3A_1719 = arith.constant 0 : i32
      %add3A_1720 = arith.addi %mul3A_1718, %add3A_1719 : i32
      %mul3A_1721 = arith.constant 16 : i32
      %mul3A_1722 = arith.muli %add3A_1720, %mul3A_1721 : i32
      %get3A_1723 = arith.index_cast %mul3A_1722 : i32 to index
      %get3A_1724 = tpu.vector_load %arg8[%get3A_1723] {strides = array<i32>} : memref<512xf32, #tpu.memory_space<vmem>>, vector<16xf32>,
      %get3A_1725 = vector.shape_cast %get3A_1724 : vector<16xf32> to vector<16xf32>
      %mul3A_1726 = arith.constant 2 : i32
      %mul3A_1727 = arith.muli %mul3A_1726, %scan3A_1716 : i32
      %add3A_1728 = arith.constant 0 : i32
      %add3A_1729 = arith.addi %mul3A_1727, %add3A_1728 : i32
      %mul3A_1730 = arith.constant 16 : i32
      %mul3A_1731 = arith.muli %add3A_1729, %mul3A_1730 : i32
      %add3A_1732 = arith.constant 8192 : i32
      %add3A_1733 = arith.addi %add3A_1732, %mul3A_1731 : i32
      %get3A_1734 = arith.index_cast %add3A_1733 : i32 to index
      %get3A_1735 = tpu.vector_load %arg7[%get3A_1734] {strides = array<i32>} : memref<13312xf32, #tpu.memory_space<vmem>>, vector<16xf32>,
      %get3A_1736 = vector.shape_cast %get3A_1735 : vector<16xf32> to vector<16xf32>
      %add3A_1737 = arith.addf %get3A_1725, %get3A_1736 : vector<16xf32>
      %swap3A_1738 = arith.index_cast %mul3A_1722 : i32 to index
      %swap3A_1739 = tpu.vector_load %arg8[%swap3A_1738] {strides = array<i32>} : memref<512xf32, #tpu.memory_space<vmem>>, vector<16xf32>,
      %swap3A_1740 = vector.shape_cast %swap3A_1739 : vector<16xf32> to vector<16xf32>
      %swap3A_1741 = vector.shape_cast %add3A_1737 : vector<16xf32> to vector<16xf32>
      tpu.vector_store %arg8[%swap3A_1738], %swap3A_1741 {strides = array<i32>} : memref<512xf32, #tpu.memory_space<vmem>>, vector<16xf32>,
      %mul3A_1742 = arith.constant 2 : i32
      %mul3A_1743 = arith.muli %mul3A_1742, %scan3A_1716 : i32
      %add3A_1744 = arith.constant 1 : i32
      %add3A_1745 = arith.addi %mul3A_1743, %add3A_1744 : i32
      %mul3A_1746 = arith.constant 16 : i32
      %mul3A_1747 = arith.muli %add3A_1745, %mul3A_1746 : i32
      %get3A_1748 = arith.index_cast %mul3A_1747 : i32 to index
      %get3A_1749 = tpu.vector_load %arg8[%get3A_1748] {strides = array<i32>} : memref<512xf32, #tpu.memory_space<vmem>>, vector<16xf32>,
      %get3A_1750 = vector.shape_cast %get3A_1749 : vector<16xf32> to vector<16xf32>
      %mul3A_1751 = arith.constant 2 : i32
      %mul3A_1752 = arith.muli %mul3A_1751, %scan3A_1716 : i32
      %add3A_1753 = arith.constant 1 : i32
      %add3A_1754 = arith.addi %mul3A_1752, %add3A_1753 : i32
      %mul3A_1755 = arith.constant 16 : i32
      %mul3A_1756 = arith.muli %add3A_1754, %mul3A_1755 : i32
      %add3A_1757 = arith.constant 8192 : i32
      %add3A_1758 = arith.addi %add3A_1757, %mul3A_1756 : i32
      %get3A_1759 = arith.index_cast %add3A_1758 : i32 to index
      %get3A_1760 = tpu.vector_load %arg7[%get3A_1759] {strides = array<i32>} : memref<13312xf32, #tpu.memory_space<vmem>>, vector<16xf32>,
      %get3A_1761 = vector.shape_cast %get3A_1760 : vector<16xf32> to vector<16xf32>
      %add3A_1762 = arith.addf %get3A_1750, %get3A_1761 : vector<16xf32>
      %swap3A_1763 = arith.index_cast %mul3A_1747 : i32 to index
      %swap3A_1764 = tpu.vector_load %arg8[%swap3A_1763] {strides = array<i32>} : memref<512xf32, #tpu.memory_space<vmem>>, vector<16xf32>,
      %swap3A_1765 = vector.shape_cast %swap3A_1764 : vector<16xf32> to vector<16xf32>
      %swap3A_1766 = vector.shape_cast %add3A_1762 : vector<16xf32> to vector<16xf32>
      tpu.vector_store %arg8[%swap3A_1763], %swap3A_1766 {strides = array<i32>} : memref<512xf32, #tpu.memory_space<vmem>>, vector<16xf32>,
    }
    %scan3A_800 = arith.constant 16 : i32
    %dma_wait3A_801 = arith.constant 0 : i32
    %dma_wait3A_802 = arith.constant 17 : i32
    %dma_wait3A_803 = arith.constant 8704 : i32
    %dma_wait3A_804 = tpu.memref_slice %arg7[%dma_wait3A_803] : memref<13312xf32, #tpu.memory_space<vmem>> -> memref<512xf32, #tpu.memory_space<vmem>>
    %dma_wait3A_805 = arith.constant 8704 : i32
    %dma_wait3A_806 = tpu.memref_slice %arg6[%dma_wait3A_805] : memref<13312xi32, #tpu.memory_space<vmem>> -> memref<512xi32, #tpu.memory_space<vmem>>
    %dma_wait3A_807 = arith.constant 0 : i32
    %dma_wait3A_808 = tpu.memref_slice %arg3[%dma_wait3A_801, %dma_wait3A_807] : memref<1x2600000xf32, #tpu.memory_space<hbm>> -> memref<1x2600000xf32, #tpu.memory_space<hbm>>
    %dma_wait3A_809 = tpu.memref_squeeze %dma_wait3A_808 : memref<1x2600000xf32, #tpu.memory_space<hbm>> -> memref<2600000xf32, #tpu.memory_space<hbm>>
    %dma_wait3A_810 = arith.constant 1700000 : i32
    %dma_wait3A_811 = tpu.memref_slice %dma_wait3A_809[%dma_wait3A_810] : memref<2600000xf32, #tpu.memory_space<hbm>> -> memref<100000xf32, #tpu.memory_space<hbm>>
    %dma_wait3A_812 = arith.constant 0 : i32
    %dma_wait3A_813 = tpu.memref_slice %dma_wait3A_811[%dma_wait3A_812] : memref<100000xf32, #tpu.memory_space<hbm>> -> memref<100000xf32, #tpu.memory_space<hbm>>
    %dma_wait3A_814 = tpu.memref_slice %arg10[%dma_wait3A_802] : memref<26x!tpu.dma_semaphore, #tpu.memory_space<semaphore_mem>> -> memref<1x!tpu.dma_semaphore, #tpu.memory_space<semaphore_mem>>
    %dma_wait3A_815 = tpu.memref_squeeze %dma_wait3A_814 : memref<1x!tpu.dma_semaphore, #tpu.memory_space<semaphore_mem>> -> memref<!tpu.dma_semaphore, #tpu.memory_space<semaphore_mem>>
    tpu.wait_indirect_dma semaphore(%dma_wait3A_815 : memref<!tpu.dma_semaphore, #tpu.memory_space<semaphore_mem>>) src(%dma_wait3A_813 : memref<100000xf32, #tpu.memory_space<hbm>>) dst(%dma_wait3A_804 : memref<512xf32, #tpu.memory_space<vmem>>)
    %scan3A_816 = arith.constant 0 : i32
    %scan3A_817 = arith.constant 0 : i32
    %scan3A_818 = arith.constant 16 : i32
    %scan3A_819 = arith.addi %scan3A_817, %scan3A_818 : i32
    %scan3A_820 = arith.constant 1 : i32
    scf.for %scan3A_1716 = %scan3A_817 to %scan3A_819 step %scan3A_820  : i32 {
      %mul3A_1717 = arith.constant 2 : i32
      %mul3A_1718 = arith.muli %mul3A_1717, %scan3A_1716 : i32
      %add3A_1719 = arith.constant 0 : i32
      %add3A_1720 = arith.addi %mul3A_1718, %add3A_1719 : i32
      %mul3A_1721 = arith.constant 16 : i32
      %mul3A_1722 = arith.muli %add3A_1720, %mul3A_1721 : i32
      %get3A_1723 = arith.index_cast %mul3A_1722 : i32 to index
      %get3A_1724 = tpu.vector_load %arg8[%get3A_1723] {strides = array<i32>} : memref<512xf32, #tpu.memory_space<vmem>>, vector<16xf32>,
      %get3A_1725 = vector.shape_cast %get3A_1724 : vector<16xf32> to vector<16xf32>
      %mul3A_1726 = arith.constant 2 : i32
      %mul3A_1727 = arith.muli %mul3A_1726, %scan3A_1716 : i32
      %add3A_1728 = arith.constant 0 : i32
      %add3A_1729 = arith.addi %mul3A_1727, %add3A_1728 : i32
      %mul3A_1730 = arith.constant 16 : i32
      %mul3A_1731 = arith.muli %add3A_1729, %mul3A_1730 : i32
      %add3A_1732 = arith.constant 8704 : i32
      %add3A_1733 = arith.addi %add3A_1732, %mul3A_1731 : i32
      %get3A_1734 = arith.index_cast %add3A_1733 : i32 to index
      %get3A_1735 = tpu.vector_load %arg7[%get3A_1734] {strides = array<i32>} : memref<13312xf32, #tpu.memory_space<vmem>>, vector<16xf32>,
      %get3A_1736 = vector.shape_cast %get3A_1735 : vector<16xf32> to vector<16xf32>
      %add3A_1737 = arith.addf %get3A_1725, %get3A_1736 : vector<16xf32>
      %swap3A_1738 = arith.index_cast %mul3A_1722 : i32 to index
      %swap3A_1739 = tpu.vector_load %arg8[%swap3A_1738] {strides = array<i32>} : memref<512xf32, #tpu.memory_space<vmem>>, vector<16xf32>,
      %swap3A_1740 = vector.shape_cast %swap3A_1739 : vector<16xf32> to vector<16xf32>
      %swap3A_1741 = vector.shape_cast %add3A_1737 : vector<16xf32> to vector<16xf32>
      tpu.vector_store %arg8[%swap3A_1738], %swap3A_1741 {strides = array<i32>} : memref<512xf32, #tpu.memory_space<vmem>>, vector<16xf32>,
      %mul3A_1742 = arith.constant 2 : i32
      %mul3A_1743 = arith.muli %mul3A_1742, %scan3A_1716 : i32
      %add3A_1744 = arith.constant 1 : i32
      %add3A_1745 = arith.addi %mul3A_1743, %add3A_1744 : i32
      %mul3A_1746 = arith.constant 16 : i32
      %mul3A_1747 = arith.muli %add3A_1745, %mul3A_1746 : i32
      %get3A_1748 = arith.index_cast %mul3A_1747 : i32 to index
      %get3A_1749 = tpu.vector_load %arg8[%get3A_1748] {strides = array<i32>} : memref<512xf32, #tpu.memory_space<vmem>>, vector<16xf32>,
      %get3A_1750 = vector.shape_cast %get3A_1749 : vector<16xf32> to vector<16xf32>
      %mul3A_1751 = arith.constant 2 : i32
      %mul3A_1752 = arith.muli %mul3A_1751, %scan3A_1716 : i32
      %add3A_1753 = arith.constant 1 : i32
      %add3A_1754 = arith.addi %mul3A_1752, %add3A_1753 : i32
      %mul3A_1755 = arith.constant 16 : i32
      %mul3A_1756 = arith.muli %add3A_1754, %mul3A_1755 : i32
      %add3A_1757 = arith.constant 8704 : i32
      %add3A_1758 = arith.addi %add3A_1757, %mul3A_1756 : i32
      %get3A_1759 = arith.index_cast %add3A_1758 : i32 to index
      %get3A_1760 = tpu.vector_load %arg7[%get3A_1759] {strides = array<i32>} : memref<13312xf32, #tpu.memory_space<vmem>>, vector<16xf32>,
      %get3A_1761 = vector.shape_cast %get3A_1760 : vector<16xf32> to vector<16xf32>
      %add3A_1762 = arith.addf %get3A_1750, %get3A_1761 : vector<16xf32>
      %swap3A_1763 = arith.index_cast %mul3A_1747 : i32 to index
      %swap3A_1764 = tpu.vector_load %arg8[%swap3A_1763] {strides = array<i32>} : memref<512xf32, #tpu.memory_space<vmem>>, vector<16xf32>,
      %swap3A_1765 = vector.shape_cast %swap3A_1764 : vector<16xf32> to vector<16xf32>
      %swap3A_1766 = vector.shape_cast %add3A_1762 : vector<16xf32> to vector<16xf32>
      tpu.vector_store %arg8[%swap3A_1763], %swap3A_1766 {strides = array<i32>} : memref<512xf32, #tpu.memory_space<vmem>>, vector<16xf32>,
    }
    %scan3A_821 = arith.constant 16 : i32
    %dma_wait3A_822 = arith.constant 0 : i32
    %dma_wait3A_823 = arith.constant 18 : i32
    %dma_wait3A_824 = arith.constant 9216 : i32
    %dma_wait3A_825 = tpu.memref_slice %arg7[%dma_wait3A_824] : memref<13312xf32, #tpu.memory_space<vmem>> -> memref<512xf32, #tpu.memory_space<vmem>>
    %dma_wait3A_826 = arith.constant 9216 : i32
    %dma_wait3A_827 = tpu.memref_slice %arg6[%dma_wait3A_826] : memref<13312xi32, #tpu.memory_space<vmem>> -> memref<512xi32, #tpu.memory_space<vmem>>
    %dma_wait3A_828 = arith.constant 0 : i32
    %dma_wait3A_829 = tpu.memref_slice %arg3[%dma_wait3A_822, %dma_wait3A_828] : memref<1x2600000xf32, #tpu.memory_space<hbm>> -> memref<1x2600000xf32, #tpu.memory_space<hbm>>
    %dma_wait3A_830 = tpu.memref_squeeze %dma_wait3A_829 : memref<1x2600000xf32, #tpu.memory_space<hbm>> -> memref<2600000xf32, #tpu.memory_space<hbm>>
    %dma_wait3A_831 = arith.constant 1800000 : i32
    %dma_wait3A_832 = tpu.memref_slice %dma_wait3A_830[%dma_wait3A_831] : memref<2600000xf32, #tpu.memory_space<hbm>> -> memref<100000xf32, #tpu.memory_space<hbm>>
    %dma_wait3A_833 = arith.constant 0 : i32
    %dma_wait3A_834 = tpu.memref_slice %dma_wait3A_832[%dma_wait3A_833] : memref<100000xf32, #tpu.memory_space<hbm>> -> memref<100000xf32, #tpu.memory_space<hbm>>
    %dma_wait3A_835 = tpu.memref_slice %arg10[%dma_wait3A_823] : memref<26x!tpu.dma_semaphore, #tpu.memory_space<semaphore_mem>> -> memref<1x!tpu.dma_semaphore, #tpu.memory_space<semaphore_mem>>
    %dma_wait3A_836 = tpu.memref_squeeze %dma_wait3A_835 : memref<1x!tpu.dma_semaphore, #tpu.memory_space<semaphore_mem>> -> memref<!tpu.dma_semaphore, #tpu.memory_space<semaphore_mem>>
    tpu.wait_indirect_dma semaphore(%dma_wait3A_836 : memref<!tpu.dma_semaphore, #tpu.memory_space<semaphore_mem>>) src(%dma_wait3A_834 : memref<100000xf32, #tpu.memory_space<hbm>>) dst(%dma_wait3A_825 : memref<512xf32, #tpu.memory_space<vmem>>)
    %scan3A_837 = arith.constant 0 : i32
    %scan3A_838 = arith.constant 0 : i32
    %scan3A_839 = arith.constant 16 : i32
    %scan3A_840 = arith.addi %scan3A_838, %scan3A_839 : i32
    %scan3A_841 = arith.constant 1 : i32
    scf.for %scan3A_1716 = %scan3A_838 to %scan3A_840 step %scan3A_841  : i32 {
      %mul3A_1717 = arith.constant 2 : i32
      %mul3A_1718 = arith.muli %mul3A_1717, %scan3A_1716 : i32
      %add3A_1719 = arith.constant 0 : i32
      %add3A_1720 = arith.addi %mul3A_1718, %add3A_1719 : i32
      %mul3A_1721 = arith.constant 16 : i32
      %mul3A_1722 = arith.muli %add3A_1720, %mul3A_1721 : i32
      %get3A_1723 = arith.index_cast %mul3A_1722 : i32 to index
      %get3A_1724 = tpu.vector_load %arg8[%get3A_1723] {strides = array<i32>} : memref<512xf32, #tpu.memory_space<vmem>>, vector<16xf32>,
      %get3A_1725 = vector.shape_cast %get3A_1724 : vector<16xf32> to vector<16xf32>
      %mul3A_1726 = arith.constant 2 : i32
      %mul3A_1727 = arith.muli %mul3A_1726, %scan3A_1716 : i32
      %add3A_1728 = arith.constant 0 : i32
      %add3A_1729 = arith.addi %mul3A_1727, %add3A_1728 : i32
      %mul3A_1730 = arith.constant 16 : i32
      %mul3A_1731 = arith.muli %add3A_1729, %mul3A_1730 : i32
      %add3A_1732 = arith.constant 9216 : i32
      %add3A_1733 = arith.addi %add3A_1732, %mul3A_1731 : i32
      %get3A_1734 = arith.index_cast %add3A_1733 : i32 to index
      %get3A_1735 = tpu.vector_load %arg7[%get3A_1734] {strides = array<i32>} : memref<13312xf32, #tpu.memory_space<vmem>>, vector<16xf32>,
      %get3A_1736 = vector.shape_cast %get3A_1735 : vector<16xf32> to vector<16xf32>
      %add3A_1737 = arith.addf %get3A_1725, %get3A_1736 : vector<16xf32>
      %swap3A_1738 = arith.index_cast %mul3A_1722 : i32 to index
      %swap3A_1739 = tpu.vector_load %arg8[%swap3A_1738] {strides = array<i32>} : memref<512xf32, #tpu.memory_space<vmem>>, vector<16xf32>,
      %swap3A_1740 = vector.shape_cast %swap3A_1739 : vector<16xf32> to vector<16xf32>
      %swap3A_1741 = vector.shape_cast %add3A_1737 : vector<16xf32> to vector<16xf32>
      tpu.vector_store %arg8[%swap3A_1738], %swap3A_1741 {strides = array<i32>} : memref<512xf32, #tpu.memory_space<vmem>>, vector<16xf32>,
      %mul3A_1742 = arith.constant 2 : i32
      %mul3A_1743 = arith.muli %mul3A_1742, %scan3A_1716 : i32
      %add3A_1744 = arith.constant 1 : i32
      %add3A_1745 = arith.addi %mul3A_1743, %add3A_1744 : i32
      %mul3A_1746 = arith.constant 16 : i32
      %mul3A_1747 = arith.muli %add3A_1745, %mul3A_1746 : i32
      %get3A_1748 = arith.index_cast %mul3A_1747 : i32 to index
      %get3A_1749 = tpu.vector_load %arg8[%get3A_1748] {strides = array<i32>} : memref<512xf32, #tpu.memory_space<vmem>>, vector<16xf32>,
      %get3A_1750 = vector.shape_cast %get3A_1749 : vector<16xf32> to vector<16xf32>
      %mul3A_1751 = arith.constant 2 : i32
      %mul3A_1752 = arith.muli %mul3A_1751, %scan3A_1716 : i32
      %add3A_1753 = arith.constant 1 : i32
      %add3A_1754 = arith.addi %mul3A_1752, %add3A_1753 : i32
      %mul3A_1755 = arith.constant 16 : i32
      %mul3A_1756 = arith.muli %add3A_1754, %mul3A_1755 : i32
      %add3A_1757 = arith.constant 9216 : i32
      %add3A_1758 = arith.addi %add3A_1757, %mul3A_1756 : i32
      %get3A_1759 = arith.index_cast %add3A_1758 : i32 to index
      %get3A_1760 = tpu.vector_load %arg7[%get3A_1759] {strides = array<i32>} : memref<13312xf32, #tpu.memory_space<vmem>>, vector<16xf32>,
      %get3A_1761 = vector.shape_cast %get3A_1760 : vector<16xf32> to vector<16xf32>
      %add3A_1762 = arith.addf %get3A_1750, %get3A_1761 : vector<16xf32>
      %swap3A_1763 = arith.index_cast %mul3A_1747 : i32 to index
      %swap3A_1764 = tpu.vector_load %arg8[%swap3A_1763] {strides = array<i32>} : memref<512xf32, #tpu.memory_space<vmem>>, vector<16xf32>,
      %swap3A_1765 = vector.shape_cast %swap3A_1764 : vector<16xf32> to vector<16xf32>
      %swap3A_1766 = vector.shape_cast %add3A_1762 : vector<16xf32> to vector<16xf32>
      tpu.vector_store %arg8[%swap3A_1763], %swap3A_1766 {strides = array<i32>} : memref<512xf32, #tpu.memory_space<vmem>>, vector<16xf32>,
    }
    %scan3A_842 = arith.constant 16 : i32
    %dma_wait3A_843 = arith.constant 0 : i32
    %dma_wait3A_844 = arith.constant 19 : i32
    %dma_wait3A_845 = arith.constant 9728 : i32
    %dma_wait3A_846 = tpu.memref_slice %arg7[%dma_wait3A_845] : memref<13312xf32, #tpu.memory_space<vmem>> -> memref<512xf32, #tpu.memory_space<vmem>>
    %dma_wait3A_847 = arith.constant 9728 : i32
    %dma_wait3A_848 = tpu.memref_slice %arg6[%dma_wait3A_847] : memref<13312xi32, #tpu.memory_space<vmem>> -> memref<512xi32, #tpu.memory_space<vmem>>
    %dma_wait3A_849 = arith.constant 0 : i32
    %dma_wait3A_850 = tpu.memref_slice %arg3[%dma_wait3A_843, %dma_wait3A_849] : memref<1x2600000xf32, #tpu.memory_space<hbm>> -> memref<1x2600000xf32, #tpu.memory_space<hbm>>
    %dma_wait3A_851 = tpu.memref_squeeze %dma_wait3A_850 : memref<1x2600000xf32, #tpu.memory_space<hbm>> -> memref<2600000xf32, #tpu.memory_space<hbm>>
    %dma_wait3A_852 = arith.constant 1900000 : i32
    %dma_wait3A_853 = tpu.memref_slice %dma_wait3A_851[%dma_wait3A_852] : memref<2600000xf32, #tpu.memory_space<hbm>> -> memref<100000xf32, #tpu.memory_space<hbm>>
    %dma_wait3A_854 = arith.constant 0 : i32
    %dma_wait3A_855 = tpu.memref_slice %dma_wait3A_853[%dma_wait3A_854] : memref<100000xf32, #tpu.memory_space<hbm>> -> memref<100000xf32, #tpu.memory_space<hbm>>
    %dma_wait3A_856 = tpu.memref_slice %arg10[%dma_wait3A_844] : memref<26x!tpu.dma_semaphore, #tpu.memory_space<semaphore_mem>> -> memref<1x!tpu.dma_semaphore, #tpu.memory_space<semaphore_mem>>
    %dma_wait3A_857 = tpu.memref_squeeze %dma_wait3A_856 : memref<1x!tpu.dma_semaphore, #tpu.memory_space<semaphore_mem>> -> memref<!tpu.dma_semaphore, #tpu.memory_space<semaphore_mem>>
    tpu.wait_indirect_dma semaphore(%dma_wait3A_857 : memref<!tpu.dma_semaphore, #tpu.memory_space<semaphore_mem>>) src(%dma_wait3A_855 : memref<100000xf32, #tpu.memory_space<hbm>>) dst(%dma_wait3A_846 : memref<512xf32, #tpu.memory_space<vmem>>)
    %scan3A_858 = arith.constant 0 : i32
    %scan3A_859 = arith.constant 0 : i32
    %scan3A_860 = arith.constant 16 : i32
    %scan3A_861 = arith.addi %scan3A_859, %scan3A_860 : i32
    %scan3A_862 = arith.constant 1 : i32
    scf.for %scan3A_1716 = %scan3A_859 to %scan3A_861 step %scan3A_862  : i32 {
      %mul3A_1717 = arith.constant 2 : i32
      %mul3A_1718 = arith.muli %mul3A_1717, %scan3A_1716 : i32
      %add3A_1719 = arith.constant 0 : i32
      %add3A_1720 = arith.addi %mul3A_1718, %add3A_1719 : i32
      %mul3A_1721 = arith.constant 16 : i32
      %mul3A_1722 = arith.muli %add3A_1720, %mul3A_1721 : i32
      %get3A_1723 = arith.index_cast %mul3A_1722 : i32 to index
      %get3A_1724 = tpu.vector_load %arg8[%get3A_1723] {strides = array<i32>} : memref<512xf32, #tpu.memory_space<vmem>>, vector<16xf32>,
      %get3A_1725 = vector.shape_cast %get3A_1724 : vector<16xf32> to vector<16xf32>
      %mul3A_1726 = arith.constant 2 : i32
      %mul3A_1727 = arith.muli %mul3A_1726, %scan3A_1716 : i32
      %add3A_1728 = arith.constant 0 : i32
      %add3A_1729 = arith.addi %mul3A_1727, %add3A_1728 : i32
      %mul3A_1730 = arith.constant 16 : i32
      %mul3A_1731 = arith.muli %add3A_1729, %mul3A_1730 : i32
      %add3A_1732 = arith.constant 9728 : i32
      %add3A_1733 = arith.addi %add3A_1732, %mul3A_1731 : i32
      %get3A_1734 = arith.index_cast %add3A_1733 : i32 to index
      %get3A_1735 = tpu.vector_load %arg7[%get3A_1734] {strides = array<i32>} : memref<13312xf32, #tpu.memory_space<vmem>>, vector<16xf32>,
      %get3A_1736 = vector.shape_cast %get3A_1735 : vector<16xf32> to vector<16xf32>
      %add3A_1737 = arith.addf %get3A_1725, %get3A_1736 : vector<16xf32>
      %swap3A_1738 = arith.index_cast %mul3A_1722 : i32 to index
      %swap3A_1739 = tpu.vector_load %arg8[%swap3A_1738] {strides = array<i32>} : memref<512xf32, #tpu.memory_space<vmem>>, vector<16xf32>,
      %swap3A_1740 = vector.shape_cast %swap3A_1739 : vector<16xf32> to vector<16xf32>
      %swap3A_1741 = vector.shape_cast %add3A_1737 : vector<16xf32> to vector<16xf32>
      tpu.vector_store %arg8[%swap3A_1738], %swap3A_1741 {strides = array<i32>} : memref<512xf32, #tpu.memory_space<vmem>>, vector<16xf32>,
      %mul3A_1742 = arith.constant 2 : i32
      %mul3A_1743 = arith.muli %mul3A_1742, %scan3A_1716 : i32
      %add3A_1744 = arith.constant 1 : i32
      %add3A_1745 = arith.addi %mul3A_1743, %add3A_1744 : i32
      %mul3A_1746 = arith.constant 16 : i32
      %mul3A_1747 = arith.muli %add3A_1745, %mul3A_1746 : i32
      %get3A_1748 = arith.index_cast %mul3A_1747 : i32 to index
      %get3A_1749 = tpu.vector_load %arg8[%get3A_1748] {strides = array<i32>} : memref<512xf32, #tpu.memory_space<vmem>>, vector<16xf32>,
      %get3A_1750 = vector.shape_cast %get3A_1749 : vector<16xf32> to vector<16xf32>
      %mul3A_1751 = arith.constant 2 : i32
      %mul3A_1752 = arith.muli %mul3A_1751, %scan3A_1716 : i32
      %add3A_1753 = arith.constant 1 : i32
      %add3A_1754 = arith.addi %mul3A_1752, %add3A_1753 : i32
      %mul3A_1755 = arith.constant 16 : i32
      %mul3A_1756 = arith.muli %add3A_1754, %mul3A_1755 : i32
      %add3A_1757 = arith.constant 9728 : i32
      %add3A_1758 = arith.addi %add3A_1757, %mul3A_1756 : i32
      %get3A_1759 = arith.index_cast %add3A_1758 : i32 to index
      %get3A_1760 = tpu.vector_load %arg7[%get3A_1759] {strides = array<i32>} : memref<13312xf32, #tpu.memory_space<vmem>>, vector<16xf32>,
      %get3A_1761 = vector.shape_cast %get3A_1760 : vector<16xf32> to vector<16xf32>
      %add3A_1762 = arith.addf %get3A_1750, %get3A_1761 : vector<16xf32>
      %swap3A_1763 = arith.index_cast %mul3A_1747 : i32 to index
      %swap3A_1764 = tpu.vector_load %arg8[%swap3A_1763] {strides = array<i32>} : memref<512xf32, #tpu.memory_space<vmem>>, vector<16xf32>,
      %swap3A_1765 = vector.shape_cast %swap3A_1764 : vector<16xf32> to vector<16xf32>
      %swap3A_1766 = vector.shape_cast %add3A_1762 : vector<16xf32> to vector<16xf32>
      tpu.vector_store %arg8[%swap3A_1763], %swap3A_1766 {strides = array<i32>} : memref<512xf32, #tpu.memory_space<vmem>>, vector<16xf32>,
    }
    %scan3A_863 = arith.constant 16 : i32
    %dma_wait3A_864 = arith.constant 0 : i32
    %dma_wait3A_865 = arith.constant 20 : i32
    %dma_wait3A_866 = arith.constant 10240 : i32
    %dma_wait3A_867 = tpu.memref_slice %arg7[%dma_wait3A_866] : memref<13312xf32, #tpu.memory_space<vmem>> -> memref<512xf32, #tpu.memory_space<vmem>>
    %dma_wait3A_868 = arith.constant 10240 : i32
    %dma_wait3A_869 = tpu.memref_slice %arg6[%dma_wait3A_868] : memref<13312xi32, #tpu.memory_space<vmem>> -> memref<512xi32, #tpu.memory_space<vmem>>
    %dma_wait3A_870 = arith.constant 0 : i32
    %dma_wait3A_871 = tpu.memref_slice %arg3[%dma_wait3A_864, %dma_wait3A_870] : memref<1x2600000xf32, #tpu.memory_space<hbm>> -> memref<1x2600000xf32, #tpu.memory_space<hbm>>
    %dma_wait3A_872 = tpu.memref_squeeze %dma_wait3A_871 : memref<1x2600000xf32, #tpu.memory_space<hbm>> -> memref<2600000xf32, #tpu.memory_space<hbm>>
    %dma_wait3A_873 = arith.constant 2000000 : i32
    %dma_wait3A_874 = tpu.memref_slice %dma_wait3A_872[%dma_wait3A_873] : memref<2600000xf32, #tpu.memory_space<hbm>> -> memref<100000xf32, #tpu.memory_space<hbm>>
    %dma_wait3A_875 = arith.constant 0 : i32
    %dma_wait3A_876 = tpu.memref_slice %dma_wait3A_874[%dma_wait3A_875] : memref<100000xf32, #tpu.memory_space<hbm>> -> memref<100000xf32, #tpu.memory_space<hbm>>
    %dma_wait3A_877 = tpu.memref_slice %arg10[%dma_wait3A_865] : memref<26x!tpu.dma_semaphore, #tpu.memory_space<semaphore_mem>> -> memref<1x!tpu.dma_semaphore, #tpu.memory_space<semaphore_mem>>
    %dma_wait3A_878 = tpu.memref_squeeze %dma_wait3A_877 : memref<1x!tpu.dma_semaphore, #tpu.memory_space<semaphore_mem>> -> memref<!tpu.dma_semaphore, #tpu.memory_space<semaphore_mem>>
    tpu.wait_indirect_dma semaphore(%dma_wait3A_878 : memref<!tpu.dma_semaphore, #tpu.memory_space<semaphore_mem>>) src(%dma_wait3A_876 : memref<100000xf32, #tpu.memory_space<hbm>>) dst(%dma_wait3A_867 : memref<512xf32, #tpu.memory_space<vmem>>)
    %scan3A_879 = arith.constant 0 : i32
    %scan3A_880 = arith.constant 0 : i32
    %scan3A_881 = arith.constant 16 : i32
    %scan3A_882 = arith.addi %scan3A_880, %scan3A_881 : i32
    %scan3A_883 = arith.constant 1 : i32
    scf.for %scan3A_1716 = %scan3A_880 to %scan3A_882 step %scan3A_883  : i32 {
      %mul3A_1717 = arith.constant 2 : i32
      %mul3A_1718 = arith.muli %mul3A_1717, %scan3A_1716 : i32
      %add3A_1719 = arith.constant 0 : i32
      %add3A_1720 = arith.addi %mul3A_1718, %add3A_1719 : i32
      %mul3A_1721 = arith.constant 16 : i32
      %mul3A_1722 = arith.muli %add3A_1720, %mul3A_1721 : i32
      %get3A_1723 = arith.index_cast %mul3A_1722 : i32 to index
      %get3A_1724 = tpu.vector_load %arg8[%get3A_1723] {strides = array<i32>} : memref<512xf32, #tpu.memory_space<vmem>>, vector<16xf32>,
      %get3A_1725 = vector.shape_cast %get3A_1724 : vector<16xf32> to vector<16xf32>
      %mul3A_1726 = arith.constant 2 : i32
      %mul3A_1727 = arith.muli %mul3A_1726, %scan3A_1716 : i32
      %add3A_1728 = arith.constant 0 : i32
      %add3A_1729 = arith.addi %mul3A_1727, %add3A_1728 : i32
      %mul3A_1730 = arith.constant 16 : i32
      %mul3A_1731 = arith.muli %add3A_1729, %mul3A_1730 : i32
      %add3A_1732 = arith.constant 10240 : i32
      %add3A_1733 = arith.addi %add3A_1732, %mul3A_1731 : i32
      %get3A_1734 = arith.index_cast %add3A_1733 : i32 to index
      %get3A_1735 = tpu.vector_load %arg7[%get3A_1734] {strides = array<i32>} : memref<13312xf32, #tpu.memory_space<vmem>>, vector<16xf32>,
      %get3A_1736 = vector.shape_cast %get3A_1735 : vector<16xf32> to vector<16xf32>
      %add3A_1737 = arith.addf %get3A_1725, %get3A_1736 : vector<16xf32>
      %swap3A_1738 = arith.index_cast %mul3A_1722 : i32 to index
      %swap3A_1739 = tpu.vector_load %arg8[%swap3A_1738] {strides = array<i32>} : memref<512xf32, #tpu.memory_space<vmem>>, vector<16xf32>,
      %swap3A_1740 = vector.shape_cast %swap3A_1739 : vector<16xf32> to vector<16xf32>
      %swap3A_1741 = vector.shape_cast %add3A_1737 : vector<16xf32> to vector<16xf32>
      tpu.vector_store %arg8[%swap3A_1738], %swap3A_1741 {strides = array<i32>} : memref<512xf32, #tpu.memory_space<vmem>>, vector<16xf32>,
      %mul3A_1742 = arith.constant 2 : i32
      %mul3A_1743 = arith.muli %mul3A_1742, %scan3A_1716 : i32
      %add3A_1744 = arith.constant 1 : i32
      %add3A_1745 = arith.addi %mul3A_1743, %add3A_1744 : i32
      %mul3A_1746 = arith.constant 16 : i32
      %mul3A_1747 = arith.muli %add3A_1745, %mul3A_1746 : i32
      %get3A_1748 = arith.index_cast %mul3A_1747 : i32 to index
      %get3A_1749 = tpu.vector_load %arg8[%get3A_1748] {strides = array<i32>} : memref<512xf32, #tpu.memory_space<vmem>>, vector<16xf32>,
      %get3A_1750 = vector.shape_cast %get3A_1749 : vector<16xf32> to vector<16xf32>
      %mul3A_1751 = arith.constant 2 : i32
      %mul3A_1752 = arith.muli %mul3A_1751, %scan3A_1716 : i32
      %add3A_1753 = arith.constant 1 : i32
      %add3A_1754 = arith.addi %mul3A_1752, %add3A_1753 : i32
      %mul3A_1755 = arith.constant 16 : i32
      %mul3A_1756 = arith.muli %add3A_1754, %mul3A_1755 : i32
      %add3A_1757 = arith.constant 10240 : i32
      %add3A_1758 = arith.addi %add3A_1757, %mul3A_1756 : i32
      %get3A_1759 = arith.index_cast %add3A_1758 : i32 to index
      %get3A_1760 = tpu.vector_load %arg7[%get3A_1759] {strides = array<i32>} : memref<13312xf32, #tpu.memory_space<vmem>>, vector<16xf32>,
      %get3A_1761 = vector.shape_cast %get3A_1760 : vector<16xf32> to vector<16xf32>
      %add3A_1762 = arith.addf %get3A_1750, %get3A_1761 : vector<16xf32>
      %swap3A_1763 = arith.index_cast %mul3A_1747 : i32 to index
      %swap3A_1764 = tpu.vector_load %arg8[%swap3A_1763] {strides = array<i32>} : memref<512xf32, #tpu.memory_space<vmem>>, vector<16xf32>,
      %swap3A_1765 = vector.shape_cast %swap3A_1764 : vector<16xf32> to vector<16xf32>
      %swap3A_1766 = vector.shape_cast %add3A_1762 : vector<16xf32> to vector<16xf32>
      tpu.vector_store %arg8[%swap3A_1763], %swap3A_1766 {strides = array<i32>} : memref<512xf32, #tpu.memory_space<vmem>>, vector<16xf32>,
    }
    %scan3A_884 = arith.constant 16 : i32
    %dma_wait3A_885 = arith.constant 0 : i32
    %dma_wait3A_886 = arith.constant 21 : i32
    %dma_wait3A_887 = arith.constant 10752 : i32
    %dma_wait3A_888 = tpu.memref_slice %arg7[%dma_wait3A_887] : memref<13312xf32, #tpu.memory_space<vmem>> -> memref<512xf32, #tpu.memory_space<vmem>>
    %dma_wait3A_889 = arith.constant 10752 : i32
    %dma_wait3A_890 = tpu.memref_slice %arg6[%dma_wait3A_889] : memref<13312xi32, #tpu.memory_space<vmem>> -> memref<512xi32, #tpu.memory_space<vmem>>
    %dma_wait3A_891 = arith.constant 0 : i32
    %dma_wait3A_892 = tpu.memref_slice %arg3[%dma_wait3A_885, %dma_wait3A_891] : memref<1x2600000xf32, #tpu.memory_space<hbm>> -> memref<1x2600000xf32, #tpu.memory_space<hbm>>
    %dma_wait3A_893 = tpu.memref_squeeze %dma_wait3A_892 : memref<1x2600000xf32, #tpu.memory_space<hbm>> -> memref<2600000xf32, #tpu.memory_space<hbm>>
    %dma_wait3A_894 = arith.constant 2100000 : i32
    %dma_wait3A_895 = tpu.memref_slice %dma_wait3A_893[%dma_wait3A_894] : memref<2600000xf32, #tpu.memory_space<hbm>> -> memref<100000xf32, #tpu.memory_space<hbm>>
    %dma_wait3A_896 = arith.constant 0 : i32
    %dma_wait3A_897 = tpu.memref_slice %dma_wait3A_895[%dma_wait3A_896] : memref<100000xf32, #tpu.memory_space<hbm>> -> memref<100000xf32, #tpu.memory_space<hbm>>
    %dma_wait3A_898 = tpu.memref_slice %arg10[%dma_wait3A_886] : memref<26x!tpu.dma_semaphore, #tpu.memory_space<semaphore_mem>> -> memref<1x!tpu.dma_semaphore, #tpu.memory_space<semaphore_mem>>
    %dma_wait3A_899 = tpu.memref_squeeze %dma_wait3A_898 : memref<1x!tpu.dma_semaphore, #tpu.memory_space<semaphore_mem>> -> memref<!tpu.dma_semaphore, #tpu.memory_space<semaphore_mem>>
    tpu.wait_indirect_dma semaphore(%dma_wait3A_899 : memref<!tpu.dma_semaphore, #tpu.memory_space<semaphore_mem>>) src(%dma_wait3A_897 : memref<100000xf32, #tpu.memory_space<hbm>>) dst(%dma_wait3A_888 : memref<512xf32, #tpu.memory_space<vmem>>)
    %scan3A_900 = arith.constant 0 : i32
    %scan3A_901 = arith.constant 0 : i32
    %scan3A_902 = arith.constant 16 : i32
    %scan3A_903 = arith.addi %scan3A_901, %scan3A_902 : i32
    %scan3A_904 = arith.constant 1 : i32
    scf.for %scan3A_1716 = %scan3A_901 to %scan3A_903 step %scan3A_904  : i32 {
      %mul3A_1717 = arith.constant 2 : i32
      %mul3A_1718 = arith.muli %mul3A_1717, %scan3A_1716 : i32
      %add3A_1719 = arith.constant 0 : i32
      %add3A_1720 = arith.addi %mul3A_1718, %add3A_1719 : i32
      %mul3A_1721 = arith.constant 16 : i32
      %mul3A_1722 = arith.muli %add3A_1720, %mul3A_1721 : i32
      %get3A_1723 = arith.index_cast %mul3A_1722 : i32 to index
      %get3A_1724 = tpu.vector_load %arg8[%get3A_1723] {strides = array<i32>} : memref<512xf32, #tpu.memory_space<vmem>>, vector<16xf32>,
      %get3A_1725 = vector.shape_cast %get3A_1724 : vector<16xf32> to vector<16xf32>
      %mul3A_1726 = arith.constant 2 : i32
      %mul3A_1727 = arith.muli %mul3A_1726, %scan3A_1716 : i32
      %add3A_1728 = arith.constant 0 : i32
      %add3A_1729 = arith.addi %mul3A_1727, %add3A_1728 : i32
      %mul3A_1730 = arith.constant 16 : i32
      %mul3A_1731 = arith.muli %add3A_1729, %mul3A_1730 : i32
      %add3A_1732 = arith.constant 10752 : i32
      %add3A_1733 = arith.addi %add3A_1732, %mul3A_1731 : i32
      %get3A_1734 = arith.index_cast %add3A_1733 : i32 to index
      %get3A_1735 = tpu.vector_load %arg7[%get3A_1734] {strides = array<i32>} : memref<13312xf32, #tpu.memory_space<vmem>>, vector<16xf32>,
      %get3A_1736 = vector.shape_cast %get3A_1735 : vector<16xf32> to vector<16xf32>
      %add3A_1737 = arith.addf %get3A_1725, %get3A_1736 : vector<16xf32>
      %swap3A_1738 = arith.index_cast %mul3A_1722 : i32 to index
      %swap3A_1739 = tpu.vector_load %arg8[%swap3A_1738] {strides = array<i32>} : memref<512xf32, #tpu.memory_space<vmem>>, vector<16xf32>,
      %swap3A_1740 = vector.shape_cast %swap3A_1739 : vector<16xf32> to vector<16xf32>
      %swap3A_1741 = vector.shape_cast %add3A_1737 : vector<16xf32> to vector<16xf32>
      tpu.vector_store %arg8[%swap3A_1738], %swap3A_1741 {strides = array<i32>} : memref<512xf32, #tpu.memory_space<vmem>>, vector<16xf32>,
      %mul3A_1742 = arith.constant 2 : i32
      %mul3A_1743 = arith.muli %mul3A_1742, %scan3A_1716 : i32
      %add3A_1744 = arith.constant 1 : i32
      %add3A_1745 = arith.addi %mul3A_1743, %add3A_1744 : i32
      %mul3A_1746 = arith.constant 16 : i32
      %mul3A_1747 = arith.muli %add3A_1745, %mul3A_1746 : i32
      %get3A_1748 = arith.index_cast %mul3A_1747 : i32 to index
      %get3A_1749 = tpu.vector_load %arg8[%get3A_1748] {strides = array<i32>} : memref<512xf32, #tpu.memory_space<vmem>>, vector<16xf32>,
      %get3A_1750 = vector.shape_cast %get3A_1749 : vector<16xf32> to vector<16xf32>
      %mul3A_1751 = arith.constant 2 : i32
      %mul3A_1752 = arith.muli %mul3A_1751, %scan3A_1716 : i32
      %add3A_1753 = arith.constant 1 : i32
      %add3A_1754 = arith.addi %mul3A_1752, %add3A_1753 : i32
      %mul3A_1755 = arith.constant 16 : i32
      %mul3A_1756 = arith.muli %add3A_1754, %mul3A_1755 : i32
      %add3A_1757 = arith.constant 10752 : i32
      %add3A_1758 = arith.addi %add3A_1757, %mul3A_1756 : i32
      %get3A_1759 = arith.index_cast %add3A_1758 : i32 to index
      %get3A_1760 = tpu.vector_load %arg7[%get3A_1759] {strides = array<i32>} : memref<13312xf32, #tpu.memory_space<vmem>>, vector<16xf32>,
      %get3A_1761 = vector.shape_cast %get3A_1760 : vector<16xf32> to vector<16xf32>
      %add3A_1762 = arith.addf %get3A_1750, %get3A_1761 : vector<16xf32>
      %swap3A_1763 = arith.index_cast %mul3A_1747 : i32 to index
      %swap3A_1764 = tpu.vector_load %arg8[%swap3A_1763] {strides = array<i32>} : memref<512xf32, #tpu.memory_space<vmem>>, vector<16xf32>,
      %swap3A_1765 = vector.shape_cast %swap3A_1764 : vector<16xf32> to vector<16xf32>
      %swap3A_1766 = vector.shape_cast %add3A_1762 : vector<16xf32> to vector<16xf32>
      tpu.vector_store %arg8[%swap3A_1763], %swap3A_1766 {strides = array<i32>} : memref<512xf32, #tpu.memory_space<vmem>>, vector<16xf32>,
    }
    %scan3A_905 = arith.constant 16 : i32
    %dma_wait3A_906 = arith.constant 0 : i32
    %dma_wait3A_907 = arith.constant 22 : i32
    %dma_wait3A_908 = arith.constant 11264 : i32
    %dma_wait3A_909 = tpu.memref_slice %arg7[%dma_wait3A_908] : memref<13312xf32, #tpu.memory_space<vmem>> -> memref<512xf32, #tpu.memory_space<vmem>>
    %dma_wait3A_910 = arith.constant 11264 : i32
    %dma_wait3A_911 = tpu.memref_slice %arg6[%dma_wait3A_910] : memref<13312xi32, #tpu.memory_space<vmem>> -> memref<512xi32, #tpu.memory_space<vmem>>
    %dma_wait3A_912 = arith.constant 0 : i32
    %dma_wait3A_913 = tpu.memref_slice %arg3[%dma_wait3A_906, %dma_wait3A_912] : memref<1x2600000xf32, #tpu.memory_space<hbm>> -> memref<1x2600000xf32, #tpu.memory_space<hbm>>
    %dma_wait3A_914 = tpu.memref_squeeze %dma_wait3A_913 : memref<1x2600000xf32, #tpu.memory_space<hbm>> -> memref<2600000xf32, #tpu.memory_space<hbm>>
    %dma_wait3A_915 = arith.constant 2200000 : i32
    %dma_wait3A_916 = tpu.memref_slice %dma_wait3A_914[%dma_wait3A_915] : memref<2600000xf32, #tpu.memory_space<hbm>> -> memref<100000xf32, #tpu.memory_space<hbm>>
    %dma_wait3A_917 = arith.constant 0 : i32
    %dma_wait3A_918 = tpu.memref_slice %dma_wait3A_916[%dma_wait3A_917] : memref<100000xf32, #tpu.memory_space<hbm>> -> memref<100000xf32, #tpu.memory_space<hbm>>
    %dma_wait3A_919 = tpu.memref_slice %arg10[%dma_wait3A_907] : memref<26x!tpu.dma_semaphore, #tpu.memory_space<semaphore_mem>> -> memref<1x!tpu.dma_semaphore, #tpu.memory_space<semaphore_mem>>
    %dma_wait3A_920 = tpu.memref_squeeze %dma_wait3A_919 : memref<1x!tpu.dma_semaphore, #tpu.memory_space<semaphore_mem>> -> memref<!tpu.dma_semaphore, #tpu.memory_space<semaphore_mem>>
    tpu.wait_indirect_dma semaphore(%dma_wait3A_920 : memref<!tpu.dma_semaphore, #tpu.memory_space<semaphore_mem>>) src(%dma_wait3A_918 : memref<100000xf32, #tpu.memory_space<hbm>>) dst(%dma_wait3A_909 : memref<512xf32, #tpu.memory_space<vmem>>)
    %scan3A_921 = arith.constant 0 : i32
    %scan3A_922 = arith.constant 0 : i32
    %scan3A_923 = arith.constant 16 : i32
    %scan3A_924 = arith.addi %scan3A_922, %scan3A_923 : i32
    %scan3A_925 = arith.constant 1 : i32
    scf.for %scan3A_1716 = %scan3A_922 to %scan3A_924 step %scan3A_925  : i32 {
      %mul3A_1717 = arith.constant 2 : i32
      %mul3A_1718 = arith.muli %mul3A_1717, %scan3A_1716 : i32
      %add3A_1719 = arith.constant 0 : i32
      %add3A_1720 = arith.addi %mul3A_1718, %add3A_1719 : i32
      %mul3A_1721 = arith.constant 16 : i32
      %mul3A_1722 = arith.muli %add3A_1720, %mul3A_1721 : i32
      %get3A_1723 = arith.index_cast %mul3A_1722 : i32 to index
      %get3A_1724 = tpu.vector_load %arg8[%get3A_1723] {strides = array<i32>} : memref<512xf32, #tpu.memory_space<vmem>>, vector<16xf32>,
      %get3A_1725 = vector.shape_cast %get3A_1724 : vector<16xf32> to vector<16xf32>
      %mul3A_1726 = arith.constant 2 : i32
      %mul3A_1727 = arith.muli %mul3A_1726, %scan3A_1716 : i32
      %add3A_1728 = arith.constant 0 : i32
      %add3A_1729 = arith.addi %mul3A_1727, %add3A_1728 : i32
      %mul3A_1730 = arith.constant 16 : i32
      %mul3A_1731 = arith.muli %add3A_1729, %mul3A_1730 : i32
      %add3A_1732 = arith.constant 11264 : i32
      %add3A_1733 = arith.addi %add3A_1732, %mul3A_1731 : i32
      %get3A_1734 = arith.index_cast %add3A_1733 : i32 to index
      %get3A_1735 = tpu.vector_load %arg7[%get3A_1734] {strides = array<i32>} : memref<13312xf32, #tpu.memory_space<vmem>>, vector<16xf32>,
      %get3A_1736 = vector.shape_cast %get3A_1735 : vector<16xf32> to vector<16xf32>
      %add3A_1737 = arith.addf %get3A_1725, %get3A_1736 : vector<16xf32>
      %swap3A_1738 = arith.index_cast %mul3A_1722 : i32 to index
      %swap3A_1739 = tpu.vector_load %arg8[%swap3A_1738] {strides = array<i32>} : memref<512xf32, #tpu.memory_space<vmem>>, vector<16xf32>,
      %swap3A_1740 = vector.shape_cast %swap3A_1739 : vector<16xf32> to vector<16xf32>
      %swap3A_1741 = vector.shape_cast %add3A_1737 : vector<16xf32> to vector<16xf32>
      tpu.vector_store %arg8[%swap3A_1738], %swap3A_1741 {strides = array<i32>} : memref<512xf32, #tpu.memory_space<vmem>>, vector<16xf32>,
      %mul3A_1742 = arith.constant 2 : i32
      %mul3A_1743 = arith.muli %mul3A_1742, %scan3A_1716 : i32
      %add3A_1744 = arith.constant 1 : i32
      %add3A_1745 = arith.addi %mul3A_1743, %add3A_1744 : i32
      %mul3A_1746 = arith.constant 16 : i32
      %mul3A_1747 = arith.muli %add3A_1745, %mul3A_1746 : i32
      %get3A_1748 = arith.index_cast %mul3A_1747 : i32 to index
      %get3A_1749 = tpu.vector_load %arg8[%get3A_1748] {strides = array<i32>} : memref<512xf32, #tpu.memory_space<vmem>>, vector<16xf32>,
      %get3A_1750 = vector.shape_cast %get3A_1749 : vector<16xf32> to vector<16xf32>
      %mul3A_1751 = arith.constant 2 : i32
      %mul3A_1752 = arith.muli %mul3A_1751, %scan3A_1716 : i32
      %add3A_1753 = arith.constant 1 : i32
      %add3A_1754 = arith.addi %mul3A_1752, %add3A_1753 : i32
      %mul3A_1755 = arith.constant 16 : i32
      %mul3A_1756 = arith.muli %add3A_1754, %mul3A_1755 : i32
      %add3A_1757 = arith.constant 11264 : i32
      %add3A_1758 = arith.addi %add3A_1757, %mul3A_1756 : i32
      %get3A_1759 = arith.index_cast %add3A_1758 : i32 to index
      %get3A_1760 = tpu.vector_load %arg7[%get3A_1759] {strides = array<i32>} : memref<13312xf32, #tpu.memory_space<vmem>>, vector<16xf32>,
      %get3A_1761 = vector.shape_cast %get3A_1760 : vector<16xf32> to vector<16xf32>
      %add3A_1762 = arith.addf %get3A_1750, %get3A_1761 : vector<16xf32>
      %swap3A_1763 = arith.index_cast %mul3A_1747 : i32 to index
      %swap3A_1764 = tpu.vector_load %arg8[%swap3A_1763] {strides = array<i32>} : memref<512xf32, #tpu.memory_space<vmem>>, vector<16xf32>,
      %swap3A_1765 = vector.shape_cast %swap3A_1764 : vector<16xf32> to vector<16xf32>
      %swap3A_1766 = vector.shape_cast %add3A_1762 : vector<16xf32> to vector<16xf32>
      tpu.vector_store %arg8[%swap3A_1763], %swap3A_1766 {strides = array<i32>} : memref<512xf32, #tpu.memory_space<vmem>>, vector<16xf32>,
    }
    %scan3A_926 = arith.constant 16 : i32
    %dma_wait3A_927 = arith.constant 0 : i32
    %dma_wait3A_928 = arith.constant 23 : i32
    %dma_wait3A_929 = arith.constant 11776 : i32
    %dma_wait3A_930 = tpu.memref_slice %arg7[%dma_wait3A_929] : memref<13312xf32, #tpu.memory_space<vmem>> -> memref<512xf32, #tpu.memory_space<vmem>>
    %dma_wait3A_931 = arith.constant 11776 : i32
    %dma_wait3A_932 = tpu.memref_slice %arg6[%dma_wait3A_931] : memref<13312xi32, #tpu.memory_space<vmem>> -> memref<512xi32, #tpu.memory_space<vmem>>
    %dma_wait3A_933 = arith.constant 0 : i32
    %dma_wait3A_934 = tpu.memref_slice %arg3[%dma_wait3A_927, %dma_wait3A_933] : memref<1x2600000xf32, #tpu.memory_space<hbm>> -> memref<1x2600000xf32, #tpu.memory_space<hbm>>
    %dma_wait3A_935 = tpu.memref_squeeze %dma_wait3A_934 : memref<1x2600000xf32, #tpu.memory_space<hbm>> -> memref<2600000xf32, #tpu.memory_space<hbm>>
    %dma_wait3A_936 = arith.constant 2300000 : i32
    %dma_wait3A_937 = tpu.memref_slice %dma_wait3A_935[%dma_wait3A_936] : memref<2600000xf32, #tpu.memory_space<hbm>> -> memref<100000xf32, #tpu.memory_space<hbm>>
    %dma_wait3A_938 = arith.constant 0 : i32
    %dma_wait3A_939 = tpu.memref_slice %dma_wait3A_937[%dma_wait3A_938] : memref<100000xf32, #tpu.memory_space<hbm>> -> memref<100000xf32, #tpu.memory_space<hbm>>
    %dma_wait3A_940 = tpu.memref_slice %arg10[%dma_wait3A_928] : memref<26x!tpu.dma_semaphore, #tpu.memory_space<semaphore_mem>> -> memref<1x!tpu.dma_semaphore, #tpu.memory_space<semaphore_mem>>
    %dma_wait3A_941 = tpu.memref_squeeze %dma_wait3A_940 : memref<1x!tpu.dma_semaphore, #tpu.memory_space<semaphore_mem>> -> memref<!tpu.dma_semaphore, #tpu.memory_space<semaphore_mem>>
    tpu.wait_indirect_dma semaphore(%dma_wait3A_941 : memref<!tpu.dma_semaphore, #tpu.memory_space<semaphore_mem>>) src(%dma_wait3A_939 : memref<100000xf32, #tpu.memory_space<hbm>>) dst(%dma_wait3A_930 : memref<512xf32, #tpu.memory_space<vmem>>)
    %scan3A_942 = arith.constant 0 : i32
    %scan3A_943 = arith.constant 0 : i32
    %scan3A_944 = arith.constant 16 : i32
    %scan3A_945 = arith.addi %scan3A_943, %scan3A_944 : i32
    %scan3A_946 = arith.constant 1 : i32
    scf.for %scan3A_1716 = %scan3A_943 to %scan3A_945 step %scan3A_946  : i32 {
      %mul3A_1717 = arith.constant 2 : i32
      %mul3A_1718 = arith.muli %mul3A_1717, %scan3A_1716 : i32
      %add3A_1719 = arith.constant 0 : i32
      %add3A_1720 = arith.addi %mul3A_1718, %add3A_1719 : i32
      %mul3A_1721 = arith.constant 16 : i32
      %mul3A_1722 = arith.muli %add3A_1720, %mul3A_1721 : i32
      %get3A_1723 = arith.index_cast %mul3A_1722 : i32 to index
      %get3A_1724 = tpu.vector_load %arg8[%get3A_1723] {strides = array<i32>} : memref<512xf32, #tpu.memory_space<vmem>>, vector<16xf32>,
      %get3A_1725 = vector.shape_cast %get3A_1724 : vector<16xf32> to vector<16xf32>
      %mul3A_1726 = arith.constant 2 : i32
      %mul3A_1727 = arith.muli %mul3A_1726, %scan3A_1716 : i32
      %add3A_1728 = arith.constant 0 : i32
      %add3A_1729 = arith.addi %mul3A_1727, %add3A_1728 : i32
      %mul3A_1730 = arith.constant 16 : i32
      %mul3A_1731 = arith.muli %add3A_1729, %mul3A_1730 : i32
      %add3A_1732 = arith.constant 11776 : i32
      %add3A_1733 = arith.addi %add3A_1732, %mul3A_1731 : i32
      %get3A_1734 = arith.index_cast %add3A_1733 : i32 to index
      %get3A_1735 = tpu.vector_load %arg7[%get3A_1734] {strides = array<i32>} : memref<13312xf32, #tpu.memory_space<vmem>>, vector<16xf32>,
      %get3A_1736 = vector.shape_cast %get3A_1735 : vector<16xf32> to vector<16xf32>
      %add3A_1737 = arith.addf %get3A_1725, %get3A_1736 : vector<16xf32>
      %swap3A_1738 = arith.index_cast %mul3A_1722 : i32 to index
      %swap3A_1739 = tpu.vector_load %arg8[%swap3A_1738] {strides = array<i32>} : memref<512xf32, #tpu.memory_space<vmem>>, vector<16xf32>,
      %swap3A_1740 = vector.shape_cast %swap3A_1739 : vector<16xf32> to vector<16xf32>
      %swap3A_1741 = vector.shape_cast %add3A_1737 : vector<16xf32> to vector<16xf32>
      tpu.vector_store %arg8[%swap3A_1738], %swap3A_1741 {strides = array<i32>} : memref<512xf32, #tpu.memory_space<vmem>>, vector<16xf32>,
      %mul3A_1742 = arith.constant 2 : i32
      %mul3A_1743 = arith.muli %mul3A_1742, %scan3A_1716 : i32
      %add3A_1744 = arith.constant 1 : i32
      %add3A_1745 = arith.addi %mul3A_1743, %add3A_1744 : i32
      %mul3A_1746 = arith.constant 16 : i32
      %mul3A_1747 = arith.muli %add3A_1745, %mul3A_1746 : i32
      %get3A_1748 = arith.index_cast %mul3A_1747 : i32 to index
      %get3A_1749 = tpu.vector_load %arg8[%get3A_1748] {strides = array<i32>} : memref<512xf32, #tpu.memory_space<vmem>>, vector<16xf32>,
      %get3A_1750 = vector.shape_cast %get3A_1749 : vector<16xf32> to vector<16xf32>
      %mul3A_1751 = arith.constant 2 : i32
      %mul3A_1752 = arith.muli %mul3A_1751, %scan3A_1716 : i32
      %add3A_1753 = arith.constant 1 : i32
      %add3A_1754 = arith.addi %mul3A_1752, %add3A_1753 : i32
      %mul3A_1755 = arith.constant 16 : i32
      %mul3A_1756 = arith.muli %add3A_1754, %mul3A_1755 : i32
      %add3A_1757 = arith.constant 11776 : i32
      %add3A_1758 = arith.addi %add3A_1757, %mul3A_1756 : i32
      %get3A_1759 = arith.index_cast %add3A_1758 : i32 to index
      %get3A_1760 = tpu.vector_load %arg7[%get3A_1759] {strides = array<i32>} : memref<13312xf32, #tpu.memory_space<vmem>>, vector<16xf32>,
      %get3A_1761 = vector.shape_cast %get3A_1760 : vector<16xf32> to vector<16xf32>
      %add3A_1762 = arith.addf %get3A_1750, %get3A_1761 : vector<16xf32>
      %swap3A_1763 = arith.index_cast %mul3A_1747 : i32 to index
      %swap3A_1764 = tpu.vector_load %arg8[%swap3A_1763] {strides = array<i32>} : memref<512xf32, #tpu.memory_space<vmem>>, vector<16xf32>,
      %swap3A_1765 = vector.shape_cast %swap3A_1764 : vector<16xf32> to vector<16xf32>
      %swap3A_1766 = vector.shape_cast %add3A_1762 : vector<16xf32> to vector<16xf32>
      tpu.vector_store %arg8[%swap3A_1763], %swap3A_1766 {strides = array<i32>} : memref<512xf32, #tpu.memory_space<vmem>>, vector<16xf32>,
    }
    %scan3A_947 = arith.constant 16 : i32
    %dma_wait3A_948 = arith.constant 0 : i32
    %dma_wait3A_949 = arith.constant 24 : i32
    %dma_wait3A_950 = arith.constant 12288 : i32
    %dma_wait3A_951 = tpu.memref_slice %arg7[%dma_wait3A_950] : memref<13312xf32, #tpu.memory_space<vmem>> -> memref<512xf32, #tpu.memory_space<vmem>>
    %dma_wait3A_952 = arith.constant 12288 : i32
    %dma_wait3A_953 = tpu.memref_slice %arg6[%dma_wait3A_952] : memref<13312xi32, #tpu.memory_space<vmem>> -> memref<512xi32, #tpu.memory_space<vmem>>
    %dma_wait3A_954 = arith.constant 0 : i32
    %dma_wait3A_955 = tpu.memref_slice %arg3[%dma_wait3A_948, %dma_wait3A_954] : memref<1x2600000xf32, #tpu.memory_space<hbm>> -> memref<1x2600000xf32, #tpu.memory_space<hbm>>
    %dma_wait3A_956 = tpu.memref_squeeze %dma_wait3A_955 : memref<1x2600000xf32, #tpu.memory_space<hbm>> -> memref<2600000xf32, #tpu.memory_space<hbm>>
    %dma_wait3A_957 = arith.constant 2400000 : i32
    %dma_wait3A_958 = tpu.memref_slice %dma_wait3A_956[%dma_wait3A_957] : memref<2600000xf32, #tpu.memory_space<hbm>> -> memref<100000xf32, #tpu.memory_space<hbm>>
    %dma_wait3A_959 = arith.constant 0 : i32
    %dma_wait3A_960 = tpu.memref_slice %dma_wait3A_958[%dma_wait3A_959] : memref<100000xf32, #tpu.memory_space<hbm>> -> memref<100000xf32, #tpu.memory_space<hbm>>
    %dma_wait3A_961 = tpu.memref_slice %arg10[%dma_wait3A_949] : memref<26x!tpu.dma_semaphore, #tpu.memory_space<semaphore_mem>> -> memref<1x!tpu.dma_semaphore, #tpu.memory_space<semaphore_mem>>
    %dma_wait3A_962 = tpu.memref_squeeze %dma_wait3A_961 : memref<1x!tpu.dma_semaphore, #tpu.memory_space<semaphore_mem>> -> memref<!tpu.dma_semaphore, #tpu.memory_space<semaphore_mem>>
    tpu.wait_indirect_dma semaphore(%dma_wait3A_962 : memref<!tpu.dma_semaphore, #tpu.memory_space<semaphore_mem>>) src(%dma_wait3A_960 : memref<100000xf32, #tpu.memory_space<hbm>>) dst(%dma_wait3A_951 : memref<512xf32, #tpu.memory_space<vmem>>)
    %scan3A_963 = arith.constant 0 : i32
    %scan3A_964 = arith.constant 0 : i32
    %scan3A_965 = arith.constant 16 : i32
    %scan3A_966 = arith.addi %scan3A_964, %scan3A_965 : i32
    %scan3A_967 = arith.constant 1 : i32
    scf.for %scan3A_1716 = %scan3A_964 to %scan3A_966 step %scan3A_967  : i32 {
      %mul3A_1717 = arith.constant 2 : i32
      %mul3A_1718 = arith.muli %mul3A_1717, %scan3A_1716 : i32
      %add3A_1719 = arith.constant 0 : i32
      %add3A_1720 = arith.addi %mul3A_1718, %add3A_1719 : i32
      %mul3A_1721 = arith.constant 16 : i32
      %mul3A_1722 = arith.muli %add3A_1720, %mul3A_1721 : i32
      %get3A_1723 = arith.index_cast %mul3A_1722 : i32 to index
      %get3A_1724 = tpu.vector_load %arg8[%get3A_1723] {strides = array<i32>} : memref<512xf32, #tpu.memory_space<vmem>>, vector<16xf32>,
      %get3A_1725 = vector.shape_cast %get3A_1724 : vector<16xf32> to vector<16xf32>
      %mul3A_1726 = arith.constant 2 : i32
      %mul3A_1727 = arith.muli %mul3A_1726, %scan3A_1716 : i32
      %add3A_1728 = arith.constant 0 : i32
      %add3A_1729 = arith.addi %mul3A_1727, %add3A_1728 : i32
      %mul3A_1730 = arith.constant 16 : i32
      %mul3A_1731 = arith.muli %add3A_1729, %mul3A_1730 : i32
      %add3A_1732 = arith.constant 12288 : i32
      %add3A_1733 = arith.addi %add3A_1732, %mul3A_1731 : i32
      %get3A_1734 = arith.index_cast %add3A_1733 : i32 to index
      %get3A_1735 = tpu.vector_load %arg7[%get3A_1734] {strides = array<i32>} : memref<13312xf32, #tpu.memory_space<vmem>>, vector<16xf32>,
      %get3A_1736 = vector.shape_cast %get3A_1735 : vector<16xf32> to vector<16xf32>
      %add3A_1737 = arith.addf %get3A_1725, %get3A_1736 : vector<16xf32>
      %swap3A_1738 = arith.index_cast %mul3A_1722 : i32 to index
      %swap3A_1739 = tpu.vector_load %arg8[%swap3A_1738] {strides = array<i32>} : memref<512xf32, #tpu.memory_space<vmem>>, vector<16xf32>,
      %swap3A_1740 = vector.shape_cast %swap3A_1739 : vector<16xf32> to vector<16xf32>
      %swap3A_1741 = vector.shape_cast %add3A_1737 : vector<16xf32> to vector<16xf32>
      tpu.vector_store %arg8[%swap3A_1738], %swap3A_1741 {strides = array<i32>} : memref<512xf32, #tpu.memory_space<vmem>>, vector<16xf32>,
      %mul3A_1742 = arith.constant 2 : i32
      %mul3A_1743 = arith.muli %mul3A_1742, %scan3A_1716 : i32
      %add3A_1744 = arith.constant 1 : i32
      %add3A_1745 = arith.addi %mul3A_1743, %add3A_1744 : i32
      %mul3A_1746 = arith.constant 16 : i32
      %mul3A_1747 = arith.muli %add3A_1745, %mul3A_1746 : i32
      %get3A_1748 = arith.index_cast %mul3A_1747 : i32 to index
      %get3A_1749 = tpu.vector_load %arg8[%get3A_1748] {strides = array<i32>} : memref<512xf32, #tpu.memory_space<vmem>>, vector<16xf32>,
      %get3A_1750 = vector.shape_cast %get3A_1749 : vector<16xf32> to vector<16xf32>
      %mul3A_1751 = arith.constant 2 : i32
      %mul3A_1752 = arith.muli %mul3A_1751, %scan3A_1716 : i32
      %add3A_1753 = arith.constant 1 : i32
      %add3A_1754 = arith.addi %mul3A_1752, %add3A_1753 : i32
      %mul3A_1755 = arith.constant 16 : i32
      %mul3A_1756 = arith.muli %add3A_1754, %mul3A_1755 : i32
      %add3A_1757 = arith.constant 12288 : i32
      %add3A_1758 = arith.addi %add3A_1757, %mul3A_1756 : i32
      %get3A_1759 = arith.index_cast %add3A_1758 : i32 to index
      %get3A_1760 = tpu.vector_load %arg7[%get3A_1759] {strides = array<i32>} : memref<13312xf32, #tpu.memory_space<vmem>>, vector<16xf32>,
      %get3A_1761 = vector.shape_cast %get3A_1760 : vector<16xf32> to vector<16xf32>
      %add3A_1762 = arith.addf %get3A_1750, %get3A_1761 : vector<16xf32>
      %swap3A_1763 = arith.index_cast %mul3A_1747 : i32 to index
      %swap3A_1764 = tpu.vector_load %arg8[%swap3A_1763] {strides = array<i32>} : memref<512xf32, #tpu.memory_space<vmem>>, vector<16xf32>,
      %swap3A_1765 = vector.shape_cast %swap3A_1764 : vector<16xf32> to vector<16xf32>
      %swap3A_1766 = vector.shape_cast %add3A_1762 : vector<16xf32> to vector<16xf32>
      tpu.vector_store %arg8[%swap3A_1763], %swap3A_1766 {strides = array<i32>} : memref<512xf32, #tpu.memory_space<vmem>>, vector<16xf32>,
    }
    %scan3A_968 = arith.constant 16 : i32
    %dma_wait3A_969 = arith.constant 0 : i32
    %dma_wait3A_970 = arith.constant 25 : i32
    %dma_wait3A_971 = arith.constant 12800 : i32
    %dma_wait3A_972 = tpu.memref_slice %arg7[%dma_wait3A_971] : memref<13312xf32, #tpu.memory_space<vmem>> -> memref<512xf32, #tpu.memory_space<vmem>>
    %dma_wait3A_973 = arith.constant 12800 : i32
    %dma_wait3A_974 = tpu.memref_slice %arg6[%dma_wait3A_973] : memref<13312xi32, #tpu.memory_space<vmem>> -> memref<512xi32, #tpu.memory_space<vmem>>
    %dma_wait3A_975 = arith.constant 0 : i32
    %dma_wait3A_976 = tpu.memref_slice %arg3[%dma_wait3A_969, %dma_wait3A_975] : memref<1x2600000xf32, #tpu.memory_space<hbm>> -> memref<1x2600000xf32, #tpu.memory_space<hbm>>
    %dma_wait3A_977 = tpu.memref_squeeze %dma_wait3A_976 : memref<1x2600000xf32, #tpu.memory_space<hbm>> -> memref<2600000xf32, #tpu.memory_space<hbm>>
    %dma_wait3A_978 = arith.constant 2500000 : i32
    %dma_wait3A_979 = tpu.memref_slice %dma_wait3A_977[%dma_wait3A_978] : memref<2600000xf32, #tpu.memory_space<hbm>> -> memref<100000xf32, #tpu.memory_space<hbm>>
    %dma_wait3A_980 = arith.constant 0 : i32
    %dma_wait3A_981 = tpu.memref_slice %dma_wait3A_979[%dma_wait3A_980] : memref<100000xf32, #tpu.memory_space<hbm>> -> memref<100000xf32, #tpu.memory_space<hbm>>
    %dma_wait3A_982 = tpu.memref_slice %arg10[%dma_wait3A_970] : memref<26x!tpu.dma_semaphore, #tpu.memory_space<semaphore_mem>> -> memref<1x!tpu.dma_semaphore, #tpu.memory_space<semaphore_mem>>
    %dma_wait3A_983 = tpu.memref_squeeze %dma_wait3A_982 : memref<1x!tpu.dma_semaphore, #tpu.memory_space<semaphore_mem>> -> memref<!tpu.dma_semaphore, #tpu.memory_space<semaphore_mem>>
    tpu.wait_indirect_dma semaphore(%dma_wait3A_983 : memref<!tpu.dma_semaphore, #tpu.memory_space<semaphore_mem>>) src(%dma_wait3A_981 : memref<100000xf32, #tpu.memory_space<hbm>>) dst(%dma_wait3A_972 : memref<512xf32, #tpu.memory_space<vmem>>)
    %get3A_984 = arith.constant 0 : index
    %get3A_985 = tpu.vector_load %arg8[%get3A_984] {strides = array<i32>} : memref<512xf32, #tpu.memory_space<vmem>>, vector<16xf32>,
    %get3A_986 = vector.shape_cast %get3A_985 : vector<16xf32> to vector<16xf32>
    %get3A_987 = arith.constant 12800 : index
    %get3A_988 = tpu.vector_load %arg7[%get3A_987] {strides = array<i32>} : memref<13312xf32, #tpu.memory_space<vmem>>, vector<16xf32>,
    %get3A_989 = vector.shape_cast %get3A_988 : vector<16xf32> to vector<16xf32>
    %add3A_990 = arith.addf %get3A_986, %get3A_989 : vector<16xf32>
    %add3A_991 = vector.broadcast %squeeze3A : f32 to vector<16xf32>
    %add3A_992 = arith.addf %add3A_990, %add3A_991 : vector<16xf32>
    %neg3A = arith.constant 0.000000e+00 : f32
    %neg3A_993 = vector.broadcast %neg3A : f32 to vector<16xf32>
    %neg3A_994 = arith.subf %neg3A_993, %add3A_992 : vector<16xf32>
    %exp3A = math.exp %neg3A_994 : vector<16xf32>
    %add3A_995 = arith.constant 1.000000e+00 : f32
    %add3A_996 = vector.broadcast %add3A_995 : f32 to vector<16xf32>
    %add3A_997 = arith.addf %add3A_996, %exp3A : vector<16xf32>
    %div3A = arith.constant 1.000000e+00 : f32
    %div3A_998 = vector.broadcast %div3A : f32 to vector<16xf32>
    %div3A_999 = arith.divf %div3A_998, %add3A_997 : vector<16xf32>
    %swap3A = arith.constant 0 : index
    %swap3A_1000 = tpu.vector_load %arg8[%swap3A] {strides = array<i32>} : memref<512xf32, #tpu.memory_space<vmem>>, vector<16xf32>,
    %swap3A_1001 = vector.shape_cast %swap3A_1000 : vector<16xf32> to vector<16xf32>
    %swap3A_1002 = vector.shape_cast %div3A_999 : vector<16xf32> to vector<16xf32>
    tpu.vector_store %arg8[%swap3A], %swap3A_1002 {strides = array<i32>} : memref<512xf32, #tpu.memory_space<vmem>>, vector<16xf32>,
    %get3A_1003 = arith.constant 16 : index
    %get3A_1004 = tpu.vector_load %arg8[%get3A_1003] {strides = array<i32>} : memref<512xf32, #tpu.memory_space<vmem>>, vector<16xf32>,
    %get3A_1005 = vector.shape_cast %get3A_1004 : vector<16xf32> to vector<16xf32>
    %get3A_1006 = arith.constant 12816 : index
    %get3A_1007 = tpu.vector_load %arg7[%get3A_1006] {strides = array<i32>} : memref<13312xf32, #tpu.memory_space<vmem>>, vector<16xf32>,
    %get3A_1008 = vector.shape_cast %get3A_1007 : vector<16xf32> to vector<16xf32>
    %add3A_1009 = arith.addf %get3A_1005, %get3A_1008 : vector<16xf32>
    %add3A_1010 = vector.broadcast %squeeze3A : f32 to vector<16xf32>
    %add3A_1011 = arith.addf %add3A_1009, %add3A_1010 : vector<16xf32>
    %neg3A_1012 = arith.constant 0.000000e+00 : f32
    %neg3A_1013 = vector.broadcast %neg3A_1012 : f32 to vector<16xf32>
    %neg3A_1014 = arith.subf %neg3A_1013, %add3A_1011 : vector<16xf32>
    %exp3A_1015 = math.exp %neg3A_1014 : vector<16xf32>
    %add3A_1016 = arith.constant 1.000000e+00 : f32
    %add3A_1017 = vector.broadcast %add3A_1016 : f32 to vector<16xf32>
    %add3A_1018 = arith.addf %add3A_1017, %exp3A_1015 : vector<16xf32>
    %div3A_1019 = arith.constant 1.000000e+00 : f32
    %div3A_1020 = vector.broadcast %div3A_1019 : f32 to vector<16xf32>
    %div3A_1021 = arith.divf %div3A_1020, %add3A_1018 : vector<16xf32>
    %swap3A_1022 = arith.constant 16 : index
    %swap3A_1023 = tpu.vector_load %arg8[%swap3A_1022] {strides = array<i32>} : memref<512xf32, #tpu.memory_space<vmem>>, vector<16xf32>,
    %swap3A_1024 = vector.shape_cast %swap3A_1023 : vector<16xf32> to vector<16xf32>
    %swap3A_1025 = vector.shape_cast %div3A_1021 : vector<16xf32> to vector<16xf32>
    tpu.vector_store %arg8[%swap3A_1022], %swap3A_1025 {strides = array<i32>} : memref<512xf32, #tpu.memory_space<vmem>>, vector<16xf32>,
    %get3A_1026 = arith.constant 32 : index
    %get3A_1027 = tpu.vector_load %arg8[%get3A_1026] {strides = array<i32>} : memref<512xf32, #tpu.memory_space<vmem>>, vector<16xf32>,
    %get3A_1028 = vector.shape_cast %get3A_1027 : vector<16xf32> to vector<16xf32>
    %get3A_1029 = arith.constant 12832 : index
    %get3A_1030 = tpu.vector_load %arg7[%get3A_1029] {strides = array<i32>} : memref<13312xf32, #tpu.memory_space<vmem>>, vector<16xf32>,
    %get3A_1031 = vector.shape_cast %get3A_1030 : vector<16xf32> to vector<16xf32>
    %add3A_1032 = arith.addf %get3A_1028, %get3A_1031 : vector<16xf32>
    %add3A_1033 = vector.broadcast %squeeze3A : f32 to vector<16xf32>
    %add3A_1034 = arith.addf %add3A_1032, %add3A_1033 : vector<16xf32>
    %neg3A_1035 = arith.constant 0.000000e+00 : f32
    %neg3A_1036 = vector.broadcast %neg3A_1035 : f32 to vector<16xf32>
    %neg3A_1037 = arith.subf %neg3A_1036, %add3A_1034 : vector<16xf32>
    %exp3A_1038 = math.exp %neg3A_1037 : vector<16xf32>
    %add3A_1039 = arith.constant 1.000000e+00 : f32
    %add3A_1040 = vector.broadcast %add3A_1039 : f32 to vector<16xf32>
    %add3A_1041 = arith.addf %add3A_1040, %exp3A_1038 : vector<16xf32>
    %div3A_1042 = arith.constant 1.000000e+00 : f32
    %div3A_1043 = vector.broadcast %div3A_1042 : f32 to vector<16xf32>
    %div3A_1044 = arith.divf %div3A_1043, %add3A_1041 : vector<16xf32>
    %swap3A_1045 = arith.constant 32 : index
    %swap3A_1046 = tpu.vector_load %arg8[%swap3A_1045] {strides = array<i32>} : memref<512xf32, #tpu.memory_space<vmem>>, vector<16xf32>,
    %swap3A_1047 = vector.shape_cast %swap3A_1046 : vector<16xf32> to vector<16xf32>
    %swap3A_1048 = vector.shape_cast %div3A_1044 : vector<16xf32> to vector<16xf32>
    tpu.vector_store %arg8[%swap3A_1045], %swap3A_1048 {strides = array<i32>} : memref<512xf32, #tpu.memory_space<vmem>>, vector<16xf32>,
    %get3A_1049 = arith.constant 48 : index
    %get3A_1050 = tpu.vector_load %arg8[%get3A_1049] {strides = array<i32>} : memref<512xf32, #tpu.memory_space<vmem>>, vector<16xf32>,
    %get3A_1051 = vector.shape_cast %get3A_1050 : vector<16xf32> to vector<16xf32>
    %get3A_1052 = arith.constant 12848 : index
    %get3A_1053 = tpu.vector_load %arg7[%get3A_1052] {strides = array<i32>} : memref<13312xf32, #tpu.memory_space<vmem>>, vector<16xf32>,
    %get3A_1054 = vector.shape_cast %get3A_1053 : vector<16xf32> to vector<16xf32>
    %add3A_1055 = arith.addf %get3A_1051, %get3A_1054 : vector<16xf32>
    %add3A_1056 = vector.broadcast %squeeze3A : f32 to vector<16xf32>
    %add3A_1057 = arith.addf %add3A_1055, %add3A_1056 : vector<16xf32>
    %neg3A_1058 = arith.constant 0.000000e+00 : f32
    %neg3A_1059 = vector.broadcast %neg3A_1058 : f32 to vector<16xf32>
    %neg3A_1060 = arith.subf %neg3A_1059, %add3A_1057 : vector<16xf32>
    %exp3A_1061 = math.exp %neg3A_1060 : vector<16xf32>
    %add3A_1062 = arith.constant 1.000000e+00 : f32
    %add3A_1063 = vector.broadcast %add3A_1062 : f32 to vector<16xf32>
    %add3A_1064 = arith.addf %add3A_1063, %exp3A_1061 : vector<16xf32>
    %div3A_1065 = arith.constant 1.000000e+00 : f32
    %div3A_1066 = vector.broadcast %div3A_1065 : f32 to vector<16xf32>
    %div3A_1067 = arith.divf %div3A_1066, %add3A_1064 : vector<16xf32>
    %swap3A_1068 = arith.constant 48 : index
    %swap3A_1069 = tpu.vector_load %arg8[%swap3A_1068] {strides = array<i32>} : memref<512xf32, #tpu.memory_space<vmem>>, vector<16xf32>,
    %swap3A_1070 = vector.shape_cast %swap3A_1069 : vector<16xf32> to vector<16xf32>
    %swap3A_1071 = vector.shape_cast %div3A_1067 : vector<16xf32> to vector<16xf32>
    tpu.vector_store %arg8[%swap3A_1068], %swap3A_1071 {strides = array<i32>} : memref<512xf32, #tpu.memory_space<vmem>>, vector<16xf32>,
    %get3A_1072 = arith.constant 64 : index
    %get3A_1073 = tpu.vector_load %arg8[%get3A_1072] {strides = array<i32>} : memref<512xf32, #tpu.memory_space<vmem>>, vector<16xf32>,
    %get3A_1074 = vector.shape_cast %get3A_1073 : vector<16xf32> to vector<16xf32>
    %get3A_1075 = arith.constant 12864 : index
    %get3A_1076 = tpu.vector_load %arg7[%get3A_1075] {strides = array<i32>} : memref<13312xf32, #tpu.memory_space<vmem>>, vector<16xf32>,
    %get3A_1077 = vector.shape_cast %get3A_1076 : vector<16xf32> to vector<16xf32>
    %add3A_1078 = arith.addf %get3A_1074, %get3A_1077 : vector<16xf32>
    %add3A_1079 = vector.broadcast %squeeze3A : f32 to vector<16xf32>
    %add3A_1080 = arith.addf %add3A_1078, %add3A_1079 : vector<16xf32>
    %neg3A_1081 = arith.constant 0.000000e+00 : f32
    %neg3A_1082 = vector.broadcast %neg3A_1081 : f32 to vector<16xf32>
    %neg3A_1083 = arith.subf %neg3A_1082, %add3A_1080 : vector<16xf32>
    %exp3A_1084 = math.exp %neg3A_1083 : vector<16xf32>
    %add3A_1085 = arith.constant 1.000000e+00 : f32
    %add3A_1086 = vector.broadcast %add3A_1085 : f32 to vector<16xf32>
    %add3A_1087 = arith.addf %add3A_1086, %exp3A_1084 : vector<16xf32>
    %div3A_1088 = arith.constant 1.000000e+00 : f32
    %div3A_1089 = vector.broadcast %div3A_1088 : f32 to vector<16xf32>
    %div3A_1090 = arith.divf %div3A_1089, %add3A_1087 : vector<16xf32>
    %swap3A_1091 = arith.constant 64 : index
    %swap3A_1092 = tpu.vector_load %arg8[%swap3A_1091] {strides = array<i32>} : memref<512xf32, #tpu.memory_space<vmem>>, vector<16xf32>,
    %swap3A_1093 = vector.shape_cast %swap3A_1092 : vector<16xf32> to vector<16xf32>
    %swap3A_1094 = vector.shape_cast %div3A_1090 : vector<16xf32> to vector<16xf32>
    tpu.vector_store %arg8[%swap3A_1091], %swap3A_1094 {strides = array<i32>} : memref<512xf32, #tpu.memory_space<vmem>>, vector<16xf32>,
    %get3A_1095 = arith.constant 80 : index
    %get3A_1096 = tpu.vector_load %arg8[%get3A_1095] {strides = array<i32>} : memref<512xf32, #tpu.memory_space<vmem>>, vector<16xf32>,
    %get3A_1097 = vector.shape_cast %get3A_1096 : vector<16xf32> to vector<16xf32>
    %get3A_1098 = arith.constant 12880 : index
    %get3A_1099 = tpu.vector_load %arg7[%get3A_1098] {strides = array<i32>} : memref<13312xf32, #tpu.memory_space<vmem>>, vector<16xf32>,
    %get3A_1100 = vector.shape_cast %get3A_1099 : vector<16xf32> to vector<16xf32>
    %add3A_1101 = arith.addf %get3A_1097, %get3A_1100 : vector<16xf32>
    %add3A_1102 = vector.broadcast %squeeze3A : f32 to vector<16xf32>
    %add3A_1103 = arith.addf %add3A_1101, %add3A_1102 : vector<16xf32>
    %neg3A_1104 = arith.constant 0.000000e+00 : f32
    %neg3A_1105 = vector.broadcast %neg3A_1104 : f32 to vector<16xf32>
    %neg3A_1106 = arith.subf %neg3A_1105, %add3A_1103 : vector<16xf32>
    %exp3A_1107 = math.exp %neg3A_1106 : vector<16xf32>
    %add3A_1108 = arith.constant 1.000000e+00 : f32
    %add3A_1109 = vector.broadcast %add3A_1108 : f32 to vector<16xf32>
    %add3A_1110 = arith.addf %add3A_1109, %exp3A_1107 : vector<16xf32>
    %div3A_1111 = arith.constant 1.000000e+00 : f32
    %div3A_1112 = vector.broadcast %div3A_1111 : f32 to vector<16xf32>
    %div3A_1113 = arith.divf %div3A_1112, %add3A_1110 : vector<16xf32>
    %swap3A_1114 = arith.constant 80 : index
    %swap3A_1115 = tpu.vector_load %arg8[%swap3A_1114] {strides = array<i32>} : memref<512xf32, #tpu.memory_space<vmem>>, vector<16xf32>,
    %swap3A_1116 = vector.shape_cast %swap3A_1115 : vector<16xf32> to vector<16xf32>
    %swap3A_1117 = vector.shape_cast %div3A_1113 : vector<16xf32> to vector<16xf32>
    tpu.vector_store %arg8[%swap3A_1114], %swap3A_1117 {strides = array<i32>} : memref<512xf32, #tpu.memory_space<vmem>>, vector<16xf32>,
    %get3A_1118 = arith.constant 96 : index
    %get3A_1119 = tpu.vector_load %arg8[%get3A_1118] {strides = array<i32>} : memref<512xf32, #tpu.memory_space<vmem>>, vector<16xf32>,
    %get3A_1120 = vector.shape_cast %get3A_1119 : vector<16xf32> to vector<16xf32>
    %get3A_1121 = arith.constant 12896 : index
    %get3A_1122 = tpu.vector_load %arg7[%get3A_1121] {strides = array<i32>} : memref<13312xf32, #tpu.memory_space<vmem>>, vector<16xf32>,
    %get3A_1123 = vector.shape_cast %get3A_1122 : vector<16xf32> to vector<16xf32>
    %add3A_1124 = arith.addf %get3A_1120, %get3A_1123 : vector<16xf32>
    %add3A_1125 = vector.broadcast %squeeze3A : f32 to vector<16xf32>
    %add3A_1126 = arith.addf %add3A_1124, %add3A_1125 : vector<16xf32>
    %neg3A_1127 = arith.constant 0.000000e+00 : f32
    %neg3A_1128 = vector.broadcast %neg3A_1127 : f32 to vector<16xf32>
    %neg3A_1129 = arith.subf %neg3A_1128, %add3A_1126 : vector<16xf32>
    %exp3A_1130 = math.exp %neg3A_1129 : vector<16xf32>
    %add3A_1131 = arith.constant 1.000000e+00 : f32
    %add3A_1132 = vector.broadcast %add3A_1131 : f32 to vector<16xf32>
    %add3A_1133 = arith.addf %add3A_1132, %exp3A_1130 : vector<16xf32>
    %div3A_1134 = arith.constant 1.000000e+00 : f32
    %div3A_1135 = vector.broadcast %div3A_1134 : f32 to vector<16xf32>
    %div3A_1136 = arith.divf %div3A_1135, %add3A_1133 : vector<16xf32>
    %swap3A_1137 = arith.constant 96 : index
    %swap3A_1138 = tpu.vector_load %arg8[%swap3A_1137] {strides = array<i32>} : memref<512xf32, #tpu.memory_space<vmem>>, vector<16xf32>,
    %swap3A_1139 = vector.shape_cast %swap3A_1138 : vector<16xf32> to vector<16xf32>
    %swap3A_1140 = vector.shape_cast %div3A_1136 : vector<16xf32> to vector<16xf32>
    tpu.vector_store %arg8[%swap3A_1137], %swap3A_1140 {strides = array<i32>} : memref<512xf32, #tpu.memory_space<vmem>>, vector<16xf32>,
    %get3A_1141 = arith.constant 112 : index
    %get3A_1142 = tpu.vector_load %arg8[%get3A_1141] {strides = array<i32>} : memref<512xf32, #tpu.memory_space<vmem>>, vector<16xf32>,
    %get3A_1143 = vector.shape_cast %get3A_1142 : vector<16xf32> to vector<16xf32>
    %get3A_1144 = arith.constant 12912 : index
    %get3A_1145 = tpu.vector_load %arg7[%get3A_1144] {strides = array<i32>} : memref<13312xf32, #tpu.memory_space<vmem>>, vector<16xf32>,
    %get3A_1146 = vector.shape_cast %get3A_1145 : vector<16xf32> to vector<16xf32>
    %add3A_1147 = arith.addf %get3A_1143, %get3A_1146 : vector<16xf32>
    %add3A_1148 = vector.broadcast %squeeze3A : f32 to vector<16xf32>
    %add3A_1149 = arith.addf %add3A_1147, %add3A_1148 : vector<16xf32>
    %neg3A_1150 = arith.constant 0.000000e+00 : f32
    %neg3A_1151 = vector.broadcast %neg3A_1150 : f32 to vector<16xf32>
    %neg3A_1152 = arith.subf %neg3A_1151, %add3A_1149 : vector<16xf32>
    %exp3A_1153 = math.exp %neg3A_1152 : vector<16xf32>
    %add3A_1154 = arith.constant 1.000000e+00 : f32
    %add3A_1155 = vector.broadcast %add3A_1154 : f32 to vector<16xf32>
    %add3A_1156 = arith.addf %add3A_1155, %exp3A_1153 : vector<16xf32>
    %div3A_1157 = arith.constant 1.000000e+00 : f32
    %div3A_1158 = vector.broadcast %div3A_1157 : f32 to vector<16xf32>
    %div3A_1159 = arith.divf %div3A_1158, %add3A_1156 : vector<16xf32>
    %swap3A_1160 = arith.constant 112 : index
    %swap3A_1161 = tpu.vector_load %arg8[%swap3A_1160] {strides = array<i32>} : memref<512xf32, #tpu.memory_space<vmem>>, vector<16xf32>,
    %swap3A_1162 = vector.shape_cast %swap3A_1161 : vector<16xf32> to vector<16xf32>
    %swap3A_1163 = vector.shape_cast %div3A_1159 : vector<16xf32> to vector<16xf32>
    tpu.vector_store %arg8[%swap3A_1160], %swap3A_1163 {strides = array<i32>} : memref<512xf32, #tpu.memory_space<vmem>>, vector<16xf32>,
    %get3A_1164 = arith.constant 128 : index
    %get3A_1165 = tpu.vector_load %arg8[%get3A_1164] {strides = array<i32>} : memref<512xf32, #tpu.memory_space<vmem>>, vector<16xf32>,
    %get3A_1166 = vector.shape_cast %get3A_1165 : vector<16xf32> to vector<16xf32>
    %get3A_1167 = arith.constant 12928 : index
    %get3A_1168 = tpu.vector_load %arg7[%get3A_1167] {strides = array<i32>} : memref<13312xf32, #tpu.memory_space<vmem>>, vector<16xf32>,
    %get3A_1169 = vector.shape_cast %get3A_1168 : vector<16xf32> to vector<16xf32>
    %add3A_1170 = arith.addf %get3A_1166, %get3A_1169 : vector<16xf32>
    %add3A_1171 = vector.broadcast %squeeze3A : f32 to vector<16xf32>
    %add3A_1172 = arith.addf %add3A_1170, %add3A_1171 : vector<16xf32>
    %neg3A_1173 = arith.constant 0.000000e+00 : f32
    %neg3A_1174 = vector.broadcast %neg3A_1173 : f32 to vector<16xf32>
    %neg3A_1175 = arith.subf %neg3A_1174, %add3A_1172 : vector<16xf32>
    %exp3A_1176 = math.exp %neg3A_1175 : vector<16xf32>
    %add3A_1177 = arith.constant 1.000000e+00 : f32
    %add3A_1178 = vector.broadcast %add3A_1177 : f32 to vector<16xf32>
    %add3A_1179 = arith.addf %add3A_1178, %exp3A_1176 : vector<16xf32>
    %div3A_1180 = arith.constant 1.000000e+00 : f32
    %div3A_1181 = vector.broadcast %div3A_1180 : f32 to vector<16xf32>
    %div3A_1182 = arith.divf %div3A_1181, %add3A_1179 : vector<16xf32>
    %swap3A_1183 = arith.constant 128 : index
    %swap3A_1184 = tpu.vector_load %arg8[%swap3A_1183] {strides = array<i32>} : memref<512xf32, #tpu.memory_space<vmem>>, vector<16xf32>,
    %swap3A_1185 = vector.shape_cast %swap3A_1184 : vector<16xf32> to vector<16xf32>
    %swap3A_1186 = vector.shape_cast %div3A_1182 : vector<16xf32> to vector<16xf32>
    tpu.vector_store %arg8[%swap3A_1183], %swap3A_1186 {strides = array<i32>} : memref<512xf32, #tpu.memory_space<vmem>>, vector<16xf32>,
    %get3A_1187 = arith.constant 144 : index
    %get3A_1188 = tpu.vector_load %arg8[%get3A_1187] {strides = array<i32>} : memref<512xf32, #tpu.memory_space<vmem>>, vector<16xf32>,
    %get3A_1189 = vector.shape_cast %get3A_1188 : vector<16xf32> to vector<16xf32>
    %get3A_1190 = arith.constant 12944 : index
    %get3A_1191 = tpu.vector_load %arg7[%get3A_1190] {strides = array<i32>} : memref<13312xf32, #tpu.memory_space<vmem>>, vector<16xf32>,
    %get3A_1192 = vector.shape_cast %get3A_1191 : vector<16xf32> to vector<16xf32>
    %add3A_1193 = arith.addf %get3A_1189, %get3A_1192 : vector<16xf32>
    %add3A_1194 = vector.broadcast %squeeze3A : f32 to vector<16xf32>
    %add3A_1195 = arith.addf %add3A_1193, %add3A_1194 : vector<16xf32>
    %neg3A_1196 = arith.constant 0.000000e+00 : f32
    %neg3A_1197 = vector.broadcast %neg3A_1196 : f32 to vector<16xf32>
    %neg3A_1198 = arith.subf %neg3A_1197, %add3A_1195 : vector<16xf32>
    %exp3A_1199 = math.exp %neg3A_1198 : vector<16xf32>
    %add3A_1200 = arith.constant 1.000000e+00 : f32
    %add3A_1201 = vector.broadcast %add3A_1200 : f32 to vector<16xf32>
    %add3A_1202 = arith.addf %add3A_1201, %exp3A_1199 : vector<16xf32>
    %div3A_1203 = arith.constant 1.000000e+00 : f32
    %div3A_1204 = vector.broadcast %div3A_1203 : f32 to vector<16xf32>
    %div3A_1205 = arith.divf %div3A_1204, %add3A_1202 : vector<16xf32>
    %swap3A_1206 = arith.constant 144 : index
    %swap3A_1207 = tpu.vector_load %arg8[%swap3A_1206] {strides = array<i32>} : memref<512xf32, #tpu.memory_space<vmem>>, vector<16xf32>,
    %swap3A_1208 = vector.shape_cast %swap3A_1207 : vector<16xf32> to vector<16xf32>
    %swap3A_1209 = vector.shape_cast %div3A_1205 : vector<16xf32> to vector<16xf32>
    tpu.vector_store %arg8[%swap3A_1206], %swap3A_1209 {strides = array<i32>} : memref<512xf32, #tpu.memory_space<vmem>>, vector<16xf32>,
    %get3A_1210 = arith.constant 160 : index
    %get3A_1211 = tpu.vector_load %arg8[%get3A_1210] {strides = array<i32>} : memref<512xf32, #tpu.memory_space<vmem>>, vector<16xf32>,
    %get3A_1212 = vector.shape_cast %get3A_1211 : vector<16xf32> to vector<16xf32>
    %get3A_1213 = arith.constant 12960 : index
    %get3A_1214 = tpu.vector_load %arg7[%get3A_1213] {strides = array<i32>} : memref<13312xf32, #tpu.memory_space<vmem>>, vector<16xf32>,
    %get3A_1215 = vector.shape_cast %get3A_1214 : vector<16xf32> to vector<16xf32>
    %add3A_1216 = arith.addf %get3A_1212, %get3A_1215 : vector<16xf32>
    %add3A_1217 = vector.broadcast %squeeze3A : f32 to vector<16xf32>
    %add3A_1218 = arith.addf %add3A_1216, %add3A_1217 : vector<16xf32>
    %neg3A_1219 = arith.constant 0.000000e+00 : f32
    %neg3A_1220 = vector.broadcast %neg3A_1219 : f32 to vector<16xf32>
    %neg3A_1221 = arith.subf %neg3A_1220, %add3A_1218 : vector<16xf32>
    %exp3A_1222 = math.exp %neg3A_1221 : vector<16xf32>
    %add3A_1223 = arith.constant 1.000000e+00 : f32
    %add3A_1224 = vector.broadcast %add3A_1223 : f32 to vector<16xf32>
    %add3A_1225 = arith.addf %add3A_1224, %exp3A_1222 : vector<16xf32>
    %div3A_1226 = arith.constant 1.000000e+00 : f32
    %div3A_1227 = vector.broadcast %div3A_1226 : f32 to vector<16xf32>
    %div3A_1228 = arith.divf %div3A_1227, %add3A_1225 : vector<16xf32>
    %swap3A_1229 = arith.constant 160 : index
    %swap3A_1230 = tpu.vector_load %arg8[%swap3A_1229] {strides = array<i32>} : memref<512xf32, #tpu.memory_space<vmem>>, vector<16xf32>,
    %swap3A_1231 = vector.shape_cast %swap3A_1230 : vector<16xf32> to vector<16xf32>
    %swap3A_1232 = vector.shape_cast %div3A_1228 : vector<16xf32> to vector<16xf32>
    tpu.vector_store %arg8[%swap3A_1229], %swap3A_1232 {strides = array<i32>} : memref<512xf32, #tpu.memory_space<vmem>>, vector<16xf32>,
    %get3A_1233 = arith.constant 176 : index
    %get3A_1234 = tpu.vector_load %arg8[%get3A_1233] {strides = array<i32>} : memref<512xf32, #tpu.memory_space<vmem>>, vector<16xf32>,
    %get3A_1235 = vector.shape_cast %get3A_1234 : vector<16xf32> to vector<16xf32>
    %get3A_1236 = arith.constant 12976 : index
    %get3A_1237 = tpu.vector_load %arg7[%get3A_1236] {strides = array<i32>} : memref<13312xf32, #tpu.memory_space<vmem>>, vector<16xf32>,
    %get3A_1238 = vector.shape_cast %get3A_1237 : vector<16xf32> to vector<16xf32>
    %add3A_1239 = arith.addf %get3A_1235, %get3A_1238 : vector<16xf32>
    %add3A_1240 = vector.broadcast %squeeze3A : f32 to vector<16xf32>
    %add3A_1241 = arith.addf %add3A_1239, %add3A_1240 : vector<16xf32>
    %neg3A_1242 = arith.constant 0.000000e+00 : f32
    %neg3A_1243 = vector.broadcast %neg3A_1242 : f32 to vector<16xf32>
    %neg3A_1244 = arith.subf %neg3A_1243, %add3A_1241 : vector<16xf32>
    %exp3A_1245 = math.exp %neg3A_1244 : vector<16xf32>
    %add3A_1246 = arith.constant 1.000000e+00 : f32
    %add3A_1247 = vector.broadcast %add3A_1246 : f32 to vector<16xf32>
    %add3A_1248 = arith.addf %add3A_1247, %exp3A_1245 : vector<16xf32>
    %div3A_1249 = arith.constant 1.000000e+00 : f32
    %div3A_1250 = vector.broadcast %div3A_1249 : f32 to vector<16xf32>
    %div3A_1251 = arith.divf %div3A_1250, %add3A_1248 : vector<16xf32>
    %swap3A_1252 = arith.constant 176 : index
    %swap3A_1253 = tpu.vector_load %arg8[%swap3A_1252] {strides = array<i32>} : memref<512xf32, #tpu.memory_space<vmem>>, vector<16xf32>,
    %swap3A_1254 = vector.shape_cast %swap3A_1253 : vector<16xf32> to vector<16xf32>
    %swap3A_1255 = vector.shape_cast %div3A_1251 : vector<16xf32> to vector<16xf32>
    tpu.vector_store %arg8[%swap3A_1252], %swap3A_1255 {strides = array<i32>} : memref<512xf32, #tpu.memory_space<vmem>>, vector<16xf32>,
    %get3A_1256 = arith.constant 192 : index
    %get3A_1257 = tpu.vector_load %arg8[%get3A_1256] {strides = array<i32>} : memref<512xf32, #tpu.memory_space<vmem>>, vector<16xf32>,
    %get3A_1258 = vector.shape_cast %get3A_1257 : vector<16xf32> to vector<16xf32>
    %get3A_1259 = arith.constant 12992 : index
    %get3A_1260 = tpu.vector_load %arg7[%get3A_1259] {strides = array<i32>} : memref<13312xf32, #tpu.memory_space<vmem>>, vector<16xf32>,
    %get3A_1261 = vector.shape_cast %get3A_1260 : vector<16xf32> to vector<16xf32>
    %add3A_1262 = arith.addf %get3A_1258, %get3A_1261 : vector<16xf32>
    %add3A_1263 = vector.broadcast %squeeze3A : f32 to vector<16xf32>
    %add3A_1264 = arith.addf %add3A_1262, %add3A_1263 : vector<16xf32>
    %neg3A_1265 = arith.constant 0.000000e+00 : f32
    %neg3A_1266 = vector.broadcast %neg3A_1265 : f32 to vector<16xf32>
    %neg3A_1267 = arith.subf %neg3A_1266, %add3A_1264 : vector<16xf32>
    %exp3A_1268 = math.exp %neg3A_1267 : vector<16xf32>
    %add3A_1269 = arith.constant 1.000000e+00 : f32
    %add3A_1270 = vector.broadcast %add3A_1269 : f32 to vector<16xf32>
    %add3A_1271 = arith.addf %add3A_1270, %exp3A_1268 : vector<16xf32>
    %div3A_1272 = arith.constant 1.000000e+00 : f32
    %div3A_1273 = vector.broadcast %div3A_1272 : f32 to vector<16xf32>
    %div3A_1274 = arith.divf %div3A_1273, %add3A_1271 : vector<16xf32>
    %swap3A_1275 = arith.constant 192 : index
    %swap3A_1276 = tpu.vector_load %arg8[%swap3A_1275] {strides = array<i32>} : memref<512xf32, #tpu.memory_space<vmem>>, vector<16xf32>,
    %swap3A_1277 = vector.shape_cast %swap3A_1276 : vector<16xf32> to vector<16xf32>
    %swap3A_1278 = vector.shape_cast %div3A_1274 : vector<16xf32> to vector<16xf32>
    tpu.vector_store %arg8[%swap3A_1275], %swap3A_1278 {strides = array<i32>} : memref<512xf32, #tpu.memory_space<vmem>>, vector<16xf32>,
    %get3A_1279 = arith.constant 208 : index
    %get3A_1280 = tpu.vector_load %arg8[%get3A_1279] {strides = array<i32>} : memref<512xf32, #tpu.memory_space<vmem>>, vector<16xf32>,
    %get3A_1281 = vector.shape_cast %get3A_1280 : vector<16xf32> to vector<16xf32>
    %get3A_1282 = arith.constant 13008 : index
    %get3A_1283 = tpu.vector_load %arg7[%get3A_1282] {strides = array<i32>} : memref<13312xf32, #tpu.memory_space<vmem>>, vector<16xf32>,
    %get3A_1284 = vector.shape_cast %get3A_1283 : vector<16xf32> to vector<16xf32>
    %add3A_1285 = arith.addf %get3A_1281, %get3A_1284 : vector<16xf32>
    %add3A_1286 = vector.broadcast %squeeze3A : f32 to vector<16xf32>
    %add3A_1287 = arith.addf %add3A_1285, %add3A_1286 : vector<16xf32>
    %neg3A_1288 = arith.constant 0.000000e+00 : f32
    %neg3A_1289 = vector.broadcast %neg3A_1288 : f32 to vector<16xf32>
    %neg3A_1290 = arith.subf %neg3A_1289, %add3A_1287 : vector<16xf32>
    %exp3A_1291 = math.exp %neg3A_1290 : vector<16xf32>
    %add3A_1292 = arith.constant 1.000000e+00 : f32
    %add3A_1293 = vector.broadcast %add3A_1292 : f32 to vector<16xf32>
    %add3A_1294 = arith.addf %add3A_1293, %exp3A_1291 : vector<16xf32>
    %div3A_1295 = arith.constant 1.000000e+00 : f32
    %div3A_1296 = vector.broadcast %div3A_1295 : f32 to vector<16xf32>
    %div3A_1297 = arith.divf %div3A_1296, %add3A_1294 : vector<16xf32>
    %swap3A_1298 = arith.constant 208 : index
    %swap3A_1299 = tpu.vector_load %arg8[%swap3A_1298] {strides = array<i32>} : memref<512xf32, #tpu.memory_space<vmem>>, vector<16xf32>,
    %swap3A_1300 = vector.shape_cast %swap3A_1299 : vector<16xf32> to vector<16xf32>
    %swap3A_1301 = vector.shape_cast %div3A_1297 : vector<16xf32> to vector<16xf32>
    tpu.vector_store %arg8[%swap3A_1298], %swap3A_1301 {strides = array<i32>} : memref<512xf32, #tpu.memory_space<vmem>>, vector<16xf32>,
    %get3A_1302 = arith.constant 224 : index
    %get3A_1303 = tpu.vector_load %arg8[%get3A_1302] {strides = array<i32>} : memref<512xf32, #tpu.memory_space<vmem>>, vector<16xf32>,
    %get3A_1304 = vector.shape_cast %get3A_1303 : vector<16xf32> to vector<16xf32>
    %get3A_1305 = arith.constant 13024 : index
    %get3A_1306 = tpu.vector_load %arg7[%get3A_1305] {strides = array<i32>} : memref<13312xf32, #tpu.memory_space<vmem>>, vector<16xf32>,
    %get3A_1307 = vector.shape_cast %get3A_1306 : vector<16xf32> to vector<16xf32>
    %add3A_1308 = arith.addf %get3A_1304, %get3A_1307 : vector<16xf32>
    %add3A_1309 = vector.broadcast %squeeze3A : f32 to vector<16xf32>
    %add3A_1310 = arith.addf %add3A_1308, %add3A_1309 : vector<16xf32>
    %neg3A_1311 = arith.constant 0.000000e+00 : f32
    %neg3A_1312 = vector.broadcast %neg3A_1311 : f32 to vector<16xf32>
    %neg3A_1313 = arith.subf %neg3A_1312, %add3A_1310 : vector<16xf32>
    %exp3A_1314 = math.exp %neg3A_1313 : vector<16xf32>
    %add3A_1315 = arith.constant 1.000000e+00 : f32
    %add3A_1316 = vector.broadcast %add3A_1315 : f32 to vector<16xf32>
    %add3A_1317 = arith.addf %add3A_1316, %exp3A_1314 : vector<16xf32>
    %div3A_1318 = arith.constant 1.000000e+00 : f32
    %div3A_1319 = vector.broadcast %div3A_1318 : f32 to vector<16xf32>
    %div3A_1320 = arith.divf %div3A_1319, %add3A_1317 : vector<16xf32>
    %swap3A_1321 = arith.constant 224 : index
    %swap3A_1322 = tpu.vector_load %arg8[%swap3A_1321] {strides = array<i32>} : memref<512xf32, #tpu.memory_space<vmem>>, vector<16xf32>,
    %swap3A_1323 = vector.shape_cast %swap3A_1322 : vector<16xf32> to vector<16xf32>
    %swap3A_1324 = vector.shape_cast %div3A_1320 : vector<16xf32> to vector<16xf32>
    tpu.vector_store %arg8[%swap3A_1321], %swap3A_1324 {strides = array<i32>} : memref<512xf32, #tpu.memory_space<vmem>>, vector<16xf32>,
    %get3A_1325 = arith.constant 240 : index
    %get3A_1326 = tpu.vector_load %arg8[%get3A_1325] {strides = array<i32>} : memref<512xf32, #tpu.memory_space<vmem>>, vector<16xf32>,
    %get3A_1327 = vector.shape_cast %get3A_1326 : vector<16xf32> to vector<16xf32>
    %get3A_1328 = arith.constant 13040 : index
    %get3A_1329 = tpu.vector_load %arg7[%get3A_1328] {strides = array<i32>} : memref<13312xf32, #tpu.memory_space<vmem>>, vector<16xf32>,
    %get3A_1330 = vector.shape_cast %get3A_1329 : vector<16xf32> to vector<16xf32>
    %add3A_1331 = arith.addf %get3A_1327, %get3A_1330 : vector<16xf32>
    %add3A_1332 = vector.broadcast %squeeze3A : f32 to vector<16xf32>
    %add3A_1333 = arith.addf %add3A_1331, %add3A_1332 : vector<16xf32>
    %neg3A_1334 = arith.constant 0.000000e+00 : f32
    %neg3A_1335 = vector.broadcast %neg3A_1334 : f32 to vector<16xf32>
    %neg3A_1336 = arith.subf %neg3A_1335, %add3A_1333 : vector<16xf32>
    %exp3A_1337 = math.exp %neg3A_1336 : vector<16xf32>
    %add3A_1338 = arith.constant 1.000000e+00 : f32
    %add3A_1339 = vector.broadcast %add3A_1338 : f32 to vector<16xf32>
    %add3A_1340 = arith.addf %add3A_1339, %exp3A_1337 : vector<16xf32>
    %div3A_1341 = arith.constant 1.000000e+00 : f32
    %div3A_1342 = vector.broadcast %div3A_1341 : f32 to vector<16xf32>
    %div3A_1343 = arith.divf %div3A_1342, %add3A_1340 : vector<16xf32>
    %swap3A_1344 = arith.constant 240 : index
    %swap3A_1345 = tpu.vector_load %arg8[%swap3A_1344] {strides = array<i32>} : memref<512xf32, #tpu.memory_space<vmem>>, vector<16xf32>,
    %swap3A_1346 = vector.shape_cast %swap3A_1345 : vector<16xf32> to vector<16xf32>
    %swap3A_1347 = vector.shape_cast %div3A_1343 : vector<16xf32> to vector<16xf32>
    tpu.vector_store %arg8[%swap3A_1344], %swap3A_1347 {strides = array<i32>} : memref<512xf32, #tpu.memory_space<vmem>>, vector<16xf32>,
    %get3A_1348 = arith.constant 256 : index
    %get3A_1349 = tpu.vector_load %arg8[%get3A_1348] {strides = array<i32>} : memref<512xf32, #tpu.memory_space<vmem>>, vector<16xf32>,
    %get3A_1350 = vector.shape_cast %get3A_1349 : vector<16xf32> to vector<16xf32>
    %get3A_1351 = arith.constant 13056 : index
    %get3A_1352 = tpu.vector_load %arg7[%get3A_1351] {strides = array<i32>} : memref<13312xf32, #tpu.memory_space<vmem>>, vector<16xf32>,
    %get3A_1353 = vector.shape_cast %get3A_1352 : vector<16xf32> to vector<16xf32>
    %add3A_1354 = arith.addf %get3A_1350, %get3A_1353 : vector<16xf32>
    %add3A_1355 = vector.broadcast %squeeze3A : f32 to vector<16xf32>
    %add3A_1356 = arith.addf %add3A_1354, %add3A_1355 : vector<16xf32>
    %neg3A_1357 = arith.constant 0.000000e+00 : f32
    %neg3A_1358 = vector.broadcast %neg3A_1357 : f32 to vector<16xf32>
    %neg3A_1359 = arith.subf %neg3A_1358, %add3A_1356 : vector<16xf32>
    %exp3A_1360 = math.exp %neg3A_1359 : vector<16xf32>
    %add3A_1361 = arith.constant 1.000000e+00 : f32
    %add3A_1362 = vector.broadcast %add3A_1361 : f32 to vector<16xf32>
    %add3A_1363 = arith.addf %add3A_1362, %exp3A_1360 : vector<16xf32>
    %div3A_1364 = arith.constant 1.000000e+00 : f32
    %div3A_1365 = vector.broadcast %div3A_1364 : f32 to vector<16xf32>
    %div3A_1366 = arith.divf %div3A_1365, %add3A_1363 : vector<16xf32>
    %swap3A_1367 = arith.constant 256 : index
    %swap3A_1368 = tpu.vector_load %arg8[%swap3A_1367] {strides = array<i32>} : memref<512xf32, #tpu.memory_space<vmem>>, vector<16xf32>,
    %swap3A_1369 = vector.shape_cast %swap3A_1368 : vector<16xf32> to vector<16xf32>
    %swap3A_1370 = vector.shape_cast %div3A_1366 : vector<16xf32> to vector<16xf32>
    tpu.vector_store %arg8[%swap3A_1367], %swap3A_1370 {strides = array<i32>} : memref<512xf32, #tpu.memory_space<vmem>>, vector<16xf32>,
    %get3A_1371 = arith.constant 272 : index
    %get3A_1372 = tpu.vector_load %arg8[%get3A_1371] {strides = array<i32>} : memref<512xf32, #tpu.memory_space<vmem>>, vector<16xf32>,
    %get3A_1373 = vector.shape_cast %get3A_1372 : vector<16xf32> to vector<16xf32>
    %get3A_1374 = arith.constant 13072 : index
    %get3A_1375 = tpu.vector_load %arg7[%get3A_1374] {strides = array<i32>} : memref<13312xf32, #tpu.memory_space<vmem>>, vector<16xf32>,
    %get3A_1376 = vector.shape_cast %get3A_1375 : vector<16xf32> to vector<16xf32>
    %add3A_1377 = arith.addf %get3A_1373, %get3A_1376 : vector<16xf32>
    %add3A_1378 = vector.broadcast %squeeze3A : f32 to vector<16xf32>
    %add3A_1379 = arith.addf %add3A_1377, %add3A_1378 : vector<16xf32>
    %neg3A_1380 = arith.constant 0.000000e+00 : f32
    %neg3A_1381 = vector.broadcast %neg3A_1380 : f32 to vector<16xf32>
    %neg3A_1382 = arith.subf %neg3A_1381, %add3A_1379 : vector<16xf32>
    %exp3A_1383 = math.exp %neg3A_1382 : vector<16xf32>
    %add3A_1384 = arith.constant 1.000000e+00 : f32
    %add3A_1385 = vector.broadcast %add3A_1384 : f32 to vector<16xf32>
    %add3A_1386 = arith.addf %add3A_1385, %exp3A_1383 : vector<16xf32>
    %div3A_1387 = arith.constant 1.000000e+00 : f32
    %div3A_1388 = vector.broadcast %div3A_1387 : f32 to vector<16xf32>
    %div3A_1389 = arith.divf %div3A_1388, %add3A_1386 : vector<16xf32>
    %swap3A_1390 = arith.constant 272 : index
    %swap3A_1391 = tpu.vector_load %arg8[%swap3A_1390] {strides = array<i32>} : memref<512xf32, #tpu.memory_space<vmem>>, vector<16xf32>,
    %swap3A_1392 = vector.shape_cast %swap3A_1391 : vector<16xf32> to vector<16xf32>
    %swap3A_1393 = vector.shape_cast %div3A_1389 : vector<16xf32> to vector<16xf32>
    tpu.vector_store %arg8[%swap3A_1390], %swap3A_1393 {strides = array<i32>} : memref<512xf32, #tpu.memory_space<vmem>>, vector<16xf32>,
    %get3A_1394 = arith.constant 288 : index
    %get3A_1395 = tpu.vector_load %arg8[%get3A_1394] {strides = array<i32>} : memref<512xf32, #tpu.memory_space<vmem>>, vector<16xf32>,
    %get3A_1396 = vector.shape_cast %get3A_1395 : vector<16xf32> to vector<16xf32>
    %get3A_1397 = arith.constant 13088 : index
    %get3A_1398 = tpu.vector_load %arg7[%get3A_1397] {strides = array<i32>} : memref<13312xf32, #tpu.memory_space<vmem>>, vector<16xf32>,
    %get3A_1399 = vector.shape_cast %get3A_1398 : vector<16xf32> to vector<16xf32>
    %add3A_1400 = arith.addf %get3A_1396, %get3A_1399 : vector<16xf32>
    %add3A_1401 = vector.broadcast %squeeze3A : f32 to vector<16xf32>
    %add3A_1402 = arith.addf %add3A_1400, %add3A_1401 : vector<16xf32>
    %neg3A_1403 = arith.constant 0.000000e+00 : f32
    %neg3A_1404 = vector.broadcast %neg3A_1403 : f32 to vector<16xf32>
    %neg3A_1405 = arith.subf %neg3A_1404, %add3A_1402 : vector<16xf32>
    %exp3A_1406 = math.exp %neg3A_1405 : vector<16xf32>
    %add3A_1407 = arith.constant 1.000000e+00 : f32
    %add3A_1408 = vector.broadcast %add3A_1407 : f32 to vector<16xf32>
    %add3A_1409 = arith.addf %add3A_1408, %exp3A_1406 : vector<16xf32>
    %div3A_1410 = arith.constant 1.000000e+00 : f32
    %div3A_1411 = vector.broadcast %div3A_1410 : f32 to vector<16xf32>
    %div3A_1412 = arith.divf %div3A_1411, %add3A_1409 : vector<16xf32>
    %swap3A_1413 = arith.constant 288 : index
    %swap3A_1414 = tpu.vector_load %arg8[%swap3A_1413] {strides = array<i32>} : memref<512xf32, #tpu.memory_space<vmem>>, vector<16xf32>,
    %swap3A_1415 = vector.shape_cast %swap3A_1414 : vector<16xf32> to vector<16xf32>
    %swap3A_1416 = vector.shape_cast %div3A_1412 : vector<16xf32> to vector<16xf32>
    tpu.vector_store %arg8[%swap3A_1413], %swap3A_1416 {strides = array<i32>} : memref<512xf32, #tpu.memory_space<vmem>>, vector<16xf32>,
    %get3A_1417 = arith.constant 304 : index
    %get3A_1418 = tpu.vector_load %arg8[%get3A_1417] {strides = array<i32>} : memref<512xf32, #tpu.memory_space<vmem>>, vector<16xf32>,
    %get3A_1419 = vector.shape_cast %get3A_1418 : vector<16xf32> to vector<16xf32>
    %get3A_1420 = arith.constant 13104 : index
    %get3A_1421 = tpu.vector_load %arg7[%get3A_1420] {strides = array<i32>} : memref<13312xf32, #tpu.memory_space<vmem>>, vector<16xf32>,
    %get3A_1422 = vector.shape_cast %get3A_1421 : vector<16xf32> to vector<16xf32>
    %add3A_1423 = arith.addf %get3A_1419, %get3A_1422 : vector<16xf32>
    %add3A_1424 = vector.broadcast %squeeze3A : f32 to vector<16xf32>
    %add3A_1425 = arith.addf %add3A_1423, %add3A_1424 : vector<16xf32>
    %neg3A_1426 = arith.constant 0.000000e+00 : f32
    %neg3A_1427 = vector.broadcast %neg3A_1426 : f32 to vector<16xf32>
    %neg3A_1428 = arith.subf %neg3A_1427, %add3A_1425 : vector<16xf32>
    %exp3A_1429 = math.exp %neg3A_1428 : vector<16xf32>
    %add3A_1430 = arith.constant 1.000000e+00 : f32
    %add3A_1431 = vector.broadcast %add3A_1430 : f32 to vector<16xf32>
    %add3A_1432 = arith.addf %add3A_1431, %exp3A_1429 : vector<16xf32>
    %div3A_1433 = arith.constant 1.000000e+00 : f32
    %div3A_1434 = vector.broadcast %div3A_1433 : f32 to vector<16xf32>
    %div3A_1435 = arith.divf %div3A_1434, %add3A_1432 : vector<16xf32>
    %swap3A_1436 = arith.constant 304 : index
    %swap3A_1437 = tpu.vector_load %arg8[%swap3A_1436] {strides = array<i32>} : memref<512xf32, #tpu.memory_space<vmem>>, vector<16xf32>,
    %swap3A_1438 = vector.shape_cast %swap3A_1437 : vector<16xf32> to vector<16xf32>
    %swap3A_1439 = vector.shape_cast %div3A_1435 : vector<16xf32> to vector<16xf32>
    tpu.vector_store %arg8[%swap3A_1436], %swap3A_1439 {strides = array<i32>} : memref<512xf32, #tpu.memory_space<vmem>>, vector<16xf32>,
    %get3A_1440 = arith.constant 320 : index
    %get3A_1441 = tpu.vector_load %arg8[%get3A_1440] {strides = array<i32>} : memref<512xf32, #tpu.memory_space<vmem>>, vector<16xf32>,
    %get3A_1442 = vector.shape_cast %get3A_1441 : vector<16xf32> to vector<16xf32>
    %get3A_1443 = arith.constant 13120 : index
    %get3A_1444 = tpu.vector_load %arg7[%get3A_1443] {strides = array<i32>} : memref<13312xf32, #tpu.memory_space<vmem>>, vector<16xf32>,
    %get3A_1445 = vector.shape_cast %get3A_1444 : vector<16xf32> to vector<16xf32>
    %add3A_1446 = arith.addf %get3A_1442, %get3A_1445 : vector<16xf32>
    %add3A_1447 = vector.broadcast %squeeze3A : f32 to vector<16xf32>
    %add3A_1448 = arith.addf %add3A_1446, %add3A_1447 : vector<16xf32>
    %neg3A_1449 = arith.constant 0.000000e+00 : f32
    %neg3A_1450 = vector.broadcast %neg3A_1449 : f32 to vector<16xf32>
    %neg3A_1451 = arith.subf %neg3A_1450, %add3A_1448 : vector<16xf32>
    %exp3A_1452 = math.exp %neg3A_1451 : vector<16xf32>
    %add3A_1453 = arith.constant 1.000000e+00 : f32
    %add3A_1454 = vector.broadcast %add3A_1453 : f32 to vector<16xf32>
    %add3A_1455 = arith.addf %add3A_1454, %exp3A_1452 : vector<16xf32>
    %div3A_1456 = arith.constant 1.000000e+00 : f32
    %div3A_1457 = vector.broadcast %div3A_1456 : f32 to vector<16xf32>
    %div3A_1458 = arith.divf %div3A_1457, %add3A_1455 : vector<16xf32>
    %swap3A_1459 = arith.constant 320 : index
    %swap3A_1460 = tpu.vector_load %arg8[%swap3A_1459] {strides = array<i32>} : memref<512xf32, #tpu.memory_space<vmem>>, vector<16xf32>,
    %swap3A_1461 = vector.shape_cast %swap3A_1460 : vector<16xf32> to vector<16xf32>
    %swap3A_1462 = vector.shape_cast %div3A_1458 : vector<16xf32> to vector<16xf32>
    tpu.vector_store %arg8[%swap3A_1459], %swap3A_1462 {strides = array<i32>} : memref<512xf32, #tpu.memory_space<vmem>>, vector<16xf32>,
    %get3A_1463 = arith.constant 336 : index
    %get3A_1464 = tpu.vector_load %arg8[%get3A_1463] {strides = array<i32>} : memref<512xf32, #tpu.memory_space<vmem>>, vector<16xf32>,
    %get3A_1465 = vector.shape_cast %get3A_1464 : vector<16xf32> to vector<16xf32>
    %get3A_1466 = arith.constant 13136 : index
    %get3A_1467 = tpu.vector_load %arg7[%get3A_1466] {strides = array<i32>} : memref<13312xf32, #tpu.memory_space<vmem>>, vector<16xf32>,
    %get3A_1468 = vector.shape_cast %get3A_1467 : vector<16xf32> to vector<16xf32>
    %add3A_1469 = arith.addf %get3A_1465, %get3A_1468 : vector<16xf32>
    %add3A_1470 = vector.broadcast %squeeze3A : f32 to vector<16xf32>
    %add3A_1471 = arith.addf %add3A_1469, %add3A_1470 : vector<16xf32>
    %neg3A_1472 = arith.constant 0.000000e+00 : f32
    %neg3A_1473 = vector.broadcast %neg3A_1472 : f32 to vector<16xf32>
    %neg3A_1474 = arith.subf %neg3A_1473, %add3A_1471 : vector<16xf32>
    %exp3A_1475 = math.exp %neg3A_1474 : vector<16xf32>
    %add3A_1476 = arith.constant 1.000000e+00 : f32
    %add3A_1477 = vector.broadcast %add3A_1476 : f32 to vector<16xf32>
    %add3A_1478 = arith.addf %add3A_1477, %exp3A_1475 : vector<16xf32>
    %div3A_1479 = arith.constant 1.000000e+00 : f32
    %div3A_1480 = vector.broadcast %div3A_1479 : f32 to vector<16xf32>
    %div3A_1481 = arith.divf %div3A_1480, %add3A_1478 : vector<16xf32>
    %swap3A_1482 = arith.constant 336 : index
    %swap3A_1483 = tpu.vector_load %arg8[%swap3A_1482] {strides = array<i32>} : memref<512xf32, #tpu.memory_space<vmem>>, vector<16xf32>,
    %swap3A_1484 = vector.shape_cast %swap3A_1483 : vector<16xf32> to vector<16xf32>
    %swap3A_1485 = vector.shape_cast %div3A_1481 : vector<16xf32> to vector<16xf32>
    tpu.vector_store %arg8[%swap3A_1482], %swap3A_1485 {strides = array<i32>} : memref<512xf32, #tpu.memory_space<vmem>>, vector<16xf32>,
    %get3A_1486 = arith.constant 352 : index
    %get3A_1487 = tpu.vector_load %arg8[%get3A_1486] {strides = array<i32>} : memref<512xf32, #tpu.memory_space<vmem>>, vector<16xf32>,
    %get3A_1488 = vector.shape_cast %get3A_1487 : vector<16xf32> to vector<16xf32>
    %get3A_1489 = arith.constant 13152 : index
    %get3A_1490 = tpu.vector_load %arg7[%get3A_1489] {strides = array<i32>} : memref<13312xf32, #tpu.memory_space<vmem>>, vector<16xf32>,
    %get3A_1491 = vector.shape_cast %get3A_1490 : vector<16xf32> to vector<16xf32>
    %add3A_1492 = arith.addf %get3A_1488, %get3A_1491 : vector<16xf32>
    %add3A_1493 = vector.broadcast %squeeze3A : f32 to vector<16xf32>
    %add3A_1494 = arith.addf %add3A_1492, %add3A_1493 : vector<16xf32>
    %neg3A_1495 = arith.constant 0.000000e+00 : f32
    %neg3A_1496 = vector.broadcast %neg3A_1495 : f32 to vector<16xf32>
    %neg3A_1497 = arith.subf %neg3A_1496, %add3A_1494 : vector<16xf32>
    %exp3A_1498 = math.exp %neg3A_1497 : vector<16xf32>
    %add3A_1499 = arith.constant 1.000000e+00 : f32
    %add3A_1500 = vector.broadcast %add3A_1499 : f32 to vector<16xf32>
    %add3A_1501 = arith.addf %add3A_1500, %exp3A_1498 : vector<16xf32>
    %div3A_1502 = arith.constant 1.000000e+00 : f32
    %div3A_1503 = vector.broadcast %div3A_1502 : f32 to vector<16xf32>
    %div3A_1504 = arith.divf %div3A_1503, %add3A_1501 : vector<16xf32>
    %swap3A_1505 = arith.constant 352 : index
    %swap3A_1506 = tpu.vector_load %arg8[%swap3A_1505] {strides = array<i32>} : memref<512xf32, #tpu.memory_space<vmem>>, vector<16xf32>,
    %swap3A_1507 = vector.shape_cast %swap3A_1506 : vector<16xf32> to vector<16xf32>
    %swap3A_1508 = vector.shape_cast %div3A_1504 : vector<16xf32> to vector<16xf32>
    tpu.vector_store %arg8[%swap3A_1505], %swap3A_1508 {strides = array<i32>} : memref<512xf32, #tpu.memory_space<vmem>>, vector<16xf32>,
    %get3A_1509 = arith.constant 368 : index
    %get3A_1510 = tpu.vector_load %arg8[%get3A_1509] {strides = array<i32>} : memref<512xf32, #tpu.memory_space<vmem>>, vector<16xf32>,
    %get3A_1511 = vector.shape_cast %get3A_1510 : vector<16xf32> to vector<16xf32>
    %get3A_1512 = arith.constant 13168 : index
    %get3A_1513 = tpu.vector_load %arg7[%get3A_1512] {strides = array<i32>} : memref<13312xf32, #tpu.memory_space<vmem>>, vector<16xf32>,
    %get3A_1514 = vector.shape_cast %get3A_1513 : vector<16xf32> to vector<16xf32>
    %add3A_1515 = arith.addf %get3A_1511, %get3A_1514 : vector<16xf32>
    %add3A_1516 = vector.broadcast %squeeze3A : f32 to vector<16xf32>
    %add3A_1517 = arith.addf %add3A_1515, %add3A_1516 : vector<16xf32>
    %neg3A_1518 = arith.constant 0.000000e+00 : f32
    %neg3A_1519 = vector.broadcast %neg3A_1518 : f32 to vector<16xf32>
    %neg3A_1520 = arith.subf %neg3A_1519, %add3A_1517 : vector<16xf32>
    %exp3A_1521 = math.exp %neg3A_1520 : vector<16xf32>
    %add3A_1522 = arith.constant 1.000000e+00 : f32
    %add3A_1523 = vector.broadcast %add3A_1522 : f32 to vector<16xf32>
    %add3A_1524 = arith.addf %add3A_1523, %exp3A_1521 : vector<16xf32>
    %div3A_1525 = arith.constant 1.000000e+00 : f32
    %div3A_1526 = vector.broadcast %div3A_1525 : f32 to vector<16xf32>
    %div3A_1527 = arith.divf %div3A_1526, %add3A_1524 : vector<16xf32>
    %swap3A_1528 = arith.constant 368 : index
    %swap3A_1529 = tpu.vector_load %arg8[%swap3A_1528] {strides = array<i32>} : memref<512xf32, #tpu.memory_space<vmem>>, vector<16xf32>,
    %swap3A_1530 = vector.shape_cast %swap3A_1529 : vector<16xf32> to vector<16xf32>
    %swap3A_1531 = vector.shape_cast %div3A_1527 : vector<16xf32> to vector<16xf32>
    tpu.vector_store %arg8[%swap3A_1528], %swap3A_1531 {strides = array<i32>} : memref<512xf32, #tpu.memory_space<vmem>>, vector<16xf32>,
    %get3A_1532 = arith.constant 384 : index
    %get3A_1533 = tpu.vector_load %arg8[%get3A_1532] {strides = array<i32>} : memref<512xf32, #tpu.memory_space<vmem>>, vector<16xf32>,
    %get3A_1534 = vector.shape_cast %get3A_1533 : vector<16xf32> to vector<16xf32>
    %get3A_1535 = arith.constant 13184 : index
    %get3A_1536 = tpu.vector_load %arg7[%get3A_1535] {strides = array<i32>} : memref<13312xf32, #tpu.memory_space<vmem>>, vector<16xf32>,
    %get3A_1537 = vector.shape_cast %get3A_1536 : vector<16xf32> to vector<16xf32>
    %add3A_1538 = arith.addf %get3A_1534, %get3A_1537 : vector<16xf32>
    %add3A_1539 = vector.broadcast %squeeze3A : f32 to vector<16xf32>
    %add3A_1540 = arith.addf %add3A_1538, %add3A_1539 : vector<16xf32>
    %neg3A_1541 = arith.constant 0.000000e+00 : f32
    %neg3A_1542 = vector.broadcast %neg3A_1541 : f32 to vector<16xf32>
    %neg3A_1543 = arith.subf %neg3A_1542, %add3A_1540 : vector<16xf32>
    %exp3A_1544 = math.exp %neg3A_1543 : vector<16xf32>
    %add3A_1545 = arith.constant 1.000000e+00 : f32
    %add3A_1546 = vector.broadcast %add3A_1545 : f32 to vector<16xf32>
    %add3A_1547 = arith.addf %add3A_1546, %exp3A_1544 : vector<16xf32>
    %div3A_1548 = arith.constant 1.000000e+00 : f32
    %div3A_1549 = vector.broadcast %div3A_1548 : f32 to vector<16xf32>
    %div3A_1550 = arith.divf %div3A_1549, %add3A_1547 : vector<16xf32>
    %swap3A_1551 = arith.constant 384 : index
    %swap3A_1552 = tpu.vector_load %arg8[%swap3A_1551] {strides = array<i32>} : memref<512xf32, #tpu.memory_space<vmem>>, vector<16xf32>,
    %swap3A_1553 = vector.shape_cast %swap3A_1552 : vector<16xf32> to vector<16xf32>
    %swap3A_1554 = vector.shape_cast %div3A_1550 : vector<16xf32> to vector<16xf32>
    tpu.vector_store %arg8[%swap3A_1551], %swap3A_1554 {strides = array<i32>} : memref<512xf32, #tpu.memory_space<vmem>>, vector<16xf32>,
    %get3A_1555 = arith.constant 400 : index
    %get3A_1556 = tpu.vector_load %arg8[%get3A_1555] {strides = array<i32>} : memref<512xf32, #tpu.memory_space<vmem>>, vector<16xf32>,
    %get3A_1557 = vector.shape_cast %get3A_1556 : vector<16xf32> to vector<16xf32>
    %get3A_1558 = arith.constant 13200 : index
    %get3A_1559 = tpu.vector_load %arg7[%get3A_1558] {strides = array<i32>} : memref<13312xf32, #tpu.memory_space<vmem>>, vector<16xf32>,
    %get3A_1560 = vector.shape_cast %get3A_1559 : vector<16xf32> to vector<16xf32>
    %add3A_1561 = arith.addf %get3A_1557, %get3A_1560 : vector<16xf32>
    %add3A_1562 = vector.broadcast %squeeze3A : f32 to vector<16xf32>
    %add3A_1563 = arith.addf %add3A_1561, %add3A_1562 : vector<16xf32>
    %neg3A_1564 = arith.constant 0.000000e+00 : f32
    %neg3A_1565 = vector.broadcast %neg3A_1564 : f32 to vector<16xf32>
    %neg3A_1566 = arith.subf %neg3A_1565, %add3A_1563 : vector<16xf32>
    %exp3A_1567 = math.exp %neg3A_1566 : vector<16xf32>
    %add3A_1568 = arith.constant 1.000000e+00 : f32
    %add3A_1569 = vector.broadcast %add3A_1568 : f32 to vector<16xf32>
    %add3A_1570 = arith.addf %add3A_1569, %exp3A_1567 : vector<16xf32>
    %div3A_1571 = arith.constant 1.000000e+00 : f32
    %div3A_1572 = vector.broadcast %div3A_1571 : f32 to vector<16xf32>
    %div3A_1573 = arith.divf %div3A_1572, %add3A_1570 : vector<16xf32>
    %swap3A_1574 = arith.constant 400 : index
    %swap3A_1575 = tpu.vector_load %arg8[%swap3A_1574] {strides = array<i32>} : memref<512xf32, #tpu.memory_space<vmem>>, vector<16xf32>,
    %swap3A_1576 = vector.shape_cast %swap3A_1575 : vector<16xf32> to vector<16xf32>
    %swap3A_1577 = vector.shape_cast %div3A_1573 : vector<16xf32> to vector<16xf32>
    tpu.vector_store %arg8[%swap3A_1574], %swap3A_1577 {strides = array<i32>} : memref<512xf32, #tpu.memory_space<vmem>>, vector<16xf32>,
    %get3A_1578 = arith.constant 416 : index
    %get3A_1579 = tpu.vector_load %arg8[%get3A_1578] {strides = array<i32>} : memref<512xf32, #tpu.memory_space<vmem>>, vector<16xf32>,
    %get3A_1580 = vector.shape_cast %get3A_1579 : vector<16xf32> to vector<16xf32>
    %get3A_1581 = arith.constant 13216 : index
    %get3A_1582 = tpu.vector_load %arg7[%get3A_1581] {strides = array<i32>} : memref<13312xf32, #tpu.memory_space<vmem>>, vector<16xf32>,
    %get3A_1583 = vector.shape_cast %get3A_1582 : vector<16xf32> to vector<16xf32>
    %add3A_1584 = arith.addf %get3A_1580, %get3A_1583 : vector<16xf32>
    %add3A_1585 = vector.broadcast %squeeze3A : f32 to vector<16xf32>
    %add3A_1586 = arith.addf %add3A_1584, %add3A_1585 : vector<16xf32>
    %neg3A_1587 = arith.constant 0.000000e+00 : f32
    %neg3A_1588 = vector.broadcast %neg3A_1587 : f32 to vector<16xf32>
    %neg3A_1589 = arith.subf %neg3A_1588, %add3A_1586 : vector<16xf32>
    %exp3A_1590 = math.exp %neg3A_1589 : vector<16xf32>
    %add3A_1591 = arith.constant 1.000000e+00 : f32
    %add3A_1592 = vector.broadcast %add3A_1591 : f32 to vector<16xf32>
    %add3A_1593 = arith.addf %add3A_1592, %exp3A_1590 : vector<16xf32>
    %div3A_1594 = arith.constant 1.000000e+00 : f32
    %div3A_1595 = vector.broadcast %div3A_1594 : f32 to vector<16xf32>
    %div3A_1596 = arith.divf %div3A_1595, %add3A_1593 : vector<16xf32>
    %swap3A_1597 = arith.constant 416 : index
    %swap3A_1598 = tpu.vector_load %arg8[%swap3A_1597] {strides = array<i32>} : memref<512xf32, #tpu.memory_space<vmem>>, vector<16xf32>,
    %swap3A_1599 = vector.shape_cast %swap3A_1598 : vector<16xf32> to vector<16xf32>
    %swap3A_1600 = vector.shape_cast %div3A_1596 : vector<16xf32> to vector<16xf32>
    tpu.vector_store %arg8[%swap3A_1597], %swap3A_1600 {strides = array<i32>} : memref<512xf32, #tpu.memory_space<vmem>>, vector<16xf32>,
    %get3A_1601 = arith.constant 432 : index
    %get3A_1602 = tpu.vector_load %arg8[%get3A_1601] {strides = array<i32>} : memref<512xf32, #tpu.memory_space<vmem>>, vector<16xf32>,
    %get3A_1603 = vector.shape_cast %get3A_1602 : vector<16xf32> to vector<16xf32>
    %get3A_1604 = arith.constant 13232 : index
    %get3A_1605 = tpu.vector_load %arg7[%get3A_1604] {strides = array<i32>} : memref<13312xf32, #tpu.memory_space<vmem>>, vector<16xf32>,
    %get3A_1606 = vector.shape_cast %get3A_1605 : vector<16xf32> to vector<16xf32>
    %add3A_1607 = arith.addf %get3A_1603, %get3A_1606 : vector<16xf32>
    %add3A_1608 = vector.broadcast %squeeze3A : f32 to vector<16xf32>
    %add3A_1609 = arith.addf %add3A_1607, %add3A_1608 : vector<16xf32>
    %neg3A_1610 = arith.constant 0.000000e+00 : f32
    %neg3A_1611 = vector.broadcast %neg3A_1610 : f32 to vector<16xf32>
    %neg3A_1612 = arith.subf %neg3A_1611, %add3A_1609 : vector<16xf32>
    %exp3A_1613 = math.exp %neg3A_1612 : vector<16xf32>
    %add3A_1614 = arith.constant 1.000000e+00 : f32
    %add3A_1615 = vector.broadcast %add3A_1614 : f32 to vector<16xf32>
    %add3A_1616 = arith.addf %add3A_1615, %exp3A_1613 : vector<16xf32>
    %div3A_1617 = arith.constant 1.000000e+00 : f32
    %div3A_1618 = vector.broadcast %div3A_1617 : f32 to vector<16xf32>
    %div3A_1619 = arith.divf %div3A_1618, %add3A_1616 : vector<16xf32>
    %swap3A_1620 = arith.constant 432 : index
    %swap3A_1621 = tpu.vector_load %arg8[%swap3A_1620] {strides = array<i32>} : memref<512xf32, #tpu.memory_space<vmem>>, vector<16xf32>,
    %swap3A_1622 = vector.shape_cast %swap3A_1621 : vector<16xf32> to vector<16xf32>
    %swap3A_1623 = vector.shape_cast %div3A_1619 : vector<16xf32> to vector<16xf32>
    tpu.vector_store %arg8[%swap3A_1620], %swap3A_1623 {strides = array<i32>} : memref<512xf32, #tpu.memory_space<vmem>>, vector<16xf32>,
    %get3A_1624 = arith.constant 448 : index
    %get3A_1625 = tpu.vector_load %arg8[%get3A_1624] {strides = array<i32>} : memref<512xf32, #tpu.memory_space<vmem>>, vector<16xf32>,
    %get3A_1626 = vector.shape_cast %get3A_1625 : vector<16xf32> to vector<16xf32>
    %get3A_1627 = arith.constant 13248 : index
    %get3A_1628 = tpu.vector_load %arg7[%get3A_1627] {strides = array<i32>} : memref<13312xf32, #tpu.memory_space<vmem>>, vector<16xf32>,
    %get3A_1629 = vector.shape_cast %get3A_1628 : vector<16xf32> to vector<16xf32>
    %add3A_1630 = arith.addf %get3A_1626, %get3A_1629 : vector<16xf32>
    %add3A_1631 = vector.broadcast %squeeze3A : f32 to vector<16xf32>
    %add3A_1632 = arith.addf %add3A_1630, %add3A_1631 : vector<16xf32>
    %neg3A_1633 = arith.constant 0.000000e+00 : f32
    %neg3A_1634 = vector.broadcast %neg3A_1633 : f32 to vector<16xf32>
    %neg3A_1635 = arith.subf %neg3A_1634, %add3A_1632 : vector<16xf32>
    %exp3A_1636 = math.exp %neg3A_1635 : vector<16xf32>
    %add3A_1637 = arith.constant 1.000000e+00 : f32
    %add3A_1638 = vector.broadcast %add3A_1637 : f32 to vector<16xf32>
    %add3A_1639 = arith.addf %add3A_1638, %exp3A_1636 : vector<16xf32>
    %div3A_1640 = arith.constant 1.000000e+00 : f32
    %div3A_1641 = vector.broadcast %div3A_1640 : f32 to vector<16xf32>
    %div3A_1642 = arith.divf %div3A_1641, %add3A_1639 : vector<16xf32>
    %swap3A_1643 = arith.constant 448 : index
    %swap3A_1644 = tpu.vector_load %arg8[%swap3A_1643] {strides = array<i32>} : memref<512xf32, #tpu.memory_space<vmem>>, vector<16xf32>,
    %swap3A_1645 = vector.shape_cast %swap3A_1644 : vector<16xf32> to vector<16xf32>
    %swap3A_1646 = vector.shape_cast %div3A_1642 : vector<16xf32> to vector<16xf32>
    tpu.vector_store %arg8[%swap3A_1643], %swap3A_1646 {strides = array<i32>} : memref<512xf32, #tpu.memory_space<vmem>>, vector<16xf32>,
    %get3A_1647 = arith.constant 464 : index
    %get3A_1648 = tpu.vector_load %arg8[%get3A_1647] {strides = array<i32>} : memref<512xf32, #tpu.memory_space<vmem>>, vector<16xf32>,
    %get3A_1649 = vector.shape_cast %get3A_1648 : vector<16xf32> to vector<16xf32>
    %get3A_1650 = arith.constant 13264 : index
    %get3A_1651 = tpu.vector_load %arg7[%get3A_1650] {strides = array<i32>} : memref<13312xf32, #tpu.memory_space<vmem>>, vector<16xf32>,
    %get3A_1652 = vector.shape_cast %get3A_1651 : vector<16xf32> to vector<16xf32>
    %add3A_1653 = arith.addf %get3A_1649, %get3A_1652 : vector<16xf32>
    %add3A_1654 = vector.broadcast %squeeze3A : f32 to vector<16xf32>
    %add3A_1655 = arith.addf %add3A_1653, %add3A_1654 : vector<16xf32>
    %neg3A_1656 = arith.constant 0.000000e+00 : f32
    %neg3A_1657 = vector.broadcast %neg3A_1656 : f32 to vector<16xf32>
    %neg3A_1658 = arith.subf %neg3A_1657, %add3A_1655 : vector<16xf32>
    %exp3A_1659 = math.exp %neg3A_1658 : vector<16xf32>
    %add3A_1660 = arith.constant 1.000000e+00 : f32
    %add3A_1661 = vector.broadcast %add3A_1660 : f32 to vector<16xf32>
    %add3A_1662 = arith.addf %add3A_1661, %exp3A_1659 : vector<16xf32>
    %div3A_1663 = arith.constant 1.000000e+00 : f32
    %div3A_1664 = vector.broadcast %div3A_1663 : f32 to vector<16xf32>
    %div3A_1665 = arith.divf %div3A_1664, %add3A_1662 : vector<16xf32>
    %swap3A_1666 = arith.constant 464 : index
    %swap3A_1667 = tpu.vector_load %arg8[%swap3A_1666] {strides = array<i32>} : memref<512xf32, #tpu.memory_space<vmem>>, vector<16xf32>,
    %swap3A_1668 = vector.shape_cast %swap3A_1667 : vector<16xf32> to vector<16xf32>
    %swap3A_1669 = vector.shape_cast %div3A_1665 : vector<16xf32> to vector<16xf32>
    tpu.vector_store %arg8[%swap3A_1666], %swap3A_1669 {strides = array<i32>} : memref<512xf32, #tpu.memory_space<vmem>>, vector<16xf32>,
    %get3A_1670 = arith.constant 480 : index
    %get3A_1671 = tpu.vector_load %arg8[%get3A_1670] {strides = array<i32>} : memref<512xf32, #tpu.memory_space<vmem>>, vector<16xf32>,
    %get3A_1672 = vector.shape_cast %get3A_1671 : vector<16xf32> to vector<16xf32>
    %get3A_1673 = arith.constant 13280 : index
    %get3A_1674 = tpu.vector_load %arg7[%get3A_1673] {strides = array<i32>} : memref<13312xf32, #tpu.memory_space<vmem>>, vector<16xf32>,
    %get3A_1675 = vector.shape_cast %get3A_1674 : vector<16xf32> to vector<16xf32>
    %add3A_1676 = arith.addf %get3A_1672, %get3A_1675 : vector<16xf32>
    %add3A_1677 = vector.broadcast %squeeze3A : f32 to vector<16xf32>
    %add3A_1678 = arith.addf %add3A_1676, %add3A_1677 : vector<16xf32>
    %neg3A_1679 = arith.constant 0.000000e+00 : f32
    %neg3A_1680 = vector.broadcast %neg3A_1679 : f32 to vector<16xf32>
    %neg3A_1681 = arith.subf %neg3A_1680, %add3A_1678 : vector<16xf32>
    %exp3A_1682 = math.exp %neg3A_1681 : vector<16xf32>
    %add3A_1683 = arith.constant 1.000000e+00 : f32
    %add3A_1684 = vector.broadcast %add3A_1683 : f32 to vector<16xf32>
    %add3A_1685 = arith.addf %add3A_1684, %exp3A_1682 : vector<16xf32>
    %div3A_1686 = arith.constant 1.000000e+00 : f32
    %div3A_1687 = vector.broadcast %div3A_1686 : f32 to vector<16xf32>
    %div3A_1688 = arith.divf %div3A_1687, %add3A_1685 : vector<16xf32>
    %swap3A_1689 = arith.constant 480 : index
    %swap3A_1690 = tpu.vector_load %arg8[%swap3A_1689] {strides = array<i32>} : memref<512xf32, #tpu.memory_space<vmem>>, vector<16xf32>,
    %swap3A_1691 = vector.shape_cast %swap3A_1690 : vector<16xf32> to vector<16xf32>
    %swap3A_1692 = vector.shape_cast %div3A_1688 : vector<16xf32> to vector<16xf32>
    tpu.vector_store %arg8[%swap3A_1689], %swap3A_1692 {strides = array<i32>} : memref<512xf32, #tpu.memory_space<vmem>>, vector<16xf32>,
    %get3A_1693 = arith.constant 496 : index
    %get3A_1694 = tpu.vector_load %arg8[%get3A_1693] {strides = array<i32>} : memref<512xf32, #tpu.memory_space<vmem>>, vector<16xf32>,
    %get3A_1695 = vector.shape_cast %get3A_1694 : vector<16xf32> to vector<16xf32>
    %get3A_1696 = arith.constant 13296 : index
    %get3A_1697 = tpu.vector_load %arg7[%get3A_1696] {strides = array<i32>} : memref<13312xf32, #tpu.memory_space<vmem>>, vector<16xf32>,
    %get3A_1698 = vector.shape_cast %get3A_1697 : vector<16xf32> to vector<16xf32>
    %add3A_1699 = arith.addf %get3A_1695, %get3A_1698 : vector<16xf32>
    %add3A_1700 = vector.broadcast %squeeze3A : f32 to vector<16xf32>
    %add3A_1701 = arith.addf %add3A_1699, %add3A_1700 : vector<16xf32>
    %neg3A_1702 = arith.constant 0.000000e+00 : f32
    %neg3A_1703 = vector.broadcast %neg3A_1702 : f32 to vector<16xf32>
    %neg3A_1704 = arith.subf %neg3A_1703, %add3A_1701 : vector<16xf32>
    %exp3A_1705 = math.exp %neg3A_1704 : vector<16xf32>
    %add3A_1706 = arith.constant 1.000000e+00 : f32
    %add3A_1707 = vector.broadcast %add3A_1706 : f32 to vector<16xf32>
    %add3A_1708 = arith.addf %add3A_1707, %exp3A_1705 : vector<16xf32>
    %div3A_1709 = arith.constant 1.000000e+00 : f32
    %div3A_1710 = vector.broadcast %div3A_1709 : f32 to vector<16xf32>
    %div3A_1711 = arith.divf %div3A_1710, %add3A_1708 : vector<16xf32>
    %swap3A_1712 = arith.constant 496 : index
    %swap3A_1713 = tpu.vector_load %arg8[%swap3A_1712] {strides = array<i32>} : memref<512xf32, #tpu.memory_space<vmem>>, vector<16xf32>,
    %swap3A_1714 = vector.shape_cast %swap3A_1713 : vector<16xf32> to vector<16xf32>
    %swap3A_1715 = vector.shape_cast %div3A_1711 : vector<16xf32> to vector<16xf32>
    tpu.vector_store %arg8[%swap3A_1712], %swap3A_1715 {strides = array<i32>} : memref<512xf32, #tpu.memory_space<vmem>>, vector<16xf32>,
    "tpu.region"() ({
      %run_scoped3A = tpu.sem_alloc : memref<!tpu.dma_semaphore, #tpu.memory_space<semaphore_mem>>
      %dma_start3A_1716 = tpu.memref_slice %arg5[%mul3A_2] : memref<16384xf32, #tpu.memory_space<hbm>> -> memref<512xf32, #tpu.memory_space<hbm>>
      %dma_start3A_1717 = tpu.memref_slice %arg5[%mul3A_2] : memref<16384xf32, #tpu.memory_space<hbm>> -> memref<512xf32, #tpu.memory_space<hbm>>
      tpu.enqueue_dma source(%arg8 : memref<512xf32, #tpu.memory_space<vmem>>) target(%dma_start3A_1717 : memref<512xf32, #tpu.memory_space<hbm>>) target_semaphore(%run_scoped3A : memref<!tpu.dma_semaphore, #tpu.memory_space<semaphore_mem>>)
      %dma_wait3A_1718 = tpu.memref_slice %arg5[%mul3A_2] : memref<16384xf32, #tpu.memory_space<hbm>> -> memref<512xf32, #tpu.memory_space<hbm>>
      %dma_wait3A_1719 = tpu.memref_slice %arg5[%mul3A_2] : memref<16384xf32, #tpu.memory_space<hbm>> -> memref<512xf32, #tpu.memory_space<hbm>>
      tpu.wait_dma2 semaphore(%run_scoped3A : memref<!tpu.dma_semaphore, #tpu.memory_space<semaphore_mem>>) src(%arg8 : memref<512xf32, #tpu.memory_space<vmem>>) dst(%dma_wait3A_1719 : memref<512xf32, #tpu.memory_space<hbm>>)
      tpu.yield
    }) : () -> ()
    return
  }
}

</mosaic_0001>

<sc_bundles>
// kernel: kernel.3.cloned.1.call-start
scs
__scs_entry_jumppad:
0x0: {  	(pc) =	sbr.rel $0x88, $3  }
0x1: {  	(tag) =	ssettag $0x0;
	lr =	simm.s32 $0x1  }
0x2: {  	[smem:$0x3F9E] =	sst lr;
	_ =	strace $0xD0000000  }
0x3: {  	_ = 	snop  }
0x4: {  	_ = 	snop  }
0x5: {  	_ = 	snop  }
0x6: {  	_ = 	snop  }
0x7: {  	_ = 	snop  }
__scs_overlays_trampoline_lowered:
0x8: {  	[smem:$0x3FAD] =	sst s0  }
0x9: {  	[smem:$0x3FAE] =	sst s1  }
0xa: {  	[smem:$0x3FAF] =	sst s2  }
0xb: {  	[smem:$0x3FB0] =	sst s3  }
0xc: {  	[smem:$0x3FB1] =	sst s4  }
0xd: {  	[smem:$0x3FB2] =	sst s5  }
0xe: {  	[smem:$0x3FB3] =	sst s6  }
0xf: {  	[smem:$0x3FB4] =	sst s7  }
0x10: {  	[smem:$0x3FB5] =	sst s8  }
0x11: {  	[smem:$0x3FB6] =	sst s9;
	s0 =	simm.s32 @!p0 $0x0  }
0x12: {  	s1 =	sld [smem:$0x3F9C];
	s0 =	simm.s32 @p0 $0x1  }
0x13: {  	[smem:$0x3FB7] =	sst s0;
	s0 =	simm.s32 @!p1 $0x0  }
0x14: {  	s2 =	sld [smem:$0x3F9B];
	s0 =	simm.s32 @p1 $0x1  }
0x15: {  	[smem:$0x3FB8] =	sst s0;
	s0 =	simm.s32 @!p2 $0x0  }
0x16: {  	s3 =	sld [smem:$0x3FDB];
	s0 =	simm.s32 @p2 $0x1  }
0x17: {  	s4 =	simm.s32 $0x1BF5;
	[smem:$0x3FBA] =	sst s0  }
0x18: {  	s0 =	sld [smem:$0x3F9D];
	_ =	swait.ge [sflag:s4], $0x0  }
0x19: {  	s7 =	sld [smem:$0x3F9E]  }
0x1a: {  	s8 =	sadd.s32 $0xFFFFE003, lr  }
0x1b: {  	s9 =	sadd.s32 $0xFFFFFEF7, lr;
	s5 =	simm.s32 $0xFFFFFFFF;
	p2 =	slt.u32 s8, $0xFFFFF086  }
0x1c: {  	p1 =	slt.u32 s9, $0xF7A;
	s5 =	simm.s32 @!p2 $0x0  }
0x1d: {  	s5 =	simm.s32 @p1 $0x1;
	p0 =	seq.s32 s7, s2  }
0x1e: {  	s7 =	smul.u32 @!p0 $0xF7A, s2;
	p2 =	seq.s32 @!p0 s5, $0x0  }
0x1f: {  	s9 =	smul.u32 $0xF7A, s1;
	s8 =	simm.s32 @!p0 $0x1BF5;
	p2 =	por !p2, p0  }
0x20: {  	[sflag:s8] =	ssyncset.s32 @!p0 $0xFFFFF086;
	s6 =	sadd.s32 @!p0 s3, s7;
	s7 =	simm.s32 @!p0 $0x108  }
0x21: {  	s3 =	sadd.s32 s3, s9;
	s6 =	sadd.s32 @!p0 $0x88, s6;
	s7 =	simm.s32 @p2 $0x1082  }
0x22: {  	[simem:s7], [sflag:s8] =	dma.local @!p0 [hbm:s6], $0xF7A  }
0x23: {  	s9 =	sor.u32 $0xD0000000, s2;
	s6 =	simm.s32 $0x108;
	_ =	swait.ge @!p0 [sflag:s8], $0x0  }
0x24: {  	s3 =	sadd.s32 $0x88, s3;
	s6 =	simm.s32 @!p1 $0x1082;
	[sflag:s4] =	ssyncset.s32 $0xFFFFF086  }
0x25: {  	[simem:s6], [sflag:s4] =	dma.local [hbm:s3], $0xF7A  }
0x26: {  	[smem:$0x3F9E] =	sst s1;
	(tag) =	ssettag s2;
	_ =	strace s9  }
0x27: {  	s1 =	sld [smem:$0x3FAE]  }
0x28: {  	s2 =	sld [smem:$0x3FAF]  }
0x29: {  	s4 =	sld [smem:$0x3FB1]  }
0x2a: {  	p0 =	seq.s32 s5, $0x0;
	s5 =	sld [smem:$0x3FB2]  }
0x2b: {  	s6 =	sld [smem:$0x3FB3]  }
0x2c: {  	s7 =	sld [smem:$0x3FB4]  }
0x2d: {  	s3 =	simm.s32 $0x108;
	s8 =	sld [smem:$0x3FB5]  }
0x2e: {  	s3 =	simm.s32 @!p0 $0x1082;
	s9 =	sld [smem:$0x3FB6]  }
0x2f: {  	lr =	sadd.s32 s0, s3;
	s0 =	sld [smem:$0x3FAD]  }
0x30: {  	s3 =	sld [smem:$0x3FB0]  }
0x31: {  	[smem:$0x3FB9] =	sst s10  }
0x32: {  	s10 =	sld [smem:$0x3FB7];
	_ =	sdelay $0x3  }
0x33: {  	p0 =	seq.s32 s10, $0x1;
	s10 =	sld [smem:$0x3FB9];
	_ =	sdelay $0x3  }
0x34: {  	[smem:$0x3FB9] =	sst s10  }
0x35: {  	s10 =	sld [smem:$0x3FB8];
	_ =	sdelay $0x3  }
0x36: {  	p1 =	seq.s32 s10, $0x1;
	s10 =	sld [smem:$0x3FB9];
	_ =	sdelay $0x3  }
0x37: {  	[smem:$0x3FB9] =	sst s10  }
0x38: {  	s10 =	sld [smem:$0x3FBA]  }
0x39: {  	_ = 	snop;
	(pc) =	sbr.ind lr, $3  }
0x3a: {  	_ = 	snop  }
0x3b: {  	_ = 	snop  }
0x3c: {  	p2 =	seq.s32 s10, $0x1;
	s10 =	sld [smem:$0x3FB9]  }
0x3d: {  	_ =	shalt  }
0x3e: {  	_ =	shalt  }
0x3f: {  	_ =	shalt  }
0x40: {  	_ =	shalt  }
0x41: {  	_ =	shalt  }
0x42: {  	_ =	shalt  }
0x43: {  	_ =	shalt  }
0x44: {  	_ =	shalt  }
0x45: {  	_ =	shalt  }
0x46: {  	_ =	shalt  }
0x47: {  	_ =	shalt  }
0x48: {  	_ =	shalt  }
0x49: {  	_ =	shalt  }
0x4a: {  	_ =	shalt  }
0x4b: {  	_ =	shalt  }
0x4c: {  	_ =	shalt  }
0x4d: {  	_ =	shalt  }
0x4e: {  	_ =	shalt  }
0x4f: {  	_ =	shalt  }
0x50: {  	_ =	shalt  }
0x51: {  	_ =	shalt  }
0x52: {  	_ =	shalt  }
0x53: {  	_ =	shalt  }
0x54: {  	_ =	shalt  }
0x55: {  	_ =	shalt  }
0x56: {  	_ =	shalt  }
0x57: {  	_ =	shalt  }
0x58: {  	_ =	shalt  }
0x59: {  	_ =	shalt  }
0x5a: {  	_ =	shalt  }
0x5b: {  	_ =	shalt  }
0x5c: {  	_ =	shalt  }
0x5d: {  	_ =	shalt  }
0x5e: {  	_ =	shalt  }
0x5f: {  	_ =	shalt  }
0x60: {  	_ =	shalt  }
0x61: {  	_ =	shalt  }
0x62: {  	_ =	shalt  }
0x63: {  	_ =	shalt  }
0x64: {  	_ =	shalt  }
0x65: {  	_ =	shalt  }
0x66: {  	_ =	shalt  }
0x67: {  	_ =	shalt  }
0x68: {  	_ =	shalt  }
0x69: {  	_ =	shalt  }
0x6a: {  	_ =	shalt  }
0x6b: {  	_ =	shalt  }
0x6c: {  	_ =	shalt  }
0x6d: {  	_ =	shalt  }
0x6e: {  	_ =	shalt  }
0x6f: {  	_ =	shalt  }
0x70: {  	_ =	shalt  }
0x71: {  	_ =	shalt  }
0x72: {  	_ =	shalt  }
0x73: {  	_ =	shalt  }
0x74: {  	_ =	shalt  }
0x75: {  	_ =	shalt  }
0x76: {  	_ =	shalt  }
0x77: {  	_ =	shalt  }
0x78: {  	_ =	shalt  }
0x79: {  	_ =	shalt  }
0x7a: {  	_ =	shalt  }
0x7b: {  	_ =	shalt  }
0x7c: {  	_ =	shalt  }
0x7d: {  	_ =	shalt  }
0x7e: {  	_ =	shalt  }
0x7f: {  	_ =	shalt  }
0x80: {  	_ =	shalt  }
0x81: {  	_ =	shalt  }
0x82: {  	_ =	shalt  }
0x83: {  	_ =	shalt  }
0x84: {  	_ =	shalt  }
0x85: {  	_ =	shalt  }
0x86: {  	_ =	shalt  }
0x87: {  	_ =	shalt  }
.Lfunc_end0:
.L_simem_size_0:
called_computation_lowered:
.L_overlay_start_0:
0x88: {  	s2 =	sld [smem:$0x3FD9]  }
0x89: {  	s3 =	sld [smem:$0x3FFE];
	_ =	sdelay $0x1  }
0x8a: {  	s1 =	srdreg.scid  }
0x8b: {  	s0 =	sand.u32 $0x1, s1  }
0x8c: {  	s17 =	sshll.u32 s0, $0xA;
	s2 =	sadd.s32 s3, s2  }
0x8d: {  	s2 =	sadd.s32 s2, s17  }
0x8e: {  	[smem:$0x3FC5] =	sst s2  }
0x8f: {  	_ = 	snop  }
0x90: {  	s2 =	sld [smem:$0x3FC8]  }
0x91: {  	s18 =	sld [smem:$0x3FC7]  }
0x92: {  	s4 =	sld [smem:$0x3FD0];
	(tm) =	ssettm $0x1  }
0x93: {  	s5 =	sld [smem:$0x3FFB];
	_ =	sdelay $0x3  }
0x94: {  	_ =	strace s5  }
0x95: {  	s5 =	sld [smem:$0x3FFC];
	_ =	sdelay $0x3  }
0x96: {  	_ =	strace s5  }
0x97: {  	s5 =	sld [smem:$0x3FFD];
	_ =	sdelay $0x3  }
0x98: {  	_ =	strace s5  }
0x99: {  	_ =	strace $0x8FFFFFFF  }
0x9a: {  	s19 =	sld [smem:$0x3FDB];
	_ =	sdelay $0x1  }
0x9b: {  	s6 =	simm.s32 $_scs_section_size  }
0x9c: {  	s7 =	simm.s32 $_size__tile_overlayer_lowered;
	s8 =	simm.s32 $_tile_overlayer_lowered  }
0x9d: {  	s22 =	simm.s32 $0x1BFF;
	s21 =	sshll.u32 s8, $0x1;
	s5 =	sadd.s32 s6, s19  }
0x9e: {  	s9 =	simm.s32 $0x0;
	s20 =	sshll.u32 s7, $0x1;
	s7 =	sadd.s32 s21, s5  }
0x9f: {  	[timem:s9], [sflag:s22] =	dma.local [hbm:s7], s20  }
0xa0: {  	_ =	swait.ge [sflag:s22], s20  }
0xa1: {  	s6 =	ssub.s32 $0x0, s20;
	[sflag:s22] =	ssyncset.done $0x0  }
0xa2: {  	[sflag:s22] =	ssyncadd.s32 s6;
	_ =	sdelay $0x1  }
0xa3: {  	s23 =	simm.s32 $0x1B8B  }
0xa4: {  	_ =	swait.ge [sflag:s23], $0x1  }
0xa5: {  	[sflag:s23] =	ssyncset.done $0x0  }
0xa6: {  	s25 =	simm.s32 $0x1B8E;
	s24 =	sld [smem:$0x3FFE];
	[sflag:s23] =	ssyncadd.s32 $0xFFFFFFFF  }
0xa7: {  	s26 =	simm.s32 $execute0_lowered;
	[smem:$0x3FD2] =	sst s25  }
0xa8: {  	s7 =	sshll.u32 s26, $0x1;
	_ =	strace $0x80000046;
	[dreg:$0x1] =	wrdreg $0xFFFFFFFF  }
0xa9: {  	s28 =	simm.s32 $_size_execute0_lowered;
	s5 =	sadd.s32 s5, s7;
	[dreg:$0x0] =	wrdreg $0x0  }
0xaa: {  	s7 =	sshll.u32 s28, $0x1;
	[dreg:$0x2] =	wrdreg s5  }
0xab: {  	[dreg:$0x3] =	wrdreg s7  }
0xac: {  	[dreg:$0x4] =	wrdreg $0xC0  }
0xad: {  	_ =	task [dreg:s9], $0x5FFFF  }
0xae: {  	[dreg:$0x1] =	wrdreg $0xFFFFFFFF  }
0xaf: {  	[dreg:$0x0] =	wrdreg $0x60  }
0xb0: {  	[dreg:$0x2] =	wrdreg s24  }
0xb1: {  	[dreg:$0x3] =	wrdreg s2  }
0xb2: {  	[dreg:$0x4] =	wrdreg s18  }
0xb3: {  	[dreg:$0x5] =	wrdreg s4  }
0xb4: {  	[dreg:$0x6] =	wrdreg $0x9  }
0xb5: {  	_ =	task.clear_ibuf [dreg:s9], $0x7FFFF;
	_ =	strace $0x90000046  }
0xb6: {  	s29 =	simm.s32 $0x9;
	_ =	strace $0x80000048  }
0xb7: {  	_ =	swait.ge [sflag:s29], $0x1  }
0xb8: {  	[sflag:s29] =	ssyncadd.s32 $0xFFFFFFFF  }
0xb9: {  	_ =	strace $0x90000048  }
0xba: {  	_ =	sfence  }
0xbb: {  	s30 =	sld [smem:$0x0];
	_ =	sdelay $0x2  }
0xbc: {  	s31 =	sshll.u32 s1, $0xD;
	s1 =	sshrl.u32 s1, $0x2  }
0xbd: {  	s3 =	sand.u32 $0x4000, s31;
	s1 =	sadd.s32 s1, s30  }
0xbe: {  	s0 =	sor.u32 s3, s0;
	s1 =	sshll.u32 s1, $0x11  }
0xbf: {  	s0 =	sor.u32 s1, s0  }
0xc0: {  	s0 =	sadd.s32 $0x8F2B, s0  }
0xc1: {  	[sflag:s0] =	ssyncadd.remote.s32 $0x1  }
0xc2: {  	_ =	sfence.sel $0xFFFF  }
0xc3: {  	[dreg:$0x0] =	wrdreg $0xFFFFFFFF;
	(pc) =	sbr.abs _section_cstart, $3  }
0xc4: {  	[dreg:$0x1] =	wrdreg $0xFFFFFFFF  }
0xc5: {  	_ =	task.clear_ibuf [dreg:s9], $0x2FFFF;
	_ =	strace $0x9FFFFFFF  }
0xc6: {  	(tm) =	ssettm $0x7FFFFFFF  }
0xc7: {  	_ =	shalt  }
tec
execute0_lowered:
.L_overlay_start_1:
0x0: {  	(tag) =	ssettag $0x1  }
0x1: {  	s0 =	rddreg [dreg:$0x0]  }
0x2: {  	s8 =	rddreg [dreg:$0x1]  }
0x3: {  	s4 =	stileid.u32;
	s2 =	rddreg [dreg:$0x3]  }
0x4: {  	s3 =	sshll.u32 s4, $0x1;
	s5 =	sshrl.u32 s4, $0x2;
	s4 =	simm.s32 $0x0  }
0x5: {  	s21 =	sadd.s32 $0x30D4, s8;
	[smem:$0x7FF] =	sst s4  }
0x6: {  	s22 =	sadd.s32 $0x61A8, s8;
	_ =	strace $0x80000047;
	[dreg:$0x7] =	wrdreg s21  }
0x7: {  	s23 =	sadd.s32 $0x927C, s8;
	[dreg:$0x8] =	wrdreg s22  }
0x8: {  	s1 =	srdreg.scid;
	s24 =	sadd.s32 $0xC350, s8;
	[dreg:$0x9] =	wrdreg s23  }
0x9: {  	s28 =	simm.s32 $0x13;
	s25 =	sadd.s32 $0xF424, s8;
	[dreg:$0xa] =	wrdreg s24  }
0xa: {  	s29 =	simm.s32 $0x14;
	s26 =	sadd.s32 $0x124F8, s8;
	[dreg:$0xb] =	wrdreg s25  }
0xb: {  	s30 =	simm.s32 $0x15;
	s9 =	sadd.s32 $0x1E848, s8;
	[dreg:$0xc] =	wrdreg s26  }
0xc: {  	s31 =	simm.s32 $0x16;
	s10 =	sadd.s32 $0x2191C, s8;
	[dreg:$0x10] =	wrdreg s9  }
0xd: {  	s1 =	sand.u32 $0x1, s1;
	s11 =	sadd.s32 $0x249F0, s8;
	[dreg:$0x11] =	wrdreg s10  }
0xe: {  	s0 =	sadd.s32 $0x400, s0;
	s12 =	sadd.s32 $0x27AC4, s8;
	[dreg:$0x12] =	wrdreg s11  }
0xf: {  	s13 =	sadd.s32 $0x2AB98, s8;
	s14 =	sadd.s32 $0x2DC6C, s8;
	[dreg:$0x13] =	wrdreg s12  }
0x10: {  	s16 =	sadd.s32 $0x30D40, s8;
	s17 =	sadd.s32 $0x33E14, s8;
	[dreg:$0x14] =	wrdreg s13  }
0x11: {  	s3 =	sor.u32 s1, s3;
	s5 =	smul.u32 $0x1A000, s5;
	[dreg:$0x15] =	wrdreg s14  }
0x12: {  	s1 =	ssub.s32 $0x2, s1;
	s6 =	sshll.u32 s3, $0x7;
	[dreg:$0x16] =	wrdreg s16  }
0x13: {  	s19 =	sshrl.u32 s1, $0x1;
	s15 =	sshll.u32 s3, $0x6;
	[dreg:$0x18] =	wrdreg s17  }
0x14: {  	s21 =	sadd.s32 $0x3D090, s8;
	s22 =	sadd.s32 $0x40164, s8;
	s23 =	sadd.s32 $0x43238, s8  }
0x15: {  	s24 =	sadd.s32 $0x4630C, s8;
	s25 =	sadd.s32 $0x493E0, s8;
	[dreg:$0x1c] =	wrdreg s21  }
0x16: {  	s26 =	sadd.s32 $0x4C4B4, s8;
	s13 =	simm.s32 $0x5;
	[dreg:$0x1d] =	wrdreg s22  }
0x17: {  	s14 =	simm.s32 $0x6;
	s16 =	simm.s32 $0x8;
	[dreg:$0x1e] =	wrdreg s23  }
0x18: {  	s17 =	simm.s32 $0x9;
	s3 =	simm.s32 $0x19;
	[dreg:$0x1f] =	wrdreg s24  }
0x19: {  	s6 =	sand.u32 $0x380, s6;
	s1 =	ssub.s32 s1, s19;
	[smem:$0x7FC] =	sst s25  }
0x1a: {  	s19 =	sadd.s32 $0x36EE8, s8;
	[smem:$0x7FD] =	sst s26;
	s21 =	simm.s32 $0xD  }
0x1b: {  	s22 =	simm.s32 $0xE;
	s23 =	simm.s32 $0xF;
	s24 =	simm.s32 $0x10  }
0x1c: {  	s25 =	simm.s32 $0x11;
	s26 =	simm.s32 $0x12;
	s5 =	sor.u32 s5, s6  }
0x1d: {  	s6 =	sadd.s32 $0x186A0, s8;
	s18 =	smax.u32 s1, $0x1;
	[dreg:$0x1a] =	wrdreg s19  }
0x1e: {  	s7 =	sadd.s32 $0xD000, s5;
	s5 =	sshrl.u32 s5, $0x3;
	[dreg:$0xe] =	wrdreg s6  }
0x1f: {  	s19 =	simm.s32 $0xB;
	[dreg:$0x19] =	wrdreg s18;
	s5 =	sadd.s32 s0, s5  }
0x20: {  	s20 =	sshrl.u32 s7, $0x3;
	s7 =	sadd.s32 $0x1B774, s8;
	[dreg:$0x5] =	wrdreg s5  }
0x21: {  	s1 =	simm.s32 $0x1A;
	s0 =	sadd.s32 s0, s20;
	[dreg:$0xf] =	wrdreg s7  }
0x22: {  	s18 =	simm.s32 $0xA;
	s5 =	sadd.s32 $0x155CC, s8;
	[dreg:$0x6] =	wrdreg s0  }
0x23: {  	s6 =	simm.s32 $0x0;
	s20 =	sadd.s32 $0x39FBC, s8;
	[dreg:$0xd] =	wrdreg s5  }
0x24: {  	s7 =	simm.s32 $0x200;
	s0 =	sadd.s32 s2, s15;
	[dreg:$0x1b] =	wrdreg s20  }
0x25: {  	s5 =	simm.s32 $0x1D;
	s15 =	simm.s32 $0x7;
	s20 =	simm.s32 $0xC  }
0x26: {  	s2 =	simm.s32 $0x17;
	[dreg:$0x17] =	wrdreg s0;
	s0 =	simm.s32 $0x18  }
.LBB2_1:
0x27: {  	s8 =	rddreg [dreg:$0x5];
	s9 =	simm.s32 $0x80;
	s10 =	simm.s32 $0x400  }
0x28: {  	[tilespmem:s4], [sflag:$0x1B] =	stream.strided.gather [hbm4b:s8+s9], $0x1A00, s10, s9, $0x38;
	[tilespmem:$0x6A80] =	vst v63  }
0x29: {  	s12 =	rddreg [dreg:$0x6];
	s11 =	simm.s32 $0x1A00  }
0x2a: {  	[tilespmem:s11], [sflag:$0x1C] =	stream.strided.gather [hbm4b:s12+s9], $0x1A00, s10, s9, $0x38;
	[tilespmem:$0x6A80] =	vst v63  }
0x2b: {  	s9 =	rddreg [dreg:$0x2];
	s12 =	simm.s32 $0x6A00  }
0x2c: {  	[tilespmem:s12], [sflag:$0x1D] =	stream.linear.gather [hbm4b:s9+s4], $0x1, $0x38;
	[tilespmem:$0x6A80] =	vst v63  }
0x2d: {  	_ =	swait.ge [sflag:s5], $0x1  }
0x2e: {  	[sflag:s5] =	ssyncset.done $0x0  }
0x2f: {  	s9 =	simm.s32 $0x1B;
	[sflag:s5] =	ssyncadd.s32 $0xFFFFFFFF  }
0x30: {  	_ =	swait.ge [sflag:s9], $0x1A00  }
0x31: {  	[sflag:s9] =	ssyncset.done $0x0  }
0x32: {  	[sflag:s9] =	ssyncadd.s32 $0xFFFFE600  }
0x33: {  	s12 =	simm.s32 $0x3400;
	s8 =	rddreg [dreg:$0x1]  }
0x34: {  	[tilespmem:s12], [sflag:$0x1] =	stream.indirect.gather [hbm4b:s8+s7], $0x1, s4, s7, $0xb8;
	[tilespmem:$0x6A80] =	vst v63  }
0x35: {  	s9 =	rddreg [dreg:$0x7];
	s12 =	simm.s32 $0x3600  }
0x36: {  	[tilespmem:s12], [sflag:$0x2] =	stream.indirect.gather [hbm4b:s9+s7], $0x1, s7, s7, $0xb8;
	[tilespmem:$0x6A80] =	vst v63  }
0x37: {  	s9 =	rddreg [dreg:$0x8];
	s12 =	simm.s32 $0x3800  }
0x38: {  	[tilespmem:s12], [sflag:$0x3] =	stream.indirect.gather [hbm4b:s9+s7], $0x1, s10, s7, $0xb8;
	[tilespmem:$0x6A80] =	vst v63  }
0x39: {  	s9 =	rddreg [dreg:$0x9];
	s10 =	simm.s32 $0x600;
	s12 =	simm.s32 $0x3A00  }
0x3a: {  	[tilespmem:s12], [sflag:$0x4] =	stream.indirect.gather [hbm4b:s9+s7], $0x1, s10, s7, $0xb8;
	[tilespmem:$0x6A80] =	vst v63  }
0x3b: {  	s9 =	rddreg [dreg:$0xa];
	s10 =	simm.s32 $0x800;
	s12 =	simm.s32 $0x3C00  }
0x3c: {  	[tilespmem:s12], [sflag:$0x5] =	stream.indirect.gather [hbm4b:s9+s7], $0x1, s10, s7, $0xb8;
	[tilespmem:$0x6A80] =	vst v63  }
0x3d: {  	s9 =	rddreg [dreg:$0xb];
	s10 =	simm.s32 $0xA00;
	s12 =	simm.s32 $0x3E00  }
0x3e: {  	[tilespmem:s12], [sflag:$0x6] =	stream.indirect.gather [hbm4b:s9+s7], $0x1, s10, s7, $0xb8;
	[tilespmem:$0x6A80] =	vst v63  }
0x3f: {  	s9 =	rddreg [dreg:$0xc];
	s10 =	simm.s32 $0xC00;
	s12 =	simm.s32 $0x4000  }
0x40: {  	[tilespmem:s12], [sflag:$0x7] =	stream.indirect.gather [hbm4b:s9+s7], $0x1, s10, s7, $0xb8;
	[tilespmem:$0x6A80] =	vst v63  }
0x41: {  	s9 =	rddreg [dreg:$0xd];
	s10 =	simm.s32 $0xE00;
	s12 =	simm.s32 $0x4200  }
0x42: {  	[tilespmem:s12], [sflag:$0x8] =	stream.indirect.gather [hbm4b:s9+s7], $0x1, s10, s7, $0xb8;
	[tilespmem:$0x6A80] =	vst v63  }
0x43: {  	s9 =	rddreg [dreg:$0xe];
	s10 =	simm.s32 $0x1000;
	s12 =	simm.s32 $0x4400  }
0x44: {  	[tilespmem:s12], [sflag:$0x9] =	stream.indirect.gather [hbm4b:s9+s7], $0x1, s10, s7, $0xb8;
	[tilespmem:$0x6A80] =	vst v63  }
0x45: {  	s9 =	rddreg [dreg:$0xf];
	s10 =	simm.s32 $0x1200;
	s12 =	simm.s32 $0x4600  }
0x46: {  	[tilespmem:s12], [sflag:$0xA] =	stream.indirect.gather [hbm4b:s9+s7], $0x1, s10, s7, $0xb8;
	[tilespmem:$0x6A80] =	vst v63  }
0x47: {  	s9 =	rddreg [dreg:$0x10];
	s10 =	simm.s32 $0x1400;
	s12 =	simm.s32 $0x4800  }
0x48: {  	[tilespmem:s12], [sflag:$0xB] =	stream.indirect.gather [hbm4b:s9+s7], $0x1, s10, s7, $0xb8;
	[tilespmem:$0x6A80] =	vst v63  }
0x49: {  	s9 =	rddreg [dreg:$0x11];
	s10 =	simm.s32 $0x1600;
	s12 =	simm.s32 $0x4A00  }
0x4a: {  	[tilespmem:s12], [sflag:$0xC] =	stream.indirect.gather [hbm4b:s9+s7], $0x1, s10, s7, $0xb8;
	[tilespmem:$0x6A80] =	vst v63  }
0x4b: {  	s9 =	rddreg [dreg:$0x12];
	s10 =	simm.s32 $0x1800;
	s12 =	simm.s32 $0x4C00  }
0x4c: {  	[tilespmem:s12], [sflag:$0xD] =	stream.indirect.gather [hbm4b:s9+s7], $0x1, s10, s7, $0xb8;
	[tilespmem:$0x6A80] =	vst v63  }
0x4d: {  	s9 =	simm.s32 $0x1C  }
0x4e: {  	_ =	swait.ge [sflag:s9], $0x1A00  }
0x4f: {  	[sflag:s9] =	ssyncset.done $0x0  }
0x50: {  	s12 =	simm.s32 $0x4E00;
	s10 =	rddreg [dreg:$0x13];
	[sflag:s9] =	ssyncadd.s32 $0xFFFFE600  }
0x51: {  	[tilespmem:s12], [sflag:$0xE] =	stream.indirect.gather [hbm4b:s10+s7], $0x1, s11, s7, $0xb8;
	[tilespmem:$0x6A80] =	vst v63  }
0x52: {  	s10 =	rddreg [dreg:$0x14];
	s11 =	simm.s32 $0x1C00;
	s12 =	simm.s32 $0x5000  }
0x53: {  	[tilespmem:s12], [sflag:$0xF] =	stream.indirect.gather [hbm4b:s10+s7], $0x1, s11, s7, $0xb8;
	[tilespmem:$0x6A80] =	vst v63  }
0x54: {  	s10 =	rddreg [dreg:$0x15];
	s11 =	simm.s32 $0x1E00;
	s12 =	simm.s32 $0x5200  }
0x55: {  	[tilespmem:s12], [sflag:$0x10] =	stream.indirect.gather [hbm4b:s10+s7], $0x1, s11, s7, $0xb8;
	[tilespmem:$0x6A80] =	vst v63  }
0x56: {  	s10 =	rddreg [dreg:$0x16];
	s11 =	simm.s32 $0x2000;
	s12 =	simm.s32 $0x5400  }
0x57: {  	[tilespmem:s12], [sflag:$0x11] =	stream.indirect.gather [hbm4b:s10+s7], $0x1, s11, s7, $0xb8;
	[tilespmem:$0x6A80] =	vst v63  }
0x58: {  	s10 =	rddreg [dreg:$0x18];
	s11 =	simm.s32 $0x2200;
	s12 =	simm.s32 $0x5600  }
0x59: {  	[tilespmem:s12], [sflag:$0x12] =	stream.indirect.gather [hbm4b:s10+s7], $0x1, s11, s7, $0xb8;
	[tilespmem:$0x6A80] =	vst v63  }
0x5a: {  	s10 =	rddreg [dreg:$0x1a];
	s11 =	simm.s32 $0x2400;
	s12 =	simm.s32 $0x5800  }
0x5b: {  	[tilespmem:s12], [sflag:$0x13] =	stream.indirect.gather [hbm4b:s10+s7], $0x1, s11, s7, $0xb8;
	[tilespmem:$0x6A80] =	vst v63  }
0x5c: {  	s10 =	rddreg [dreg:$0x1b];
	s11 =	simm.s32 $0x2600;
	s12 =	simm.s32 $0x5A00  }
0x5d: {  	[tilespmem:s12], [sflag:$0x14] =	stream.indirect.gather [hbm4b:s10+s7], $0x1, s11, s7, $0xb8;
	[tilespmem:$0x6A80] =	vst v63  }
0x5e: {  	s10 =	rddreg [dreg:$0x1c];
	s11 =	simm.s32 $0x2800;
	s12 =	simm.s32 $0x5C00  }
0x5f: {  	[tilespmem:s12], [sflag:$0x15] =	stream.indirect.gather [hbm4b:s10+s7], $0x1, s11, s7, $0xb8;
	[tilespmem:$0x6A80] =	vst v63  }
0x60: {  	s10 =	rddreg [dreg:$0x1d];
	s11 =	simm.s32 $0x2A00;
	s12 =	simm.s32 $0x5E00  }
0x61: {  	[tilespmem:s12], [sflag:$0x16] =	stream.indirect.gather [hbm4b:s10+s7], $0x1, s11, s7, $0xb8;
	[tilespmem:$0x6A80] =	vst v63  }
0x62: {  	s10 =	rddreg [dreg:$0x1e];
	s11 =	simm.s32 $0x2C00;
	s12 =	simm.s32 $0x6000  }
0x63: {  	[tilespmem:s12], [sflag:$0x17] =	stream.indirect.gather [hbm4b:s10+s7], $0x1, s11, s7, $0xb8;
	[tilespmem:$0x6A80] =	vst v63  }
0x64: {  	s10 =	rddreg [dreg:$0x1f];
	s11 =	simm.s32 $0x2E00;
	s12 =	simm.s32 $0x6200  }
0x65: {  	[tilespmem:s12], [sflag:$0x18] =	stream.indirect.gather [hbm4b:s10+s7], $0x1, s11, s7, $0xb8;
	[tilespmem:$0x6A80] =	vst v63  }
0x66: {  	s10 =	sld [smem:$0x7FC];
	_ =	sdelay $0x1  }
0x67: {  	s9 =	sld [smem:$0x7FD];
	s11 =	simm.s32 $0x3000;
	s12 =	simm.s32 $0x6400  }
0x68: {  	[tilespmem:s12], [sflag:$0x19] =	stream.indirect.gather [hbm4b:s10+s7], $0x1, s11, s7, $0xb8;
	[tilespmem:$0x6A80] =	vst v63  }
0x69: {  	s10 =	simm.s32 $0x3200;
	s11 =	simm.s32 $0x6600;
	s12 =	simm.s32 $0x1  }
0x6a: {  	[tilespmem:s11], [sflag:$0x1A] =	stream.indirect.gather [hbm4b:s9+s7], $0x1, s10, s7, $0xb8;
	[tilespmem:$0x6A80] =	vst v63  }
0x6b: {  	v0 =	vld [tilespmem:$0x6A00];
	_ =	swait.ge [sflag:s12], $0x200  }
0x6c: {  	[sflag:s12] =	ssyncset.done $0x0  }
0x6d: {  	s8 =	simm.s32 $0x0;
	[sflag:s12] =	ssyncadd.s32 $0xFFFFFE00  }
0x6e: {  	v1 =	vld [tilespmem:s8+$0x3410]  }
0x6f: {  	s9 =	simm.s32 $0x80;
	v2 =	vld [tilespmem:s8+$0x3400]  }
.LBB2_2:
0x70: {  	p0 =	sne.s32 s9, $0x780  }
.Ltmp0:
0x71: {  	_ = 	snop;
	(pc) =	sbr.rel @p0 .LBB2_2-.Ltmp0, $4  }
0x72: {  	_ = 	snop  }
0x73: {  	s10 =	sshra.s32 s9, $0x2;
	s9 =	sadd.s32 $0x80, s9;
	[tilespmem:s8+$0x6810] =	vst v1  }
0x74: {  	v1 =	vld [tilespmem:s10+$0x3410];
	[tilespmem:s8+$0x6800] =	vst v2;
	s8 =	smov.u32 s10  }
0x75: {  	v2 =	vld [tilespmem:s8+$0x3400]  }
0x76: {  	_ =	sdelay $0x2  }
0x77: {  	[tilespmem:s8+$0x6810] =	vst v1  }
0x78: {  	s11 =	simm.s32 $0x2;
	[tilespmem:s8+$0x6800] =	vst v2  }
0x79: {  	_ =	swait.ge [sflag:s11], $0x200  }
0x7a: {  	[sflag:s11] =	ssyncset.done $0x0  }
0x7b: {  	s12 =	simm.s32 $0x0;
	s10 =	simm.s32 $0x6810;
	[sflag:s11] =	ssyncadd.s32 $0xFFFFFE00  }
0x7c: {  	s8 =	sand.u32 $0x1E0, s12;
	v1 =	vld [tilespmem:s10+$0xFFFFFFF0]  }
0x7d: {  	v2 =	vld [tilespmem:s8+$0x3600];
	_ =	sdelay $0x4  }
0x7e: {  	v1 =	vadd.f32 v2, v1;
	_ =	sdelay $0x1  }
0x7f: {  	s8 =	simm.s32 $0x3610;
	[tilespmem:s10+$0xFFFFFFF0] =	vst v1;
	v1 =	vld [tilespmem:s10+$0x0]  }
0x80: {  	v2 =	vld [tilespmem:s8+$0x0];
	_ =	sdelay $0x4  }
0x81: {  	v2 =	vadd.f32 v2, v1  }
0x82: {  	s9 =	simm.s32 $0x6830;
	s11 =	simm.s32 $0x20  }
0x83: {  	s12 =	sand.u32 $0x1E0, s11;
	s11 =	simm.s32 $0x40;
	v1 =	vld [tilespmem:s9+$0xFFFFFFF0];
	[tilespmem:s10+$0x0] =	vst v2;
	s10 =	simm.s32 $0x6830  }
.LBB2_4:
0x84: {  	p0 =	sne.s32 s11, $0x1E0;
	v2 =	vld [tilespmem:s12+$0x3600];
	_ =	sdelay $0x4  }
0x85: {  	v1 =	vadd.f32 v2, v1;
	_ =	sdelay $0x1  }
0x86: {  	s8 =	sadd.s32 $0x20, s8;
	[tilespmem:s9+$0xFFFFFFF0] =	vst v1;
	v1 =	vld [tilespmem:s9+$0x0]  }
0x87: {  	v2 =	vld [tilespmem:s8+$0x0];
	_ =	sdelay $0x2  }
.Ltmp1:
0x88: {  	(pc) =	sbr.rel @p0 .LBB2_4-.Ltmp1, $4  }
0x89: {  	_ = 	snop  }
0x8a: {  	v2 =	vadd.f32 v2, v1  }
0x8b: {  	s9 =	sadd.s32 $0x20, s9  }
0x8c: {  	s12 =	sand.u32 $0x1E0, s11;
	s11 =	sadd.s32 $0x20, s11;
	v1 =	vld [tilespmem:s9+$0xFFFFFFF0];
	[tilespmem:s10+$0x0] =	vst v2;
	s10 =	smov.u32 s9  }
0x8d: {  	v2 =	vld [tilespmem:s12+$0x3600];
	_ =	sdelay $0x4  }
0x8e: {  	v1 =	vadd.f32 v2, v1;
	_ =	sdelay $0x1  }
0x8f: {  	s8 =	sadd.s32 $0x20, s8;
	[tilespmem:s9+$0xFFFFFFF0] =	vst v1;
	v1 =	vld [tilespmem:s9+$0x0]  }
0x90: {  	v2 =	vld [tilespmem:s8+$0x0];
	_ =	sdelay $0x4  }
0x91: {  	v1 =	vadd.f32 v2, v1;
	_ =	sdelay $0x1  }
0x92: {  	s11 =	simm.s32 $0x3;
	[tilespmem:s10+$0x0] =	vst v1  }
0x93: {  	_ =	swait.ge [sflag:s11], $0x200  }
0x94: {  	[sflag:s11] =	ssyncset.done $0x0  }
0x95: {  	s12 =	simm.s32 $0x0;
	s10 =	simm.s32 $0x6810;
	[sflag:s11] =	ssyncadd.s32 $0xFFFFFE00  }
0x96: {  	s8 =	sand.u32 $0x1E0, s12;
	v1 =	vld [tilespmem:s10+$0xFFFFFFF0]  }
0x97: {  	v2 =	vld [tilespmem:s8+$0x3800];
	_ =	sdelay $0x4  }
0x98: {  	v1 =	vadd.f32 v2, v1;
	_ =	sdelay $0x1  }
0x99: {  	s8 =	simm.s32 $0x3810;
	[tilespmem:s10+$0xFFFFFFF0] =	vst v1;
	v1 =	vld [tilespmem:s10+$0x0]  }
0x9a: {  	v2 =	vld [tilespmem:s8+$0x0];
	_ =	sdelay $0x4  }
0x9b: {  	v2 =	vadd.f32 v2, v1  }
0x9c: {  	s9 =	simm.s32 $0x6830;
	s11 =	simm.s32 $0x20  }
0x9d: {  	s12 =	sand.u32 $0x1E0, s11;
	s11 =	simm.s32 $0x40;
	v1 =	vld [tilespmem:s9+$0xFFFFFFF0];
	[tilespmem:s10+$0x0] =	vst v2;
	s10 =	simm.s32 $0x6830  }
.LBB2_6:
0x9e: {  	p0 =	sne.s32 s11, $0x1E0;
	v2 =	vld [tilespmem:s12+$0x3800];
	_ =	sdelay $0x4  }
0x9f: {  	v1 =	vadd.f32 v2, v1;
	_ =	sdelay $0x1  }
0xa0: {  	s8 =	sadd.s32 $0x20, s8;
	[tilespmem:s9+$0xFFFFFFF0] =	vst v1;
	v1 =	vld [tilespmem:s9+$0x0]  }
0xa1: {  	v2 =	vld [tilespmem:s8+$0x0];
	_ =	sdelay $0x2  }
.Ltmp2:
0xa2: {  	(pc) =	sbr.rel @p0 .LBB2_6-.Ltmp2, $4  }
0xa3: {  	_ = 	snop  }
0xa4: {  	v2 =	vadd.f32 v2, v1  }
0xa5: {  	s9 =	sadd.s32 $0x20, s9  }
0xa6: {  	s12 =	sand.u32 $0x1E0, s11;
	s11 =	sadd.s32 $0x20, s11;
	v1 =	vld [tilespmem:s9+$0xFFFFFFF0];
	[tilespmem:s10+$0x0] =	vst v2;
	s10 =	smov.u32 s9  }
0xa7: {  	v2 =	vld [tilespmem:s12+$0x3800];
	_ =	sdelay $0x4  }
0xa8: {  	v1 =	vadd.f32 v2, v1;
	_ =	sdelay $0x1  }
0xa9: {  	s8 =	sadd.s32 $0x20, s8;
	[tilespmem:s9+$0xFFFFFFF0] =	vst v1;
	v1 =	vld [tilespmem:s9+$0x0]  }
0xaa: {  	v2 =	vld [tilespmem:s8+$0x0];
	_ =	sdelay $0x4  }
0xab: {  	v1 =	vadd.f32 v2, v1;
	_ =	sdelay $0x1  }
0xac: {  	s11 =	simm.s32 $0x4;
	[tilespmem:s10+$0x0] =	vst v1  }
0xad: {  	_ =	swait.ge [sflag:s11], $0x200  }
0xae: {  	[sflag:s11] =	ssyncset.done $0x0  }
0xaf: {  	s12 =	simm.s32 $0x0;
	s10 =	simm.s32 $0x6810;
	[sflag:s11] =	ssyncadd.s32 $0xFFFFFE00  }
0xb0: {  	s8 =	sand.u32 $0x1E0, s12;
	v1 =	vld [tilespmem:s10+$0xFFFFFFF0]  }
0xb1: {  	v2 =	vld [tilespmem:s8+$0x3A00];
	_ =	sdelay $0x4  }
0xb2: {  	v1 =	vadd.f32 v2, v1;
	_ =	sdelay $0x1  }
0xb3: {  	s8 =	simm.s32 $0x3A10;
	[tilespmem:s10+$0xFFFFFFF0] =	vst v1;
	v1 =	vld [tilespmem:s10+$0x0]  }
0xb4: {  	v2 =	vld [tilespmem:s8+$0x0];
	_ =	sdelay $0x4  }
0xb5: {  	v2 =	vadd.f32 v2, v1  }
0xb6: {  	s9 =	simm.s32 $0x6830;
	s11 =	simm.s32 $0x20  }
0xb7: {  	s12 =	sand.u32 $0x1E0, s11;
	s11 =	simm.s32 $0x40;
	v1 =	vld [tilespmem:s9+$0xFFFFFFF0];
	[tilespmem:s10+$0x0] =	vst v2;
	s10 =	simm.s32 $0x6830  }
.LBB2_8:
0xb8: {  	p0 =	sne.s32 s11, $0x1E0;
	v2 =	vld [tilespmem:s12+$0x3A00];
	_ =	sdelay $0x4  }
0xb9: {  	v1 =	vadd.f32 v2, v1;
	_ =	sdelay $0x1  }
0xba: {  	s8 =	sadd.s32 $0x20, s8;
	[tilespmem:s9+$0xFFFFFFF0] =	vst v1;
	v1 =	vld [tilespmem:s9+$0x0]  }
0xbb: {  	v2 =	vld [tilespmem:s8+$0x0];
	_ =	sdelay $0x2  }
.Ltmp3:
0xbc: {  	(pc) =	sbr.rel @p0 .LBB2_8-.Ltmp3, $4  }
0xbd: {  	_ = 	snop  }
0xbe: {  	v2 =	vadd.f32 v2, v1  }
0xbf: {  	s9 =	sadd.s32 $0x20, s9  }
0xc0: {  	s12 =	sand.u32 $0x1E0, s11;
	s11 =	sadd.s32 $0x20, s11;
	v1 =	vld [tilespmem:s9+$0xFFFFFFF0];
	[tilespmem:s10+$0x0] =	vst v2;
	s10 =	smov.u32 s9  }
0xc1: {  	v2 =	vld [tilespmem:s12+$0x3A00];
	_ =	sdelay $0x4  }
0xc2: {  	v1 =	vadd.f32 v2, v1;
	_ =	sdelay $0x1  }
0xc3: {  	s8 =	sadd.s32 $0x20, s8;
	[tilespmem:s9+$0xFFFFFFF0] =	vst v1;
	v1 =	vld [tilespmem:s9+$0x0]  }
0xc4: {  	v2 =	vld [tilespmem:s8+$0x0];
	_ =	sdelay $0x4  }
0xc5: {  	v1 =	vadd.f32 v2, v1;
	_ =	sdelay $0x1  }
0xc6: {  	[tilespmem:s10+$0x0] =	vst v1  }
0xc7: {  	_ =	swait.ge [sflag:s13], $0x200  }
0xc8: {  	[sflag:s13] =	ssyncset.done $0x0  }
0xc9: {  	s12 =	simm.s32 $0x0;
	s10 =	simm.s32 $0x6810;
	[sflag:s13] =	ssyncadd.s32 $0xFFFFFE00  }
0xca: {  	s8 =	sand.u32 $0x1E0, s12;
	v1 =	vld [tilespmem:s10+$0xFFFFFFF0]  }
0xcb: {  	v2 =	vld [tilespmem:s8+$0x3C00];
	_ =	sdelay $0x4  }
0xcc: {  	v1 =	vadd.f32 v2, v1;
	_ =	sdelay $0x1  }
0xcd: {  	s8 =	simm.s32 $0x3C10;
	[tilespmem:s10+$0xFFFFFFF0] =	vst v1;
	v1 =	vld [tilespmem:s10+$0x0]  }
0xce: {  	v2 =	vld [tilespmem:s8+$0x0];
	_ =	sdelay $0x4  }
0xcf: {  	v2 =	vadd.f32 v2, v1  }
0xd0: {  	s11 =	simm.s32 $0x20;
	s9 =	simm.s32 $0x6830  }
0xd1: {  	s12 =	sand.u32 $0x1E0, s11;
	s11 =	simm.s32 $0x40;
	v1 =	vld [tilespmem:s9+$0xFFFFFFF0];
	[tilespmem:s10+$0x0] =	vst v2;
	s10 =	simm.s32 $0x6830  }
.LBB2_10:
0xd2: {  	p0 =	sne.s32 s11, $0x1E0;
	v2 =	vld [tilespmem:s12+$0x3C00];
	_ =	sdelay $0x4  }
0xd3: {  	v1 =	vadd.f32 v2, v1;
	_ =	sdelay $0x1  }
0xd4: {  	s8 =	sadd.s32 $0x20, s8;
	[tilespmem:s9+$0xFFFFFFF0] =	vst v1;
	v1 =	vld [tilespmem:s9+$0x0]  }
0xd5: {  	v2 =	vld [tilespmem:s8+$0x0];
	_ =	sdelay $0x2  }
.Ltmp4:
0xd6: {  	(pc) =	sbr.rel @p0 .LBB2_10-.Ltmp4, $4  }
0xd7: {  	_ = 	snop  }
0xd8: {  	v2 =	vadd.f32 v2, v1  }
0xd9: {  	s9 =	sadd.s32 $0x20, s9  }
0xda: {  	s12 =	sand.u32 $0x1E0, s11;
	s11 =	sadd.s32 $0x20, s11;
	v1 =	vld [tilespmem:s9+$0xFFFFFFF0];
	[tilespmem:s10+$0x0] =	vst v2;
	s10 =	smov.u32 s9  }
0xdb: {  	v2 =	vld [tilespmem:s12+$0x3C00];
	_ =	sdelay $0x4  }
0xdc: {  	v1 =	vadd.f32 v2, v1;
	_ =	sdelay $0x1  }
0xdd: {  	s8 =	sadd.s32 $0x20, s8;
	[tilespmem:s9+$0xFFFFFFF0] =	vst v1;
	v1 =	vld [tilespmem:s9+$0x0]  }
0xde: {  	v2 =	vld [tilespmem:s8+$0x0];
	_ =	sdelay $0x4  }
0xdf: {  	v1 =	vadd.f32 v2, v1;
	_ =	sdelay $0x1  }
0xe0: {  	[tilespmem:s10+$0x0] =	vst v1  }
0xe1: {  	_ =	swait.ge [sflag:s14], $0x200  }
0xe2: {  	[sflag:s14] =	ssyncset.done $0x0  }
0xe3: {  	s12 =	simm.s32 $0x0;
	s10 =	simm.s32 $0x6810;
	[sflag:s14] =	ssyncadd.s32 $0xFFFFFE00  }
0xe4: {  	s8 =	sand.u32 $0x1E0, s12;
	v1 =	vld [tilespmem:s10+$0xFFFFFFF0]  }
0xe5: {  	v2 =	vld [tilespmem:s8+$0x3E00];
	_ =	sdelay $0x4  }
0xe6: {  	v1 =	vadd.f32 v2, v1;
	_ =	sdelay $0x1  }
0xe7: {  	s8 =	simm.s32 $0x3E10;
	[tilespmem:s10+$0xFFFFFFF0] =	vst v1;
	v1 =	vld [tilespmem:s10+$0x0]  }
0xe8: {  	v2 =	vld [tilespmem:s8+$0x0];
	_ =	sdelay $0x4  }
0xe9: {  	v2 =	vadd.f32 v2, v1  }
0xea: {  	s11 =	simm.s32 $0x20;
	s9 =	simm.s32 $0x6830  }
0xeb: {  	s12 =	sand.u32 $0x1E0, s11;
	s11 =	simm.s32 $0x40;
	v1 =	vld [tilespmem:s9+$0xFFFFFFF0];
	[tilespmem:s10+$0x0] =	vst v2;
	s10 =	simm.s32 $0x6830  }
.LBB2_12:
0xec: {  	p0 =	sne.s32 s11, $0x1E0;
	v2 =	vld [tilespmem:s12+$0x3E00];
	_ =	sdelay $0x4  }
0xed: {  	v1 =	vadd.f32 v2, v1;
	_ =	sdelay $0x1  }
0xee: {  	s8 =	sadd.s32 $0x20, s8;
	[tilespmem:s9+$0xFFFFFFF0] =	vst v1;
	v1 =	vld [tilespmem:s9+$0x0]  }
0xef: {  	v2 =	vld [tilespmem:s8+$0x0];
	_ =	sdelay $0x2  }
.Ltmp5:
0xf0: {  	(pc) =	sbr.rel @p0 .LBB2_12-.Ltmp5, $4  }
0xf1: {  	_ = 	snop  }
0xf2: {  	v2 =	vadd.f32 v2, v1  }
0xf3: {  	s9 =	sadd.s32 $0x20, s9  }
0xf4: {  	s12 =	sand.u32 $0x1E0, s11;
	s11 =	sadd.s32 $0x20, s11;
	v1 =	vld [tilespmem:s9+$0xFFFFFFF0];
	[tilespmem:s10+$0x0] =	vst v2;
	s10 =	smov.u32 s9  }
0xf5: {  	v2 =	vld [tilespmem:s12+$0x3E00];
	_ =	sdelay $0x4  }
0xf6: {  	v1 =	vadd.f32 v2, v1;
	_ =	sdelay $0x1  }
0xf7: {  	s8 =	sadd.s32 $0x20, s8;
	[tilespmem:s9+$0xFFFFFFF0] =	vst v1;
	v1 =	vld [tilespmem:s9+$0x0]  }
0xf8: {  	v2 =	vld [tilespmem:s8+$0x0];
	_ =	sdelay $0x4  }
0xf9: {  	v1 =	vadd.f32 v2, v1;
	_ =	sdelay $0x1  }
0xfa: {  	[tilespmem:s10+$0x0] =	vst v1  }
0xfb: {  	_ =	swait.ge [sflag:s15], $0x200  }
0xfc: {  	[sflag:s15] =	ssyncset.done $0x0  }
0xfd: {  	s12 =	simm.s32 $0x0;
	s10 =	simm.s32 $0x6810;
	[sflag:s15] =	ssyncadd.s32 $0xFFFFFE00  }
0xfe: {  	s8 =	sand.u32 $0x1E0, s12;
	v1 =	vld [tilespmem:s10+$0xFFFFFFF0]  }
0xff: {  	v2 =	vld [tilespmem:s8+$0x4000];
	_ =	sdelay $0x4  }
0x100: {  	v1 =	vadd.f32 v2, v1;
	_ =	sdelay $0x1  }
0x101: {  	s8 =	simm.s32 $0x4010;
	[tilespmem:s10+$0xFFFFFFF0] =	vst v1;
	v1 =	vld [tilespmem:s10+$0x0]  }
0x102: {  	v2 =	vld [tilespmem:s8+$0x0];
	_ =	sdelay $0x4  }
0x103: {  	v2 =	vadd.f32 v2, v1  }
0x104: {  	s11 =	simm.s32 $0x20;
	s9 =	simm.s32 $0x6830  }
0x105: {  	s12 =	sand.u32 $0x1E0, s11;
	s11 =	simm.s32 $0x40;
	v1 =	vld [tilespmem:s9+$0xFFFFFFF0];
	[tilespmem:s10+$0x0] =	vst v2;
	s10 =	simm.s32 $0x6830  }
.LBB2_14:
0x106: {  	p0 =	sne.s32 s11, $0x1E0;
	v2 =	vld [tilespmem:s12+$0x4000];
	_ =	sdelay $0x4  }
0x107: {  	v1 =	vadd.f32 v2, v1;
	_ =	sdelay $0x1  }
0x108: {  	s8 =	sadd.s32 $0x20, s8;
	[tilespmem:s9+$0xFFFFFFF0] =	vst v1;
	v1 =	vld [tilespmem:s9+$0x0]  }
0x109: {  	v2 =	vld [tilespmem:s8+$0x0];
	_ =	sdelay $0x2  }
.Ltmp6:
0x10a: {  	(pc) =	sbr.rel @p0 .LBB2_14-.Ltmp6, $4  }
0x10b: {  	_ = 	snop  }
0x10c: {  	v2 =	vadd.f32 v2, v1  }
0x10d: {  	s9 =	sadd.s32 $0x20, s9  }
0x10e: {  	s12 =	sand.u32 $0x1E0, s11;
	s11 =	sadd.s32 $0x20, s11;
	v1 =	vld [tilespmem:s9+$0xFFFFFFF0];
	[tilespmem:s10+$0x0] =	vst v2;
	s10 =	smov.u32 s9  }
0x10f: {  	v2 =	vld [tilespmem:s12+$0x4000];
	_ =	sdelay $0x4  }
0x110: {  	v1 =	vadd.f32 v2, v1;
	_ =	sdelay $0x1  }
0x111: {  	s8 =	sadd.s32 $0x20, s8;
	[tilespmem:s9+$0xFFFFFFF0] =	vst v1;
	v1 =	vld [tilespmem:s9+$0x0]  }
0x112: {  	v2 =	vld [tilespmem:s8+$0x0];
	_ =	sdelay $0x4  }
0x113: {  	v1 =	vadd.f32 v2, v1;
	_ =	sdelay $0x1  }
0x114: {  	[tilespmem:s10+$0x0] =	vst v1  }
0x115: {  	_ =	swait.ge [sflag:s16], $0x200  }
0x116: {  	[sflag:s16] =	ssyncset.done $0x0  }
0x117: {  	s12 =	simm.s32 $0x0;
	s10 =	simm.s32 $0x6810;
	[sflag:s16] =	ssyncadd.s32 $0xFFFFFE00  }
0x118: {  	s8 =	sand.u32 $0x1E0, s12;
	v1 =	vld [tilespmem:s10+$0xFFFFFFF0]  }
0x119: {  	v2 =	vld [tilespmem:s8+$0x4200];
	_ =	sdelay $0x4  }
0x11a: {  	v1 =	vadd.f32 v2, v1;
	_ =	sdelay $0x1  }
0x11b: {  	s8 =	simm.s32 $0x4210;
	[tilespmem:s10+$0xFFFFFFF0] =	vst v1;
	v1 =	vld [tilespmem:s10+$0x0]  }
0x11c: {  	v2 =	vld [tilespmem:s8+$0x0];
	_ =	sdelay $0x4  }
0x11d: {  	v2 =	vadd.f32 v2, v1  }
0x11e: {  	s11 =	simm.s32 $0x20;
	s9 =	simm.s32 $0x6830  }
0x11f: {  	s12 =	sand.u32 $0x1E0, s11;
	s11 =	simm.s32 $0x40;
	v1 =	vld [tilespmem:s9+$0xFFFFFFF0];
	[tilespmem:s10+$0x0] =	vst v2;
	s10 =	simm.s32 $0x6830  }
.LBB2_16:
0x120: {  	p0 =	sne.s32 s11, $0x1E0;
	v2 =	vld [tilespmem:s12+$0x4200];
	_ =	sdelay $0x4  }
0x121: {  	v1 =	vadd.f32 v2, v1;
	_ =	sdelay $0x1  }
0x122: {  	s8 =	sadd.s32 $0x20, s8;
	[tilespmem:s9+$0xFFFFFFF0] =	vst v1;
	v1 =	vld [tilespmem:s9+$0x0]  }
0x123: {  	v2 =	vld [tilespmem:s8+$0x0];
	_ =	sdelay $0x2  }
.Ltmp7:
0x124: {  	(pc) =	sbr.rel @p0 .LBB2_16-.Ltmp7, $4  }
0x125: {  	_ = 	snop  }
0x126: {  	v2 =	vadd.f32 v2, v1  }
0x127: {  	s9 =	sadd.s32 $0x20, s9  }
0x128: {  	s12 =	sand.u32 $0x1E0, s11;
	s11 =	sadd.s32 $0x20, s11;
	v1 =	vld [tilespmem:s9+$0xFFFFFFF0];
	[tilespmem:s10+$0x0] =	vst v2;
	s10 =	smov.u32 s9  }
0x129: {  	v2 =	vld [tilespmem:s12+$0x4200];
	_ =	sdelay $0x4  }
0x12a: {  	v1 =	vadd.f32 v2, v1;
	_ =	sdelay $0x1  }
0x12b: {  	s8 =	sadd.s32 $0x20, s8;
	[tilespmem:s9+$0xFFFFFFF0] =	vst v1;
	v1 =	vld [tilespmem:s9+$0x0]  }
0x12c: {  	v2 =	vld [tilespmem:s8+$0x0];
	_ =	sdelay $0x4  }
0x12d: {  	v1 =	vadd.f32 v2, v1;
	_ =	sdelay $0x1  }
0x12e: {  	[tilespmem:s10+$0x0] =	vst v1  }
0x12f: {  	_ =	swait.ge [sflag:s17], $0x200  }
0x130: {  	[sflag:s17] =	ssyncset.done $0x0  }
0x131: {  	s12 =	simm.s32 $0x0;
	s10 =	simm.s32 $0x6810;
	[sflag:s17] =	ssyncadd.s32 $0xFFFFFE00  }
0x132: {  	s8 =	sand.u32 $0x1E0, s12;
	v1 =	vld [tilespmem:s10+$0xFFFFFFF0]  }
0x133: {  	v2 =	vld [tilespmem:s8+$0x4400];
	_ =	sdelay $0x4  }
0x134: {  	v1 =	vadd.f32 v2, v1;
	_ =	sdelay $0x1  }
0x135: {  	s8 =	simm.s32 $0x4410;
	[tilespmem:s10+$0xFFFFFFF0] =	vst v1;
	v1 =	vld [tilespmem:s10+$0x0]  }
0x136: {  	v2 =	vld [tilespmem:s8+$0x0];
	_ =	sdelay $0x4  }
0x137: {  	v2 =	vadd.f32 v2, v1  }
0x138: {  	s11 =	simm.s32 $0x20;
	s9 =	simm.s32 $0x6830  }
0x139: {  	s12 =	sand.u32 $0x1E0, s11;
	s11 =	simm.s32 $0x40;
	v1 =	vld [tilespmem:s9+$0xFFFFFFF0];
	[tilespmem:s10+$0x0] =	vst v2;
	s10 =	simm.s32 $0x6830  }
.LBB2_18:
0x13a: {  	p0 =	sne.s32 s11, $0x1E0;
	v2 =	vld [tilespmem:s12+$0x4400];
	_ =	sdelay $0x4  }
0x13b: {  	v1 =	vadd.f32 v2, v1;
	_ =	sdelay $0x1  }
0x13c: {  	s8 =	sadd.s32 $0x20, s8;
	[tilespmem:s9+$0xFFFFFFF0] =	vst v1;
	v1 =	vld [tilespmem:s9+$0x0]  }
0x13d: {  	v2 =	vld [tilespmem:s8+$0x0];
	_ =	sdelay $0x2  }
.Ltmp8:
0x13e: {  	(pc) =	sbr.rel @p0 .LBB2_18-.Ltmp8, $4  }
0x13f: {  	_ = 	snop  }
0x140: {  	v2 =	vadd.f32 v2, v1  }
0x141: {  	s9 =	sadd.s32 $0x20, s9  }
0x142: {  	s12 =	sand.u32 $0x1E0, s11;
	s11 =	sadd.s32 $0x20, s11;
	v1 =	vld [tilespmem:s9+$0xFFFFFFF0];
	[tilespmem:s10+$0x0] =	vst v2;
	s10 =	smov.u32 s9  }
0x143: {  	v2 =	vld [tilespmem:s12+$0x4400];
	_ =	sdelay $0x4  }
0x144: {  	v1 =	vadd.f32 v2, v1;
	_ =	sdelay $0x1  }
0x145: {  	s8 =	sadd.s32 $0x20, s8;
	[tilespmem:s9+$0xFFFFFFF0] =	vst v1;
	v1 =	vld [tilespmem:s9+$0x0]  }
0x146: {  	v2 =	vld [tilespmem:s8+$0x0];
	_ =	sdelay $0x4  }
0x147: {  	v1 =	vadd.f32 v2, v1;
	_ =	sdelay $0x1  }
0x148: {  	[tilespmem:s10+$0x0] =	vst v1  }
0x149: {  	_ =	swait.ge [sflag:s18], $0x200  }
0x14a: {  	[sflag:s18] =	ssyncset.done $0x0  }
0x14b: {  	s12 =	simm.s32 $0x0;
	s10 =	simm.s32 $0x6810;
	[sflag:s18] =	ssyncadd.s32 $0xFFFFFE00  }
0x14c: {  	s8 =	sand.u32 $0x1E0, s12;
	v1 =	vld [tilespmem:s10+$0xFFFFFFF0]  }
0x14d: {  	v2 =	vld [tilespmem:s8+$0x4600];
	_ =	sdelay $0x4  }
0x14e: {  	v1 =	vadd.f32 v2, v1;
	_ =	sdelay $0x1  }
0x14f: {  	s8 =	simm.s32 $0x4610;
	[tilespmem:s10+$0xFFFFFFF0] =	vst v1;
	v1 =	vld [tilespmem:s10+$0x0]  }
0x150: {  	v2 =	vld [tilespmem:s8+$0x0];
	_ =	sdelay $0x4  }
0x151: {  	v2 =	vadd.f32 v2, v1  }
0x152: {  	s11 =	simm.s32 $0x20;
	s9 =	simm.s32 $0x6830  }
0x153: {  	s12 =	sand.u32 $0x1E0, s11;
	s11 =	simm.s32 $0x40;
	v1 =	vld [tilespmem:s9+$0xFFFFFFF0];
	[tilespmem:s10+$0x0] =	vst v2;
	s10 =	simm.s32 $0x6830  }
.LBB2_20:
0x154: {  	p0 =	sne.s32 s11, $0x1E0;
	v2 =	vld [tilespmem:s12+$0x4600];
	_ =	sdelay $0x4  }
0x155: {  	v1 =	vadd.f32 v2, v1;
	_ =	sdelay $0x1  }
0x156: {  	s8 =	sadd.s32 $0x20, s8;
	[tilespmem:s9+$0xFFFFFFF0] =	vst v1;
	v1 =	vld [tilespmem:s9+$0x0]  }
0x157: {  	v2 =	vld [tilespmem:s8+$0x0];
	_ =	sdelay $0x2  }
.Ltmp9:
0x158: {  	(pc) =	sbr.rel @p0 .LBB2_20-.Ltmp9, $4  }
0x159: {  	_ = 	snop  }
0x15a: {  	v2 =	vadd.f32 v2, v1  }
0x15b: {  	s9 =	sadd.s32 $0x20, s9  }
0x15c: {  	s12 =	sand.u32 $0x1E0, s11;
	s11 =	sadd.s32 $0x20, s11;
	v1 =	vld [tilespmem:s9+$0xFFFFFFF0];
	[tilespmem:s10+$0x0] =	vst v2;
	s10 =	smov.u32 s9  }
0x15d: {  	v2 =	vld [tilespmem:s12+$0x4600];
	_ =	sdelay $0x4  }
0x15e: {  	v1 =	vadd.f32 v2, v1;
	_ =	sdelay $0x1  }
0x15f: {  	s8 =	sadd.s32 $0x20, s8;
	[tilespmem:s9+$0xFFFFFFF0] =	vst v1;
	v1 =	vld [tilespmem:s9+$0x0]  }
0x160: {  	v2 =	vld [tilespmem:s8+$0x0];
	_ =	sdelay $0x4  }
0x161: {  	v1 =	vadd.f32 v2, v1;
	_ =	sdelay $0x1  }
0x162: {  	[tilespmem:s10+$0x0] =	vst v1  }
0x163: {  	_ =	swait.ge [sflag:s19], $0x200  }
0x164: {  	[sflag:s19] =	ssyncset.done $0x0  }
0x165: {  	s12 =	simm.s32 $0x0;
	s10 =	simm.s32 $0x6810;
	[sflag:s19] =	ssyncadd.s32 $0xFFFFFE00  }
0x166: {  	s8 =	sand.u32 $0x1E0, s12;
	v1 =	vld [tilespmem:s10+$0xFFFFFFF0]  }
0x167: {  	v2 =	vld [tilespmem:s8+$0x4800];
	_ =	sdelay $0x4  }
0x168: {  	v1 =	vadd.f32 v2, v1;
	_ =	sdelay $0x1  }
0x169: {  	s8 =	simm.s32 $0x4810;
	[tilespmem:s10+$0xFFFFFFF0] =	vst v1;
	v1 =	vld [tilespmem:s10+$0x0]  }
0x16a: {  	v2 =	vld [tilespmem:s8+$0x0];
	_ =	sdelay $0x4  }
0x16b: {  	v2 =	vadd.f32 v2, v1  }
0x16c: {  	s11 =	simm.s32 $0x20;
	s9 =	simm.s32 $0x6830  }
0x16d: {  	s12 =	sand.u32 $0x1E0, s11;
	s11 =	simm.s32 $0x40;
	v1 =	vld [tilespmem:s9+$0xFFFFFFF0];
	[tilespmem:s10+$0x0] =	vst v2;
	s10 =	simm.s32 $0x6830  }
.LBB2_22:
0x16e: {  	p0 =	sne.s32 s11, $0x1E0;
	v2 =	vld [tilespmem:s12+$0x4800];
	_ =	sdelay $0x4  }
0x16f: {  	v1 =	vadd.f32 v2, v1;
	_ =	sdelay $0x1  }
0x170: {  	s8 =	sadd.s32 $0x20, s8;
	[tilespmem:s9+$0xFFFFFFF0] =	vst v1;
	v1 =	vld [tilespmem:s9+$0x0]  }
0x171: {  	v2 =	vld [tilespmem:s8+$0x0];
	_ =	sdelay $0x2  }
.Ltmp10:
0x172: {  	(pc) =	sbr.rel @p0 .LBB2_22-.Ltmp10, $4  }
0x173: {  	_ = 	snop  }
0x174: {  	v2 =	vadd.f32 v2, v1  }
0x175: {  	s9 =	sadd.s32 $0x20, s9  }
0x176: {  	s12 =	sand.u32 $0x1E0, s11;
	s11 =	sadd.s32 $0x20, s11;
	v1 =	vld [tilespmem:s9+$0xFFFFFFF0];
	[tilespmem:s10+$0x0] =	vst v2;
	s10 =	smov.u32 s9  }
0x177: {  	v2 =	vld [tilespmem:s12+$0x4800];
	_ =	sdelay $0x4  }
0x178: {  	v1 =	vadd.f32 v2, v1;
	_ =	sdelay $0x1  }
0x179: {  	s8 =	sadd.s32 $0x20, s8;
	[tilespmem:s9+$0xFFFFFFF0] =	vst v1;
	v1 =	vld [tilespmem:s9+$0x0]  }
0x17a: {  	v2 =	vld [tilespmem:s8+$0x0];
	_ =	sdelay $0x4  }
0x17b: {  	v1 =	vadd.f32 v2, v1;
	_ =	sdelay $0x1  }
0x17c: {  	[tilespmem:s10+$0x0] =	vst v1  }
0x17d: {  	_ =	swait.ge [sflag:s20], $0x200  }
0x17e: {  	[sflag:s20] =	ssyncset.done $0x0  }
0x17f: {  	s12 =	simm.s32 $0x0;
	s10 =	simm.s32 $0x6810;
	[sflag:s20] =	ssyncadd.s32 $0xFFFFFE00  }
0x180: {  	s8 =	sand.u32 $0x1E0, s12;
	v1 =	vld [tilespmem:s10+$0xFFFFFFF0]  }
0x181: {  	v2 =	vld [tilespmem:s8+$0x4A00];
	_ =	sdelay $0x4  }
0x182: {  	v1 =	vadd.f32 v2, v1;
	_ =	sdelay $0x1  }
0x183: {  	s8 =	simm.s32 $0x4A10;
	[tilespmem:s10+$0xFFFFFFF0] =	vst v1;
	v1 =	vld [tilespmem:s10+$0x0]  }
0x184: {  	v2 =	vld [tilespmem:s8+$0x0];
	_ =	sdelay $0x4  }
0x185: {  	v2 =	vadd.f32 v2, v1  }
0x186: {  	s11 =	simm.s32 $0x20;
	s9 =	simm.s32 $0x6830  }
0x187: {  	s12 =	sand.u32 $0x1E0, s11;
	s11 =	simm.s32 $0x40;
	v1 =	vld [tilespmem:s9+$0xFFFFFFF0];
	[tilespmem:s10+$0x0] =	vst v2;
	s10 =	simm.s32 $0x6830  }
.LBB2_24:
0x188: {  	p0 =	sne.s32 s11, $0x1E0;
	v2 =	vld [tilespmem:s12+$0x4A00];
	_ =	sdelay $0x4  }
0x189: {  	v1 =	vadd.f32 v2, v1;
	_ =	sdelay $0x1  }
0x18a: {  	s8 =	sadd.s32 $0x20, s8;
	[tilespmem:s9+$0xFFFFFFF0] =	vst v1;
	v1 =	vld [tilespmem:s9+$0x0]  }
0x18b: {  	v2 =	vld [tilespmem:s8+$0x0];
	_ =	sdelay $0x2  }
.Ltmp11:
0x18c: {  	(pc) =	sbr.rel @p0 .LBB2_24-.Ltmp11, $4  }
0x18d: {  	_ = 	snop  }
0x18e: {  	v2 =	vadd.f32 v2, v1  }
0x18f: {  	s9 =	sadd.s32 $0x20, s9  }
0x190: {  	s12 =	sand.u32 $0x1E0, s11;
	s11 =	sadd.s32 $0x20, s11;
	v1 =	vld [tilespmem:s9+$0xFFFFFFF0];
	[tilespmem:s10+$0x0] =	vst v2;
	s10 =	smov.u32 s9  }
0x191: {  	v2 =	vld [tilespmem:s12+$0x4A00];
	_ =	sdelay $0x4  }
0x192: {  	v1 =	vadd.f32 v2, v1;
	_ =	sdelay $0x1  }
0x193: {  	s8 =	sadd.s32 $0x20, s8;
	[tilespmem:s9+$0xFFFFFFF0] =	vst v1;
	v1 =	vld [tilespmem:s9+$0x0]  }
0x194: {  	v2 =	vld [tilespmem:s8+$0x0];
	_ =	sdelay $0x4  }
0x195: {  	v1 =	vadd.f32 v2, v1;
	_ =	sdelay $0x1  }
0x196: {  	[tilespmem:s10+$0x0] =	vst v1  }
0x197: {  	_ =	swait.ge [sflag:s21], $0x200  }
0x198: {  	[sflag:s21] =	ssyncset.done $0x0  }
0x199: {  	s12 =	simm.s32 $0x0;
	s10 =	simm.s32 $0x6810;
	[sflag:s21] =	ssyncadd.s32 $0xFFFFFE00  }
0x19a: {  	s8 =	sand.u32 $0x1E0, s12;
	v1 =	vld [tilespmem:s10+$0xFFFFFFF0]  }
0x19b: {  	v2 =	vld [tilespmem:s8+$0x4C00];
	_ =	sdelay $0x4  }
0x19c: {  	v1 =	vadd.f32 v2, v1;
	_ =	sdelay $0x1  }
0x19d: {  	s8 =	simm.s32 $0x4C10;
	[tilespmem:s10+$0xFFFFFFF0] =	vst v1;
	v1 =	vld [tilespmem:s10+$0x0]  }
0x19e: {  	v2 =	vld [tilespmem:s8+$0x0];
	_ =	sdelay $0x4  }
0x19f: {  	v2 =	vadd.f32 v2, v1  }
0x1a0: {  	s11 =	simm.s32 $0x20;
	s9 =	simm.s32 $0x6830  }
0x1a1: {  	s12 =	sand.u32 $0x1E0, s11;
	s11 =	simm.s32 $0x40;
	v1 =	vld [tilespmem:s9+$0xFFFFFFF0];
	[tilespmem:s10+$0x0] =	vst v2;
	s10 =	simm.s32 $0x6830  }
.LBB2_26:
0x1a2: {  	p0 =	sne.s32 s11, $0x1E0;
	v2 =	vld [tilespmem:s12+$0x4C00];
	_ =	sdelay $0x4  }
0x1a3: {  	v1 =	vadd.f32 v2, v1;
	_ =	sdelay $0x1  }
0x1a4: {  	s8 =	sadd.s32 $0x20, s8;
	[tilespmem:s9+$0xFFFFFFF0] =	vst v1;
	v1 =	vld [tilespmem:s9+$0x0]  }
0x1a5: {  	v2 =	vld [tilespmem:s8+$0x0];
	_ =	sdelay $0x2  }
.Ltmp12:
0x1a6: {  	(pc) =	sbr.rel @p0 .LBB2_26-.Ltmp12, $4  }
0x1a7: {  	_ = 	snop  }
0x1a8: {  	v2 =	vadd.f32 v2, v1  }
0x1a9: {  	s9 =	sadd.s32 $0x20, s9  }
0x1aa: {  	s12 =	sand.u32 $0x1E0, s11;
	s11 =	sadd.s32 $0x20, s11;
	v1 =	vld [tilespmem:s9+$0xFFFFFFF0];
	[tilespmem:s10+$0x0] =	vst v2;
	s10 =	smov.u32 s9  }
0x1ab: {  	v2 =	vld [tilespmem:s12+$0x4C00];
	_ =	sdelay $0x4  }
0x1ac: {  	v1 =	vadd.f32 v2, v1;
	_ =	sdelay $0x1  }
0x1ad: {  	s8 =	sadd.s32 $0x20, s8;
	[tilespmem:s9+$0xFFFFFFF0] =	vst v1;
	v1 =	vld [tilespmem:s9+$0x0]  }
0x1ae: {  	v2 =	vld [tilespmem:s8+$0x0];
	_ =	sdelay $0x4  }
0x1af: {  	v1 =	vadd.f32 v2, v1;
	_ =	sdelay $0x1  }
0x1b0: {  	[tilespmem:s10+$0x0] =	vst v1  }
0x1b1: {  	_ =	swait.ge [sflag:s22], $0x200  }
0x1b2: {  	[sflag:s22] =	ssyncset.done $0x0  }
0x1b3: {  	s12 =	simm.s32 $0x0;
	s10 =	simm.s32 $0x6810;
	[sflag:s22] =	ssyncadd.s32 $0xFFFFFE00  }
0x1b4: {  	s8 =	sand.u32 $0x1E0, s12;
	v1 =	vld [tilespmem:s10+$0xFFFFFFF0]  }
0x1b5: {  	v2 =	vld [tilespmem:s8+$0x4E00];
	_ =	sdelay $0x4  }
0x1b6: {  	v1 =	vadd.f32 v2, v1;
	_ =	sdelay $0x1  }
0x1b7: {  	s8 =	simm.s32 $0x4E10;
	[tilespmem:s10+$0xFFFFFFF0] =	vst v1;
	v1 =	vld [tilespmem:s10+$0x0]  }
0x1b8: {  	v2 =	vld [tilespmem:s8+$0x0];
	_ =	sdelay $0x4  }
0x1b9: {  	v2 =	vadd.f32 v2, v1  }
0x1ba: {  	s11 =	simm.s32 $0x20;
	s9 =	simm.s32 $0x6830  }
0x1bb: {  	s12 =	sand.u32 $0x1E0, s11;
	s11 =	simm.s32 $0x40;
	v1 =	vld [tilespmem:s9+$0xFFFFFFF0];
	[tilespmem:s10+$0x0] =	vst v2;
	s10 =	simm.s32 $0x6830  }
.LBB2_28:
0x1bc: {  	p0 =	sne.s32 s11, $0x1E0;
	v2 =	vld [tilespmem:s12+$0x4E00];
	_ =	sdelay $0x4  }
0x1bd: {  	v1 =	vadd.f32 v2, v1;
	_ =	sdelay $0x1  }
0x1be: {  	s8 =	sadd.s32 $0x20, s8;
	[tilespmem:s9+$0xFFFFFFF0] =	vst v1;
	v1 =	vld [tilespmem:s9+$0x0]  }
0x1bf: {  	v2 =	vld [tilespmem:s8+$0x0];
	_ =	sdelay $0x2  }
.Ltmp13:
0x1c0: {  	(pc) =	sbr.rel @p0 .LBB2_28-.Ltmp13, $4  }
0x1c1: {  	_ = 	snop  }
0x1c2: {  	v2 =	vadd.f32 v2, v1  }
0x1c3: {  	s9 =	sadd.s32 $0x20, s9  }
0x1c4: {  	s12 =	sand.u32 $0x1E0, s11;
	s11 =	sadd.s32 $0x20, s11;
	v1 =	vld [tilespmem:s9+$0xFFFFFFF0];
	[tilespmem:s10+$0x0] =	vst v2;
	s10 =	smov.u32 s9  }
0x1c5: {  	v2 =	vld [tilespmem:s12+$0x4E00];
	_ =	sdelay $0x4  }
0x1c6: {  	v1 =	vadd.f32 v2, v1;
	_ =	sdelay $0x1  }
0x1c7: {  	s8 =	sadd.s32 $0x20, s8;
	[tilespmem:s9+$0xFFFFFFF0] =	vst v1;
	v1 =	vld [tilespmem:s9+$0x0]  }
0x1c8: {  	v2 =	vld [tilespmem:s8+$0x0];
	_ =	sdelay $0x4  }
0x1c9: {  	v1 =	vadd.f32 v2, v1;
	_ =	sdelay $0x1  }
0x1ca: {  	[tilespmem:s10+$0x0] =	vst v1  }
0x1cb: {  	_ =	swait.ge [sflag:s23], $0x200  }
0x1cc: {  	[sflag:s23] =	ssyncset.done $0x0  }
0x1cd: {  	s12 =	simm.s32 $0x0;
	s10 =	simm.s32 $0x6810;
	[sflag:s23] =	ssyncadd.s32 $0xFFFFFE00  }
0x1ce: {  	s8 =	sand.u32 $0x1E0, s12;
	v1 =	vld [tilespmem:s10+$0xFFFFFFF0]  }
0x1cf: {  	v2 =	vld [tilespmem:s8+$0x5000];
	_ =	sdelay $0x4  }
0x1d0: {  	v1 =	vadd.f32 v2, v1;
	_ =	sdelay $0x1  }
0x1d1: {  	s8 =	simm.s32 $0x5010;
	[tilespmem:s10+$0xFFFFFFF0] =	vst v1;
	v1 =	vld [tilespmem:s10+$0x0]  }
0x1d2: {  	v2 =	vld [tilespmem:s8+$0x0];
	_ =	sdelay $0x4  }
0x1d3: {  	v2 =	vadd.f32 v2, v1  }
0x1d4: {  	s11 =	simm.s32 $0x20;
	s9 =	simm.s32 $0x6830  }
0x1d5: {  	s12 =	sand.u32 $0x1E0, s11;
	s11 =	simm.s32 $0x40;
	v1 =	vld [tilespmem:s9+$0xFFFFFFF0];
	[tilespmem:s10+$0x0] =	vst v2;
	s10 =	simm.s32 $0x6830  }
.LBB2_30:
0x1d6: {  	p0 =	sne.s32 s11, $0x1E0;
	v2 =	vld [tilespmem:s12+$0x5000];
	_ =	sdelay $0x4  }
0x1d7: {  	v1 =	vadd.f32 v2, v1;
	_ =	sdelay $0x1  }
0x1d8: {  	s8 =	sadd.s32 $0x20, s8;
	[tilespmem:s9+$0xFFFFFFF0] =	vst v1;
	v1 =	vld [tilespmem:s9+$0x0]  }
0x1d9: {  	v2 =	vld [tilespmem:s8+$0x0];
	_ =	sdelay $0x2  }
.Ltmp14:
0x1da: {  	(pc) =	sbr.rel @p0 .LBB2_30-.Ltmp14, $4  }
0x1db: {  	_ = 	snop  }
0x1dc: {  	v2 =	vadd.f32 v2, v1  }
0x1dd: {  	s9 =	sadd.s32 $0x20, s9  }
0x1de: {  	s12 =	sand.u32 $0x1E0, s11;
	s11 =	sadd.s32 $0x20, s11;
	v1 =	vld [tilespmem:s9+$0xFFFFFFF0];
	[tilespmem:s10+$0x0] =	vst v2;
	s10 =	smov.u32 s9  }
0x1df: {  	v2 =	vld [tilespmem:s12+$0x5000];
	_ =	sdelay $0x4  }
0x1e0: {  	v1 =	vadd.f32 v2, v1;
	_ =	sdelay $0x1  }
0x1e1: {  	s8 =	sadd.s32 $0x20, s8;
	[tilespmem:s9+$0xFFFFFFF0] =	vst v1;
	v1 =	vld [tilespmem:s9+$0x0]  }
0x1e2: {  	v2 =	vld [tilespmem:s8+$0x0];
	_ =	sdelay $0x4  }
0x1e3: {  	v1 =	vadd.f32 v2, v1;
	_ =	sdelay $0x1  }
0x1e4: {  	[tilespmem:s10+$0x0] =	vst v1  }
0x1e5: {  	_ =	swait.ge [sflag:s24], $0x200  }
0x1e6: {  	[sflag:s24] =	ssyncset.done $0x0  }
0x1e7: {  	s12 =	simm.s32 $0x0;
	s10 =	simm.s32 $0x6810;
	[sflag:s24] =	ssyncadd.s32 $0xFFFFFE00  }
0x1e8: {  	s8 =	sand.u32 $0x1E0, s12;
	v1 =	vld [tilespmem:s10+$0xFFFFFFF0]  }
0x1e9: {  	v2 =	vld [tilespmem:s8+$0x5200];
	_ =	sdelay $0x4  }
0x1ea: {  	v1 =	vadd.f32 v2, v1;
	_ =	sdelay $0x1  }
0x1eb: {  	s8 =	simm.s32 $0x5210;
	[tilespmem:s10+$0xFFFFFFF0] =	vst v1;
	v1 =	vld [tilespmem:s10+$0x0]  }
0x1ec: {  	v2 =	vld [tilespmem:s8+$0x0];
	_ =	sdelay $0x4  }
0x1ed: {  	v2 =	vadd.f32 v2, v1  }
0x1ee: {  	s11 =	simm.s32 $0x20;
	s9 =	simm.s32 $0x6830  }
0x1ef: {  	s12 =	sand.u32 $0x1E0, s11;
	s11 =	simm.s32 $0x40;
	v1 =	vld [tilespmem:s9+$0xFFFFFFF0];
	[tilespmem:s10+$0x0] =	vst v2;
	s10 =	simm.s32 $0x6830  }
.LBB2_32:
0x1f0: {  	p0 =	sne.s32 s11, $0x1E0;
	v2 =	vld [tilespmem:s12+$0x5200];
	_ =	sdelay $0x4  }
0x1f1: {  	v1 =	vadd.f32 v2, v1;
	_ =	sdelay $0x1  }
0x1f2: {  	s8 =	sadd.s32 $0x20, s8;
	[tilespmem:s9+$0xFFFFFFF0] =	vst v1;
	v1 =	vld [tilespmem:s9+$0x0]  }
0x1f3: {  	v2 =	vld [tilespmem:s8+$0x0];
	_ =	sdelay $0x2  }
.Ltmp15:
0x1f4: {  	(pc) =	sbr.rel @p0 .LBB2_32-.Ltmp15, $4  }
0x1f5: {  	_ = 	snop  }
0x1f6: {  	v2 =	vadd.f32 v2, v1  }
0x1f7: {  	s9 =	sadd.s32 $0x20, s9  }
0x1f8: {  	s12 =	sand.u32 $0x1E0, s11;
	s11 =	sadd.s32 $0x20, s11;
	v1 =	vld [tilespmem:s9+$0xFFFFFFF0];
	[tilespmem:s10+$0x0] =	vst v2;
	s10 =	smov.u32 s9  }
0x1f9: {  	v2 =	vld [tilespmem:s12+$0x5200];
	_ =	sdelay $0x4  }
0x1fa: {  	v1 =	vadd.f32 v2, v1;
	_ =	sdelay $0x1  }
0x1fb: {  	s8 =	sadd.s32 $0x20, s8;
	[tilespmem:s9+$0xFFFFFFF0] =	vst v1;
	v1 =	vld [tilespmem:s9+$0x0]  }
0x1fc: {  	v2 =	vld [tilespmem:s8+$0x0];
	_ =	sdelay $0x4  }
0x1fd: {  	v1 =	vadd.f32 v2, v1;
	_ =	sdelay $0x1  }
0x1fe: {  	[tilespmem:s10+$0x0] =	vst v1  }
0x1ff: {  	_ =	swait.ge [sflag:s25], $0x200  }
0x200: {  	[sflag:s25] =	ssyncset.done $0x0  }
0x201: {  	s12 =	simm.s32 $0x0;
	s10 =	simm.s32 $0x6810;
	[sflag:s25] =	ssyncadd.s32 $0xFFFFFE00  }
0x202: {  	s8 =	sand.u32 $0x1E0, s12;
	v1 =	vld [tilespmem:s10+$0xFFFFFFF0]  }
0x203: {  	v2 =	vld [tilespmem:s8+$0x5400];
	_ =	sdelay $0x4  }
0x204: {  	v1 =	vadd.f32 v2, v1;
	_ =	sdelay $0x1  }
0x205: {  	s8 =	simm.s32 $0x5410;
	[tilespmem:s10+$0xFFFFFFF0] =	vst v1;
	v1 =	vld [tilespmem:s10+$0x0]  }
0x206: {  	v2 =	vld [tilespmem:s8+$0x0];
	_ =	sdelay $0x4  }
0x207: {  	v2 =	vadd.f32 v2, v1  }
0x208: {  	s11 =	simm.s32 $0x20;
	s9 =	simm.s32 $0x6830  }
0x209: {  	s12 =	sand.u32 $0x1E0, s11;
	s11 =	simm.s32 $0x40;
	v1 =	vld [tilespmem:s9+$0xFFFFFFF0];
	[tilespmem:s10+$0x0] =	vst v2;
	s10 =	simm.s32 $0x6830  }
.LBB2_34:
0x20a: {  	p0 =	sne.s32 s11, $0x1E0;
	v2 =	vld [tilespmem:s12+$0x5400];
	_ =	sdelay $0x4  }
0x20b: {  	v1 =	vadd.f32 v2, v1;
	_ =	sdelay $0x1  }
0x20c: {  	s8 =	sadd.s32 $0x20, s8;
	[tilespmem:s9+$0xFFFFFFF0] =	vst v1;
	v1 =	vld [tilespmem:s9+$0x0]  }
0x20d: {  	v2 =	vld [tilespmem:s8+$0x0];
	_ =	sdelay $0x2  }
.Ltmp16:
0x20e: {  	(pc) =	sbr.rel @p0 .LBB2_34-.Ltmp16, $4  }
0x20f: {  	_ = 	snop  }
0x210: {  	v2 =	vadd.f32 v2, v1  }
0x211: {  	s9 =	sadd.s32 $0x20, s9  }
0x212: {  	s12 =	sand.u32 $0x1E0, s11;
	s11 =	sadd.s32 $0x20, s11;
	v1 =	vld [tilespmem:s9+$0xFFFFFFF0];
	[tilespmem:s10+$0x0] =	vst v2;
	s10 =	smov.u32 s9  }
0x213: {  	v2 =	vld [tilespmem:s12+$0x5400];
	_ =	sdelay $0x4  }
0x214: {  	v1 =	vadd.f32 v2, v1;
	_ =	sdelay $0x1  }
0x215: {  	s8 =	sadd.s32 $0x20, s8;
	[tilespmem:s9+$0xFFFFFFF0] =	vst v1;
	v1 =	vld [tilespmem:s9+$0x0]  }
0x216: {  	v2 =	vld [tilespmem:s8+$0x0];
	_ =	sdelay $0x4  }
0x217: {  	v1 =	vadd.f32 v2, v1;
	_ =	sdelay $0x1  }
0x218: {  	[tilespmem:s10+$0x0] =	vst v1  }
0x219: {  	_ =	swait.ge [sflag:s26], $0x200  }
0x21a: {  	[sflag:s26] =	ssyncset.done $0x0  }
0x21b: {  	s12 =	simm.s32 $0x0;
	s10 =	simm.s32 $0x6810;
	[sflag:s26] =	ssyncadd.s32 $0xFFFFFE00  }
0x21c: {  	s8 =	sand.u32 $0x1E0, s12;
	v1 =	vld [tilespmem:s10+$0xFFFFFFF0]  }
0x21d: {  	v2 =	vld [tilespmem:s8+$0x5600];
	_ =	sdelay $0x4  }
0x21e: {  	v1 =	vadd.f32 v2, v1;
	_ =	sdelay $0x1  }
0x21f: {  	s8 =	simm.s32 $0x5610;
	[tilespmem:s10+$0xFFFFFFF0] =	vst v1;
	v1 =	vld [tilespmem:s10+$0x0]  }
0x220: {  	v2 =	vld [tilespmem:s8+$0x0];
	_ =	sdelay $0x4  }
0x221: {  	v2 =	vadd.f32 v2, v1  }
0x222: {  	s11 =	simm.s32 $0x20;
	s9 =	simm.s32 $0x6830  }
0x223: {  	s12 =	sand.u32 $0x1E0, s11;
	s11 =	simm.s32 $0x40;
	v1 =	vld [tilespmem:s9+$0xFFFFFFF0];
	[tilespmem:s10+$0x0] =	vst v2;
	s10 =	simm.s32 $0x6830  }
.LBB2_36:
0x224: {  	p0 =	sne.s32 s11, $0x1E0;
	v2 =	vld [tilespmem:s12+$0x5600];
	_ =	sdelay $0x4  }
0x225: {  	v1 =	vadd.f32 v2, v1;
	_ =	sdelay $0x1  }
0x226: {  	s8 =	sadd.s32 $0x20, s8;
	[tilespmem:s9+$0xFFFFFFF0] =	vst v1;
	v1 =	vld [tilespmem:s9+$0x0]  }
0x227: {  	v2 =	vld [tilespmem:s8+$0x0];
	_ =	sdelay $0x2  }
.Ltmp17:
0x228: {  	(pc) =	sbr.rel @p0 .LBB2_36-.Ltmp17, $4  }
0x229: {  	_ = 	snop  }
0x22a: {  	v2 =	vadd.f32 v2, v1  }
0x22b: {  	s9 =	sadd.s32 $0x20, s9  }
0x22c: {  	s12 =	sand.u32 $0x1E0, s11;
	s11 =	sadd.s32 $0x20, s11;
	v1 =	vld [tilespmem:s9+$0xFFFFFFF0];
	[tilespmem:s10+$0x0] =	vst v2;
	s10 =	smov.u32 s9  }
0x22d: {  	v2 =	vld [tilespmem:s12+$0x5600];
	_ =	sdelay $0x4  }
0x22e: {  	v1 =	vadd.f32 v2, v1;
	_ =	sdelay $0x1  }
0x22f: {  	s8 =	sadd.s32 $0x20, s8;
	[tilespmem:s9+$0xFFFFFFF0] =	vst v1;
	v1 =	vld [tilespmem:s9+$0x0]  }
0x230: {  	v2 =	vld [tilespmem:s8+$0x0];
	_ =	sdelay $0x4  }
0x231: {  	v1 =	vadd.f32 v2, v1;
	_ =	sdelay $0x1  }
0x232: {  	[tilespmem:s10+$0x0] =	vst v1  }
0x233: {  	_ =	swait.ge [sflag:s28], $0x200  }
0x234: {  	[sflag:s28] =	ssyncset.done $0x0  }
0x235: {  	s12 =	simm.s32 $0x0;
	s10 =	simm.s32 $0x6810;
	[sflag:s28] =	ssyncadd.s32 $0xFFFFFE00  }
0x236: {  	s8 =	sand.u32 $0x1E0, s12;
	v1 =	vld [tilespmem:s10+$0xFFFFFFF0]  }
0x237: {  	v2 =	vld [tilespmem:s8+$0x5800];
	_ =	sdelay $0x4  }
0x238: {  	v1 =	vadd.f32 v2, v1;
	_ =	sdelay $0x1  }
0x239: {  	s8 =	simm.s32 $0x5810;
	[tilespmem:s10+$0xFFFFFFF0] =	vst v1;
	v1 =	vld [tilespmem:s10+$0x0]  }
0x23a: {  	v2 =	vld [tilespmem:s8+$0x0];
	_ =	sdelay $0x4  }
0x23b: {  	v2 =	vadd.f32 v2, v1  }
0x23c: {  	s11 =	simm.s32 $0x20;
	s9 =	simm.s32 $0x6830  }
0x23d: {  	s12 =	sand.u32 $0x1E0, s11;
	s11 =	simm.s32 $0x40;
	v1 =	vld [tilespmem:s9+$0xFFFFFFF0];
	[tilespmem:s10+$0x0] =	vst v2;
	s10 =	simm.s32 $0x6830  }
.LBB2_38:
0x23e: {  	p0 =	sne.s32 s11, $0x1E0;
	v2 =	vld [tilespmem:s12+$0x5800];
	_ =	sdelay $0x4  }
0x23f: {  	v1 =	vadd.f32 v2, v1;
	_ =	sdelay $0x1  }
0x240: {  	s8 =	sadd.s32 $0x20, s8;
	[tilespmem:s9+$0xFFFFFFF0] =	vst v1;
	v1 =	vld [tilespmem:s9+$0x0]  }
0x241: {  	v2 =	vld [tilespmem:s8+$0x0];
	_ =	sdelay $0x2  }
.Ltmp18:
0x242: {  	(pc) =	sbr.rel @p0 .LBB2_38-.Ltmp18, $4  }
0x243: {  	_ = 	snop  }
0x244: {  	v2 =	vadd.f32 v2, v1  }
0x245: {  	s9 =	sadd.s32 $0x20, s9  }
0x246: {  	s12 =	sand.u32 $0x1E0, s11;
	s11 =	sadd.s32 $0x20, s11;
	v1 =	vld [tilespmem:s9+$0xFFFFFFF0];
	[tilespmem:s10+$0x0] =	vst v2;
	s10 =	smov.u32 s9  }
0x247: {  	v2 =	vld [tilespmem:s12+$0x5800];
	_ =	sdelay $0x4  }
0x248: {  	v1 =	vadd.f32 v2, v1;
	_ =	sdelay $0x1  }
0x249: {  	s8 =	sadd.s32 $0x20, s8;
	[tilespmem:s9+$0xFFFFFFF0] =	vst v1;
	v1 =	vld [tilespmem:s9+$0x0]  }
0x24a: {  	v2 =	vld [tilespmem:s8+$0x0];
	_ =	sdelay $0x4  }
0x24b: {  	v1 =	vadd.f32 v2, v1;
	_ =	sdelay $0x1  }
0x24c: {  	[tilespmem:s10+$0x0] =	vst v1  }
0x24d: {  	_ =	swait.ge [sflag:s29], $0x200  }
0x24e: {  	[sflag:s29] =	ssyncset.done $0x0  }
0x24f: {  	s12 =	simm.s32 $0x0;
	s10 =	simm.s32 $0x6810;
	[sflag:s29] =	ssyncadd.s32 $0xFFFFFE00  }
0x250: {  	s8 =	sand.u32 $0x1E0, s12;
	v1 =	vld [tilespmem:s10+$0xFFFFFFF0]  }
0x251: {  	v2 =	vld [tilespmem:s8+$0x5A00];
	_ =	sdelay $0x4  }
0x252: {  	v1 =	vadd.f32 v2, v1;
	_ =	sdelay $0x1  }
0x253: {  	s8 =	simm.s32 $0x5A10;
	[tilespmem:s10+$0xFFFFFFF0] =	vst v1;
	v1 =	vld [tilespmem:s10+$0x0]  }
0x254: {  	v2 =	vld [tilespmem:s8+$0x0];
	_ =	sdelay $0x4  }
0x255: {  	v2 =	vadd.f32 v2, v1  }
0x256: {  	s11 =	simm.s32 $0x20;
	s9 =	simm.s32 $0x6830  }
0x257: {  	s12 =	sand.u32 $0x1E0, s11;
	s11 =	simm.s32 $0x40;
	v1 =	vld [tilespmem:s9+$0xFFFFFFF0];
	[tilespmem:s10+$0x0] =	vst v2;
	s10 =	simm.s32 $0x6830  }
.LBB2_40:
0x258: {  	p0 =	sne.s32 s11, $0x1E0;
	v2 =	vld [tilespmem:s12+$0x5A00];
	_ =	sdelay $0x4  }
0x259: {  	v1 =	vadd.f32 v2, v1;
	_ =	sdelay $0x1  }
0x25a: {  	s8 =	sadd.s32 $0x20, s8;
	[tilespmem:s9+$0xFFFFFFF0] =	vst v1;
	v1 =	vld [tilespmem:s9+$0x0]  }
0x25b: {  	v2 =	vld [tilespmem:s8+$0x0];
	_ =	sdelay $0x2  }
.Ltmp19:
0x25c: {  	(pc) =	sbr.rel @p0 .LBB2_40-.Ltmp19, $4  }
0x25d: {  	_ = 	snop  }
0x25e: {  	v2 =	vadd.f32 v2, v1  }
0x25f: {  	s9 =	sadd.s32 $0x20, s9  }
0x260: {  	s12 =	sand.u32 $0x1E0, s11;
	s11 =	sadd.s32 $0x20, s11;
	v1 =	vld [tilespmem:s9+$0xFFFFFFF0];
	[tilespmem:s10+$0x0] =	vst v2;
	s10 =	smov.u32 s9  }
0x261: {  	v2 =	vld [tilespmem:s12+$0x5A00];
	_ =	sdelay $0x4  }
0x262: {  	v1 =	vadd.f32 v2, v1;
	_ =	sdelay $0x1  }
0x263: {  	s8 =	sadd.s32 $0x20, s8;
	[tilespmem:s9+$0xFFFFFFF0] =	vst v1;
	v1 =	vld [tilespmem:s9+$0x0]  }
0x264: {  	v2 =	vld [tilespmem:s8+$0x0];
	_ =	sdelay $0x4  }
0x265: {  	v1 =	vadd.f32 v2, v1;
	_ =	sdelay $0x1  }
0x266: {  	[tilespmem:s10+$0x0] =	vst v1  }
0x267: {  	_ =	swait.ge [sflag:s30], $0x200  }
0x268: {  	[sflag:s30] =	ssyncset.done $0x0  }
0x269: {  	s12 =	simm.s32 $0x0;
	s10 =	simm.s32 $0x6810;
	[sflag:s30] =	ssyncadd.s32 $0xFFFFFE00  }
0x26a: {  	s8 =	sand.u32 $0x1E0, s12;
	v1 =	vld [tilespmem:s10+$0xFFFFFFF0]  }
0x26b: {  	v2 =	vld [tilespmem:s8+$0x5C00];
	_ =	sdelay $0x4  }
0x26c: {  	v1 =	vadd.f32 v2, v1;
	_ =	sdelay $0x1  }
0x26d: {  	s8 =	simm.s32 $0x5C10;
	[tilespmem:s10+$0xFFFFFFF0] =	vst v1;
	v1 =	vld [tilespmem:s10+$0x0]  }
0x26e: {  	v2 =	vld [tilespmem:s8+$0x0];
	_ =	sdelay $0x4  }
0x26f: {  	v2 =	vadd.f32 v2, v1  }
0x270: {  	s11 =	simm.s32 $0x20;
	s9 =	simm.s32 $0x6830  }
0x271: {  	s12 =	sand.u32 $0x1E0, s11;
	s11 =	simm.s32 $0x40;
	v1 =	vld [tilespmem:s9+$0xFFFFFFF0];
	[tilespmem:s10+$0x0] =	vst v2;
	s10 =	simm.s32 $0x6830  }
.LBB2_42:
0x272: {  	p0 =	sne.s32 s11, $0x1E0;
	v2 =	vld [tilespmem:s12+$0x5C00];
	_ =	sdelay $0x4  }
0x273: {  	v1 =	vadd.f32 v2, v1;
	_ =	sdelay $0x1  }
0x274: {  	s8 =	sadd.s32 $0x20, s8;
	[tilespmem:s9+$0xFFFFFFF0] =	vst v1;
	v1 =	vld [tilespmem:s9+$0x0]  }
0x275: {  	v2 =	vld [tilespmem:s8+$0x0];
	_ =	sdelay $0x2  }
.Ltmp20:
0x276: {  	(pc) =	sbr.rel @p0 .LBB2_42-.Ltmp20, $4  }
0x277: {  	_ = 	snop  }
0x278: {  	v2 =	vadd.f32 v2, v1  }
0x279: {  	s9 =	sadd.s32 $0x20, s9  }
0x27a: {  	s12 =	sand.u32 $0x1E0, s11;
	s11 =	sadd.s32 $0x20, s11;
	v1 =	vld [tilespmem:s9+$0xFFFFFFF0];
	[tilespmem:s10+$0x0] =	vst v2;
	s10 =	smov.u32 s9  }
0x27b: {  	v2 =	vld [tilespmem:s12+$0x5C00];
	_ =	sdelay $0x4  }
0x27c: {  	v1 =	vadd.f32 v2, v1;
	_ =	sdelay $0x1  }
0x27d: {  	s8 =	sadd.s32 $0x20, s8;
	[tilespmem:s9+$0xFFFFFFF0] =	vst v1;
	v1 =	vld [tilespmem:s9+$0x0]  }
0x27e: {  	v2 =	vld [tilespmem:s8+$0x0];
	_ =	sdelay $0x4  }
0x27f: {  	v1 =	vadd.f32 v2, v1;
	_ =	sdelay $0x1  }
0x280: {  	[tilespmem:s10+$0x0] =	vst v1  }
0x281: {  	_ =	swait.ge [sflag:s31], $0x200  }
0x282: {  	[sflag:s31] =	ssyncset.done $0x0  }
0x283: {  	s12 =	simm.s32 $0x0;
	s10 =	simm.s32 $0x6810;
	[sflag:s31] =	ssyncadd.s32 $0xFFFFFE00  }
0x284: {  	s8 =	sand.u32 $0x1E0, s12;
	v1 =	vld [tilespmem:s10+$0xFFFFFFF0]  }
0x285: {  	v2 =	vld [tilespmem:s8+$0x5E00];
	_ =	sdelay $0x4  }
0x286: {  	v1 =	vadd.f32 v2, v1;
	_ =	sdelay $0x1  }
0x287: {  	s8 =	simm.s32 $0x5E10;
	[tilespmem:s10+$0xFFFFFFF0] =	vst v1;
	v1 =	vld [tilespmem:s10+$0x0]  }
0x288: {  	v2 =	vld [tilespmem:s8+$0x0];
	_ =	sdelay $0x4  }
0x289: {  	v2 =	vadd.f32 v2, v1  }
0x28a: {  	s11 =	simm.s32 $0x20;
	s9 =	simm.s32 $0x6830  }
0x28b: {  	s12 =	sand.u32 $0x1E0, s11;
	s11 =	simm.s32 $0x40;
	v1 =	vld [tilespmem:s9+$0xFFFFFFF0];
	[tilespmem:s10+$0x0] =	vst v2;
	s10 =	simm.s32 $0x6830  }
.LBB2_44:
0x28c: {  	p0 =	sne.s32 s11, $0x1E0;
	v2 =	vld [tilespmem:s12+$0x5E00];
	_ =	sdelay $0x4  }
0x28d: {  	v1 =	vadd.f32 v2, v1;
	_ =	sdelay $0x1  }
0x28e: {  	s8 =	sadd.s32 $0x20, s8;
	[tilespmem:s9+$0xFFFFFFF0] =	vst v1;
	v1 =	vld [tilespmem:s9+$0x0]  }
0x28f: {  	v2 =	vld [tilespmem:s8+$0x0];
	_ =	sdelay $0x2  }
.Ltmp21:
0x290: {  	(pc) =	sbr.rel @p0 .LBB2_44-.Ltmp21, $4  }
0x291: {  	_ = 	snop  }
0x292: {  	v2 =	vadd.f32 v2, v1  }
0x293: {  	s9 =	sadd.s32 $0x20, s9  }
0x294: {  	s12 =	sand.u32 $0x1E0, s11;
	s11 =	sadd.s32 $0x20, s11;
	v1 =	vld [tilespmem:s9+$0xFFFFFFF0];
	[tilespmem:s10+$0x0] =	vst v2;
	s10 =	smov.u32 s9  }
0x295: {  	v2 =	vld [tilespmem:s12+$0x5E00];
	_ =	sdelay $0x4  }
0x296: {  	v1 =	vadd.f32 v2, v1;
	_ =	sdelay $0x1  }
0x297: {  	s8 =	sadd.s32 $0x20, s8;
	[tilespmem:s9+$0xFFFFFFF0] =	vst v1;
	v1 =	vld [tilespmem:s9+$0x0]  }
0x298: {  	v2 =	vld [tilespmem:s8+$0x0];
	_ =	sdelay $0x4  }
0x299: {  	v1 =	vadd.f32 v2, v1;
	_ =	sdelay $0x1  }
0x29a: {  	[tilespmem:s10+$0x0] =	vst v1  }
0x29b: {  	_ =	swait.ge [sflag:s2], $0x200  }
0x29c: {  	[sflag:s2] =	ssyncset.done $0x0  }
0x29d: {  	s12 =	simm.s32 $0x0;
	s10 =	simm.s32 $0x6810;
	[sflag:s2] =	ssyncadd.s32 $0xFFFFFE00  }
0x29e: {  	s8 =	sand.u32 $0x1E0, s12;
	v1 =	vld [tilespmem:s10+$0xFFFFFFF0]  }
0x29f: {  	v2 =	vld [tilespmem:s8+$0x6000];
	_ =	sdelay $0x4  }
0x2a0: {  	v1 =	vadd.f32 v2, v1;
	_ =	sdelay $0x1  }
0x2a1: {  	s8 =	simm.s32 $0x6010;
	[tilespmem:s10+$0xFFFFFFF0] =	vst v1;
	v1 =	vld [tilespmem:s10+$0x0]  }
0x2a2: {  	v2 =	vld [tilespmem:s8+$0x0];
	_ =	sdelay $0x4  }
0x2a3: {  	v2 =	vadd.f32 v2, v1  }
0x2a4: {  	s11 =	simm.s32 $0x20;
	s9 =	simm.s32 $0x6830  }
0x2a5: {  	s12 =	sand.u32 $0x1E0, s11;
	s11 =	simm.s32 $0x40;
	v1 =	vld [tilespmem:s9+$0xFFFFFFF0];
	[tilespmem:s10+$0x0] =	vst v2;
	s10 =	simm.s32 $0x6830  }
.LBB2_46:
0x2a6: {  	p0 =	sne.s32 s11, $0x1E0;
	v2 =	vld [tilespmem:s12+$0x6000];
	_ =	sdelay $0x4  }
0x2a7: {  	v1 =	vadd.f32 v2, v1;
	_ =	sdelay $0x1  }
0x2a8: {  	s8 =	sadd.s32 $0x20, s8;
	[tilespmem:s9+$0xFFFFFFF0] =	vst v1;
	v1 =	vld [tilespmem:s9+$0x0]  }
0x2a9: {  	v2 =	vld [tilespmem:s8+$0x0];
	_ =	sdelay $0x2  }
.Ltmp22:
0x2aa: {  	(pc) =	sbr.rel @p0 .LBB2_46-.Ltmp22, $4  }
0x2ab: {  	_ = 	snop  }
0x2ac: {  	v2 =	vadd.f32 v2, v1  }
0x2ad: {  	s9 =	sadd.s32 $0x20, s9  }
0x2ae: {  	s12 =	sand.u32 $0x1E0, s11;
	s11 =	sadd.s32 $0x20, s11;
	v1 =	vld [tilespmem:s9+$0xFFFFFFF0];
	[tilespmem:s10+$0x0] =	vst v2;
	s10 =	smov.u32 s9  }
0x2af: {  	v2 =	vld [tilespmem:s12+$0x6000];
	_ =	sdelay $0x4  }
0x2b0: {  	v1 =	vadd.f32 v2, v1;
	_ =	sdelay $0x1  }
0x2b1: {  	s8 =	sadd.s32 $0x20, s8;
	[tilespmem:s9+$0xFFFFFFF0] =	vst v1;
	v1 =	vld [tilespmem:s9+$0x0]  }
0x2b2: {  	v2 =	vld [tilespmem:s8+$0x0];
	_ =	sdelay $0x4  }
0x2b3: {  	v1 =	vadd.f32 v2, v1;
	_ =	sdelay $0x1  }
0x2b4: {  	[tilespmem:s10+$0x0] =	vst v1  }
0x2b5: {  	_ =	swait.ge [sflag:s0], $0x200  }
0x2b6: {  	[sflag:s0] =	ssyncset.done $0x0  }
0x2b7: {  	s12 =	simm.s32 $0x0;
	s10 =	simm.s32 $0x6810;
	[sflag:s0] =	ssyncadd.s32 $0xFFFFFE00  }
0x2b8: {  	s8 =	sand.u32 $0x1E0, s12;
	v1 =	vld [tilespmem:s10+$0xFFFFFFF0]  }
0x2b9: {  	v2 =	vld [tilespmem:s8+$0x6200];
	_ =	sdelay $0x4  }
0x2ba: {  	v1 =	vadd.f32 v2, v1;
	_ =	sdelay $0x1  }
0x2bb: {  	s8 =	simm.s32 $0x6210;
	[tilespmem:s10+$0xFFFFFFF0] =	vst v1;
	v1 =	vld [tilespmem:s10+$0x0]  }
0x2bc: {  	v2 =	vld [tilespmem:s8+$0x0];
	_ =	sdelay $0x4  }
0x2bd: {  	v2 =	vadd.f32 v2, v1  }
0x2be: {  	s11 =	simm.s32 $0x20;
	s9 =	simm.s32 $0x6830  }
0x2bf: {  	s12 =	sand.u32 $0x1E0, s11;
	s11 =	simm.s32 $0x40;
	v1 =	vld [tilespmem:s9+$0xFFFFFFF0];
	[tilespmem:s10+$0x0] =	vst v2;
	s10 =	simm.s32 $0x6830  }
.LBB2_48:
0x2c0: {  	p0 =	sne.s32 s11, $0x1E0;
	v2 =	vld [tilespmem:s12+$0x6200];
	_ =	sdelay $0x4  }
0x2c1: {  	v1 =	vadd.f32 v2, v1;
	_ =	sdelay $0x1  }
0x2c2: {  	s8 =	sadd.s32 $0x20, s8;
	[tilespmem:s9+$0xFFFFFFF0] =	vst v1;
	v1 =	vld [tilespmem:s9+$0x0]  }
0x2c3: {  	v2 =	vld [tilespmem:s8+$0x0];
	_ =	sdelay $0x2  }
.Ltmp23:
0x2c4: {  	(pc) =	sbr.rel @p0 .LBB2_48-.Ltmp23, $4  }
0x2c5: {  	_ = 	snop  }
0x2c6: {  	v2 =	vadd.f32 v2, v1  }
0x2c7: {  	s9 =	sadd.s32 $0x20, s9  }
0x2c8: {  	s12 =	sand.u32 $0x1E0, s11;
	s11 =	sadd.s32 $0x20, s11;
	v1 =	vld [tilespmem:s9+$0xFFFFFFF0];
	[tilespmem:s10+$0x0] =	vst v2;
	s10 =	smov.u32 s9  }
0x2c9: {  	v2 =	vld [tilespmem:s12+$0x6200];
	_ =	sdelay $0x4  }
0x2ca: {  	v1 =	vadd.f32 v2, v1;
	_ =	sdelay $0x1  }
0x2cb: {  	s8 =	sadd.s32 $0x20, s8;
	[tilespmem:s9+$0xFFFFFFF0] =	vst v1;
	v1 =	vld [tilespmem:s9+$0x0]  }
0x2cc: {  	v2 =	vld [tilespmem:s8+$0x0];
	_ =	sdelay $0x4  }
0x2cd: {  	v1 =	vadd.f32 v2, v1;
	_ =	sdelay $0x1  }
0x2ce: {  	[tilespmem:s10+$0x0] =	vst v1  }
0x2cf: {  	_ =	swait.ge [sflag:s3], $0x200  }
0x2d0: {  	[sflag:s3] =	ssyncset.done $0x0  }
0x2d1: {  	s12 =	simm.s32 $0x0;
	s10 =	simm.s32 $0x6810;
	[sflag:s3] =	ssyncadd.s32 $0xFFFFFE00  }
0x2d2: {  	s8 =	sand.u32 $0x1E0, s12;
	v1 =	vld [tilespmem:s10+$0xFFFFFFF0]  }
0x2d3: {  	v2 =	vld [tilespmem:s8+$0x6400];
	_ =	sdelay $0x4  }
0x2d4: {  	v1 =	vadd.f32 v2, v1;
	_ =	sdelay $0x1  }
0x2d5: {  	s8 =	simm.s32 $0x6410;
	[tilespmem:s10+$0xFFFFFFF0] =	vst v1;
	v1 =	vld [tilespmem:s10+$0x0]  }
0x2d6: {  	v2 =	vld [tilespmem:s8+$0x0];
	_ =	sdelay $0x4  }
0x2d7: {  	v2 =	vadd.f32 v2, v1  }
0x2d8: {  	s11 =	simm.s32 $0x20;
	s9 =	simm.s32 $0x6830  }
0x2d9: {  	s12 =	sand.u32 $0x1E0, s11;
	s11 =	simm.s32 $0x40;
	v1 =	vld [tilespmem:s9+$0xFFFFFFF0];
	[tilespmem:s10+$0x0] =	vst v2;
	s10 =	simm.s32 $0x6830  }
.LBB2_50:
0x2da: {  	p0 =	sne.s32 s11, $0x1E0;
	v2 =	vld [tilespmem:s12+$0x6400];
	_ =	sdelay $0x4  }
0x2db: {  	v1 =	vadd.f32 v2, v1;
	_ =	sdelay $0x1  }
0x2dc: {  	s8 =	sadd.s32 $0x20, s8;
	[tilespmem:s9+$0xFFFFFFF0] =	vst v1;
	v1 =	vld [tilespmem:s9+$0x0]  }
0x2dd: {  	v2 =	vld [tilespmem:s8+$0x0];
	_ =	sdelay $0x2  }
.Ltmp24:
0x2de: {  	(pc) =	sbr.rel @p0 .LBB2_50-.Ltmp24, $4  }
0x2df: {  	_ = 	snop  }
0x2e0: {  	v2 =	vadd.f32 v2, v1  }
0x2e1: {  	s9 =	sadd.s32 $0x20, s9  }
0x2e2: {  	s12 =	sand.u32 $0x1E0, s11;
	s11 =	sadd.s32 $0x20, s11;
	v1 =	vld [tilespmem:s9+$0xFFFFFFF0];
	[tilespmem:s10+$0x0] =	vst v2;
	s10 =	smov.u32 s9  }
0x2e3: {  	v2 =	vld [tilespmem:s12+$0x6400];
	_ =	sdelay $0x4  }
0x2e4: {  	v1 =	vadd.f32 v2, v1;
	_ =	sdelay $0x1  }
0x2e5: {  	v14 =	vld [tilespmem:s9+$0x0];
	s8 =	sadd.s32 $0x20, s8;
	[tilespmem:s9+$0xFFFFFFF0] =	vst v1  }
0x2e6: {  	v15 =	vld [tilespmem:s8+$0x0];
	_ =	sdelay $0x4  }
0x2e7: {  	v1 =	vadd.f32 v15, v14;
	_ =	sdelay $0x1  }
0x2e8: {  	[tilespmem:s10+$0x0] =	vst v1  }
0x2e9: {  	_ =	swait.ge [sflag:s1], $0x200  }
0x2ea: {  	[sflag:s1] =	ssyncset.done $0x0  }
0x2eb: {  	[sflag:s1] =	ssyncadd.s32 $0xFFFFFE00  }
0x2ec: {  	v16 =	vld [tilespmem:$0x6800]  }
0x2ed: {  	v17 =	vld [tilespmem:$0x6600];
	_ =	sdelay $0x4  }
0x2ee: {  	v0 =	vbroadcast v0, $0x0;
	v1 =	vadd.f32 v17, v16;
	_ =	sdelay $0x1  }
0x2ef: {  	v1 =	vadd.f32 v1, v0;
	_ =	sdelay $0x1  }
0x2f0: {  	v1 =	vsub.f32 $0.0e+00, v1;
	_ =	sdelay $0x1  }
0x2f1: {  	v1 =	vmul.f32 $1.442695020e+00, v1  }
0x2f2: {  	v18 =	vld [tilespmem:$0x6810]  }
0x2f3: {  	v19 =	vld [tilespmem:$0x6610];
	(erf) = vpow2.f32 v1;
	_ =	sdelay $0x4  }
0x2f4: {  	v1 =	vadd.f32 v19, v18;
	_ =	sdelay $0x1  }
0x2f5: {  	v1 =	vadd.f32 v1, v0;
	_ =	sdelay $0x1  }
0x2f6: {  	v1 =	vsub.f32 $0.0e+00, v1;
	v20 =	vpop (erf)  }
0x2f7: {  	v2 =	vadd.f32 $1.000000000e+00, v20  }
0x2f8: {  	v21 =	vld [tilespmem:$0x6820];
	v1 =	vmul.f32 $1.442695020e+00, v1  }
0x2f9: {  	v22 =	vld [tilespmem:$0x6620];
	(erf) = vrcp.f32 v2  }
0x2fa: {  	(erf) = vpow2.f32 v1;
	_ =	sdelay $0x3  }
0x2fb: {  	v1 =	vadd.f32 v22, v21;
	_ =	sdelay $0x2  }
0x2fc: {  	v2 =	vadd.f32 v1, v0  }
0x2fd: {  	v1 =	vpop (erf)  }
0x2fe: {  	v2 =	vsub.f32 $0.0e+00, v2;
	v3 =	vpop (erf)  }
0x2ff: {  	v3 =	vadd.f32 $1.000000000e+00, v3  }
0x300: {  	v23 =	vld [tilespmem:$0x6830];
	v2 =	vmul.f32 $1.442695020e+00, v2  }
0x301: {  	v24 =	vld [tilespmem:$0x6630];
	(erf) = vrcp.f32 v3  }
0x302: {  	(erf) = vpow2.f32 v2;
	_ =	sdelay $0x3  }
0x303: {  	v2 =	vadd.f32 v24, v23;
	_ =	sdelay $0x2  }
0x304: {  	v3 =	vadd.f32 v2, v0  }
0x305: {  	v2 =	vpop (erf)  }
0x306: {  	v3 =	vsub.f32 $0.0e+00, v3;
	v4 =	vpop (erf)  }
0x307: {  	v4 =	vadd.f32 $1.000000000e+00, v4  }
0x308: {  	v25 =	vld [tilespmem:$0x6840];
	v3 =	vmul.f32 $1.442695020e+00, v3  }
0x309: {  	v26 =	vld [tilespmem:$0x6640];
	(erf) = vrcp.f32 v4  }
0x30a: {  	(erf) = vpow2.f32 v3;
	_ =	sdelay $0x3  }
0x30b: {  	v3 =	vadd.f32 v26, v25;
	_ =	sdelay $0x2  }
0x30c: {  	v4 =	vadd.f32 v3, v0  }
0x30d: {  	v3 =	vpop (erf)  }
0x30e: {  	v4 =	vsub.f32 $0.0e+00, v4;
	v5 =	vpop (erf)  }
0x30f: {  	v5 =	vadd.f32 $1.000000000e+00, v5  }
0x310: {  	v27 =	vld [tilespmem:$0x6850];
	v4 =	vmul.f32 $1.442695020e+00, v4  }
0x311: {  	v28 =	vld [tilespmem:$0x6650];
	(erf) = vrcp.f32 v5  }
0x312: {  	(erf) = vpow2.f32 v4;
	_ =	sdelay $0x3  }
0x313: {  	v4 =	vadd.f32 v28, v27;
	_ =	sdelay $0x2  }
0x314: {  	v5 =	vadd.f32 v4, v0  }
0x315: {  	v4 =	vpop (erf)  }
0x316: {  	v5 =	vsub.f32 $0.0e+00, v5;
	v6 =	vpop (erf)  }
0x317: {  	v6 =	vadd.f32 $1.000000000e+00, v6  }
0x318: {  	v29 =	vld [tilespmem:$0x6860];
	v5 =	vmul.f32 $1.442695020e+00, v5  }
0x319: {  	v30 =	vld [tilespmem:$0x6660];
	(erf) = vrcp.f32 v6  }
0x31a: {  	(erf) = vpow2.f32 v5;
	_ =	sdelay $0x3  }
0x31b: {  	v5 =	vadd.f32 v30, v29;
	_ =	sdelay $0x2  }
0x31c: {  	v6 =	vadd.f32 v5, v0  }
0x31d: {  	v5 =	vpop (erf)  }
0x31e: {  	v6 =	vsub.f32 $0.0e+00, v6;
	v7 =	vpop (erf)  }
0x31f: {  	v7 =	vadd.f32 $1.000000000e+00, v7  }
0x320: {  	v31 =	vld [tilespmem:$0x6870];
	v6 =	vmul.f32 $1.442695020e+00, v6  }
0x321: {  	v32 =	vld [tilespmem:$0x6670];
	(erf) = vrcp.f32 v7  }
0x322: {  	(erf) = vpow2.f32 v6;
	_ =	sdelay $0x3  }
0x323: {  	v6 =	vadd.f32 v32, v31;
	_ =	sdelay $0x2  }
0x324: {  	v7 =	vadd.f32 v6, v0  }
0x325: {  	v6 =	vpop (erf)  }
0x326: {  	v7 =	vsub.f32 $0.0e+00, v7;
	v8 =	vpop (erf)  }
0x327: {  	v8 =	vadd.f32 $1.000000000e+00, v8  }
0x328: {  	v33 =	vld [tilespmem:$0x6880];
	v7 =	vmul.f32 $1.442695020e+00, v7  }
0x329: {  	v34 =	vld [tilespmem:$0x6680];
	(erf) = vrcp.f32 v8  }
0x32a: {  	(erf) = vpow2.f32 v7;
	_ =	sdelay $0x3  }
0x32b: {  	v7 =	vadd.f32 v34, v33;
	_ =	sdelay $0x2  }
0x32c: {  	v8 =	vadd.f32 v7, v0  }
0x32d: {  	v7 =	vpop (erf)  }
0x32e: {  	v8 =	vsub.f32 $0.0e+00, v8;
	v9 =	vpop (erf)  }
0x32f: {  	v9 =	vadd.f32 $1.000000000e+00, v9  }
0x330: {  	v35 =	vld [tilespmem:$0x6890];
	v8 =	vmul.f32 $1.442695020e+00, v8  }
0x331: {  	v36 =	vld [tilespmem:$0x6690];
	(erf) = vrcp.f32 v9  }
0x332: {  	(erf) = vpow2.f32 v8;
	_ =	sdelay $0x3  }
0x333: {  	v8 =	vadd.f32 v36, v35;
	_ =	sdelay $0x2  }
0x334: {  	v9 =	vadd.f32 v8, v0  }
0x335: {  	v8 =	vpop (erf)  }
0x336: {  	v9 =	vsub.f32 $0.0e+00, v9;
	v10 =	vpop (erf)  }
0x337: {  	v10 =	vadd.f32 $1.000000000e+00, v10  }
0x338: {  	v37 =	vld [tilespmem:$0x68A0];
	v9 =	vmul.f32 $1.442695020e+00, v9  }
0x339: {  	v38 =	vld [tilespmem:$0x66A0];
	(erf) = vrcp.f32 v10  }
0x33a: {  	(erf) = vpow2.f32 v9;
	_ =	sdelay $0x3  }
0x33b: {  	v9 =	vadd.f32 v38, v37;
	_ =	sdelay $0x2  }
0x33c: {  	v10 =	vadd.f32 v9, v0  }
0x33d: {  	v9 =	vpop (erf)  }
0x33e: {  	v10 =	vsub.f32 $0.0e+00, v10;
	v11 =	vpop (erf)  }
0x33f: {  	v11 =	vadd.f32 $1.000000000e+00, v11  }
0x340: {  	v39 =	vld [tilespmem:$0x68B0];
	v10 =	vmul.f32 $1.442695020e+00, v10  }
0x341: {  	v40 =	vld [tilespmem:$0x66B0];
	(erf) = vrcp.f32 v11  }
0x342: {  	(erf) = vpow2.f32 v10;
	_ =	sdelay $0x3  }
0x343: {  	v10 =	vadd.f32 v40, v39;
	_ =	sdelay $0x2  }
0x344: {  	v11 =	vadd.f32 v10, v0  }
0x345: {  	v10 =	vpop (erf)  }
0x346: {  	v11 =	vsub.f32 $0.0e+00, v11;
	v12 =	vpop (erf)  }
0x347: {  	v12 =	vadd.f32 $1.000000000e+00, v12  }
0x348: {  	v41 =	vld [tilespmem:$0x68C0];
	v11 =	vmul.f32 $1.442695020e+00, v11  }
0x349: {  	v42 =	vld [tilespmem:$0x66C0];
	(erf) = vrcp.f32 v12  }
0x34a: {  	(erf) = vpow2.f32 v11;
	_ =	sdelay $0x3  }
0x34b: {  	v11 =	vadd.f32 v42, v41;
	_ =	sdelay $0x2  }
0x34c: {  	v12 =	vadd.f32 v11, v0  }
0x34d: {  	v11 =	vpop (erf)  }
0x34e: {  	v12 =	vsub.f32 $0.0e+00, v12;
	v13 =	vpop (erf)  }
0x34f: {  	v13 =	vadd.f32 $1.000000000e+00, v13  }
0x350: {  	v43 =	vld [tilespmem:$0x68D0];
	v12 =	vmul.f32 $1.442695020e+00, v12  }
0x351: {  	v44 =	vld [tilespmem:$0x66D0];
	(erf) = vrcp.f32 v13  }
0x352: {  	(erf) = vpow2.f32 v12;
	_ =	sdelay $0x3  }
0x353: {  	v12 =	vadd.f32 v44, v43;
	_ =	sdelay $0x2  }
0x354: {  	v13 =	vadd.f32 v12, v0  }
0x355: {  	v12 =	vpop (erf)  }
0x356: {  	v13 =	vsub.f32 $0.0e+00, v13;
	v14 =	vpop (erf)  }
0x357: {  	v14 =	vadd.f32 $1.000000000e+00, v14  }
0x358: {  	v45 =	vld [tilespmem:$0x68E0];
	v13 =	vmul.f32 $1.442695020e+00, v13  }
0x359: {  	v46 =	vld [tilespmem:$0x66E0];
	(erf) = vrcp.f32 v14  }
0x35a: {  	(erf) = vpow2.f32 v13;
	_ =	sdelay $0x3  }
0x35b: {  	v13 =	vadd.f32 v46, v45;
	_ =	sdelay $0x2  }
0x35c: {  	v14 =	vadd.f32 v13, v0  }
0x35d: {  	v13 =	vpop (erf)  }
0x35e: {  	v14 =	vsub.f32 $0.0e+00, v14;
	v15 =	vpop (erf)  }
0x35f: {  	v15 =	vadd.f32 $1.000000000e+00, v15  }
0x360: {  	v47 =	vld [tilespmem:$0x68F0];
	v14 =	vmul.f32 $1.442695020e+00, v14  }
0x361: {  	v48 =	vld [tilespmem:$0x66F0];
	(erf) = vrcp.f32 v15  }
0x362: {  	(erf) = vpow2.f32 v14;
	_ =	sdelay $0x3  }
0x363: {  	v14 =	vadd.f32 v48, v47;
	_ =	sdelay $0x2  }
0x364: {  	v15 =	vadd.f32 v14, v0  }
0x365: {  	v14 =	vpop (erf)  }
0x366: {  	v15 =	vsub.f32 $0.0e+00, v15;
	v16 =	vpop (erf)  }
0x367: {  	v16 =	vadd.f32 $1.000000000e+00, v16  }
0x368: {  	v49 =	vld [tilespmem:$0x6900];
	v15 =	vmul.f32 $1.442695020e+00, v15  }
0x369: {  	v50 =	vld [tilespmem:$0x6700];
	(erf) = vrcp.f32 v16  }
0x36a: {  	(erf) = vpow2.f32 v15;
	_ =	sdelay $0x3  }
0x36b: {  	v15 =	vadd.f32 v50, v49;
	_ =	sdelay $0x2  }
0x36c: {  	v16 =	vadd.f32 v15, v0  }
0x36d: {  	v15 =	vpop (erf)  }
0x36e: {  	v16 =	vsub.f32 $0.0e+00, v16;
	v17 =	vpop (erf)  }
0x36f: {  	v17 =	vadd.f32 $1.000000000e+00, v17  }
0x370: {  	v51 =	vld [tilespmem:$0x6910];
	v16 =	vmul.f32 $1.442695020e+00, v16  }
0x371: {  	v52 =	vld [tilespmem:$0x6710];
	(erf) = vrcp.f32 v17  }
0x372: {  	(erf) = vpow2.f32 v16;
	_ =	sdelay $0x3  }
0x373: {  	v16 =	vadd.f32 v52, v51;
	_ =	sdelay $0x2  }
0x374: {  	v17 =	vadd.f32 v16, v0  }
0x375: {  	v16 =	vpop (erf)  }
0x376: {  	v17 =	vsub.f32 $0.0e+00, v17;
	v18 =	vpop (erf)  }
0x377: {  	v18 =	vadd.f32 $1.000000000e+00, v18  }
0x378: {  	v53 =	vld [tilespmem:$0x6920];
	v17 =	vmul.f32 $1.442695020e+00, v17  }
0x379: {  	v54 =	vld [tilespmem:$0x6720];
	(erf) = vrcp.f32 v18  }
0x37a: {  	(erf) = vpow2.f32 v17;
	_ =	sdelay $0x3  }
0x37b: {  	v17 =	vadd.f32 v54, v53;
	_ =	sdelay $0x2  }
0x37c: {  	v18 =	vadd.f32 v17, v0  }
0x37d: {  	v17 =	vpop (erf)  }
0x37e: {  	v18 =	vsub.f32 $0.0e+00, v18;
	v19 =	vpop (erf)  }
0x37f: {  	v19 =	vadd.f32 $1.000000000e+00, v19  }
0x380: {  	v55 =	vld [tilespmem:$0x6930];
	v18 =	vmul.f32 $1.442695020e+00, v18  }
0x381: {  	v56 =	vld [tilespmem:$0x6730];
	(erf) = vrcp.f32 v19  }
0x382: {  	(erf) = vpow2.f32 v18;
	_ =	sdelay $0x3  }
0x383: {  	v18 =	vadd.f32 v56, v55;
	_ =	sdelay $0x2  }
0x384: {  	v19 =	vadd.f32 v18, v0  }
0x385: {  	v18 =	vpop (erf)  }
0x386: {  	v19 =	vsub.f32 $0.0e+00, v19;
	v20 =	vpop (erf)  }
0x387: {  	v20 =	vadd.f32 $1.000000000e+00, v20  }
0x388: {  	v57 =	vld [tilespmem:$0x6940];
	v19 =	vmul.f32 $1.442695020e+00, v19  }
0x389: {  	v58 =	vld [tilespmem:$0x6740];
	(erf) = vrcp.f32 v20  }
0x38a: {  	(erf) = vpow2.f32 v19;
	_ =	sdelay $0x3  }
0x38b: {  	v19 =	vadd.f32 v58, v57;
	_ =	sdelay $0x2  }
0x38c: {  	v20 =	vadd.f32 v19, v0  }
0x38d: {  	v19 =	vpop (erf)  }
0x38e: {  	v20 =	vsub.f32 $0.0e+00, v20;
	v21 =	vpop (erf)  }
0x38f: {  	v21 =	vadd.f32 $1.000000000e+00, v21  }
0x390: {  	v59 =	vld [tilespmem:$0x6950];
	v20 =	vmul.f32 $1.442695020e+00, v20  }
0x391: {  	v60 =	vld [tilespmem:$0x6750];
	(erf) = vrcp.f32 v21  }
0x392: {  	(erf) = vpow2.f32 v20;
	_ =	sdelay $0x3  }
0x393: {  	v20 =	vadd.f32 v60, v59;
	_ =	sdelay $0x2  }
0x394: {  	v21 =	vadd.f32 v20, v0  }
0x395: {  	v20 =	vpop (erf)  }
0x396: {  	v21 =	vsub.f32 $0.0e+00, v21;
	v22 =	vpop (erf)  }
0x397: {  	v22 =	vadd.f32 $1.000000000e+00, v22  }
0x398: {  	v21 =	vmul.f32 $1.442695020e+00, v21  }
0x399: {  	v61 =	vld [tilespmem:$0x6960];
	(erf) = vrcp.f32 v22  }
0x39a: {  	v62 =	vld [tilespmem:$0x6760];
	(erf) = vpow2.f32 v21;
	_ =	sdelay $0x4  }
0x39b: {  	v21 =	vadd.f32 v62, v61;
	_ =	sdelay $0x1  }
0x39c: {  	v22 =	vadd.f32 v21, v0  }
0x39d: {  	v63 =	vpop (erf)  }
0x39e: {  	v22 =	vsub.f32 $0.0e+00, v22;
	v23 =	vpop (erf)  }
0x39f: {  	v23 =	vadd.f32 $1.000000000e+00, v23  }
0x3a0: {  	v22 =	vmul.f32 $1.442695020e+00, v22  }
0x3a1: {  	v32 =	vld [tilespmem:$0x6970];
	(erf) = vrcp.f32 v23  }
0x3a2: {  	v33 =	vld [tilespmem:$0x6770];
	(erf) = vpow2.f32 v22;
	_ =	sdelay $0x4  }
0x3a3: {  	v22 =	vadd.f32 v33, v32;
	_ =	sdelay $0x1  }
0x3a4: {  	v22 =	vadd.f32 v22, v0  }
0x3a5: {  	v34 =	vpop (erf)  }
0x3a6: {  	v22 =	vsub.f32 $0.0e+00, v22;
	v24 =	vpop (erf)  }
0x3a7: {  	v24 =	vadd.f32 $1.000000000e+00, v24  }
0x3a8: {  	v22 =	vmul.f32 $1.442695020e+00, v22  }
0x3a9: {  	v35 =	vld [tilespmem:$0x6980];
	(erf) = vrcp.f32 v24  }
0x3aa: {  	v36 =	vld [tilespmem:$0x6780];
	(erf) = vpow2.f32 v22;
	_ =	sdelay $0x4  }
0x3ab: {  	v22 =	vadd.f32 v36, v35;
	_ =	sdelay $0x1  }
0x3ac: {  	v22 =	vadd.f32 v22, v0  }
0x3ad: {  	v37 =	vpop (erf)  }
0x3ae: {  	v22 =	vsub.f32 $0.0e+00, v22;
	v25 =	vpop (erf)  }
0x3af: {  	v25 =	vadd.f32 $1.000000000e+00, v25  }
0x3b0: {  	v22 =	vmul.f32 $1.442695020e+00, v22  }
0x3b1: {  	v38 =	vld [tilespmem:$0x6990];
	(erf) = vrcp.f32 v25  }
0x3b2: {  	v39 =	vld [tilespmem:$0x6790];
	(erf) = vpow2.f32 v22;
	_ =	sdelay $0x4  }
0x3b3: {  	v22 =	vadd.f32 v39, v38;
	_ =	sdelay $0x1  }
0x3b4: {  	v22 =	vadd.f32 v22, v0  }
0x3b5: {  	v40 =	vpop (erf)  }
0x3b6: {  	v22 =	vsub.f32 $0.0e+00, v22;
	v26 =	vpop (erf)  }
0x3b7: {  	v26 =	vadd.f32 $1.000000000e+00, v26  }
0x3b8: {  	v22 =	vmul.f32 $1.442695020e+00, v22  }
0x3b9: {  	v41 =	vld [tilespmem:$0x69A0];
	(erf) = vrcp.f32 v26  }
0x3ba: {  	v42 =	vld [tilespmem:$0x67A0];
	(erf) = vpow2.f32 v22;
	_ =	sdelay $0x4  }
0x3bb: {  	v22 =	vadd.f32 v42, v41;
	_ =	sdelay $0x1  }
0x3bc: {  	v22 =	vadd.f32 v22, v0  }
0x3bd: {  	v43 =	vpop (erf)  }
0x3be: {  	v22 =	vsub.f32 $0.0e+00, v22;
	v27 =	vpop (erf)  }
0x3bf: {  	v27 =	vadd.f32 $1.000000000e+00, v27  }
0x3c0: {  	v22 =	vmul.f32 $1.442695020e+00, v22  }
0x3c1: {  	v44 =	vld [tilespmem:$0x69B0];
	(erf) = vrcp.f32 v27  }
0x3c2: {  	v45 =	vld [tilespmem:$0x67B0];
	(erf) = vpow2.f32 v22;
	_ =	sdelay $0x4  }
0x3c3: {  	v22 =	vadd.f32 v45, v44;
	_ =	sdelay $0x1  }
0x3c4: {  	v22 =	vadd.f32 v22, v0  }
0x3c5: {  	v46 =	vpop (erf)  }
0x3c6: {  	v22 =	vsub.f32 $0.0e+00, v22;
	v28 =	vpop (erf)  }
0x3c7: {  	v28 =	vadd.f32 $1.000000000e+00, v28  }
0x3c8: {  	v22 =	vmul.f32 $1.442695020e+00, v22  }
0x3c9: {  	v47 =	vld [tilespmem:$0x69C0];
	(erf) = vrcp.f32 v28  }
0x3ca: {  	v48 =	vld [tilespmem:$0x67C0];
	(erf) = vpow2.f32 v22;
	_ =	sdelay $0x4  }
0x3cb: {  	v22 =	vadd.f32 v48, v47;
	_ =	sdelay $0x1  }
0x3cc: {  	v22 =	vadd.f32 v22, v0  }
0x3cd: {  	v49 =	vpop (erf)  }
0x3ce: {  	v22 =	vsub.f32 $0.0e+00, v22;
	v29 =	vpop (erf)  }
0x3cf: {  	v29 =	vadd.f32 $1.000000000e+00, v29  }
0x3d0: {  	v22 =	vmul.f32 $1.442695020e+00, v22  }
0x3d1: {  	v50 =	vld [tilespmem:$0x69D0];
	(erf) = vrcp.f32 v29  }
0x3d2: {  	v51 =	vld [tilespmem:$0x67D0];
	(erf) = vpow2.f32 v22;
	_ =	sdelay $0x4  }
0x3d3: {  	v22 =	vadd.f32 v51, v50;
	_ =	sdelay $0x1  }
0x3d4: {  	v22 =	vadd.f32 v22, v0  }
0x3d5: {  	v52 =	vpop (erf)  }
0x3d6: {  	v22 =	vsub.f32 $0.0e+00, v22;
	v30 =	vpop (erf)  }
0x3d7: {  	v30 =	vadd.f32 $1.000000000e+00, v30  }
0x3d8: {  	v22 =	vmul.f32 $1.442695020e+00, v22  }
0x3d9: {  	v53 =	vld [tilespmem:$0x69E0];
	(erf) = vrcp.f32 v30  }
0x3da: {  	v54 =	vld [tilespmem:$0x67E0];
	(erf) = vpow2.f32 v22;
	_ =	sdelay $0x4  }
0x3db: {  	v22 =	vadd.f32 v54, v53;
	_ =	sdelay $0x1  }
0x3dc: {  	v22 =	vadd.f32 v22, v0  }
0x3dd: {  	v55 =	vpop (erf)  }
0x3de: {  	v22 =	vsub.f32 $0.0e+00, v22;
	v31 =	vpop (erf)  }
0x3df: {  	v31 =	vadd.f32 $1.000000000e+00, v31  }
0x3e0: {  	v22 =	vmul.f32 $1.442695020e+00, v22  }
0x3e1: {  	v56 =	vld [tilespmem:$0x69F0];
	(erf) = vrcp.f32 v31  }
0x3e2: {  	v57 =	vld [tilespmem:$0x67F0];
	(erf) = vpow2.f32 v22;
	_ =	sdelay $0x3  }
0x3e3: {  	[tilespmem:$0x6800] =	vst v1  }
0x3e4: {  	[tilespmem:$0x6810] =	vst v2;
	v58 =	vadd.f32 v57, v56  }
0x3e5: {  	[tilespmem:$0x6820] =	vst v3  }
0x3e6: {  	[tilespmem:$0x6830] =	vst v4;
	v0 =	vadd.f32 v58, v0  }
0x3e7: {  	[tilespmem:$0x6840] =	vst v5;
	v59 =	vpop (erf)  }
0x3e8: {  	[tilespmem:$0x6850] =	vst v6;
	v0 =	vsub.f32 $0.0e+00, v0;
	v60 =	vpop (erf)  }
0x3e9: {  	[tilespmem:$0x6860] =	vst v7;
	v2 =	vadd.f32 $1.000000000e+00, v60  }
0x3ea: {  	[tilespmem:$0x6870] =	vst v8;
	v0 =	vmul.f32 $1.442695020e+00, v0  }
0x3eb: {  	[tilespmem:$0x6880] =	vst v9;
	(erf) = vrcp.f32 v2  }
0x3ec: {  	[tilespmem:$0x6890] =	vst v10;
	(erf) = vpow2.f32 v0  }
0x3ed: {  	[tilespmem:$0x68A0] =	vst v11  }
0x3ee: {  	[tilespmem:$0x68B0] =	vst v12  }
0x3ef: {  	[tilespmem:$0x68C0] =	vst v13  }
0x3f0: {  	[tilespmem:$0x68D0] =	vst v14  }
0x3f1: {  	[tilespmem:$0x68E0] =	vst v15  }
0x3f2: {  	[tilespmem:$0x68F0] =	vst v16  }
0x3f3: {  	[tilespmem:$0x6900] =	vst v17  }
0x3f4: {  	[tilespmem:$0x6910] =	vst v18;
	v61 =	vpop (erf)  }
0x3f5: {  	[tilespmem:$0x6920] =	vst v19;
	v62 =	vpop (erf)  }
0x3f6: {  	[tilespmem:$0x6930] =	vst v20;
	v2 =	vadd.f32 $1.000000000e+00, v62  }
0x3f7: {  	[tilespmem:$0x6940] =	vst v63  }
0x3f8: {  	[tilespmem:$0x6950] =	vst v34;
	(erf) = vrcp.f32 v2  }
0x3f9: {  	[tilespmem:$0x6960] =	vst v37  }
0x3fa: {  	[tilespmem:$0x6970] =	vst v40  }
0x3fb: {  	[tilespmem:$0x6980] =	vst v43  }
0x3fc: {  	[tilespmem:$0x6990] =	vst v46  }
0x3fd: {  	[tilespmem:$0x69A0] =	vst v49  }
0x3fe: {  	[tilespmem:$0x69B0] =	vst v52  }
0x3ff: {  	[tilespmem:$0x69C0] =	vst v55  }
0x400: {  	[tilespmem:$0x69D0] =	vst v59  }
0x401: {  	[tilespmem:$0x69E0] =	vst v61;
	v63 =	vpop (erf)  }
0x402: {  	s11 =	simm.s32 $0x6800;
	s10 =	rddreg [dreg:$0x17];
	[tilespmem:$0x69F0] =	vst v63  }
0x403: {  	[hbm4b:s10+s4] =	stream.linear.scatter [tilespmem:s11], [sflag:$0x1D], $0x200, $0x38;
	[tilespmem:$0x6A80] =	vst v63  }
0x404: {  	_ =	swait.ge [sflag:s5], $0x200  }
0x405: {  	s6 =	sadd.s32 $0x1, s6;
	s12 =	rddreg [dreg:$0x19]  }
0x406: {  	p0 =	sne.s32 s6, s12  }
.Ltmp25:
0x407: {  	_ = 	snop;
	(pc) =	sbr.rel @p0 .LBB2_1-.Ltmp25, $3  }
0x408: {  	_ =	sdelay $0x1  }
0x409: {  	[sflag:s5] =	ssyncset.done $0x0  }
0x40a: {  	[sflag:s5] =	ssyncadd.s32 $0xFFFFFE00  }
0x40b: {  	_ =	sfence.sel $0x180000  }
0x40c: {  	[bflag:$0x0] =	sbarrier.arrive $0xFFFF  }
0x40d: {  	_ =	strace $0x90000047  }
0x40e: {  	s0 =	stileid.u32;
	[bflag:$0x2] =	sbarrier.arrive $0xFFFF  }
0x40f: {  	p0 =	sne.s32 s0, $0x0;
	s0 =	rddreg [dreg:$0x4]  }
0x410: {  	s0 =	sadd.s32 @!p0 $0x100000, s0  }
0x411: {  	[sflag:s0] =	ssyncadd.tile.s32 @!p0 $0x1;
	_ =	shalt  }
.Lfunc_end2:
_tile_overlayer_lowered:
.L_overlay_start_2:
0x412: {  	(tag) =	ssettag $0x2  }
0x413: {  	s0 =	rddreg [dreg:$0x0];
	s2 =	stileid.u32  }
0x414: {  	s1 =	rddreg [dreg:$0x1];
	p0 =	sne.s32 s2, $0x0  }
0x415: {  	s3 =	rddreg [dreg:$0x2];
	[bflag:$0x3] =	sbarrier.arrive $0xFFFF;
	s2 =	simm.s32 @!p0 $0x1C1D  }
0x416: {  	[timem:s3], [sflag:s2] =	dma.local @!p0 [hbm:s0], s1  }
0x417: {  	s0 =	simm.s32 @!p0 $0x1D  }
0x418: {  	_ =	swait.ge @!p0 [sflag:s0], s1  }
0x419: {  	s1 =	ssub.s32 @!p0 $0x0, s1;
	[sflag:s0] =	ssyncset.done @!p0 $0x0  }
0x41a: {  	[sflag:s0] =	ssyncadd.s32 @!p0 s1  }
0x41b: {  	[bflag:$0x3] =	sbarrier.arrive $0xFFFF  }
0x41c: {  	_ =	shalt  }

</sc_bundles>
